<compile_context>
chip_gen: v7x
topology: tpu7x:2x2x1
jax: 0.10.2.dev20260603
libtpu: 0.0.44.dev20260713+nightly
codegen_flags: <defaults>
</compile_context>

<pallas_src>
import functools

import jax
import jax.numpy as jnp
from jax import lax
from jax.experimental import pallas as pl
from jax.experimental.pallas import tpu as pltpu
from jax.experimental.pallas import tpu_sc as plsc

VOCAB = 100000
WORLD = 8
LOCAL_VOCAB = VOCAB // WORLD
HIDDEN = 1024
MAXSEQ = 2048
BATCH = 4
NTOK = BATCH * MAXSEQ

NC, NS, LANES = 2, 16, 16
NW = NC * NS
TPW = NTOK // NW
CHUNK = 16
NSLOT = 2
NCHUNK = TPW // CHUNK
NSTEP = NCHUNK // NSLOT
NVREG = HIDDEN // LANES

_mesh = plsc.VectorSubcoreMesh(core_axis_name="c", subcore_axis_name="s")


@functools.partial(
    pl.kernel,
    out_type=jax.ShapeDtypeStruct((NTOK, HIDDEN), jnp.float32),
    mesh=_mesh,
    scratch_types=[
        pltpu.VMEM((TPW,), jnp.int32),
        pltpu.VMEM((1, HIDDEN), jnp.float32),
        pltpu.VMEM((CHUNK, HIDDEN), jnp.float32),
        pltpu.VMEM((CHUNK, HIDDEN), jnp.float32),
        pltpu.VMEM((CHUNK, HIDDEN), jnp.float32),
        pltpu.VMEM((CHUNK, HIDDEN), jnp.float32),
        pltpu.SMEM((CHUNK + 1,), jnp.int32),
        pltpu.SMEM((CHUNK + 1,), jnp.int32),
        pltpu.SemaphoreType.DMA,
        pltpu.SemaphoreType.DMA,
        pltpu.SemaphoreType.DMA,
        pltpu.SemaphoreType.DMA,
        pltpu.SemaphoreType.DMA,
        pltpu.SemaphoreType.DMA,
    ],
)
def _embed(ids_hbm, word_hbm, pos_hbm, out_hbm, idx_v, row0, wbuf0, wbuf1,
           gbuf0, gbuf1, msm0, msm1, gsem0, gsem1, psem0, psem1, ssem0,
           ssem1):
    wid = lax.axis_index("s") * NC + lax.axis_index("c")
    base = wid * TPW
    pos_base = base % MAXSEQ

    pltpu.sync_copy(ids_hbm.at[pl.ds(base, TPW)], idx_v)
    pltpu.sync_copy(word_hbm.at[pl.ds(0, 1)], row0)

    wbufs = (wbuf0, wbuf1)
    gbufs = (gbuf0, gbuf1)
    msms = (msm0, msm1)
    gsems = (gsem0, gsem1)
    psems = (psem0, psem1)
    ssems = (ssem0, ssem1)

    def drain(src, dst, sem):
        pltpu.make_async_copy(src, dst, sem).wait()

    def issue_chunk(ci, b):
        vv = idx_v[pl.ds(ci * CHUNK, LANES)]
        n_in = jnp.int32(0)
        for r in range(CHUNK):
            rid = lax.squeeze(lax.slice(vv, (r,), (r + 1,)), (0,))
            in_shard = rid < LOCAL_VOCAB
            msms[b][r] = jnp.where(in_shard, 1, 0).astype(jnp.int32)
            n_in = n_in + jnp.where(in_shard, 1, 0).astype(jnp.int32)

            @pl.when(in_shard)
            def _():
                pltpu.async_copy(word_hbm.at[pl.ds(rid, 1)],
                                 gbufs[b].at[pl.ds(r, 1)], gsems[b])

        msms[b][CHUNK] = n_in
        pltpu.async_copy(pos_hbm.at[pl.ds(pos_base + ci * CHUNK, CHUNK)],
                         wbufs[b], psems[b])

    def finish_chunk(ci, b):
        drain(pos_hbm.at[pl.ds(0, CHUNK)], wbufs[b], psems[b])

        def col_body(u, _):
            sl = pl.ds(u * LANES, LANES)
            vr0 = row0[0, sl]
            for r in range(CHUNK):
                plsc.addupdate(wbufs[b].at[r, sl], vr0)
            return 0

        lax.fori_loop(0, NVREG, col_body, 0)

        def drain_body(_, acc):
            drain(word_hbm.at[pl.ds(0, 1)], gbufs[b].at[pl.ds(0, 1)],
                  gsems[b])
            return acc

        lax.fori_loop(0, msms[b][CHUNK], drain_body, 0)

        def row_body(r, _):
            @pl.when(msms[b][r] != 0)
            def _():
                for u in range(NVREG):
                    sl = pl.ds(u * LANES, LANES)
                    vr0 = row0[0, sl]
                    wbufs[b][r, sl] = gbufs[b][r, sl] + (wbufs[b][r, sl] -
                                                         vr0)

            return 0

        lax.fori_loop(0, CHUNK, row_body, 0)
        pltpu.async_copy(wbufs[b], out_hbm.at[pl.ds(base + ci * CHUNK, CHUNK)],
                         ssems[b])

    def step(k, _):
        for b in range(NSLOT):
            ci = k * NSLOT + b

            @pl.when(k > 0)
            def _():
                drain(wbufs[b], out_hbm.at[pl.ds(0, CHUNK)], ssems[b])

            issue_chunk(ci, b)
        for b in range(NSLOT):
            finish_chunk(k * NSLOT + b, b)
        return 0

    lax.fori_loop(0, NSTEP, step, 0)
    for b in range(NSLOT):
        drain(wbufs[b], out_hbm.at[pl.ds(0, CHUNK)], ssems[b])


def kernel(input_ids, word_table, pos_table):
    ids_flat = input_ids.reshape(NTOK)
    out = _embed(ids_flat, word_table, pos_table)
    return out.reshape(BATCH, MAXSEQ, HIDDEN)

# --- scband reference (transcript-rebuilt; emitter-appended) ---
"""Pipeline reference for scband-sharded-gpt-embeddings-62680752717957 (READ-ONLY COPY).

The authoritative reference and input builder live on the scoring server;
editing this copy changes nothing except your own understanding.
"""

import jax, jax.numpy as jnp
import numpy as np

VOCAB = 100000
WORLD = 8
HIDDEN = 1024
MAXSEQ = 2048
BATCH = 4
LOCAL_VOCAB = VOCAB // WORLD


def setup_inputs(seed: int = 0) -> dict:
    key = jax.random.key(seed)
    k1, k2, k3 = jax.random.split(key, 3)
    input_ids = jax.random.randint(k1, (BATCH, MAXSEQ), 0, VOCAB, dtype=jnp.int32)
    word_table = jax.random.normal(k2, (LOCAL_VOCAB, HIDDEN), dtype=jnp.float32)
    pos_table = jax.random.normal(k3, (MAXSEQ, HIDDEN), dtype=jnp.float32)
    return {"input_ids": input_ids, "word_table": word_table, "pos_table": pos_table}


def reference(input_ids, word_table, pos_table):
    # mask ids outside this shard's local vocab range to 0
    mask = input_ids >= LOCAL_VOCAB
    masked_ids = jnp.where(mask, 0, input_ids)
    words_embeddings = jnp.take(word_table, masked_ids, axis=0)
    position_ids = jnp.broadcast_to(jnp.arange(MAXSEQ, dtype=jnp.int32), input_ids.shape)
    position_embeddings = jnp.take(pos_table, position_ids, axis=0)
    embeddings = words_embeddings + position_embeddings
    # dropout prob = 0.0 -> identity
    return embeddings

if __name__ == "__main__":
    import jax
    _d = setup_inputs()
    print(jax.jit(kernel)(*tuple(_d.values())))

</pallas_src>

<mosaic_0001>
#map = affine_map<(d0, d1) -> (0)>
#map1 = affine_map<(d0, d1) -> (0, 0)>
module attributes {stable_mosaic.version = 14 : i64} {
  func.func @_embed(%arg0: i32, %arg1: i32, %arg2: memref<8192xi32, #tpu.memory_space<hbm>>, %arg3: memref<12500x1024xf32, #tpu.memory_space<hbm>>, %arg4: memref<2048x1024xf32, #tpu.memory_space<hbm>>, %arg5: memref<8192x1024xf32, #tpu.memory_space<hbm>>, %arg6: memref<256xi32, #tpu.memory_space<vmem>>, %arg7: memref<1x1024xf32, #tpu.memory_space<vmem>>, %arg8: memref<16x1024xf32, #tpu.memory_space<vmem>>, %arg9: memref<16x1024xf32, #tpu.memory_space<vmem>>, %arg10: memref<16x1024xf32, #tpu.memory_space<vmem>>, %arg11: memref<16x1024xf32, #tpu.memory_space<vmem>>, %arg12: memref<17xi32, #tpu.memory_space<smem>>, %arg13: memref<17xi32, #tpu.memory_space<smem>>, %arg14: memref<!tpu.dma_semaphore, #tpu.memory_space<semaphore_mem>>, %arg15: memref<!tpu.dma_semaphore, #tpu.memory_space<semaphore_mem>>, %arg16: memref<!tpu.dma_semaphore, #tpu.memory_space<semaphore_mem>>, %arg17: memref<!tpu.dma_semaphore, #tpu.memory_space<semaphore_mem>>, %arg18: memref<!tpu.dma_semaphore, #tpu.memory_space<semaphore_mem>>, %arg19: memref<!tpu.dma_semaphore, #tpu.memory_space<semaphore_mem>>) attributes {dimension_semantics = [#tpu.dimension_semantics<core_parallel>, #tpu.dimension_semantics<subcore_parallel>], iteration_bounds = array<i64: 2, 16>, scalar_prefetch = 0 : i64, scratch_operands = 14 : i64, tpu.core_type = #tpu.core_type<sc_vector_subcore>, window_params = [{transform_indices = #map}, {transform_indices = #map1}, {transform_indices = #map1}, {transform_indices = #map1}]} {
    %mul3A = arith.constant 2 : i32
    %mul3A_0 = arith.muli %arg1, %mul3A : i32
    %add3A = arith.addi %mul3A_0, %arg0 : i32
    %mul3A_1 = arith.constant 256 : i32
    %mul3A_2 = arith.muli %add3A, %mul3A_1 : i32
    %jit3A = arith.constant 2048 : i32
    %eq3A = arith.constant 0 : i32
    %eq3A_3 = arith.cmpi eq, %jit3A, %eq3A : i32
    %jit3A_4 = arith.constant 1 : i32
    %select_n3A = arith.select %eq3A_3, %jit3A_4, %jit3A : i32
    %rem3A = arith.remsi %mul3A_2, %select_n3A : i32
    %ne3A = arith.constant 0 : i32
    %ne3A_5 = arith.cmpi ne, %rem3A, %ne3A : i32
    %lt3A = arith.constant 0 : i32
    %lt3A_6 = arith.cmpi slt, %rem3A, %lt3A : i32
    %lt3A_7 = arith.constant 0 : i32
    %lt3A_8 = arith.cmpi slt, %select_n3A, %lt3A_7 : i32
    %ne3A_9 = arith.xori %lt3A_6, %lt3A_8 : i1
    %and3A = arith.andi %ne3A_9, %ne3A_5 : i1
    %add3A_10 = arith.addi %rem3A, %select_n3A : i32
    %select_n3A_11 = arith.select %and3A, %add3A_10, %rem3A : i32
    "tpu.region"() ({
      %run_scoped3A = tpu.sem_alloc : memref<!tpu.dma_semaphore, #tpu.memory_space<semaphore_mem>>
      %dma_start3A = tpu.memref_slice %arg2[%mul3A_2] : memref<8192xi32, #tpu.memory_space<hbm>> -> memref<256xi32, #tpu.memory_space<hbm>>
      %dma_start3A_29 = tpu.memref_slice %arg2[%mul3A_2] : memref<8192xi32, #tpu.memory_space<hbm>> -> memref<256xi32, #tpu.memory_space<hbm>>
      tpu.enqueue_dma source(%dma_start3A_29 : memref<256xi32, #tpu.memory_space<hbm>>) target(%arg6 : memref<256xi32, #tpu.memory_space<vmem>>) target_semaphore(%run_scoped3A : memref<!tpu.dma_semaphore, #tpu.memory_space<semaphore_mem>>)
      %dma_wait3A_30 = tpu.memref_slice %arg2[%mul3A_2] : memref<8192xi32, #tpu.memory_space<hbm>> -> memref<256xi32, #tpu.memory_space<hbm>>
      %dma_wait3A_31 = tpu.memref_slice %arg2[%mul3A_2] : memref<8192xi32, #tpu.memory_space<hbm>> -> memref<256xi32, #tpu.memory_space<hbm>>
      tpu.wait_dma2 semaphore(%run_scoped3A : memref<!tpu.dma_semaphore, #tpu.memory_space<semaphore_mem>>) src(%dma_wait3A_31 : memref<256xi32, #tpu.memory_space<hbm>>) dst(%arg6 : memref<256xi32, #tpu.memory_space<vmem>>)
      tpu.yield
    }) : () -> ()
    "tpu.region"() ({
      %run_scoped3A = tpu.sem_alloc : memref<!tpu.dma_semaphore, #tpu.memory_space<semaphore_mem>>
      %dma_start3A = arith.constant 0 : i32
      %dma_start3A_29 = arith.constant 0 : i32
      %dma_start3A_30 = tpu.memref_slice %arg3[%dma_start3A, %dma_start3A_29] : memref<12500x1024xf32, #tpu.memory_space<hbm>> -> memref<1x1024xf32, #tpu.memory_space<hbm>>
      %dma_start3A_31 = arith.constant 0 : i32
      %dma_start3A_32 = arith.constant 0 : i32
      %dma_start3A_33 = tpu.memref_slice %arg3[%dma_start3A_31, %dma_start3A_32] : memref<12500x1024xf32, #tpu.memory_space<hbm>> -> memref<1x1024xf32, #tpu.memory_space<hbm>>
      tpu.enqueue_dma source(%dma_start3A_33 : memref<1x1024xf32, #tpu.memory_space<hbm>>) target(%arg7 : memref<1x1024xf32, #tpu.memory_space<vmem>>) target_semaphore(%run_scoped3A : memref<!tpu.dma_semaphore, #tpu.memory_space<semaphore_mem>>)
      %dma_wait3A_34 = arith.constant 0 : i32
      %dma_wait3A_35 = arith.constant 0 : i32
      %dma_wait3A_36 = tpu.memref_slice %arg3[%dma_wait3A_34, %dma_wait3A_35] : memref<12500x1024xf32, #tpu.memory_space<hbm>> -> memref<1x1024xf32, #tpu.memory_space<hbm>>
      %dma_wait3A_37 = arith.constant 0 : i32
      %dma_wait3A_38 = arith.constant 0 : i32
      %dma_wait3A_39 = tpu.memref_slice %arg3[%dma_wait3A_37, %dma_wait3A_38] : memref<12500x1024xf32, #tpu.memory_space<hbm>> -> memref<1x1024xf32, #tpu.memory_space<hbm>>
      tpu.wait_dma2 semaphore(%run_scoped3A : memref<!tpu.dma_semaphore, #tpu.memory_space<semaphore_mem>>) src(%dma_wait3A_39 : memref<1x1024xf32, #tpu.memory_space<hbm>>) dst(%arg7 : memref<1x1024xf32, #tpu.memory_space<vmem>>)
      tpu.yield
    }) : () -> ()
    %scan3A = arith.constant 0 : i32
    %scan3A_12 = arith.constant 0 : i32
    %scan3A_13 = arith.constant 8 : i32
    %scan3A_14 = arith.addi %scan3A_12, %scan3A_13 : i32
    %scan3A_15 = arith.constant 1 : i32
    %scan3A_16 = scf.for %scan3A_29 = %scan3A_12 to %scan3A_14 step %scan3A_15 iter_args(%scan3A_30 = %scan3A) -> (i32)  : i32 {
      %mul3A_31 = arith.constant 2 : i32
      %mul3A_32 = arith.muli %scan3A_29, %mul3A_31 : i32
      %add3A_33 = arith.constant 0 : i32
      %add3A_34 = arith.addi %mul3A_32, %add3A_33 : i32
      %gt3A = arith.constant 0 : i32
      %gt3A_35 = arith.cmpi sgt, %scan3A_29, %gt3A : i32
      %convert_element_type3A = arith.extui %gt3A_35 : i1 to i32
      %cond3A = arith.constant 0 : i32
      %cond3A_36 = arith.cmpi ne, %convert_element_type3A, %cond3A : i32
      scf.if %cond3A_36 {
        %dma_wait3A_705 = arith.constant 0 : i32
        %dma_wait3A_706 = arith.constant 0 : i32
        %dma_wait3A_707 = tpu.memref_slice %arg5[%dma_wait3A_705, %dma_wait3A_706] : memref<8192x1024xf32, #tpu.memory_space<hbm>> -> memref<16x1024xf32, #tpu.memory_space<hbm>>
        %dma_wait3A_708 = arith.constant 0 : i32
        %dma_wait3A_709 = arith.constant 0 : i32
        %dma_wait3A_710 = tpu.memref_slice %arg5[%dma_wait3A_708, %dma_wait3A_709] : memref<8192x1024xf32, #tpu.memory_space<hbm>> -> memref<16x1024xf32, #tpu.memory_space<hbm>>
        tpu.wait_dma2 semaphore(%arg18 : memref<!tpu.dma_semaphore, #tpu.memory_space<semaphore_mem>>) src(%arg8 : memref<16x1024xf32, #tpu.memory_space<vmem>>) dst(%dma_wait3A_710 : memref<16x1024xf32, #tpu.memory_space<hbm>>)
      } else {
      }
      %mul3A_37 = arith.constant 16 : i32
      %mul3A_38 = arith.muli %add3A_34, %mul3A_37 : i32
      %get3A = arith.index_cast %mul3A_38 : i32 to index
      %get3A_39 = tpu.vector_load %arg6[%get3A] {strides = array<i32>} : memref<256xi32, #tpu.memory_space<vmem>>, vector<16xi32>,
      %get3A_40 = vector.shape_cast %get3A_39 : vector<16xi32> to vector<16xi32>
      %slice3A = vector.extract_strided_slice %get3A_40 {offsets = [0], sizes = [1], strides = [1]} : vector<16xi32> to vector<1xi32>
      %squeeze3A = vector.extract %slice3A[0] : i32 from vector<1xi32>
      %lt3A_41 = arith.constant 12500 : i32
      %lt3A_42 = arith.cmpi slt, %squeeze3A, %lt3A_41 : i32
      %jit3A_43 = arith.constant 1 : i32
      %jit3A_44 = arith.constant 0 : i32
      %select_n3A_45 = arith.select %lt3A_42, %jit3A_43, %jit3A_44 : i32
      %swap3A = arith.constant 0 : i32
      %swap3A_46 = arith.index_cast %swap3A : i32 to index
      %swap3A_47 = memref.load %arg12[%swap3A_46] : memref<17xi32, #tpu.memory_space<smem>>
      memref.store %select_n3A_45, %arg12[%swap3A_46] : memref<17xi32, #tpu.memory_space<smem>>
      %jit3A_48 = arith.constant 1 : i32
      %jit3A_49 = arith.constant 0 : i32
      %select_n3A_50 = arith.select %lt3A_42, %jit3A_48, %jit3A_49 : i32
      %add3A_51 = arith.constant 0 : i32
      %add3A_52 = arith.addi %add3A_51, %select_n3A_50 : i32
      %convert_element_type3A_53 = arith.extui %lt3A_42 : i1 to i32
      %cond3A_54 = arith.constant 0 : i32
      %cond3A_55 = arith.cmpi ne, %convert_element_type3A_53, %cond3A_54 : i32
      scf.if %cond3A_55 {
        %dma_start3A_705 = arith.constant 0 : i32
        %dma_start3A_706 = arith.constant 0 : i32
        %dma_start3A_707 = tpu.memref_slice %arg10[%dma_start3A_705, %dma_start3A_706] : memref<16x1024xf32, #tpu.memory_space<vmem>> -> memref<1x1024xf32, #tpu.memory_space<vmem>>
        %dma_start3A_708 = arith.constant 0 : i32
        %dma_start3A_709 = tpu.memref_slice %arg3[%squeeze3A, %dma_start3A_708] : memref<12500x1024xf32, #tpu.memory_space<hbm>> -> memref<1x1024xf32, #tpu.memory_space<hbm>>
        %dma_start3A_710 = arith.constant 0 : i32
        %dma_start3A_711 = arith.constant 0 : i32
        %dma_start3A_712 = tpu.memref_slice %arg10[%dma_start3A_710, %dma_start3A_711] : memref<16x1024xf32, #tpu.memory_space<vmem>> -> memref<1x1024xf32, #tpu.memory_space<vmem>>
        %dma_start3A_713 = arith.constant 0 : i32
        %dma_start3A_714 = tpu.memref_slice %arg3[%squeeze3A, %dma_start3A_713] : memref<12500x1024xf32, #tpu.memory_space<hbm>> -> memref<1x1024xf32, #tpu.memory_space<hbm>>
        tpu.enqueue_dma source(%dma_start3A_714 : memref<1x1024xf32, #tpu.memory_space<hbm>>) target(%dma_start3A_712 : memref<1x1024xf32, #tpu.memory_space<vmem>>) target_semaphore(%arg14 : memref<!tpu.dma_semaphore, #tpu.memory_space<semaphore_mem>>)
      } else {
      }
      %slice3A_56 = vector.extract_strided_slice %get3A_40 {offsets = [1], sizes = [1], strides = [1]} : vector<16xi32> to vector<1xi32>
      %squeeze3A_57 = vector.extract %slice3A_56[0] : i32 from vector<1xi32>
      %lt3A_58 = arith.constant 12500 : i32
      %lt3A_59 = arith.cmpi slt, %squeeze3A_57, %lt3A_58 : i32
      %jit3A_60 = arith.constant 1 : i32
      %jit3A_61 = arith.constant 0 : i32
      %select_n3A_62 = arith.select %lt3A_59, %jit3A_60, %jit3A_61 : i32
      %swap3A_63 = arith.constant 1 : i32
      %swap3A_64 = arith.index_cast %swap3A_63 : i32 to index
      %swap3A_65 = memref.load %arg12[%swap3A_64] : memref<17xi32, #tpu.memory_space<smem>>
      memref.store %select_n3A_62, %arg12[%swap3A_64] : memref<17xi32, #tpu.memory_space<smem>>
      %jit3A_66 = arith.constant 1 : i32
      %jit3A_67 = arith.constant 0 : i32
      %select_n3A_68 = arith.select %lt3A_59, %jit3A_66, %jit3A_67 : i32
      %add3A_69 = arith.addi %add3A_52, %select_n3A_68 : i32
      %convert_element_type3A_70 = arith.extui %lt3A_59 : i1 to i32
      %cond3A_71 = arith.constant 0 : i32
      %cond3A_72 = arith.cmpi ne, %convert_element_type3A_70, %cond3A_71 : i32
      scf.if %cond3A_72 {
        %dma_start3A_705 = arith.constant 1 : i32
        %dma_start3A_706 = arith.constant 0 : i32
        %dma_start3A_707 = tpu.memref_slice %arg10[%dma_start3A_705, %dma_start3A_706] : memref<16x1024xf32, #tpu.memory_space<vmem>> -> memref<1x1024xf32, #tpu.memory_space<vmem>>
        %dma_start3A_708 = arith.constant 0 : i32
        %dma_start3A_709 = tpu.memref_slice %arg3[%squeeze3A_57, %dma_start3A_708] : memref<12500x1024xf32, #tpu.memory_space<hbm>> -> memref<1x1024xf32, #tpu.memory_space<hbm>>
        %dma_start3A_710 = arith.constant 1 : i32
        %dma_start3A_711 = arith.constant 0 : i32
        %dma_start3A_712 = tpu.memref_slice %arg10[%dma_start3A_710, %dma_start3A_711] : memref<16x1024xf32, #tpu.memory_space<vmem>> -> memref<1x1024xf32, #tpu.memory_space<vmem>>
        %dma_start3A_713 = arith.constant 0 : i32
        %dma_start3A_714 = tpu.memref_slice %arg3[%squeeze3A_57, %dma_start3A_713] : memref<12500x1024xf32, #tpu.memory_space<hbm>> -> memref<1x1024xf32, #tpu.memory_space<hbm>>
        tpu.enqueue_dma source(%dma_start3A_714 : memref<1x1024xf32, #tpu.memory_space<hbm>>) target(%dma_start3A_712 : memref<1x1024xf32, #tpu.memory_space<vmem>>) target_semaphore(%arg14 : memref<!tpu.dma_semaphore, #tpu.memory_space<semaphore_mem>>)
      } else {
      }
      %slice3A_73 = vector.extract_strided_slice %get3A_40 {offsets = [2], sizes = [1], strides = [1]} : vector<16xi32> to vector<1xi32>
      %squeeze3A_74 = vector.extract %slice3A_73[0] : i32 from vector<1xi32>
      %lt3A_75 = arith.constant 12500 : i32
      %lt3A_76 = arith.cmpi slt, %squeeze3A_74, %lt3A_75 : i32
      %jit3A_77 = arith.constant 1 : i32
      %jit3A_78 = arith.constant 0 : i32
      %select_n3A_79 = arith.select %lt3A_76, %jit3A_77, %jit3A_78 : i32
      %swap3A_80 = arith.constant 2 : i32
      %swap3A_81 = arith.index_cast %swap3A_80 : i32 to index
      %swap3A_82 = memref.load %arg12[%swap3A_81] : memref<17xi32, #tpu.memory_space<smem>>
      memref.store %select_n3A_79, %arg12[%swap3A_81] : memref<17xi32, #tpu.memory_space<smem>>
      %jit3A_83 = arith.constant 1 : i32
      %jit3A_84 = arith.constant 0 : i32
      %select_n3A_85 = arith.select %lt3A_76, %jit3A_83, %jit3A_84 : i32
      %add3A_86 = arith.addi %add3A_69, %select_n3A_85 : i32
      %convert_element_type3A_87 = arith.extui %lt3A_76 : i1 to i32
      %cond3A_88 = arith.constant 0 : i32
      %cond3A_89 = arith.cmpi ne, %convert_element_type3A_87, %cond3A_88 : i32
      scf.if %cond3A_89 {
        %dma_start3A_705 = arith.constant 2 : i32
        %dma_start3A_706 = arith.constant 0 : i32
        %dma_start3A_707 = tpu.memref_slice %arg10[%dma_start3A_705, %dma_start3A_706] : memref<16x1024xf32, #tpu.memory_space<vmem>> -> memref<1x1024xf32, #tpu.memory_space<vmem>>
        %dma_start3A_708 = arith.constant 0 : i32
        %dma_start3A_709 = tpu.memref_slice %arg3[%squeeze3A_74, %dma_start3A_708] : memref<12500x1024xf32, #tpu.memory_space<hbm>> -> memref<1x1024xf32, #tpu.memory_space<hbm>>
        %dma_start3A_710 = arith.constant 2 : i32
        %dma_start3A_711 = arith.constant 0 : i32
        %dma_start3A_712 = tpu.memref_slice %arg10[%dma_start3A_710, %dma_start3A_711] : memref<16x1024xf32, #tpu.memory_space<vmem>> -> memref<1x1024xf32, #tpu.memory_space<vmem>>
        %dma_start3A_713 = arith.constant 0 : i32
        %dma_start3A_714 = tpu.memref_slice %arg3[%squeeze3A_74, %dma_start3A_713] : memref<12500x1024xf32, #tpu.memory_space<hbm>> -> memref<1x1024xf32, #tpu.memory_space<hbm>>
        tpu.enqueue_dma source(%dma_start3A_714 : memref<1x1024xf32, #tpu.memory_space<hbm>>) target(%dma_start3A_712 : memref<1x1024xf32, #tpu.memory_space<vmem>>) target_semaphore(%arg14 : memref<!tpu.dma_semaphore, #tpu.memory_space<semaphore_mem>>)
      } else {
      }
      %slice3A_90 = vector.extract_strided_slice %get3A_40 {offsets = [3], sizes = [1], strides = [1]} : vector<16xi32> to vector<1xi32>
      %squeeze3A_91 = vector.extract %slice3A_90[0] : i32 from vector<1xi32>
      %lt3A_92 = arith.constant 12500 : i32
      %lt3A_93 = arith.cmpi slt, %squeeze3A_91, %lt3A_92 : i32
      %jit3A_94 = arith.constant 1 : i32
      %jit3A_95 = arith.constant 0 : i32
      %select_n3A_96 = arith.select %lt3A_93, %jit3A_94, %jit3A_95 : i32
      %swap3A_97 = arith.constant 3 : i32
      %swap3A_98 = arith.index_cast %swap3A_97 : i32 to index
      %swap3A_99 = memref.load %arg12[%swap3A_98] : memref<17xi32, #tpu.memory_space<smem>>
      memref.store %select_n3A_96, %arg12[%swap3A_98] : memref<17xi32, #tpu.memory_space<smem>>
      %jit3A_100 = arith.constant 1 : i32
      %jit3A_101 = arith.constant 0 : i32
      %select_n3A_102 = arith.select %lt3A_93, %jit3A_100, %jit3A_101 : i32
      %add3A_103 = arith.addi %add3A_86, %select_n3A_102 : i32
      %convert_element_type3A_104 = arith.extui %lt3A_93 : i1 to i32
      %cond3A_105 = arith.constant 0 : i32
      %cond3A_106 = arith.cmpi ne, %convert_element_type3A_104, %cond3A_105 : i32
      scf.if %cond3A_106 {
        %dma_start3A_705 = arith.constant 3 : i32
        %dma_start3A_706 = arith.constant 0 : i32
        %dma_start3A_707 = tpu.memref_slice %arg10[%dma_start3A_705, %dma_start3A_706] : memref<16x1024xf32, #tpu.memory_space<vmem>> -> memref<1x1024xf32, #tpu.memory_space<vmem>>
        %dma_start3A_708 = arith.constant 0 : i32
        %dma_start3A_709 = tpu.memref_slice %arg3[%squeeze3A_91, %dma_start3A_708] : memref<12500x1024xf32, #tpu.memory_space<hbm>> -> memref<1x1024xf32, #tpu.memory_space<hbm>>
        %dma_start3A_710 = arith.constant 3 : i32
        %dma_start3A_711 = arith.constant 0 : i32
        %dma_start3A_712 = tpu.memref_slice %arg10[%dma_start3A_710, %dma_start3A_711] : memref<16x1024xf32, #tpu.memory_space<vmem>> -> memref<1x1024xf32, #tpu.memory_space<vmem>>
        %dma_start3A_713 = arith.constant 0 : i32
        %dma_start3A_714 = tpu.memref_slice %arg3[%squeeze3A_91, %dma_start3A_713] : memref<12500x1024xf32, #tpu.memory_space<hbm>> -> memref<1x1024xf32, #tpu.memory_space<hbm>>
        tpu.enqueue_dma source(%dma_start3A_714 : memref<1x1024xf32, #tpu.memory_space<hbm>>) target(%dma_start3A_712 : memref<1x1024xf32, #tpu.memory_space<vmem>>) target_semaphore(%arg14 : memref<!tpu.dma_semaphore, #tpu.memory_space<semaphore_mem>>)
      } else {
      }
      %slice3A_107 = vector.extract_strided_slice %get3A_40 {offsets = [4], sizes = [1], strides = [1]} : vector<16xi32> to vector<1xi32>
      %squeeze3A_108 = vector.extract %slice3A_107[0] : i32 from vector<1xi32>
      %lt3A_109 = arith.constant 12500 : i32
      %lt3A_110 = arith.cmpi slt, %squeeze3A_108, %lt3A_109 : i32
      %jit3A_111 = arith.constant 1 : i32
      %jit3A_112 = arith.constant 0 : i32
      %select_n3A_113 = arith.select %lt3A_110, %jit3A_111, %jit3A_112 : i32
      %swap3A_114 = arith.constant 4 : i32
      %swap3A_115 = arith.index_cast %swap3A_114 : i32 to index
      %swap3A_116 = memref.load %arg12[%swap3A_115] : memref<17xi32, #tpu.memory_space<smem>>
      memref.store %select_n3A_113, %arg12[%swap3A_115] : memref<17xi32, #tpu.memory_space<smem>>
      %jit3A_117 = arith.constant 1 : i32
      %jit3A_118 = arith.constant 0 : i32
      %select_n3A_119 = arith.select %lt3A_110, %jit3A_117, %jit3A_118 : i32
      %add3A_120 = arith.addi %add3A_103, %select_n3A_119 : i32
      %convert_element_type3A_121 = arith.extui %lt3A_110 : i1 to i32
      %cond3A_122 = arith.constant 0 : i32
      %cond3A_123 = arith.cmpi ne, %convert_element_type3A_121, %cond3A_122 : i32
      scf.if %cond3A_123 {
        %dma_start3A_705 = arith.constant 4 : i32
        %dma_start3A_706 = arith.constant 0 : i32
        %dma_start3A_707 = tpu.memref_slice %arg10[%dma_start3A_705, %dma_start3A_706] : memref<16x1024xf32, #tpu.memory_space<vmem>> -> memref<1x1024xf32, #tpu.memory_space<vmem>>
        %dma_start3A_708 = arith.constant 0 : i32
        %dma_start3A_709 = tpu.memref_slice %arg3[%squeeze3A_108, %dma_start3A_708] : memref<12500x1024xf32, #tpu.memory_space<hbm>> -> memref<1x1024xf32, #tpu.memory_space<hbm>>
        %dma_start3A_710 = arith.constant 4 : i32
        %dma_start3A_711 = arith.constant 0 : i32
        %dma_start3A_712 = tpu.memref_slice %arg10[%dma_start3A_710, %dma_start3A_711] : memref<16x1024xf32, #tpu.memory_space<vmem>> -> memref<1x1024xf32, #tpu.memory_space<vmem>>
        %dma_start3A_713 = arith.constant 0 : i32
        %dma_start3A_714 = tpu.memref_slice %arg3[%squeeze3A_108, %dma_start3A_713] : memref<12500x1024xf32, #tpu.memory_space<hbm>> -> memref<1x1024xf32, #tpu.memory_space<hbm>>
        tpu.enqueue_dma source(%dma_start3A_714 : memref<1x1024xf32, #tpu.memory_space<hbm>>) target(%dma_start3A_712 : memref<1x1024xf32, #tpu.memory_space<vmem>>) target_semaphore(%arg14 : memref<!tpu.dma_semaphore, #tpu.memory_space<semaphore_mem>>)
      } else {
      }
      %slice3A_124 = vector.extract_strided_slice %get3A_40 {offsets = [5], sizes = [1], strides = [1]} : vector<16xi32> to vector<1xi32>
      %squeeze3A_125 = vector.extract %slice3A_124[0] : i32 from vector<1xi32>
      %lt3A_126 = arith.constant 12500 : i32
      %lt3A_127 = arith.cmpi slt, %squeeze3A_125, %lt3A_126 : i32
      %jit3A_128 = arith.constant 1 : i32
      %jit3A_129 = arith.constant 0 : i32
      %select_n3A_130 = arith.select %lt3A_127, %jit3A_128, %jit3A_129 : i32
      %swap3A_131 = arith.constant 5 : i32
      %swap3A_132 = arith.index_cast %swap3A_131 : i32 to index
      %swap3A_133 = memref.load %arg12[%swap3A_132] : memref<17xi32, #tpu.memory_space<smem>>
      memref.store %select_n3A_130, %arg12[%swap3A_132] : memref<17xi32, #tpu.memory_space<smem>>
      %jit3A_134 = arith.constant 1 : i32
      %jit3A_135 = arith.constant 0 : i32
      %select_n3A_136 = arith.select %lt3A_127, %jit3A_134, %jit3A_135 : i32
      %add3A_137 = arith.addi %add3A_120, %select_n3A_136 : i32
      %convert_element_type3A_138 = arith.extui %lt3A_127 : i1 to i32
      %cond3A_139 = arith.constant 0 : i32
      %cond3A_140 = arith.cmpi ne, %convert_element_type3A_138, %cond3A_139 : i32
      scf.if %cond3A_140 {
        %dma_start3A_705 = arith.constant 5 : i32
        %dma_start3A_706 = arith.constant 0 : i32
        %dma_start3A_707 = tpu.memref_slice %arg10[%dma_start3A_705, %dma_start3A_706] : memref<16x1024xf32, #tpu.memory_space<vmem>> -> memref<1x1024xf32, #tpu.memory_space<vmem>>
        %dma_start3A_708 = arith.constant 0 : i32
        %dma_start3A_709 = tpu.memref_slice %arg3[%squeeze3A_125, %dma_start3A_708] : memref<12500x1024xf32, #tpu.memory_space<hbm>> -> memref<1x1024xf32, #tpu.memory_space<hbm>>
        %dma_start3A_710 = arith.constant 5 : i32
        %dma_start3A_711 = arith.constant 0 : i32
        %dma_start3A_712 = tpu.memref_slice %arg10[%dma_start3A_710, %dma_start3A_711] : memref<16x1024xf32, #tpu.memory_space<vmem>> -> memref<1x1024xf32, #tpu.memory_space<vmem>>
        %dma_start3A_713 = arith.constant 0 : i32
        %dma_start3A_714 = tpu.memref_slice %arg3[%squeeze3A_125, %dma_start3A_713] : memref<12500x1024xf32, #tpu.memory_space<hbm>> -> memref<1x1024xf32, #tpu.memory_space<hbm>>
        tpu.enqueue_dma source(%dma_start3A_714 : memref<1x1024xf32, #tpu.memory_space<hbm>>) target(%dma_start3A_712 : memref<1x1024xf32, #tpu.memory_space<vmem>>) target_semaphore(%arg14 : memref<!tpu.dma_semaphore, #tpu.memory_space<semaphore_mem>>)
      } else {
      }
      %slice3A_141 = vector.extract_strided_slice %get3A_40 {offsets = [6], sizes = [1], strides = [1]} : vector<16xi32> to vector<1xi32>
      %squeeze3A_142 = vector.extract %slice3A_141[0] : i32 from vector<1xi32>
      %lt3A_143 = arith.constant 12500 : i32
      %lt3A_144 = arith.cmpi slt, %squeeze3A_142, %lt3A_143 : i32
      %jit3A_145 = arith.constant 1 : i32
      %jit3A_146 = arith.constant 0 : i32
      %select_n3A_147 = arith.select %lt3A_144, %jit3A_145, %jit3A_146 : i32
      %swap3A_148 = arith.constant 6 : i32
      %swap3A_149 = arith.index_cast %swap3A_148 : i32 to index
      %swap3A_150 = memref.load %arg12[%swap3A_149] : memref<17xi32, #tpu.memory_space<smem>>
      memref.store %select_n3A_147, %arg12[%swap3A_149] : memref<17xi32, #tpu.memory_space<smem>>
      %jit3A_151 = arith.constant 1 : i32
      %jit3A_152 = arith.constant 0 : i32
      %select_n3A_153 = arith.select %lt3A_144, %jit3A_151, %jit3A_152 : i32
      %add3A_154 = arith.addi %add3A_137, %select_n3A_153 : i32
      %convert_element_type3A_155 = arith.extui %lt3A_144 : i1 to i32
      %cond3A_156 = arith.constant 0 : i32
      %cond3A_157 = arith.cmpi ne, %convert_element_type3A_155, %cond3A_156 : i32
      scf.if %cond3A_157 {
        %dma_start3A_705 = arith.constant 6 : i32
        %dma_start3A_706 = arith.constant 0 : i32
        %dma_start3A_707 = tpu.memref_slice %arg10[%dma_start3A_705, %dma_start3A_706] : memref<16x1024xf32, #tpu.memory_space<vmem>> -> memref<1x1024xf32, #tpu.memory_space<vmem>>
        %dma_start3A_708 = arith.constant 0 : i32
        %dma_start3A_709 = tpu.memref_slice %arg3[%squeeze3A_142, %dma_start3A_708] : memref<12500x1024xf32, #tpu.memory_space<hbm>> -> memref<1x1024xf32, #tpu.memory_space<hbm>>
        %dma_start3A_710 = arith.constant 6 : i32
        %dma_start3A_711 = arith.constant 0 : i32
        %dma_start3A_712 = tpu.memref_slice %arg10[%dma_start3A_710, %dma_start3A_711] : memref<16x1024xf32, #tpu.memory_space<vmem>> -> memref<1x1024xf32, #tpu.memory_space<vmem>>
        %dma_start3A_713 = arith.constant 0 : i32
        %dma_start3A_714 = tpu.memref_slice %arg3[%squeeze3A_142, %dma_start3A_713] : memref<12500x1024xf32, #tpu.memory_space<hbm>> -> memref<1x1024xf32, #tpu.memory_space<hbm>>
        tpu.enqueue_dma source(%dma_start3A_714 : memref<1x1024xf32, #tpu.memory_space<hbm>>) target(%dma_start3A_712 : memref<1x1024xf32, #tpu.memory_space<vmem>>) target_semaphore(%arg14 : memref<!tpu.dma_semaphore, #tpu.memory_space<semaphore_mem>>)
      } else {
      }
      %slice3A_158 = vector.extract_strided_slice %get3A_40 {offsets = [7], sizes = [1], strides = [1]} : vector<16xi32> to vector<1xi32>
      %squeeze3A_159 = vector.extract %slice3A_158[0] : i32 from vector<1xi32>
      %lt3A_160 = arith.constant 12500 : i32
      %lt3A_161 = arith.cmpi slt, %squeeze3A_159, %lt3A_160 : i32
      %jit3A_162 = arith.constant 1 : i32
      %jit3A_163 = arith.constant 0 : i32
      %select_n3A_164 = arith.select %lt3A_161, %jit3A_162, %jit3A_163 : i32
      %swap3A_165 = arith.constant 7 : i32
      %swap3A_166 = arith.index_cast %swap3A_165 : i32 to index
      %swap3A_167 = memref.load %arg12[%swap3A_166] : memref<17xi32, #tpu.memory_space<smem>>
      memref.store %select_n3A_164, %arg12[%swap3A_166] : memref<17xi32, #tpu.memory_space<smem>>
      %jit3A_168 = arith.constant 1 : i32
      %jit3A_169 = arith.constant 0 : i32
      %select_n3A_170 = arith.select %lt3A_161, %jit3A_168, %jit3A_169 : i32
      %add3A_171 = arith.addi %add3A_154, %select_n3A_170 : i32
      %convert_element_type3A_172 = arith.extui %lt3A_161 : i1 to i32
      %cond3A_173 = arith.constant 0 : i32
      %cond3A_174 = arith.cmpi ne, %convert_element_type3A_172, %cond3A_173 : i32
      scf.if %cond3A_174 {
        %dma_start3A_705 = arith.constant 7 : i32
        %dma_start3A_706 = arith.constant 0 : i32
        %dma_start3A_707 = tpu.memref_slice %arg10[%dma_start3A_705, %dma_start3A_706] : memref<16x1024xf32, #tpu.memory_space<vmem>> -> memref<1x1024xf32, #tpu.memory_space<vmem>>
        %dma_start3A_708 = arith.constant 0 : i32
        %dma_start3A_709 = tpu.memref_slice %arg3[%squeeze3A_159, %dma_start3A_708] : memref<12500x1024xf32, #tpu.memory_space<hbm>> -> memref<1x1024xf32, #tpu.memory_space<hbm>>
        %dma_start3A_710 = arith.constant 7 : i32
        %dma_start3A_711 = arith.constant 0 : i32
        %dma_start3A_712 = tpu.memref_slice %arg10[%dma_start3A_710, %dma_start3A_711] : memref<16x1024xf32, #tpu.memory_space<vmem>> -> memref<1x1024xf32, #tpu.memory_space<vmem>>
        %dma_start3A_713 = arith.constant 0 : i32
        %dma_start3A_714 = tpu.memref_slice %arg3[%squeeze3A_159, %dma_start3A_713] : memref<12500x1024xf32, #tpu.memory_space<hbm>> -> memref<1x1024xf32, #tpu.memory_space<hbm>>
        tpu.enqueue_dma source(%dma_start3A_714 : memref<1x1024xf32, #tpu.memory_space<hbm>>) target(%dma_start3A_712 : memref<1x1024xf32, #tpu.memory_space<vmem>>) target_semaphore(%arg14 : memref<!tpu.dma_semaphore, #tpu.memory_space<semaphore_mem>>)
      } else {
      }
      %slice3A_175 = vector.extract_strided_slice %get3A_40 {offsets = [8], sizes = [1], strides = [1]} : vector<16xi32> to vector<1xi32>
      %squeeze3A_176 = vector.extract %slice3A_175[0] : i32 from vector<1xi32>
      %lt3A_177 = arith.constant 12500 : i32
      %lt3A_178 = arith.cmpi slt, %squeeze3A_176, %lt3A_177 : i32
      %jit3A_179 = arith.constant 1 : i32
      %jit3A_180 = arith.constant 0 : i32
      %select_n3A_181 = arith.select %lt3A_178, %jit3A_179, %jit3A_180 : i32
      %swap3A_182 = arith.constant 8 : i32
      %swap3A_183 = arith.index_cast %swap3A_182 : i32 to index
      %swap3A_184 = memref.load %arg12[%swap3A_183] : memref<17xi32, #tpu.memory_space<smem>>
      memref.store %select_n3A_181, %arg12[%swap3A_183] : memref<17xi32, #tpu.memory_space<smem>>
      %jit3A_185 = arith.constant 1 : i32
      %jit3A_186 = arith.constant 0 : i32
      %select_n3A_187 = arith.select %lt3A_178, %jit3A_185, %jit3A_186 : i32
      %add3A_188 = arith.addi %add3A_171, %select_n3A_187 : i32
      %convert_element_type3A_189 = arith.extui %lt3A_178 : i1 to i32
      %cond3A_190 = arith.constant 0 : i32
      %cond3A_191 = arith.cmpi ne, %convert_element_type3A_189, %cond3A_190 : i32
      scf.if %cond3A_191 {
        %dma_start3A_705 = arith.constant 8 : i32
        %dma_start3A_706 = arith.constant 0 : i32
        %dma_start3A_707 = tpu.memref_slice %arg10[%dma_start3A_705, %dma_start3A_706] : memref<16x1024xf32, #tpu.memory_space<vmem>> -> memref<1x1024xf32, #tpu.memory_space<vmem>>
        %dma_start3A_708 = arith.constant 0 : i32
        %dma_start3A_709 = tpu.memref_slice %arg3[%squeeze3A_176, %dma_start3A_708] : memref<12500x1024xf32, #tpu.memory_space<hbm>> -> memref<1x1024xf32, #tpu.memory_space<hbm>>
        %dma_start3A_710 = arith.constant 8 : i32
        %dma_start3A_711 = arith.constant 0 : i32
        %dma_start3A_712 = tpu.memref_slice %arg10[%dma_start3A_710, %dma_start3A_711] : memref<16x1024xf32, #tpu.memory_space<vmem>> -> memref<1x1024xf32, #tpu.memory_space<vmem>>
        %dma_start3A_713 = arith.constant 0 : i32
        %dma_start3A_714 = tpu.memref_slice %arg3[%squeeze3A_176, %dma_start3A_713] : memref<12500x1024xf32, #tpu.memory_space<hbm>> -> memref<1x1024xf32, #tpu.memory_space<hbm>>
        tpu.enqueue_dma source(%dma_start3A_714 : memref<1x1024xf32, #tpu.memory_space<hbm>>) target(%dma_start3A_712 : memref<1x1024xf32, #tpu.memory_space<vmem>>) target_semaphore(%arg14 : memref<!tpu.dma_semaphore, #tpu.memory_space<semaphore_mem>>)
      } else {
      }
      %slice3A_192 = vector.extract_strided_slice %get3A_40 {offsets = [9], sizes = [1], strides = [1]} : vector<16xi32> to vector<1xi32>
      %squeeze3A_193 = vector.extract %slice3A_192[0] : i32 from vector<1xi32>
      %lt3A_194 = arith.constant 12500 : i32
      %lt3A_195 = arith.cmpi slt, %squeeze3A_193, %lt3A_194 : i32
      %jit3A_196 = arith.constant 1 : i32
      %jit3A_197 = arith.constant 0 : i32
      %select_n3A_198 = arith.select %lt3A_195, %jit3A_196, %jit3A_197 : i32
      %swap3A_199 = arith.constant 9 : i32
      %swap3A_200 = arith.index_cast %swap3A_199 : i32 to index
      %swap3A_201 = memref.load %arg12[%swap3A_200] : memref<17xi32, #tpu.memory_space<smem>>
      memref.store %select_n3A_198, %arg12[%swap3A_200] : memref<17xi32, #tpu.memory_space<smem>>
      %jit3A_202 = arith.constant 1 : i32
      %jit3A_203 = arith.constant 0 : i32
      %select_n3A_204 = arith.select %lt3A_195, %jit3A_202, %jit3A_203 : i32
      %add3A_205 = arith.addi %add3A_188, %select_n3A_204 : i32
      %convert_element_type3A_206 = arith.extui %lt3A_195 : i1 to i32
      %cond3A_207 = arith.constant 0 : i32
      %cond3A_208 = arith.cmpi ne, %convert_element_type3A_206, %cond3A_207 : i32
      scf.if %cond3A_208 {
        %dma_start3A_705 = arith.constant 9 : i32
        %dma_start3A_706 = arith.constant 0 : i32
        %dma_start3A_707 = tpu.memref_slice %arg10[%dma_start3A_705, %dma_start3A_706] : memref<16x1024xf32, #tpu.memory_space<vmem>> -> memref<1x1024xf32, #tpu.memory_space<vmem>>
        %dma_start3A_708 = arith.constant 0 : i32
        %dma_start3A_709 = tpu.memref_slice %arg3[%squeeze3A_193, %dma_start3A_708] : memref<12500x1024xf32, #tpu.memory_space<hbm>> -> memref<1x1024xf32, #tpu.memory_space<hbm>>
        %dma_start3A_710 = arith.constant 9 : i32
        %dma_start3A_711 = arith.constant 0 : i32
        %dma_start3A_712 = tpu.memref_slice %arg10[%dma_start3A_710, %dma_start3A_711] : memref<16x1024xf32, #tpu.memory_space<vmem>> -> memref<1x1024xf32, #tpu.memory_space<vmem>>
        %dma_start3A_713 = arith.constant 0 : i32
        %dma_start3A_714 = tpu.memref_slice %arg3[%squeeze3A_193, %dma_start3A_713] : memref<12500x1024xf32, #tpu.memory_space<hbm>> -> memref<1x1024xf32, #tpu.memory_space<hbm>>
        tpu.enqueue_dma source(%dma_start3A_714 : memref<1x1024xf32, #tpu.memory_space<hbm>>) target(%dma_start3A_712 : memref<1x1024xf32, #tpu.memory_space<vmem>>) target_semaphore(%arg14 : memref<!tpu.dma_semaphore, #tpu.memory_space<semaphore_mem>>)
      } else {
      }
      %slice3A_209 = vector.extract_strided_slice %get3A_40 {offsets = [10], sizes = [1], strides = [1]} : vector<16xi32> to vector<1xi32>
      %squeeze3A_210 = vector.extract %slice3A_209[0] : i32 from vector<1xi32>
      %lt3A_211 = arith.constant 12500 : i32
      %lt3A_212 = arith.cmpi slt, %squeeze3A_210, %lt3A_211 : i32
      %jit3A_213 = arith.constant 1 : i32
      %jit3A_214 = arith.constant 0 : i32
      %select_n3A_215 = arith.select %lt3A_212, %jit3A_213, %jit3A_214 : i32
      %swap3A_216 = arith.constant 10 : i32
      %swap3A_217 = arith.index_cast %swap3A_216 : i32 to index
      %swap3A_218 = memref.load %arg12[%swap3A_217] : memref<17xi32, #tpu.memory_space<smem>>
      memref.store %select_n3A_215, %arg12[%swap3A_217] : memref<17xi32, #tpu.memory_space<smem>>
      %jit3A_219 = arith.constant 1 : i32
      %jit3A_220 = arith.constant 0 : i32
      %select_n3A_221 = arith.select %lt3A_212, %jit3A_219, %jit3A_220 : i32
      %add3A_222 = arith.addi %add3A_205, %select_n3A_221 : i32
      %convert_element_type3A_223 = arith.extui %lt3A_212 : i1 to i32
      %cond3A_224 = arith.constant 0 : i32
      %cond3A_225 = arith.cmpi ne, %convert_element_type3A_223, %cond3A_224 : i32
      scf.if %cond3A_225 {
        %dma_start3A_705 = arith.constant 10 : i32
        %dma_start3A_706 = arith.constant 0 : i32
        %dma_start3A_707 = tpu.memref_slice %arg10[%dma_start3A_705, %dma_start3A_706] : memref<16x1024xf32, #tpu.memory_space<vmem>> -> memref<1x1024xf32, #tpu.memory_space<vmem>>
        %dma_start3A_708 = arith.constant 0 : i32
        %dma_start3A_709 = tpu.memref_slice %arg3[%squeeze3A_210, %dma_start3A_708] : memref<12500x1024xf32, #tpu.memory_space<hbm>> -> memref<1x1024xf32, #tpu.memory_space<hbm>>
        %dma_start3A_710 = arith.constant 10 : i32
        %dma_start3A_711 = arith.constant 0 : i32
        %dma_start3A_712 = tpu.memref_slice %arg10[%dma_start3A_710, %dma_start3A_711] : memref<16x1024xf32, #tpu.memory_space<vmem>> -> memref<1x1024xf32, #tpu.memory_space<vmem>>
        %dma_start3A_713 = arith.constant 0 : i32
        %dma_start3A_714 = tpu.memref_slice %arg3[%squeeze3A_210, %dma_start3A_713] : memref<12500x1024xf32, #tpu.memory_space<hbm>> -> memref<1x1024xf32, #tpu.memory_space<hbm>>
        tpu.enqueue_dma source(%dma_start3A_714 : memref<1x1024xf32, #tpu.memory_space<hbm>>) target(%dma_start3A_712 : memref<1x1024xf32, #tpu.memory_space<vmem>>) target_semaphore(%arg14 : memref<!tpu.dma_semaphore, #tpu.memory_space<semaphore_mem>>)
      } else {
      }
      %slice3A_226 = vector.extract_strided_slice %get3A_40 {offsets = [11], sizes = [1], strides = [1]} : vector<16xi32> to vector<1xi32>
      %squeeze3A_227 = vector.extract %slice3A_226[0] : i32 from vector<1xi32>
      %lt3A_228 = arith.constant 12500 : i32
      %lt3A_229 = arith.cmpi slt, %squeeze3A_227, %lt3A_228 : i32
      %jit3A_230 = arith.constant 1 : i32
      %jit3A_231 = arith.constant 0 : i32
      %select_n3A_232 = arith.select %lt3A_229, %jit3A_230, %jit3A_231 : i32
      %swap3A_233 = arith.constant 11 : i32
      %swap3A_234 = arith.index_cast %swap3A_233 : i32 to index
      %swap3A_235 = memref.load %arg12[%swap3A_234] : memref<17xi32, #tpu.memory_space<smem>>
      memref.store %select_n3A_232, %arg12[%swap3A_234] : memref<17xi32, #tpu.memory_space<smem>>
      %jit3A_236 = arith.constant 1 : i32
      %jit3A_237 = arith.constant 0 : i32
      %select_n3A_238 = arith.select %lt3A_229, %jit3A_236, %jit3A_237 : i32
      %add3A_239 = arith.addi %add3A_222, %select_n3A_238 : i32
      %convert_element_type3A_240 = arith.extui %lt3A_229 : i1 to i32
      %cond3A_241 = arith.constant 0 : i32
      %cond3A_242 = arith.cmpi ne, %convert_element_type3A_240, %cond3A_241 : i32
      scf.if %cond3A_242 {
        %dma_start3A_705 = arith.constant 11 : i32
        %dma_start3A_706 = arith.constant 0 : i32
        %dma_start3A_707 = tpu.memref_slice %arg10[%dma_start3A_705, %dma_start3A_706] : memref<16x1024xf32, #tpu.memory_space<vmem>> -> memref<1x1024xf32, #tpu.memory_space<vmem>>
        %dma_start3A_708 = arith.constant 0 : i32
        %dma_start3A_709 = tpu.memref_slice %arg3[%squeeze3A_227, %dma_start3A_708] : memref<12500x1024xf32, #tpu.memory_space<hbm>> -> memref<1x1024xf32, #tpu.memory_space<hbm>>
        %dma_start3A_710 = arith.constant 11 : i32
        %dma_start3A_711 = arith.constant 0 : i32
        %dma_start3A_712 = tpu.memref_slice %arg10[%dma_start3A_710, %dma_start3A_711] : memref<16x1024xf32, #tpu.memory_space<vmem>> -> memref<1x1024xf32, #tpu.memory_space<vmem>>
        %dma_start3A_713 = arith.constant 0 : i32
        %dma_start3A_714 = tpu.memref_slice %arg3[%squeeze3A_227, %dma_start3A_713] : memref<12500x1024xf32, #tpu.memory_space<hbm>> -> memref<1x1024xf32, #tpu.memory_space<hbm>>
        tpu.enqueue_dma source(%dma_start3A_714 : memref<1x1024xf32, #tpu.memory_space<hbm>>) target(%dma_start3A_712 : memref<1x1024xf32, #tpu.memory_space<vmem>>) target_semaphore(%arg14 : memref<!tpu.dma_semaphore, #tpu.memory_space<semaphore_mem>>)
      } else {
      }
      %slice3A_243 = vector.extract_strided_slice %get3A_40 {offsets = [12], sizes = [1], strides = [1]} : vector<16xi32> to vector<1xi32>
      %squeeze3A_244 = vector.extract %slice3A_243[0] : i32 from vector<1xi32>
      %lt3A_245 = arith.constant 12500 : i32
      %lt3A_246 = arith.cmpi slt, %squeeze3A_244, %lt3A_245 : i32
      %jit3A_247 = arith.constant 1 : i32
      %jit3A_248 = arith.constant 0 : i32
      %select_n3A_249 = arith.select %lt3A_246, %jit3A_247, %jit3A_248 : i32
      %swap3A_250 = arith.constant 12 : i32
      %swap3A_251 = arith.index_cast %swap3A_250 : i32 to index
      %swap3A_252 = memref.load %arg12[%swap3A_251] : memref<17xi32, #tpu.memory_space<smem>>
      memref.store %select_n3A_249, %arg12[%swap3A_251] : memref<17xi32, #tpu.memory_space<smem>>
      %jit3A_253 = arith.constant 1 : i32
      %jit3A_254 = arith.constant 0 : i32
      %select_n3A_255 = arith.select %lt3A_246, %jit3A_253, %jit3A_254 : i32
      %add3A_256 = arith.addi %add3A_239, %select_n3A_255 : i32
      %convert_element_type3A_257 = arith.extui %lt3A_246 : i1 to i32
      %cond3A_258 = arith.constant 0 : i32
      %cond3A_259 = arith.cmpi ne, %convert_element_type3A_257, %cond3A_258 : i32
      scf.if %cond3A_259 {
        %dma_start3A_705 = arith.constant 12 : i32
        %dma_start3A_706 = arith.constant 0 : i32
        %dma_start3A_707 = tpu.memref_slice %arg10[%dma_start3A_705, %dma_start3A_706] : memref<16x1024xf32, #tpu.memory_space<vmem>> -> memref<1x1024xf32, #tpu.memory_space<vmem>>
        %dma_start3A_708 = arith.constant 0 : i32
        %dma_start3A_709 = tpu.memref_slice %arg3[%squeeze3A_244, %dma_start3A_708] : memref<12500x1024xf32, #tpu.memory_space<hbm>> -> memref<1x1024xf32, #tpu.memory_space<hbm>>
        %dma_start3A_710 = arith.constant 12 : i32
        %dma_start3A_711 = arith.constant 0 : i32
        %dma_start3A_712 = tpu.memref_slice %arg10[%dma_start3A_710, %dma_start3A_711] : memref<16x1024xf32, #tpu.memory_space<vmem>> -> memref<1x1024xf32, #tpu.memory_space<vmem>>
        %dma_start3A_713 = arith.constant 0 : i32
        %dma_start3A_714 = tpu.memref_slice %arg3[%squeeze3A_244, %dma_start3A_713] : memref<12500x1024xf32, #tpu.memory_space<hbm>> -> memref<1x1024xf32, #tpu.memory_space<hbm>>
        tpu.enqueue_dma source(%dma_start3A_714 : memref<1x1024xf32, #tpu.memory_space<hbm>>) target(%dma_start3A_712 : memref<1x1024xf32, #tpu.memory_space<vmem>>) target_semaphore(%arg14 : memref<!tpu.dma_semaphore, #tpu.memory_space<semaphore_mem>>)
      } else {
      }
      %slice3A_260 = vector.extract_strided_slice %get3A_40 {offsets = [13], sizes = [1], strides = [1]} : vector<16xi32> to vector<1xi32>
      %squeeze3A_261 = vector.extract %slice3A_260[0] : i32 from vector<1xi32>
      %lt3A_262 = arith.constant 12500 : i32
      %lt3A_263 = arith.cmpi slt, %squeeze3A_261, %lt3A_262 : i32
      %jit3A_264 = arith.constant 1 : i32
      %jit3A_265 = arith.constant 0 : i32
      %select_n3A_266 = arith.select %lt3A_263, %jit3A_264, %jit3A_265 : i32
      %swap3A_267 = arith.constant 13 : i32
      %swap3A_268 = arith.index_cast %swap3A_267 : i32 to index
      %swap3A_269 = memref.load %arg12[%swap3A_268] : memref<17xi32, #tpu.memory_space<smem>>
      memref.store %select_n3A_266, %arg12[%swap3A_268] : memref<17xi32, #tpu.memory_space<smem>>
      %jit3A_270 = arith.constant 1 : i32
      %jit3A_271 = arith.constant 0 : i32
      %select_n3A_272 = arith.select %lt3A_263, %jit3A_270, %jit3A_271 : i32
      %add3A_273 = arith.addi %add3A_256, %select_n3A_272 : i32
      %convert_element_type3A_274 = arith.extui %lt3A_263 : i1 to i32
      %cond3A_275 = arith.constant 0 : i32
      %cond3A_276 = arith.cmpi ne, %convert_element_type3A_274, %cond3A_275 : i32
      scf.if %cond3A_276 {
        %dma_start3A_705 = arith.constant 13 : i32
        %dma_start3A_706 = arith.constant 0 : i32
        %dma_start3A_707 = tpu.memref_slice %arg10[%dma_start3A_705, %dma_start3A_706] : memref<16x1024xf32, #tpu.memory_space<vmem>> -> memref<1x1024xf32, #tpu.memory_space<vmem>>
        %dma_start3A_708 = arith.constant 0 : i32
        %dma_start3A_709 = tpu.memref_slice %arg3[%squeeze3A_261, %dma_start3A_708] : memref<12500x1024xf32, #tpu.memory_space<hbm>> -> memref<1x1024xf32, #tpu.memory_space<hbm>>
        %dma_start3A_710 = arith.constant 13 : i32
        %dma_start3A_711 = arith.constant 0 : i32
        %dma_start3A_712 = tpu.memref_slice %arg10[%dma_start3A_710, %dma_start3A_711] : memref<16x1024xf32, #tpu.memory_space<vmem>> -> memref<1x1024xf32, #tpu.memory_space<vmem>>
        %dma_start3A_713 = arith.constant 0 : i32
        %dma_start3A_714 = tpu.memref_slice %arg3[%squeeze3A_261, %dma_start3A_713] : memref<12500x1024xf32, #tpu.memory_space<hbm>> -> memref<1x1024xf32, #tpu.memory_space<hbm>>
        tpu.enqueue_dma source(%dma_start3A_714 : memref<1x1024xf32, #tpu.memory_space<hbm>>) target(%dma_start3A_712 : memref<1x1024xf32, #tpu.memory_space<vmem>>) target_semaphore(%arg14 : memref<!tpu.dma_semaphore, #tpu.memory_space<semaphore_mem>>)
      } else {
      }
      %slice3A_277 = vector.extract_strided_slice %get3A_40 {offsets = [14], sizes = [1], strides = [1]} : vector<16xi32> to vector<1xi32>
      %squeeze3A_278 = vector.extract %slice3A_277[0] : i32 from vector<1xi32>
      %lt3A_279 = arith.constant 12500 : i32
      %lt3A_280 = arith.cmpi slt, %squeeze3A_278, %lt3A_279 : i32
      %jit3A_281 = arith.constant 1 : i32
      %jit3A_282 = arith.constant 0 : i32
      %select_n3A_283 = arith.select %lt3A_280, %jit3A_281, %jit3A_282 : i32
      %swap3A_284 = arith.constant 14 : i32
      %swap3A_285 = arith.index_cast %swap3A_284 : i32 to index
      %swap3A_286 = memref.load %arg12[%swap3A_285] : memref<17xi32, #tpu.memory_space<smem>>
      memref.store %select_n3A_283, %arg12[%swap3A_285] : memref<17xi32, #tpu.memory_space<smem>>
      %jit3A_287 = arith.constant 1 : i32
      %jit3A_288 = arith.constant 0 : i32
      %select_n3A_289 = arith.select %lt3A_280, %jit3A_287, %jit3A_288 : i32
      %add3A_290 = arith.addi %add3A_273, %select_n3A_289 : i32
      %convert_element_type3A_291 = arith.extui %lt3A_280 : i1 to i32
      %cond3A_292 = arith.constant 0 : i32
      %cond3A_293 = arith.cmpi ne, %convert_element_type3A_291, %cond3A_292 : i32
      scf.if %cond3A_293 {
        %dma_start3A_705 = arith.constant 14 : i32
        %dma_start3A_706 = arith.constant 0 : i32
        %dma_start3A_707 = tpu.memref_slice %arg10[%dma_start3A_705, %dma_start3A_706] : memref<16x1024xf32, #tpu.memory_space<vmem>> -> memref<1x1024xf32, #tpu.memory_space<vmem>>
        %dma_start3A_708 = arith.constant 0 : i32
        %dma_start3A_709 = tpu.memref_slice %arg3[%squeeze3A_278, %dma_start3A_708] : memref<12500x1024xf32, #tpu.memory_space<hbm>> -> memref<1x1024xf32, #tpu.memory_space<hbm>>
        %dma_start3A_710 = arith.constant 14 : i32
        %dma_start3A_711 = arith.constant 0 : i32
        %dma_start3A_712 = tpu.memref_slice %arg10[%dma_start3A_710, %dma_start3A_711] : memref<16x1024xf32, #tpu.memory_space<vmem>> -> memref<1x1024xf32, #tpu.memory_space<vmem>>
        %dma_start3A_713 = arith.constant 0 : i32
        %dma_start3A_714 = tpu.memref_slice %arg3[%squeeze3A_278, %dma_start3A_713] : memref<12500x1024xf32, #tpu.memory_space<hbm>> -> memref<1x1024xf32, #tpu.memory_space<hbm>>
        tpu.enqueue_dma source(%dma_start3A_714 : memref<1x1024xf32, #tpu.memory_space<hbm>>) target(%dma_start3A_712 : memref<1x1024xf32, #tpu.memory_space<vmem>>) target_semaphore(%arg14 : memref<!tpu.dma_semaphore, #tpu.memory_space<semaphore_mem>>)
      } else {
      }
      %slice3A_294 = vector.extract_strided_slice %get3A_40 {offsets = [15], sizes = [1], strides = [1]} : vector<16xi32> to vector<1xi32>
      %squeeze3A_295 = vector.extract %slice3A_294[0] : i32 from vector<1xi32>
      %lt3A_296 = arith.constant 12500 : i32
      %lt3A_297 = arith.cmpi slt, %squeeze3A_295, %lt3A_296 : i32
      %jit3A_298 = arith.constant 1 : i32
      %jit3A_299 = arith.constant 0 : i32
      %select_n3A_300 = arith.select %lt3A_297, %jit3A_298, %jit3A_299 : i32
      %swap3A_301 = arith.constant 15 : i32
      %swap3A_302 = arith.index_cast %swap3A_301 : i32 to index
      %swap3A_303 = memref.load %arg12[%swap3A_302] : memref<17xi32, #tpu.memory_space<smem>>
      memref.store %select_n3A_300, %arg12[%swap3A_302] : memref<17xi32, #tpu.memory_space<smem>>
      %jit3A_304 = arith.constant 1 : i32
      %jit3A_305 = arith.constant 0 : i32
      %select_n3A_306 = arith.select %lt3A_297, %jit3A_304, %jit3A_305 : i32
      %add3A_307 = arith.addi %add3A_290, %select_n3A_306 : i32
      %convert_element_type3A_308 = arith.extui %lt3A_297 : i1 to i32
      %cond3A_309 = arith.constant 0 : i32
      %cond3A_310 = arith.cmpi ne, %convert_element_type3A_308, %cond3A_309 : i32
      scf.if %cond3A_310 {
        %dma_start3A_705 = arith.constant 15 : i32
        %dma_start3A_706 = arith.constant 0 : i32
        %dma_start3A_707 = tpu.memref_slice %arg10[%dma_start3A_705, %dma_start3A_706] : memref<16x1024xf32, #tpu.memory_space<vmem>> -> memref<1x1024xf32, #tpu.memory_space<vmem>>
        %dma_start3A_708 = arith.constant 0 : i32
        %dma_start3A_709 = tpu.memref_slice %arg3[%squeeze3A_295, %dma_start3A_708] : memref<12500x1024xf32, #tpu.memory_space<hbm>> -> memref<1x1024xf32, #tpu.memory_space<hbm>>
        %dma_start3A_710 = arith.constant 15 : i32
        %dma_start3A_711 = arith.constant 0 : i32
        %dma_start3A_712 = tpu.memref_slice %arg10[%dma_start3A_710, %dma_start3A_711] : memref<16x1024xf32, #tpu.memory_space<vmem>> -> memref<1x1024xf32, #tpu.memory_space<vmem>>
        %dma_start3A_713 = arith.constant 0 : i32
        %dma_start3A_714 = tpu.memref_slice %arg3[%squeeze3A_295, %dma_start3A_713] : memref<12500x1024xf32, #tpu.memory_space<hbm>> -> memref<1x1024xf32, #tpu.memory_space<hbm>>
        tpu.enqueue_dma source(%dma_start3A_714 : memref<1x1024xf32, #tpu.memory_space<hbm>>) target(%dma_start3A_712 : memref<1x1024xf32, #tpu.memory_space<vmem>>) target_semaphore(%arg14 : memref<!tpu.dma_semaphore, #tpu.memory_space<semaphore_mem>>)
      } else {
      }
      %swap3A_311 = arith.constant 16 : i32
      %swap3A_312 = arith.index_cast %swap3A_311 : i32 to index
      %swap3A_313 = memref.load %arg12[%swap3A_312] : memref<17xi32, #tpu.memory_space<smem>>
      memref.store %add3A_307, %arg12[%swap3A_312] : memref<17xi32, #tpu.memory_space<smem>>
      %mul3A_314 = arith.constant 16 : i32
      %mul3A_315 = arith.muli %add3A_34, %mul3A_314 : i32
      %add3A_316 = arith.addi %select_n3A_11, %mul3A_315 : i32
      %dma_start3A = arith.constant 0 : i32
      %dma_start3A_317 = tpu.memref_slice %arg4[%add3A_316, %dma_start3A] : memref<2048x1024xf32, #tpu.memory_space<hbm>> -> memref<16x1024xf32, #tpu.memory_space<hbm>>
      %dma_start3A_318 = arith.constant 0 : i32
      %dma_start3A_319 = tpu.memref_slice %arg4[%add3A_316, %dma_start3A_318] : memref<2048x1024xf32, #tpu.memory_space<hbm>> -> memref<16x1024xf32, #tpu.memory_space<hbm>>
      tpu.enqueue_dma source(%dma_start3A_319 : memref<16x1024xf32, #tpu.memory_space<hbm>>) target(%arg8 : memref<16x1024xf32, #tpu.memory_space<vmem>>) target_semaphore(%arg16 : memref<!tpu.dma_semaphore, #tpu.memory_space<semaphore_mem>>)
      %mul3A_320 = arith.constant 2 : i32
      %mul3A_321 = arith.muli %scan3A_29, %mul3A_320 : i32
      %add3A_322 = arith.constant 1 : i32
      %add3A_323 = arith.addi %mul3A_321, %add3A_322 : i32
      %gt3A_324 = arith.constant 0 : i32
      %gt3A_325 = arith.cmpi sgt, %scan3A_29, %gt3A_324 : i32
      %convert_element_type3A_326 = arith.extui %gt3A_325 : i1 to i32
      %cond3A_327 = arith.constant 0 : i32
      %cond3A_328 = arith.cmpi ne, %convert_element_type3A_326, %cond3A_327 : i32
      scf.if %cond3A_328 {
        %dma_wait3A_705 = arith.constant 0 : i32
        %dma_wait3A_706 = arith.constant 0 : i32
        %dma_wait3A_707 = tpu.memref_slice %arg5[%dma_wait3A_705, %dma_wait3A_706] : memref<8192x1024xf32, #tpu.memory_space<hbm>> -> memref<16x1024xf32, #tpu.memory_space<hbm>>
        %dma_wait3A_708 = arith.constant 0 : i32
        %dma_wait3A_709 = arith.constant 0 : i32
        %dma_wait3A_710 = tpu.memref_slice %arg5[%dma_wait3A_708, %dma_wait3A_709] : memref<8192x1024xf32, #tpu.memory_space<hbm>> -> memref<16x1024xf32, #tpu.memory_space<hbm>>
        tpu.wait_dma2 semaphore(%arg19 : memref<!tpu.dma_semaphore, #tpu.memory_space<semaphore_mem>>) src(%arg9 : memref<16x1024xf32, #tpu.memory_space<vmem>>) dst(%dma_wait3A_710 : memref<16x1024xf32, #tpu.memory_space<hbm>>)
      } else {
      }
      %mul3A_329 = arith.constant 16 : i32
      %mul3A_330 = arith.muli %add3A_323, %mul3A_329 : i32
      %get3A_331 = arith.index_cast %mul3A_330 : i32 to index
      %get3A_332 = tpu.vector_load %arg6[%get3A_331] {strides = array<i32>} : memref<256xi32, #tpu.memory_space<vmem>>, vector<16xi32>,
      %get3A_333 = vector.shape_cast %get3A_332 : vector<16xi32> to vector<16xi32>
      %slice3A_334 = vector.extract_strided_slice %get3A_333 {offsets = [0], sizes = [1], strides = [1]} : vector<16xi32> to vector<1xi32>
      %squeeze3A_335 = vector.extract %slice3A_334[0] : i32 from vector<1xi32>
      %lt3A_336 = arith.constant 12500 : i32
      %lt3A_337 = arith.cmpi slt, %squeeze3A_335, %lt3A_336 : i32
      %jit3A_338 = arith.constant 1 : i32
      %jit3A_339 = arith.constant 0 : i32
      %select_n3A_340 = arith.select %lt3A_337, %jit3A_338, %jit3A_339 : i32
      %swap3A_341 = arith.constant 0 : i32
      %swap3A_342 = arith.index_cast %swap3A_341 : i32 to index
      %swap3A_343 = memref.load %arg13[%swap3A_342] : memref<17xi32, #tpu.memory_space<smem>>
      memref.store %select_n3A_340, %arg13[%swap3A_342] : memref<17xi32, #tpu.memory_space<smem>>
      %jit3A_344 = arith.constant 1 : i32
      %jit3A_345 = arith.constant 0 : i32
      %select_n3A_346 = arith.select %lt3A_337, %jit3A_344, %jit3A_345 : i32
      %add3A_347 = arith.constant 0 : i32
      %add3A_348 = arith.addi %add3A_347, %select_n3A_346 : i32
      %convert_element_type3A_349 = arith.extui %lt3A_337 : i1 to i32
      %cond3A_350 = arith.constant 0 : i32
      %cond3A_351 = arith.cmpi ne, %convert_element_type3A_349, %cond3A_350 : i32
      scf.if %cond3A_351 {
        %dma_start3A_705 = arith.constant 0 : i32
        %dma_start3A_706 = arith.constant 0 : i32
        %dma_start3A_707 = tpu.memref_slice %arg11[%dma_start3A_705, %dma_start3A_706] : memref<16x1024xf32, #tpu.memory_space<vmem>> -> memref<1x1024xf32, #tpu.memory_space<vmem>>
        %dma_start3A_708 = arith.constant 0 : i32
        %dma_start3A_709 = tpu.memref_slice %arg3[%squeeze3A_335, %dma_start3A_708] : memref<12500x1024xf32, #tpu.memory_space<hbm>> -> memref<1x1024xf32, #tpu.memory_space<hbm>>
        %dma_start3A_710 = arith.constant 0 : i32
        %dma_start3A_711 = arith.constant 0 : i32
        %dma_start3A_712 = tpu.memref_slice %arg11[%dma_start3A_710, %dma_start3A_711] : memref<16x1024xf32, #tpu.memory_space<vmem>> -> memref<1x1024xf32, #tpu.memory_space<vmem>>
        %dma_start3A_713 = arith.constant 0 : i32
        %dma_start3A_714 = tpu.memref_slice %arg3[%squeeze3A_335, %dma_start3A_713] : memref<12500x1024xf32, #tpu.memory_space<hbm>> -> memref<1x1024xf32, #tpu.memory_space<hbm>>
        tpu.enqueue_dma source(%dma_start3A_714 : memref<1x1024xf32, #tpu.memory_space<hbm>>) target(%dma_start3A_712 : memref<1x1024xf32, #tpu.memory_space<vmem>>) target_semaphore(%arg15 : memref<!tpu.dma_semaphore, #tpu.memory_space<semaphore_mem>>)
      } else {
      }
      %slice3A_352 = vector.extract_strided_slice %get3A_333 {offsets = [1], sizes = [1], strides = [1]} : vector<16xi32> to vector<1xi32>
      %squeeze3A_353 = vector.extract %slice3A_352[0] : i32 from vector<1xi32>
      %lt3A_354 = arith.constant 12500 : i32
      %lt3A_355 = arith.cmpi slt, %squeeze3A_353, %lt3A_354 : i32
      %jit3A_356 = arith.constant 1 : i32
      %jit3A_357 = arith.constant 0 : i32
      %select_n3A_358 = arith.select %lt3A_355, %jit3A_356, %jit3A_357 : i32
      %swap3A_359 = arith.constant 1 : i32
      %swap3A_360 = arith.index_cast %swap3A_359 : i32 to index
      %swap3A_361 = memref.load %arg13[%swap3A_360] : memref<17xi32, #tpu.memory_space<smem>>
      memref.store %select_n3A_358, %arg13[%swap3A_360] : memref<17xi32, #tpu.memory_space<smem>>
      %jit3A_362 = arith.constant 1 : i32
      %jit3A_363 = arith.constant 0 : i32
      %select_n3A_364 = arith.select %lt3A_355, %jit3A_362, %jit3A_363 : i32
      %add3A_365 = arith.addi %add3A_348, %select_n3A_364 : i32
      %convert_element_type3A_366 = arith.extui %lt3A_355 : i1 to i32
      %cond3A_367 = arith.constant 0 : i32
      %cond3A_368 = arith.cmpi ne, %convert_element_type3A_366, %cond3A_367 : i32
      scf.if %cond3A_368 {
        %dma_start3A_705 = arith.constant 1 : i32
        %dma_start3A_706 = arith.constant 0 : i32
        %dma_start3A_707 = tpu.memref_slice %arg11[%dma_start3A_705, %dma_start3A_706] : memref<16x1024xf32, #tpu.memory_space<vmem>> -> memref<1x1024xf32, #tpu.memory_space<vmem>>
        %dma_start3A_708 = arith.constant 0 : i32
        %dma_start3A_709 = tpu.memref_slice %arg3[%squeeze3A_353, %dma_start3A_708] : memref<12500x1024xf32, #tpu.memory_space<hbm>> -> memref<1x1024xf32, #tpu.memory_space<hbm>>
        %dma_start3A_710 = arith.constant 1 : i32
        %dma_start3A_711 = arith.constant 0 : i32
        %dma_start3A_712 = tpu.memref_slice %arg11[%dma_start3A_710, %dma_start3A_711] : memref<16x1024xf32, #tpu.memory_space<vmem>> -> memref<1x1024xf32, #tpu.memory_space<vmem>>
        %dma_start3A_713 = arith.constant 0 : i32
        %dma_start3A_714 = tpu.memref_slice %arg3[%squeeze3A_353, %dma_start3A_713] : memref<12500x1024xf32, #tpu.memory_space<hbm>> -> memref<1x1024xf32, #tpu.memory_space<hbm>>
        tpu.enqueue_dma source(%dma_start3A_714 : memref<1x1024xf32, #tpu.memory_space<hbm>>) target(%dma_start3A_712 : memref<1x1024xf32, #tpu.memory_space<vmem>>) target_semaphore(%arg15 : memref<!tpu.dma_semaphore, #tpu.memory_space<semaphore_mem>>)
      } else {
      }
      %slice3A_369 = vector.extract_strided_slice %get3A_333 {offsets = [2], sizes = [1], strides = [1]} : vector<16xi32> to vector<1xi32>
      %squeeze3A_370 = vector.extract %slice3A_369[0] : i32 from vector<1xi32>
      %lt3A_371 = arith.constant 12500 : i32
      %lt3A_372 = arith.cmpi slt, %squeeze3A_370, %lt3A_371 : i32
      %jit3A_373 = arith.constant 1 : i32
      %jit3A_374 = arith.constant 0 : i32
      %select_n3A_375 = arith.select %lt3A_372, %jit3A_373, %jit3A_374 : i32
      %swap3A_376 = arith.constant 2 : i32
      %swap3A_377 = arith.index_cast %swap3A_376 : i32 to index
      %swap3A_378 = memref.load %arg13[%swap3A_377] : memref<17xi32, #tpu.memory_space<smem>>
      memref.store %select_n3A_375, %arg13[%swap3A_377] : memref<17xi32, #tpu.memory_space<smem>>
      %jit3A_379 = arith.constant 1 : i32
      %jit3A_380 = arith.constant 0 : i32
      %select_n3A_381 = arith.select %lt3A_372, %jit3A_379, %jit3A_380 : i32
      %add3A_382 = arith.addi %add3A_365, %select_n3A_381 : i32
      %convert_element_type3A_383 = arith.extui %lt3A_372 : i1 to i32
      %cond3A_384 = arith.constant 0 : i32
      %cond3A_385 = arith.cmpi ne, %convert_element_type3A_383, %cond3A_384 : i32
      scf.if %cond3A_385 {
        %dma_start3A_705 = arith.constant 2 : i32
        %dma_start3A_706 = arith.constant 0 : i32
        %dma_start3A_707 = tpu.memref_slice %arg11[%dma_start3A_705, %dma_start3A_706] : memref<16x1024xf32, #tpu.memory_space<vmem>> -> memref<1x1024xf32, #tpu.memory_space<vmem>>
        %dma_start3A_708 = arith.constant 0 : i32
        %dma_start3A_709 = tpu.memref_slice %arg3[%squeeze3A_370, %dma_start3A_708] : memref<12500x1024xf32, #tpu.memory_space<hbm>> -> memref<1x1024xf32, #tpu.memory_space<hbm>>
        %dma_start3A_710 = arith.constant 2 : i32
        %dma_start3A_711 = arith.constant 0 : i32
        %dma_start3A_712 = tpu.memref_slice %arg11[%dma_start3A_710, %dma_start3A_711] : memref<16x1024xf32, #tpu.memory_space<vmem>> -> memref<1x1024xf32, #tpu.memory_space<vmem>>
        %dma_start3A_713 = arith.constant 0 : i32
        %dma_start3A_714 = tpu.memref_slice %arg3[%squeeze3A_370, %dma_start3A_713] : memref<12500x1024xf32, #tpu.memory_space<hbm>> -> memref<1x1024xf32, #tpu.memory_space<hbm>>
        tpu.enqueue_dma source(%dma_start3A_714 : memref<1x1024xf32, #tpu.memory_space<hbm>>) target(%dma_start3A_712 : memref<1x1024xf32, #tpu.memory_space<vmem>>) target_semaphore(%arg15 : memref<!tpu.dma_semaphore, #tpu.memory_space<semaphore_mem>>)
      } else {
      }
      %slice3A_386 = vector.extract_strided_slice %get3A_333 {offsets = [3], sizes = [1], strides = [1]} : vector<16xi32> to vector<1xi32>
      %squeeze3A_387 = vector.extract %slice3A_386[0] : i32 from vector<1xi32>
      %lt3A_388 = arith.constant 12500 : i32
      %lt3A_389 = arith.cmpi slt, %squeeze3A_387, %lt3A_388 : i32
      %jit3A_390 = arith.constant 1 : i32
      %jit3A_391 = arith.constant 0 : i32
      %select_n3A_392 = arith.select %lt3A_389, %jit3A_390, %jit3A_391 : i32
      %swap3A_393 = arith.constant 3 : i32
      %swap3A_394 = arith.index_cast %swap3A_393 : i32 to index
      %swap3A_395 = memref.load %arg13[%swap3A_394] : memref<17xi32, #tpu.memory_space<smem>>
      memref.store %select_n3A_392, %arg13[%swap3A_394] : memref<17xi32, #tpu.memory_space<smem>>
      %jit3A_396 = arith.constant 1 : i32
      %jit3A_397 = arith.constant 0 : i32
      %select_n3A_398 = arith.select %lt3A_389, %jit3A_396, %jit3A_397 : i32
      %add3A_399 = arith.addi %add3A_382, %select_n3A_398 : i32
      %convert_element_type3A_400 = arith.extui %lt3A_389 : i1 to i32
      %cond3A_401 = arith.constant 0 : i32
      %cond3A_402 = arith.cmpi ne, %convert_element_type3A_400, %cond3A_401 : i32
      scf.if %cond3A_402 {
        %dma_start3A_705 = arith.constant 3 : i32
        %dma_start3A_706 = arith.constant 0 : i32
        %dma_start3A_707 = tpu.memref_slice %arg11[%dma_start3A_705, %dma_start3A_706] : memref<16x1024xf32, #tpu.memory_space<vmem>> -> memref<1x1024xf32, #tpu.memory_space<vmem>>
        %dma_start3A_708 = arith.constant 0 : i32
        %dma_start3A_709 = tpu.memref_slice %arg3[%squeeze3A_387, %dma_start3A_708] : memref<12500x1024xf32, #tpu.memory_space<hbm>> -> memref<1x1024xf32, #tpu.memory_space<hbm>>
        %dma_start3A_710 = arith.constant 3 : i32
        %dma_start3A_711 = arith.constant 0 : i32
        %dma_start3A_712 = tpu.memref_slice %arg11[%dma_start3A_710, %dma_start3A_711] : memref<16x1024xf32, #tpu.memory_space<vmem>> -> memref<1x1024xf32, #tpu.memory_space<vmem>>
        %dma_start3A_713 = arith.constant 0 : i32
        %dma_start3A_714 = tpu.memref_slice %arg3[%squeeze3A_387, %dma_start3A_713] : memref<12500x1024xf32, #tpu.memory_space<hbm>> -> memref<1x1024xf32, #tpu.memory_space<hbm>>
        tpu.enqueue_dma source(%dma_start3A_714 : memref<1x1024xf32, #tpu.memory_space<hbm>>) target(%dma_start3A_712 : memref<1x1024xf32, #tpu.memory_space<vmem>>) target_semaphore(%arg15 : memref<!tpu.dma_semaphore, #tpu.memory_space<semaphore_mem>>)
      } else {
      }
      %slice3A_403 = vector.extract_strided_slice %get3A_333 {offsets = [4], sizes = [1], strides = [1]} : vector<16xi32> to vector<1xi32>
      %squeeze3A_404 = vector.extract %slice3A_403[0] : i32 from vector<1xi32>
      %lt3A_405 = arith.constant 12500 : i32
      %lt3A_406 = arith.cmpi slt, %squeeze3A_404, %lt3A_405 : i32
      %jit3A_407 = arith.constant 1 : i32
      %jit3A_408 = arith.constant 0 : i32
      %select_n3A_409 = arith.select %lt3A_406, %jit3A_407, %jit3A_408 : i32
      %swap3A_410 = arith.constant 4 : i32
      %swap3A_411 = arith.index_cast %swap3A_410 : i32 to index
      %swap3A_412 = memref.load %arg13[%swap3A_411] : memref<17xi32, #tpu.memory_space<smem>>
      memref.store %select_n3A_409, %arg13[%swap3A_411] : memref<17xi32, #tpu.memory_space<smem>>
      %jit3A_413 = arith.constant 1 : i32
      %jit3A_414 = arith.constant 0 : i32
      %select_n3A_415 = arith.select %lt3A_406, %jit3A_413, %jit3A_414 : i32
      %add3A_416 = arith.addi %add3A_399, %select_n3A_415 : i32
      %convert_element_type3A_417 = arith.extui %lt3A_406 : i1 to i32
      %cond3A_418 = arith.constant 0 : i32
      %cond3A_419 = arith.cmpi ne, %convert_element_type3A_417, %cond3A_418 : i32
      scf.if %cond3A_419 {
        %dma_start3A_705 = arith.constant 4 : i32
        %dma_start3A_706 = arith.constant 0 : i32
        %dma_start3A_707 = tpu.memref_slice %arg11[%dma_start3A_705, %dma_start3A_706] : memref<16x1024xf32, #tpu.memory_space<vmem>> -> memref<1x1024xf32, #tpu.memory_space<vmem>>
        %dma_start3A_708 = arith.constant 0 : i32
        %dma_start3A_709 = tpu.memref_slice %arg3[%squeeze3A_404, %dma_start3A_708] : memref<12500x1024xf32, #tpu.memory_space<hbm>> -> memref<1x1024xf32, #tpu.memory_space<hbm>>
        %dma_start3A_710 = arith.constant 4 : i32
        %dma_start3A_711 = arith.constant 0 : i32
        %dma_start3A_712 = tpu.memref_slice %arg11[%dma_start3A_710, %dma_start3A_711] : memref<16x1024xf32, #tpu.memory_space<vmem>> -> memref<1x1024xf32, #tpu.memory_space<vmem>>
        %dma_start3A_713 = arith.constant 0 : i32
        %dma_start3A_714 = tpu.memref_slice %arg3[%squeeze3A_404, %dma_start3A_713] : memref<12500x1024xf32, #tpu.memory_space<hbm>> -> memref<1x1024xf32, #tpu.memory_space<hbm>>
        tpu.enqueue_dma source(%dma_start3A_714 : memref<1x1024xf32, #tpu.memory_space<hbm>>) target(%dma_start3A_712 : memref<1x1024xf32, #tpu.memory_space<vmem>>) target_semaphore(%arg15 : memref<!tpu.dma_semaphore, #tpu.memory_space<semaphore_mem>>)
      } else {
      }
      %slice3A_420 = vector.extract_strided_slice %get3A_333 {offsets = [5], sizes = [1], strides = [1]} : vector<16xi32> to vector<1xi32>
      %squeeze3A_421 = vector.extract %slice3A_420[0] : i32 from vector<1xi32>
      %lt3A_422 = arith.constant 12500 : i32
      %lt3A_423 = arith.cmpi slt, %squeeze3A_421, %lt3A_422 : i32
      %jit3A_424 = arith.constant 1 : i32
      %jit3A_425 = arith.constant 0 : i32
      %select_n3A_426 = arith.select %lt3A_423, %jit3A_424, %jit3A_425 : i32
      %swap3A_427 = arith.constant 5 : i32
      %swap3A_428 = arith.index_cast %swap3A_427 : i32 to index
      %swap3A_429 = memref.load %arg13[%swap3A_428] : memref<17xi32, #tpu.memory_space<smem>>
      memref.store %select_n3A_426, %arg13[%swap3A_428] : memref<17xi32, #tpu.memory_space<smem>>
      %jit3A_430 = arith.constant 1 : i32
      %jit3A_431 = arith.constant 0 : i32
      %select_n3A_432 = arith.select %lt3A_423, %jit3A_430, %jit3A_431 : i32
      %add3A_433 = arith.addi %add3A_416, %select_n3A_432 : i32
      %convert_element_type3A_434 = arith.extui %lt3A_423 : i1 to i32
      %cond3A_435 = arith.constant 0 : i32
      %cond3A_436 = arith.cmpi ne, %convert_element_type3A_434, %cond3A_435 : i32
      scf.if %cond3A_436 {
        %dma_start3A_705 = arith.constant 5 : i32
        %dma_start3A_706 = arith.constant 0 : i32
        %dma_start3A_707 = tpu.memref_slice %arg11[%dma_start3A_705, %dma_start3A_706] : memref<16x1024xf32, #tpu.memory_space<vmem>> -> memref<1x1024xf32, #tpu.memory_space<vmem>>
        %dma_start3A_708 = arith.constant 0 : i32
        %dma_start3A_709 = tpu.memref_slice %arg3[%squeeze3A_421, %dma_start3A_708] : memref<12500x1024xf32, #tpu.memory_space<hbm>> -> memref<1x1024xf32, #tpu.memory_space<hbm>>
        %dma_start3A_710 = arith.constant 5 : i32
        %dma_start3A_711 = arith.constant 0 : i32
        %dma_start3A_712 = tpu.memref_slice %arg11[%dma_start3A_710, %dma_start3A_711] : memref<16x1024xf32, #tpu.memory_space<vmem>> -> memref<1x1024xf32, #tpu.memory_space<vmem>>
        %dma_start3A_713 = arith.constant 0 : i32
        %dma_start3A_714 = tpu.memref_slice %arg3[%squeeze3A_421, %dma_start3A_713] : memref<12500x1024xf32, #tpu.memory_space<hbm>> -> memref<1x1024xf32, #tpu.memory_space<hbm>>
        tpu.enqueue_dma source(%dma_start3A_714 : memref<1x1024xf32, #tpu.memory_space<hbm>>) target(%dma_start3A_712 : memref<1x1024xf32, #tpu.memory_space<vmem>>) target_semaphore(%arg15 : memref<!tpu.dma_semaphore, #tpu.memory_space<semaphore_mem>>)
      } else {
      }
      %slice3A_437 = vector.extract_strided_slice %get3A_333 {offsets = [6], sizes = [1], strides = [1]} : vector<16xi32> to vector<1xi32>
      %squeeze3A_438 = vector.extract %slice3A_437[0] : i32 from vector<1xi32>
      %lt3A_439 = arith.constant 12500 : i32
      %lt3A_440 = arith.cmpi slt, %squeeze3A_438, %lt3A_439 : i32
      %jit3A_441 = arith.constant 1 : i32
      %jit3A_442 = arith.constant 0 : i32
      %select_n3A_443 = arith.select %lt3A_440, %jit3A_441, %jit3A_442 : i32
      %swap3A_444 = arith.constant 6 : i32
      %swap3A_445 = arith.index_cast %swap3A_444 : i32 to index
      %swap3A_446 = memref.load %arg13[%swap3A_445] : memref<17xi32, #tpu.memory_space<smem>>
      memref.store %select_n3A_443, %arg13[%swap3A_445] : memref<17xi32, #tpu.memory_space<smem>>
      %jit3A_447 = arith.constant 1 : i32
      %jit3A_448 = arith.constant 0 : i32
      %select_n3A_449 = arith.select %lt3A_440, %jit3A_447, %jit3A_448 : i32
      %add3A_450 = arith.addi %add3A_433, %select_n3A_449 : i32
      %convert_element_type3A_451 = arith.extui %lt3A_440 : i1 to i32
      %cond3A_452 = arith.constant 0 : i32
      %cond3A_453 = arith.cmpi ne, %convert_element_type3A_451, %cond3A_452 : i32
      scf.if %cond3A_453 {
        %dma_start3A_705 = arith.constant 6 : i32
        %dma_start3A_706 = arith.constant 0 : i32
        %dma_start3A_707 = tpu.memref_slice %arg11[%dma_start3A_705, %dma_start3A_706] : memref<16x1024xf32, #tpu.memory_space<vmem>> -> memref<1x1024xf32, #tpu.memory_space<vmem>>
        %dma_start3A_708 = arith.constant 0 : i32
        %dma_start3A_709 = tpu.memref_slice %arg3[%squeeze3A_438, %dma_start3A_708] : memref<12500x1024xf32, #tpu.memory_space<hbm>> -> memref<1x1024xf32, #tpu.memory_space<hbm>>
        %dma_start3A_710 = arith.constant 6 : i32
        %dma_start3A_711 = arith.constant 0 : i32
        %dma_start3A_712 = tpu.memref_slice %arg11[%dma_start3A_710, %dma_start3A_711] : memref<16x1024xf32, #tpu.memory_space<vmem>> -> memref<1x1024xf32, #tpu.memory_space<vmem>>
        %dma_start3A_713 = arith.constant 0 : i32
        %dma_start3A_714 = tpu.memref_slice %arg3[%squeeze3A_438, %dma_start3A_713] : memref<12500x1024xf32, #tpu.memory_space<hbm>> -> memref<1x1024xf32, #tpu.memory_space<hbm>>
        tpu.enqueue_dma source(%dma_start3A_714 : memref<1x1024xf32, #tpu.memory_space<hbm>>) target(%dma_start3A_712 : memref<1x1024xf32, #tpu.memory_space<vmem>>) target_semaphore(%arg15 : memref<!tpu.dma_semaphore, #tpu.memory_space<semaphore_mem>>)
      } else {
      }
      %slice3A_454 = vector.extract_strided_slice %get3A_333 {offsets = [7], sizes = [1], strides = [1]} : vector<16xi32> to vector<1xi32>
      %squeeze3A_455 = vector.extract %slice3A_454[0] : i32 from vector<1xi32>
      %lt3A_456 = arith.constant 12500 : i32
      %lt3A_457 = arith.cmpi slt, %squeeze3A_455, %lt3A_456 : i32
      %jit3A_458 = arith.constant 1 : i32
      %jit3A_459 = arith.constant 0 : i32
      %select_n3A_460 = arith.select %lt3A_457, %jit3A_458, %jit3A_459 : i32
      %swap3A_461 = arith.constant 7 : i32
      %swap3A_462 = arith.index_cast %swap3A_461 : i32 to index
      %swap3A_463 = memref.load %arg13[%swap3A_462] : memref<17xi32, #tpu.memory_space<smem>>
      memref.store %select_n3A_460, %arg13[%swap3A_462] : memref<17xi32, #tpu.memory_space<smem>>
      %jit3A_464 = arith.constant 1 : i32
      %jit3A_465 = arith.constant 0 : i32
      %select_n3A_466 = arith.select %lt3A_457, %jit3A_464, %jit3A_465 : i32
      %add3A_467 = arith.addi %add3A_450, %select_n3A_466 : i32
      %convert_element_type3A_468 = arith.extui %lt3A_457 : i1 to i32
      %cond3A_469 = arith.constant 0 : i32
      %cond3A_470 = arith.cmpi ne, %convert_element_type3A_468, %cond3A_469 : i32
      scf.if %cond3A_470 {
        %dma_start3A_705 = arith.constant 7 : i32
        %dma_start3A_706 = arith.constant 0 : i32
        %dma_start3A_707 = tpu.memref_slice %arg11[%dma_start3A_705, %dma_start3A_706] : memref<16x1024xf32, #tpu.memory_space<vmem>> -> memref<1x1024xf32, #tpu.memory_space<vmem>>
        %dma_start3A_708 = arith.constant 0 : i32
        %dma_start3A_709 = tpu.memref_slice %arg3[%squeeze3A_455, %dma_start3A_708] : memref<12500x1024xf32, #tpu.memory_space<hbm>> -> memref<1x1024xf32, #tpu.memory_space<hbm>>
        %dma_start3A_710 = arith.constant 7 : i32
        %dma_start3A_711 = arith.constant 0 : i32
        %dma_start3A_712 = tpu.memref_slice %arg11[%dma_start3A_710, %dma_start3A_711] : memref<16x1024xf32, #tpu.memory_space<vmem>> -> memref<1x1024xf32, #tpu.memory_space<vmem>>
        %dma_start3A_713 = arith.constant 0 : i32
        %dma_start3A_714 = tpu.memref_slice %arg3[%squeeze3A_455, %dma_start3A_713] : memref<12500x1024xf32, #tpu.memory_space<hbm>> -> memref<1x1024xf32, #tpu.memory_space<hbm>>
        tpu.enqueue_dma source(%dma_start3A_714 : memref<1x1024xf32, #tpu.memory_space<hbm>>) target(%dma_start3A_712 : memref<1x1024xf32, #tpu.memory_space<vmem>>) target_semaphore(%arg15 : memref<!tpu.dma_semaphore, #tpu.memory_space<semaphore_mem>>)
      } else {
      }
      %slice3A_471 = vector.extract_strided_slice %get3A_333 {offsets = [8], sizes = [1], strides = [1]} : vector<16xi32> to vector<1xi32>
      %squeeze3A_472 = vector.extract %slice3A_471[0] : i32 from vector<1xi32>
      %lt3A_473 = arith.constant 12500 : i32
      %lt3A_474 = arith.cmpi slt, %squeeze3A_472, %lt3A_473 : i32
      %jit3A_475 = arith.constant 1 : i32
      %jit3A_476 = arith.constant 0 : i32
      %select_n3A_477 = arith.select %lt3A_474, %jit3A_475, %jit3A_476 : i32
      %swap3A_478 = arith.constant 8 : i32
      %swap3A_479 = arith.index_cast %swap3A_478 : i32 to index
      %swap3A_480 = memref.load %arg13[%swap3A_479] : memref<17xi32, #tpu.memory_space<smem>>
      memref.store %select_n3A_477, %arg13[%swap3A_479] : memref<17xi32, #tpu.memory_space<smem>>
      %jit3A_481 = arith.constant 1 : i32
      %jit3A_482 = arith.constant 0 : i32
      %select_n3A_483 = arith.select %lt3A_474, %jit3A_481, %jit3A_482 : i32
      %add3A_484 = arith.addi %add3A_467, %select_n3A_483 : i32
      %convert_element_type3A_485 = arith.extui %lt3A_474 : i1 to i32
      %cond3A_486 = arith.constant 0 : i32
      %cond3A_487 = arith.cmpi ne, %convert_element_type3A_485, %cond3A_486 : i32
      scf.if %cond3A_487 {
        %dma_start3A_705 = arith.constant 8 : i32
        %dma_start3A_706 = arith.constant 0 : i32
        %dma_start3A_707 = tpu.memref_slice %arg11[%dma_start3A_705, %dma_start3A_706] : memref<16x1024xf32, #tpu.memory_space<vmem>> -> memref<1x1024xf32, #tpu.memory_space<vmem>>
        %dma_start3A_708 = arith.constant 0 : i32
        %dma_start3A_709 = tpu.memref_slice %arg3[%squeeze3A_472, %dma_start3A_708] : memref<12500x1024xf32, #tpu.memory_space<hbm>> -> memref<1x1024xf32, #tpu.memory_space<hbm>>
        %dma_start3A_710 = arith.constant 8 : i32
        %dma_start3A_711 = arith.constant 0 : i32
        %dma_start3A_712 = tpu.memref_slice %arg11[%dma_start3A_710, %dma_start3A_711] : memref<16x1024xf32, #tpu.memory_space<vmem>> -> memref<1x1024xf32, #tpu.memory_space<vmem>>
        %dma_start3A_713 = arith.constant 0 : i32
        %dma_start3A_714 = tpu.memref_slice %arg3[%squeeze3A_472, %dma_start3A_713] : memref<12500x1024xf32, #tpu.memory_space<hbm>> -> memref<1x1024xf32, #tpu.memory_space<hbm>>
        tpu.enqueue_dma source(%dma_start3A_714 : memref<1x1024xf32, #tpu.memory_space<hbm>>) target(%dma_start3A_712 : memref<1x1024xf32, #tpu.memory_space<vmem>>) target_semaphore(%arg15 : memref<!tpu.dma_semaphore, #tpu.memory_space<semaphore_mem>>)
      } else {
      }
      %slice3A_488 = vector.extract_strided_slice %get3A_333 {offsets = [9], sizes = [1], strides = [1]} : vector<16xi32> to vector<1xi32>
      %squeeze3A_489 = vector.extract %slice3A_488[0] : i32 from vector<1xi32>
      %lt3A_490 = arith.constant 12500 : i32
      %lt3A_491 = arith.cmpi slt, %squeeze3A_489, %lt3A_490 : i32
      %jit3A_492 = arith.constant 1 : i32
      %jit3A_493 = arith.constant 0 : i32
      %select_n3A_494 = arith.select %lt3A_491, %jit3A_492, %jit3A_493 : i32
      %swap3A_495 = arith.constant 9 : i32
      %swap3A_496 = arith.index_cast %swap3A_495 : i32 to index
      %swap3A_497 = memref.load %arg13[%swap3A_496] : memref<17xi32, #tpu.memory_space<smem>>
      memref.store %select_n3A_494, %arg13[%swap3A_496] : memref<17xi32, #tpu.memory_space<smem>>
      %jit3A_498 = arith.constant 1 : i32
      %jit3A_499 = arith.constant 0 : i32
      %select_n3A_500 = arith.select %lt3A_491, %jit3A_498, %jit3A_499 : i32
      %add3A_501 = arith.addi %add3A_484, %select_n3A_500 : i32
      %convert_element_type3A_502 = arith.extui %lt3A_491 : i1 to i32
      %cond3A_503 = arith.constant 0 : i32
      %cond3A_504 = arith.cmpi ne, %convert_element_type3A_502, %cond3A_503 : i32
      scf.if %cond3A_504 {
        %dma_start3A_705 = arith.constant 9 : i32
        %dma_start3A_706 = arith.constant 0 : i32
        %dma_start3A_707 = tpu.memref_slice %arg11[%dma_start3A_705, %dma_start3A_706] : memref<16x1024xf32, #tpu.memory_space<vmem>> -> memref<1x1024xf32, #tpu.memory_space<vmem>>
        %dma_start3A_708 = arith.constant 0 : i32
        %dma_start3A_709 = tpu.memref_slice %arg3[%squeeze3A_489, %dma_start3A_708] : memref<12500x1024xf32, #tpu.memory_space<hbm>> -> memref<1x1024xf32, #tpu.memory_space<hbm>>
        %dma_start3A_710 = arith.constant 9 : i32
        %dma_start3A_711 = arith.constant 0 : i32
        %dma_start3A_712 = tpu.memref_slice %arg11[%dma_start3A_710, %dma_start3A_711] : memref<16x1024xf32, #tpu.memory_space<vmem>> -> memref<1x1024xf32, #tpu.memory_space<vmem>>
        %dma_start3A_713 = arith.constant 0 : i32
        %dma_start3A_714 = tpu.memref_slice %arg3[%squeeze3A_489, %dma_start3A_713] : memref<12500x1024xf32, #tpu.memory_space<hbm>> -> memref<1x1024xf32, #tpu.memory_space<hbm>>
        tpu.enqueue_dma source(%dma_start3A_714 : memref<1x1024xf32, #tpu.memory_space<hbm>>) target(%dma_start3A_712 : memref<1x1024xf32, #tpu.memory_space<vmem>>) target_semaphore(%arg15 : memref<!tpu.dma_semaphore, #tpu.memory_space<semaphore_mem>>)
      } else {
      }
      %slice3A_505 = vector.extract_strided_slice %get3A_333 {offsets = [10], sizes = [1], strides = [1]} : vector<16xi32> to vector<1xi32>
      %squeeze3A_506 = vector.extract %slice3A_505[0] : i32 from vector<1xi32>
      %lt3A_507 = arith.constant 12500 : i32
      %lt3A_508 = arith.cmpi slt, %squeeze3A_506, %lt3A_507 : i32
      %jit3A_509 = arith.constant 1 : i32
      %jit3A_510 = arith.constant 0 : i32
      %select_n3A_511 = arith.select %lt3A_508, %jit3A_509, %jit3A_510 : i32
      %swap3A_512 = arith.constant 10 : i32
      %swap3A_513 = arith.index_cast %swap3A_512 : i32 to index
      %swap3A_514 = memref.load %arg13[%swap3A_513] : memref<17xi32, #tpu.memory_space<smem>>
      memref.store %select_n3A_511, %arg13[%swap3A_513] : memref<17xi32, #tpu.memory_space<smem>>
      %jit3A_515 = arith.constant 1 : i32
      %jit3A_516 = arith.constant 0 : i32
      %select_n3A_517 = arith.select %lt3A_508, %jit3A_515, %jit3A_516 : i32
      %add3A_518 = arith.addi %add3A_501, %select_n3A_517 : i32
      %convert_element_type3A_519 = arith.extui %lt3A_508 : i1 to i32
      %cond3A_520 = arith.constant 0 : i32
      %cond3A_521 = arith.cmpi ne, %convert_element_type3A_519, %cond3A_520 : i32
      scf.if %cond3A_521 {
        %dma_start3A_705 = arith.constant 10 : i32
        %dma_start3A_706 = arith.constant 0 : i32
        %dma_start3A_707 = tpu.memref_slice %arg11[%dma_start3A_705, %dma_start3A_706] : memref<16x1024xf32, #tpu.memory_space<vmem>> -> memref<1x1024xf32, #tpu.memory_space<vmem>>
        %dma_start3A_708 = arith.constant 0 : i32
        %dma_start3A_709 = tpu.memref_slice %arg3[%squeeze3A_506, %dma_start3A_708] : memref<12500x1024xf32, #tpu.memory_space<hbm>> -> memref<1x1024xf32, #tpu.memory_space<hbm>>
        %dma_start3A_710 = arith.constant 10 : i32
        %dma_start3A_711 = arith.constant 0 : i32
        %dma_start3A_712 = tpu.memref_slice %arg11[%dma_start3A_710, %dma_start3A_711] : memref<16x1024xf32, #tpu.memory_space<vmem>> -> memref<1x1024xf32, #tpu.memory_space<vmem>>
        %dma_start3A_713 = arith.constant 0 : i32
        %dma_start3A_714 = tpu.memref_slice %arg3[%squeeze3A_506, %dma_start3A_713] : memref<12500x1024xf32, #tpu.memory_space<hbm>> -> memref<1x1024xf32, #tpu.memory_space<hbm>>
        tpu.enqueue_dma source(%dma_start3A_714 : memref<1x1024xf32, #tpu.memory_space<hbm>>) target(%dma_start3A_712 : memref<1x1024xf32, #tpu.memory_space<vmem>>) target_semaphore(%arg15 : memref<!tpu.dma_semaphore, #tpu.memory_space<semaphore_mem>>)
      } else {
      }
      %slice3A_522 = vector.extract_strided_slice %get3A_333 {offsets = [11], sizes = [1], strides = [1]} : vector<16xi32> to vector<1xi32>
      %squeeze3A_523 = vector.extract %slice3A_522[0] : i32 from vector<1xi32>
      %lt3A_524 = arith.constant 12500 : i32
      %lt3A_525 = arith.cmpi slt, %squeeze3A_523, %lt3A_524 : i32
      %jit3A_526 = arith.constant 1 : i32
      %jit3A_527 = arith.constant 0 : i32
      %select_n3A_528 = arith.select %lt3A_525, %jit3A_526, %jit3A_527 : i32
      %swap3A_529 = arith.constant 11 : i32
      %swap3A_530 = arith.index_cast %swap3A_529 : i32 to index
      %swap3A_531 = memref.load %arg13[%swap3A_530] : memref<17xi32, #tpu.memory_space<smem>>
      memref.store %select_n3A_528, %arg13[%swap3A_530] : memref<17xi32, #tpu.memory_space<smem>>
      %jit3A_532 = arith.constant 1 : i32
      %jit3A_533 = arith.constant 0 : i32
      %select_n3A_534 = arith.select %lt3A_525, %jit3A_532, %jit3A_533 : i32
      %add3A_535 = arith.addi %add3A_518, %select_n3A_534 : i32
      %convert_element_type3A_536 = arith.extui %lt3A_525 : i1 to i32
      %cond3A_537 = arith.constant 0 : i32
      %cond3A_538 = arith.cmpi ne, %convert_element_type3A_536, %cond3A_537 : i32
      scf.if %cond3A_538 {
        %dma_start3A_705 = arith.constant 11 : i32
        %dma_start3A_706 = arith.constant 0 : i32
        %dma_start3A_707 = tpu.memref_slice %arg11[%dma_start3A_705, %dma_start3A_706] : memref<16x1024xf32, #tpu.memory_space<vmem>> -> memref<1x1024xf32, #tpu.memory_space<vmem>>
        %dma_start3A_708 = arith.constant 0 : i32
        %dma_start3A_709 = tpu.memref_slice %arg3[%squeeze3A_523, %dma_start3A_708] : memref<12500x1024xf32, #tpu.memory_space<hbm>> -> memref<1x1024xf32, #tpu.memory_space<hbm>>
        %dma_start3A_710 = arith.constant 11 : i32
        %dma_start3A_711 = arith.constant 0 : i32
        %dma_start3A_712 = tpu.memref_slice %arg11[%dma_start3A_710, %dma_start3A_711] : memref<16x1024xf32, #tpu.memory_space<vmem>> -> memref<1x1024xf32, #tpu.memory_space<vmem>>
        %dma_start3A_713 = arith.constant 0 : i32
        %dma_start3A_714 = tpu.memref_slice %arg3[%squeeze3A_523, %dma_start3A_713] : memref<12500x1024xf32, #tpu.memory_space<hbm>> -> memref<1x1024xf32, #tpu.memory_space<hbm>>
        tpu.enqueue_dma source(%dma_start3A_714 : memref<1x1024xf32, #tpu.memory_space<hbm>>) target(%dma_start3A_712 : memref<1x1024xf32, #tpu.memory_space<vmem>>) target_semaphore(%arg15 : memref<!tpu.dma_semaphore, #tpu.memory_space<semaphore_mem>>)
      } else {
      }
      %slice3A_539 = vector.extract_strided_slice %get3A_333 {offsets = [12], sizes = [1], strides = [1]} : vector<16xi32> to vector<1xi32>
      %squeeze3A_540 = vector.extract %slice3A_539[0] : i32 from vector<1xi32>
      %lt3A_541 = arith.constant 12500 : i32
      %lt3A_542 = arith.cmpi slt, %squeeze3A_540, %lt3A_541 : i32
      %jit3A_543 = arith.constant 1 : i32
      %jit3A_544 = arith.constant 0 : i32
      %select_n3A_545 = arith.select %lt3A_542, %jit3A_543, %jit3A_544 : i32
      %swap3A_546 = arith.constant 12 : i32
      %swap3A_547 = arith.index_cast %swap3A_546 : i32 to index
      %swap3A_548 = memref.load %arg13[%swap3A_547] : memref<17xi32, #tpu.memory_space<smem>>
      memref.store %select_n3A_545, %arg13[%swap3A_547] : memref<17xi32, #tpu.memory_space<smem>>
      %jit3A_549 = arith.constant 1 : i32
      %jit3A_550 = arith.constant 0 : i32
      %select_n3A_551 = arith.select %lt3A_542, %jit3A_549, %jit3A_550 : i32
      %add3A_552 = arith.addi %add3A_535, %select_n3A_551 : i32
      %convert_element_type3A_553 = arith.extui %lt3A_542 : i1 to i32
      %cond3A_554 = arith.constant 0 : i32
      %cond3A_555 = arith.cmpi ne, %convert_element_type3A_553, %cond3A_554 : i32
      scf.if %cond3A_555 {
        %dma_start3A_705 = arith.constant 12 : i32
        %dma_start3A_706 = arith.constant 0 : i32
        %dma_start3A_707 = tpu.memref_slice %arg11[%dma_start3A_705, %dma_start3A_706] : memref<16x1024xf32, #tpu.memory_space<vmem>> -> memref<1x1024xf32, #tpu.memory_space<vmem>>
        %dma_start3A_708 = arith.constant 0 : i32
        %dma_start3A_709 = tpu.memref_slice %arg3[%squeeze3A_540, %dma_start3A_708] : memref<12500x1024xf32, #tpu.memory_space<hbm>> -> memref<1x1024xf32, #tpu.memory_space<hbm>>
        %dma_start3A_710 = arith.constant 12 : i32
        %dma_start3A_711 = arith.constant 0 : i32
        %dma_start3A_712 = tpu.memref_slice %arg11[%dma_start3A_710, %dma_start3A_711] : memref<16x1024xf32, #tpu.memory_space<vmem>> -> memref<1x1024xf32, #tpu.memory_space<vmem>>
        %dma_start3A_713 = arith.constant 0 : i32
        %dma_start3A_714 = tpu.memref_slice %arg3[%squeeze3A_540, %dma_start3A_713] : memref<12500x1024xf32, #tpu.memory_space<hbm>> -> memref<1x1024xf32, #tpu.memory_space<hbm>>
        tpu.enqueue_dma source(%dma_start3A_714 : memref<1x1024xf32, #tpu.memory_space<hbm>>) target(%dma_start3A_712 : memref<1x1024xf32, #tpu.memory_space<vmem>>) target_semaphore(%arg15 : memref<!tpu.dma_semaphore, #tpu.memory_space<semaphore_mem>>)
      } else {
      }
      %slice3A_556 = vector.extract_strided_slice %get3A_333 {offsets = [13], sizes = [1], strides = [1]} : vector<16xi32> to vector<1xi32>
      %squeeze3A_557 = vector.extract %slice3A_556[0] : i32 from vector<1xi32>
      %lt3A_558 = arith.constant 12500 : i32
      %lt3A_559 = arith.cmpi slt, %squeeze3A_557, %lt3A_558 : i32
      %jit3A_560 = arith.constant 1 : i32
      %jit3A_561 = arith.constant 0 : i32
      %select_n3A_562 = arith.select %lt3A_559, %jit3A_560, %jit3A_561 : i32
      %swap3A_563 = arith.constant 13 : i32
      %swap3A_564 = arith.index_cast %swap3A_563 : i32 to index
      %swap3A_565 = memref.load %arg13[%swap3A_564] : memref<17xi32, #tpu.memory_space<smem>>
      memref.store %select_n3A_562, %arg13[%swap3A_564] : memref<17xi32, #tpu.memory_space<smem>>
      %jit3A_566 = arith.constant 1 : i32
      %jit3A_567 = arith.constant 0 : i32
      %select_n3A_568 = arith.select %lt3A_559, %jit3A_566, %jit3A_567 : i32
      %add3A_569 = arith.addi %add3A_552, %select_n3A_568 : i32
      %convert_element_type3A_570 = arith.extui %lt3A_559 : i1 to i32
      %cond3A_571 = arith.constant 0 : i32
      %cond3A_572 = arith.cmpi ne, %convert_element_type3A_570, %cond3A_571 : i32
      scf.if %cond3A_572 {
        %dma_start3A_705 = arith.constant 13 : i32
        %dma_start3A_706 = arith.constant 0 : i32
        %dma_start3A_707 = tpu.memref_slice %arg11[%dma_start3A_705, %dma_start3A_706] : memref<16x1024xf32, #tpu.memory_space<vmem>> -> memref<1x1024xf32, #tpu.memory_space<vmem>>
        %dma_start3A_708 = arith.constant 0 : i32
        %dma_start3A_709 = tpu.memref_slice %arg3[%squeeze3A_557, %dma_start3A_708] : memref<12500x1024xf32, #tpu.memory_space<hbm>> -> memref<1x1024xf32, #tpu.memory_space<hbm>>
        %dma_start3A_710 = arith.constant 13 : i32
        %dma_start3A_711 = arith.constant 0 : i32
        %dma_start3A_712 = tpu.memref_slice %arg11[%dma_start3A_710, %dma_start3A_711] : memref<16x1024xf32, #tpu.memory_space<vmem>> -> memref<1x1024xf32, #tpu.memory_space<vmem>>
        %dma_start3A_713 = arith.constant 0 : i32
        %dma_start3A_714 = tpu.memref_slice %arg3[%squeeze3A_557, %dma_start3A_713] : memref<12500x1024xf32, #tpu.memory_space<hbm>> -> memref<1x1024xf32, #tpu.memory_space<hbm>>
        tpu.enqueue_dma source(%dma_start3A_714 : memref<1x1024xf32, #tpu.memory_space<hbm>>) target(%dma_start3A_712 : memref<1x1024xf32, #tpu.memory_space<vmem>>) target_semaphore(%arg15 : memref<!tpu.dma_semaphore, #tpu.memory_space<semaphore_mem>>)
      } else {
      }
      %slice3A_573 = vector.extract_strided_slice %get3A_333 {offsets = [14], sizes = [1], strides = [1]} : vector<16xi32> to vector<1xi32>
      %squeeze3A_574 = vector.extract %slice3A_573[0] : i32 from vector<1xi32>
      %lt3A_575 = arith.constant 12500 : i32
      %lt3A_576 = arith.cmpi slt, %squeeze3A_574, %lt3A_575 : i32
      %jit3A_577 = arith.constant 1 : i32
      %jit3A_578 = arith.constant 0 : i32
      %select_n3A_579 = arith.select %lt3A_576, %jit3A_577, %jit3A_578 : i32
      %swap3A_580 = arith.constant 14 : i32
      %swap3A_581 = arith.index_cast %swap3A_580 : i32 to index
      %swap3A_582 = memref.load %arg13[%swap3A_581] : memref<17xi32, #tpu.memory_space<smem>>
      memref.store %select_n3A_579, %arg13[%swap3A_581] : memref<17xi32, #tpu.memory_space<smem>>
      %jit3A_583 = arith.constant 1 : i32
      %jit3A_584 = arith.constant 0 : i32
      %select_n3A_585 = arith.select %lt3A_576, %jit3A_583, %jit3A_584 : i32
      %add3A_586 = arith.addi %add3A_569, %select_n3A_585 : i32
      %convert_element_type3A_587 = arith.extui %lt3A_576 : i1 to i32
      %cond3A_588 = arith.constant 0 : i32
      %cond3A_589 = arith.cmpi ne, %convert_element_type3A_587, %cond3A_588 : i32
      scf.if %cond3A_589 {
        %dma_start3A_705 = arith.constant 14 : i32
        %dma_start3A_706 = arith.constant 0 : i32
        %dma_start3A_707 = tpu.memref_slice %arg11[%dma_start3A_705, %dma_start3A_706] : memref<16x1024xf32, #tpu.memory_space<vmem>> -> memref<1x1024xf32, #tpu.memory_space<vmem>>
        %dma_start3A_708 = arith.constant 0 : i32
        %dma_start3A_709 = tpu.memref_slice %arg3[%squeeze3A_574, %dma_start3A_708] : memref<12500x1024xf32, #tpu.memory_space<hbm>> -> memref<1x1024xf32, #tpu.memory_space<hbm>>
        %dma_start3A_710 = arith.constant 14 : i32
        %dma_start3A_711 = arith.constant 0 : i32
        %dma_start3A_712 = tpu.memref_slice %arg11[%dma_start3A_710, %dma_start3A_711] : memref<16x1024xf32, #tpu.memory_space<vmem>> -> memref<1x1024xf32, #tpu.memory_space<vmem>>
        %dma_start3A_713 = arith.constant 0 : i32
        %dma_start3A_714 = tpu.memref_slice %arg3[%squeeze3A_574, %dma_start3A_713] : memref<12500x1024xf32, #tpu.memory_space<hbm>> -> memref<1x1024xf32, #tpu.memory_space<hbm>>
        tpu.enqueue_dma source(%dma_start3A_714 : memref<1x1024xf32, #tpu.memory_space<hbm>>) target(%dma_start3A_712 : memref<1x1024xf32, #tpu.memory_space<vmem>>) target_semaphore(%arg15 : memref<!tpu.dma_semaphore, #tpu.memory_space<semaphore_mem>>)
      } else {
      }
      %slice3A_590 = vector.extract_strided_slice %get3A_333 {offsets = [15], sizes = [1], strides = [1]} : vector<16xi32> to vector<1xi32>
      %squeeze3A_591 = vector.extract %slice3A_590[0] : i32 from vector<1xi32>
      %lt3A_592 = arith.constant 12500 : i32
      %lt3A_593 = arith.cmpi slt, %squeeze3A_591, %lt3A_592 : i32
      %jit3A_594 = arith.constant 1 : i32
      %jit3A_595 = arith.constant 0 : i32
      %select_n3A_596 = arith.select %lt3A_593, %jit3A_594, %jit3A_595 : i32
      %swap3A_597 = arith.constant 15 : i32
      %swap3A_598 = arith.index_cast %swap3A_597 : i32 to index
      %swap3A_599 = memref.load %arg13[%swap3A_598] : memref<17xi32, #tpu.memory_space<smem>>
      memref.store %select_n3A_596, %arg13[%swap3A_598] : memref<17xi32, #tpu.memory_space<smem>>
      %jit3A_600 = arith.constant 1 : i32
      %jit3A_601 = arith.constant 0 : i32
      %select_n3A_602 = arith.select %lt3A_593, %jit3A_600, %jit3A_601 : i32
      %add3A_603 = arith.addi %add3A_586, %select_n3A_602 : i32
      %convert_element_type3A_604 = arith.extui %lt3A_593 : i1 to i32
      %cond3A_605 = arith.constant 0 : i32
      %cond3A_606 = arith.cmpi ne, %convert_element_type3A_604, %cond3A_605 : i32
      scf.if %cond3A_606 {
        %dma_start3A_705 = arith.constant 15 : i32
        %dma_start3A_706 = arith.constant 0 : i32
        %dma_start3A_707 = tpu.memref_slice %arg11[%dma_start3A_705, %dma_start3A_706] : memref<16x1024xf32, #tpu.memory_space<vmem>> -> memref<1x1024xf32, #tpu.memory_space<vmem>>
        %dma_start3A_708 = arith.constant 0 : i32
        %dma_start3A_709 = tpu.memref_slice %arg3[%squeeze3A_591, %dma_start3A_708] : memref<12500x1024xf32, #tpu.memory_space<hbm>> -> memref<1x1024xf32, #tpu.memory_space<hbm>>
        %dma_start3A_710 = arith.constant 15 : i32
        %dma_start3A_711 = arith.constant 0 : i32
        %dma_start3A_712 = tpu.memref_slice %arg11[%dma_start3A_710, %dma_start3A_711] : memref<16x1024xf32, #tpu.memory_space<vmem>> -> memref<1x1024xf32, #tpu.memory_space<vmem>>
        %dma_start3A_713 = arith.constant 0 : i32
        %dma_start3A_714 = tpu.memref_slice %arg3[%squeeze3A_591, %dma_start3A_713] : memref<12500x1024xf32, #tpu.memory_space<hbm>> -> memref<1x1024xf32, #tpu.memory_space<hbm>>
        tpu.enqueue_dma source(%dma_start3A_714 : memref<1x1024xf32, #tpu.memory_space<hbm>>) target(%dma_start3A_712 : memref<1x1024xf32, #tpu.memory_space<vmem>>) target_semaphore(%arg15 : memref<!tpu.dma_semaphore, #tpu.memory_space<semaphore_mem>>)
      } else {
      }
      %swap3A_607 = arith.constant 16 : i32
      %swap3A_608 = arith.index_cast %swap3A_607 : i32 to index
      %swap3A_609 = memref.load %arg13[%swap3A_608] : memref<17xi32, #tpu.memory_space<smem>>
      memref.store %add3A_603, %arg13[%swap3A_608] : memref<17xi32, #tpu.memory_space<smem>>
      %mul3A_610 = arith.constant 16 : i32
      %mul3A_611 = arith.muli %add3A_323, %mul3A_610 : i32
      %add3A_612 = arith.addi %select_n3A_11, %mul3A_611 : i32
      %dma_start3A_613 = arith.constant 0 : i32
      %dma_start3A_614 = tpu.memref_slice %arg4[%add3A_612, %dma_start3A_613] : memref<2048x1024xf32, #tpu.memory_space<hbm>> -> memref<16x1024xf32, #tpu.memory_space<hbm>>
      %dma_start3A_615 = arith.constant 0 : i32
      %dma_start3A_616 = tpu.memref_slice %arg4[%add3A_612, %dma_start3A_615] : memref<2048x1024xf32, #tpu.memory_space<hbm>> -> memref<16x1024xf32, #tpu.memory_space<hbm>>
      tpu.enqueue_dma source(%dma_start3A_616 : memref<16x1024xf32, #tpu.memory_space<hbm>>) target(%arg9 : memref<16x1024xf32, #tpu.memory_space<vmem>>) target_semaphore(%arg17 : memref<!tpu.dma_semaphore, #tpu.memory_space<semaphore_mem>>)
      %mul3A_617 = arith.constant 2 : i32
      %mul3A_618 = arith.muli %scan3A_29, %mul3A_617 : i32
      %add3A_619 = arith.constant 0 : i32
      %add3A_620 = arith.addi %mul3A_618, %add3A_619 : i32
      %dma_wait3A_621 = arith.constant 0 : i32
      %dma_wait3A_622 = arith.constant 0 : i32
      %dma_wait3A_623 = tpu.memref_slice %arg4[%dma_wait3A_621, %dma_wait3A_622] : memref<2048x1024xf32, #tpu.memory_space<hbm>> -> memref<16x1024xf32, #tpu.memory_space<hbm>>
      %dma_wait3A_624 = arith.constant 0 : i32
      %dma_wait3A_625 = arith.constant 0 : i32
      %dma_wait3A_626 = tpu.memref_slice %arg4[%dma_wait3A_624, %dma_wait3A_625] : memref<2048x1024xf32, #tpu.memory_space<hbm>> -> memref<16x1024xf32, #tpu.memory_space<hbm>>
      tpu.wait_dma2 semaphore(%arg16 : memref<!tpu.dma_semaphore, #tpu.memory_space<semaphore_mem>>) src(%dma_wait3A_626 : memref<16x1024xf32, #tpu.memory_space<hbm>>) dst(%arg8 : memref<16x1024xf32, #tpu.memory_space<vmem>>)
      %scan3A_627 = arith.constant 0 : i32
      %scan3A_628 = arith.constant 0 : i32
      %scan3A_629 = arith.constant 64 : i32
      %scan3A_630 = arith.addi %scan3A_628, %scan3A_629 : i32
      %scan3A_631 = arith.constant 1 : i32
      %scan3A_632 = scf.for %scan3A_705 = %scan3A_628 to %scan3A_630 step %scan3A_631 iter_args(%scan3A_706 = %scan3A_627) -> (i32)  : i32 {
        %mul3A_707 = arith.constant 16 : i32
        %mul3A_708 = arith.muli %scan3A_705, %mul3A_707 : i32
        %get3A_709 = arith.constant 0 : i32
        %get3A_710 = arith.index_cast %get3A_709 : i32 to index
        %get3A_711 = arith.index_cast %mul3A_708 : i32 to index
        %get3A_712 = tpu.vector_load %arg7[%get3A_710, %get3A_711] {strides = array<i32>} : memref<1x1024xf32, #tpu.memory_space<vmem>>, vector<1x16xf32>,
        %get3A_713 = vector.shape_cast %get3A_712 : vector<1x16xf32> to vector<16xf32>
        %swap3A_714 = arith.constant 0 : i32
        %swap3A_715 = arith.index_cast %swap3A_714 : i32 to index
        %swap3A_716 = arith.index_cast %mul3A_708 : i32 to index
        %swap3A_717 = tpu.vector_load %arg8[%swap3A_715, %swap3A_716] {strides = array<i32>} : memref<16x1024xf32, #tpu.memory_space<vmem>>, vector<1x16xf32>,
        %swap3A_718 = vector.shape_cast %swap3A_717 : vector<1x16xf32> to vector<16xf32>
        %swap3A_719 = vector.shape_cast %get3A_713 : vector<16xf32> to vector<1x16xf32>
        tpu.vector_store %arg8[%swap3A_715, %swap3A_716], %swap3A_719 {add = true, strides = array<i32>} : memref<16x1024xf32, #tpu.memory_space<vmem>>, vector<1x16xf32>,
        %swap3A_720 = arith.constant 1 : i32
        %swap3A_721 = arith.index_cast %swap3A_720 : i32 to index
        %swap3A_722 = arith.index_cast %mul3A_708 : i32 to index
        %swap3A_723 = tpu.vector_load %arg8[%swap3A_721, %swap3A_722] {strides = array<i32>} : memref<16x1024xf32, #tpu.memory_space<vmem>>, vector<1x16xf32>,
        %swap3A_724 = vector.shape_cast %swap3A_723 : vector<1x16xf32> to vector<16xf32>
        %swap3A_725 = vector.shape_cast %get3A_713 : vector<16xf32> to vector<1x16xf32>
        tpu.vector_store %arg8[%swap3A_721, %swap3A_722], %swap3A_725 {add = true, strides = array<i32>} : memref<16x1024xf32, #tpu.memory_space<vmem>>, vector<1x16xf32>,
        %swap3A_726 = arith.constant 2 : i32
        %swap3A_727 = arith.index_cast %swap3A_726 : i32 to index
        %swap3A_728 = arith.index_cast %mul3A_708 : i32 to index
        %swap3A_729 = tpu.vector_load %arg8[%swap3A_727, %swap3A_728] {strides = array<i32>} : memref<16x1024xf32, #tpu.memory_space<vmem>>, vector<1x16xf32>,
        %swap3A_730 = vector.shape_cast %swap3A_729 : vector<1x16xf32> to vector<16xf32>
        %swap3A_731 = vector.shape_cast %get3A_713 : vector<16xf32> to vector<1x16xf32>
        tpu.vector_store %arg8[%swap3A_727, %swap3A_728], %swap3A_731 {add = true, strides = array<i32>} : memref<16x1024xf32, #tpu.memory_space<vmem>>, vector<1x16xf32>,
        %swap3A_732 = arith.constant 3 : i32
        %swap3A_733 = arith.index_cast %swap3A_732 : i32 to index
        %swap3A_734 = arith.index_cast %mul3A_708 : i32 to index
        %swap3A_735 = tpu.vector_load %arg8[%swap3A_733, %swap3A_734] {strides = array<i32>} : memref<16x1024xf32, #tpu.memory_space<vmem>>, vector<1x16xf32>,
        %swap3A_736 = vector.shape_cast %swap3A_735 : vector<1x16xf32> to vector<16xf32>
        %swap3A_737 = vector.shape_cast %get3A_713 : vector<16xf32> to vector<1x16xf32>
        tpu.vector_store %arg8[%swap3A_733, %swap3A_734], %swap3A_737 {add = true, strides = array<i32>} : memref<16x1024xf32, #tpu.memory_space<vmem>>, vector<1x16xf32>,
        %swap3A_738 = arith.constant 4 : i32
        %swap3A_739 = arith.index_cast %swap3A_738 : i32 to index
        %swap3A_740 = arith.index_cast %mul3A_708 : i32 to index
        %swap3A_741 = tpu.vector_load %arg8[%swap3A_739, %swap3A_740] {strides = array<i32>} : memref<16x1024xf32, #tpu.memory_space<vmem>>, vector<1x16xf32>,
        %swap3A_742 = vector.shape_cast %swap3A_741 : vector<1x16xf32> to vector<16xf32>
        %swap3A_743 = vector.shape_cast %get3A_713 : vector<16xf32> to vector<1x16xf32>
        tpu.vector_store %arg8[%swap3A_739, %swap3A_740], %swap3A_743 {add = true, strides = array<i32>} : memref<16x1024xf32, #tpu.memory_space<vmem>>, vector<1x16xf32>,
        %swap3A_744 = arith.constant 5 : i32
        %swap3A_745 = arith.index_cast %swap3A_744 : i32 to index
        %swap3A_746 = arith.index_cast %mul3A_708 : i32 to index
        %swap3A_747 = tpu.vector_load %arg8[%swap3A_745, %swap3A_746] {strides = array<i32>} : memref<16x1024xf32, #tpu.memory_space<vmem>>, vector<1x16xf32>,
        %swap3A_748 = vector.shape_cast %swap3A_747 : vector<1x16xf32> to vector<16xf32>
        %swap3A_749 = vector.shape_cast %get3A_713 : vector<16xf32> to vector<1x16xf32>
        tpu.vector_store %arg8[%swap3A_745, %swap3A_746], %swap3A_749 {add = true, strides = array<i32>} : memref<16x1024xf32, #tpu.memory_space<vmem>>, vector<1x16xf32>,
        %swap3A_750 = arith.constant 6 : i32
        %swap3A_751 = arith.index_cast %swap3A_750 : i32 to index
        %swap3A_752 = arith.index_cast %mul3A_708 : i32 to index
        %swap3A_753 = tpu.vector_load %arg8[%swap3A_751, %swap3A_752] {strides = array<i32>} : memref<16x1024xf32, #tpu.memory_space<vmem>>, vector<1x16xf32>,
        %swap3A_754 = vector.shape_cast %swap3A_753 : vector<1x16xf32> to vector<16xf32>
        %swap3A_755 = vector.shape_cast %get3A_713 : vector<16xf32> to vector<1x16xf32>
        tpu.vector_store %arg8[%swap3A_751, %swap3A_752], %swap3A_755 {add = true, strides = array<i32>} : memref<16x1024xf32, #tpu.memory_space<vmem>>, vector<1x16xf32>,
        %swap3A_756 = arith.constant 7 : i32
        %swap3A_757 = arith.index_cast %swap3A_756 : i32 to index
        %swap3A_758 = arith.index_cast %mul3A_708 : i32 to index
        %swap3A_759 = tpu.vector_load %arg8[%swap3A_757, %swap3A_758] {strides = array<i32>} : memref<16x1024xf32, #tpu.memory_space<vmem>>, vector<1x16xf32>,
        %swap3A_760 = vector.shape_cast %swap3A_759 : vector<1x16xf32> to vector<16xf32>
        %swap3A_761 = vector.shape_cast %get3A_713 : vector<16xf32> to vector<1x16xf32>
        tpu.vector_store %arg8[%swap3A_757, %swap3A_758], %swap3A_761 {add = true, strides = array<i32>} : memref<16x1024xf32, #tpu.memory_space<vmem>>, vector<1x16xf32>,
        %swap3A_762 = arith.constant 8 : i32
        %swap3A_763 = arith.index_cast %swap3A_762 : i32 to index
        %swap3A_764 = arith.index_cast %mul3A_708 : i32 to index
        %swap3A_765 = tpu.vector_load %arg8[%swap3A_763, %swap3A_764] {strides = array<i32>} : memref<16x1024xf32, #tpu.memory_space<vmem>>, vector<1x16xf32>,
        %swap3A_766 = vector.shape_cast %swap3A_765 : vector<1x16xf32> to vector<16xf32>
        %swap3A_767 = vector.shape_cast %get3A_713 : vector<16xf32> to vector<1x16xf32>
        tpu.vector_store %arg8[%swap3A_763, %swap3A_764], %swap3A_767 {add = true, strides = array<i32>} : memref<16x1024xf32, #tpu.memory_space<vmem>>, vector<1x16xf32>,
        %swap3A_768 = arith.constant 9 : i32
        %swap3A_769 = arith.index_cast %swap3A_768 : i32 to index
        %swap3A_770 = arith.index_cast %mul3A_708 : i32 to index
        %swap3A_771 = tpu.vector_load %arg8[%swap3A_769, %swap3A_770] {strides = array<i32>} : memref<16x1024xf32, #tpu.memory_space<vmem>>, vector<1x16xf32>,
        %swap3A_772 = vector.shape_cast %swap3A_771 : vector<1x16xf32> to vector<16xf32>
        %swap3A_773 = vector.shape_cast %get3A_713 : vector<16xf32> to vector<1x16xf32>
        tpu.vector_store %arg8[%swap3A_769, %swap3A_770], %swap3A_773 {add = true, strides = array<i32>} : memref<16x1024xf32, #tpu.memory_space<vmem>>, vector<1x16xf32>,
        %swap3A_774 = arith.constant 10 : i32
        %swap3A_775 = arith.index_cast %swap3A_774 : i32 to index
        %swap3A_776 = arith.index_cast %mul3A_708 : i32 to index
        %swap3A_777 = tpu.vector_load %arg8[%swap3A_775, %swap3A_776] {strides = array<i32>} : memref<16x1024xf32, #tpu.memory_space<vmem>>, vector<1x16xf32>,
        %swap3A_778 = vector.shape_cast %swap3A_777 : vector<1x16xf32> to vector<16xf32>
        %swap3A_779 = vector.shape_cast %get3A_713 : vector<16xf32> to vector<1x16xf32>
        tpu.vector_store %arg8[%swap3A_775, %swap3A_776], %swap3A_779 {add = true, strides = array<i32>} : memref<16x1024xf32, #tpu.memory_space<vmem>>, vector<1x16xf32>,
        %swap3A_780 = arith.constant 11 : i32
        %swap3A_781 = arith.index_cast %swap3A_780 : i32 to index
        %swap3A_782 = arith.index_cast %mul3A_708 : i32 to index
        %swap3A_783 = tpu.vector_load %arg8[%swap3A_781, %swap3A_782] {strides = array<i32>} : memref<16x1024xf32, #tpu.memory_space<vmem>>, vector<1x16xf32>,
        %swap3A_784 = vector.shape_cast %swap3A_783 : vector<1x16xf32> to vector<16xf32>
        %swap3A_785 = vector.shape_cast %get3A_713 : vector<16xf32> to vector<1x16xf32>
        tpu.vector_store %arg8[%swap3A_781, %swap3A_782], %swap3A_785 {add = true, strides = array<i32>} : memref<16x1024xf32, #tpu.memory_space<vmem>>, vector<1x16xf32>,
        %swap3A_786 = arith.constant 12 : i32
        %swap3A_787 = arith.index_cast %swap3A_786 : i32 to index
        %swap3A_788 = arith.index_cast %mul3A_708 : i32 to index
        %swap3A_789 = tpu.vector_load %arg8[%swap3A_787, %swap3A_788] {strides = array<i32>} : memref<16x1024xf32, #tpu.memory_space<vmem>>, vector<1x16xf32>,
        %swap3A_790 = vector.shape_cast %swap3A_789 : vector<1x16xf32> to vector<16xf32>
        %swap3A_791 = vector.shape_cast %get3A_713 : vector<16xf32> to vector<1x16xf32>
        tpu.vector_store %arg8[%swap3A_787, %swap3A_788], %swap3A_791 {add = true, strides = array<i32>} : memref<16x1024xf32, #tpu.memory_space<vmem>>, vector<1x16xf32>,
        %swap3A_792 = arith.constant 13 : i32
        %swap3A_793 = arith.index_cast %swap3A_792 : i32 to index
        %swap3A_794 = arith.index_cast %mul3A_708 : i32 to index
        %swap3A_795 = tpu.vector_load %arg8[%swap3A_793, %swap3A_794] {strides = array<i32>} : memref<16x1024xf32, #tpu.memory_space<vmem>>, vector<1x16xf32>,
        %swap3A_796 = vector.shape_cast %swap3A_795 : vector<1x16xf32> to vector<16xf32>
        %swap3A_797 = vector.shape_cast %get3A_713 : vector<16xf32> to vector<1x16xf32>
        tpu.vector_store %arg8[%swap3A_793, %swap3A_794], %swap3A_797 {add = true, strides = array<i32>} : memref<16x1024xf32, #tpu.memory_space<vmem>>, vector<1x16xf32>,
        %swap3A_798 = arith.constant 14 : i32
        %swap3A_799 = arith.index_cast %swap3A_798 : i32 to index
        %swap3A_800 = arith.index_cast %mul3A_708 : i32 to index
        %swap3A_801 = tpu.vector_load %arg8[%swap3A_799, %swap3A_800] {strides = array<i32>} : memref<16x1024xf32, #tpu.memory_space<vmem>>, vector<1x16xf32>,
        %swap3A_802 = vector.shape_cast %swap3A_801 : vector<1x16xf32> to vector<16xf32>
        %swap3A_803 = vector.shape_cast %get3A_713 : vector<16xf32> to vector<1x16xf32>
        tpu.vector_store %arg8[%swap3A_799, %swap3A_800], %swap3A_803 {add = true, strides = array<i32>} : memref<16x1024xf32, #tpu.memory_space<vmem>>, vector<1x16xf32>,
        %swap3A_804 = arith.constant 15 : i32
        %swap3A_805 = arith.index_cast %swap3A_804 : i32 to index
        %swap3A_806 = arith.index_cast %mul3A_708 : i32 to index
        %swap3A_807 = tpu.vector_load %arg8[%swap3A_805, %swap3A_806] {strides = array<i32>} : memref<16x1024xf32, #tpu.memory_space<vmem>>, vector<1x16xf32>,
        %swap3A_808 = vector.shape_cast %swap3A_807 : vector<1x16xf32> to vector<16xf32>
        %swap3A_809 = vector.shape_cast %get3A_713 : vector<16xf32> to vector<1x16xf32>
        tpu.vector_store %arg8[%swap3A_805, %swap3A_806], %swap3A_809 {add = true, strides = array<i32>} : memref<16x1024xf32, #tpu.memory_space<vmem>>, vector<1x16xf32>,
        %scan3A_810 = arith.constant 0 : i32
        scf.yield %scan3A_810 : i32
      }
      %scan3A_633 = arith.constant 64 : i32
      %get3A_634 = arith.constant 16 : i32
      %get3A_635 = arith.index_cast %get3A_634 : i32 to index
      %get3A_636 = memref.load %arg12[%get3A_635] : memref<17xi32, #tpu.memory_space<smem>>
      %while3A = arith.constant 0 : i32
      %while3A_637 = arith.constant 0 : i32
      %while3A_638 = arith.subi %get3A_636, %while3A_637 : i32
      %while3A_639 = arith.addi %while3A_637, %while3A_638 : i32
      %while3A_640 = arith.constant 1 : i32
      %while3A_641 = arith.divsi %while3A_638, %while3A_640 : i32
      %while3A_642 = arith.muli %while3A_641, %while3A_640 : i32
      %while3A_643 = arith.addi %while3A_637, %while3A_642 : i32
      %while3A_644 = arith.constant 1 : i32
      scf.for %while3A_705 = %while3A_637 to %while3A_643 step %while3A_644  : i32 {
        %dma_wait3A_706 = arith.constant 0 : i32
        %dma_wait3A_707 = arith.constant 0 : i32
        %dma_wait3A_708 = tpu.memref_slice %arg10[%dma_wait3A_706, %dma_wait3A_707] : memref<16x1024xf32, #tpu.memory_space<vmem>> -> memref<1x1024xf32, #tpu.memory_space<vmem>>
        %dma_wait3A_709 = arith.constant 0 : i32
        %dma_wait3A_710 = arith.constant 0 : i32
        %dma_wait3A_711 = tpu.memref_slice %arg3[%dma_wait3A_709, %dma_wait3A_710] : memref<12500x1024xf32, #tpu.memory_space<hbm>> -> memref<1x1024xf32, #tpu.memory_space<hbm>>
        %dma_wait3A_712 = arith.constant 0 : i32
        %dma_wait3A_713 = arith.constant 0 : i32
        %dma_wait3A_714 = tpu.memref_slice %arg10[%dma_wait3A_712, %dma_wait3A_713] : memref<16x1024xf32, #tpu.memory_space<vmem>> -> memref<1x1024xf32, #tpu.memory_space<vmem>>
        %dma_wait3A_715 = arith.constant 0 : i32
        %dma_wait3A_716 = arith.constant 0 : i32
        %dma_wait3A_717 = tpu.memref_slice %arg3[%dma_wait3A_715, %dma_wait3A_716] : memref<12500x1024xf32, #tpu.memory_space<hbm>> -> memref<1x1024xf32, #tpu.memory_space<hbm>>
        tpu.wait_dma2 semaphore(%arg14 : memref<!tpu.dma_semaphore, #tpu.memory_space<semaphore_mem>>) src(%dma_wait3A_717 : memref<1x1024xf32, #tpu.memory_space<hbm>>) dst(%dma_wait3A_714 : memref<1x1024xf32, #tpu.memory_space<vmem>>)
      }
      %while3A_645 = arith.constant 1 : i32
      scf.for %while3A_705 = %while3A_643 to %while3A_639 step %while3A_645  : i32 {
        %dma_wait3A_706 = arith.constant 0 : i32
        %dma_wait3A_707 = arith.constant 0 : i32
        %dma_wait3A_708 = tpu.memref_slice %arg10[%dma_wait3A_706, %dma_wait3A_707] : memref<16x1024xf32, #tpu.memory_space<vmem>> -> memref<1x1024xf32, #tpu.memory_space<vmem>>
        %dma_wait3A_709 = arith.constant 0 : i32
        %dma_wait3A_710 = arith.constant 0 : i32
        %dma_wait3A_711 = tpu.memref_slice %arg3[%dma_wait3A_709, %dma_wait3A_710] : memref<12500x1024xf32, #tpu.memory_space<hbm>> -> memref<1x1024xf32, #tpu.memory_space<hbm>>
        %dma_wait3A_712 = arith.constant 0 : i32
        %dma_wait3A_713 = arith.constant 0 : i32
        %dma_wait3A_714 = tpu.memref_slice %arg10[%dma_wait3A_712, %dma_wait3A_713] : memref<16x1024xf32, #tpu.memory_space<vmem>> -> memref<1x1024xf32, #tpu.memory_space<vmem>>
        %dma_wait3A_715 = arith.constant 0 : i32
        %dma_wait3A_716 = arith.constant 0 : i32
        %dma_wait3A_717 = tpu.memref_slice %arg3[%dma_wait3A_715, %dma_wait3A_716] : memref<12500x1024xf32, #tpu.memory_space<hbm>> -> memref<1x1024xf32, #tpu.memory_space<hbm>>
        tpu.wait_dma2 semaphore(%arg14 : memref<!tpu.dma_semaphore, #tpu.memory_space<semaphore_mem>>) src(%dma_wait3A_717 : memref<1x1024xf32, #tpu.memory_space<hbm>>) dst(%dma_wait3A_714 : memref<1x1024xf32, #tpu.memory_space<vmem>>)
      }
      %scan3A_646 = arith.constant 0 : i32
      %scan3A_647 = arith.constant 0 : i32
      %scan3A_648 = arith.constant 16 : i32
      %scan3A_649 = arith.addi %scan3A_647, %scan3A_648 : i32
      %scan3A_650 = arith.constant 1 : i32
      %scan3A_651 = scf.for %scan3A_705 = %scan3A_647 to %scan3A_649 step %scan3A_650 iter_args(%scan3A_706 = %scan3A_646) -> (i32)  : i32 {
        %get3A_707 = arith.index_cast %scan3A_705 : i32 to index
        %get3A_708 = memref.load %arg12[%get3A_707] : memref<17xi32, #tpu.memory_space<smem>>
        %ne3A_709 = arith.constant 0 : i32
        %ne3A_710 = arith.cmpi ne, %get3A_708, %ne3A_709 : i32
        %convert_element_type3A_711 = arith.extui %ne3A_710 : i1 to i32
        %cond3A_712 = arith.constant 0 : i32
        %cond3A_713 = arith.cmpi ne, %convert_element_type3A_711, %cond3A_712 : i32
        scf.if %cond3A_713 {
          %get3A_715 = arith.constant 0 : i32
          %get3A_716 = arith.index_cast %get3A_715 : i32 to index
          %get3A_717 = arith.constant 0 : index
          %get3A_718 = tpu.vector_load %arg7[%get3A_716, %get3A_717] {strides = array<i32>} : memref<1x1024xf32, #tpu.memory_space<vmem>>, vector<1x16xf32>,
          %get3A_719 = vector.shape_cast %get3A_718 : vector<1x16xf32> to vector<16xf32>
          %get3A_720 = arith.index_cast %scan3A_705 : i32 to index
          %get3A_721 = arith.constant 0 : index
          %get3A_722 = tpu.vector_load %arg10[%get3A_720, %get3A_721] {strides = array<i32>} : memref<16x1024xf32, #tpu.memory_space<vmem>>, vector<1x16xf32>,
          %get3A_723 = vector.shape_cast %get3A_722 : vector<1x16xf32> to vector<16xf32>
          %get3A_724 = arith.index_cast %scan3A_705 : i32 to index
          %get3A_725 = arith.constant 0 : index
          %get3A_726 = tpu.vector_load %arg8[%get3A_724, %get3A_725] {strides = array<i32>} : memref<16x1024xf32, #tpu.memory_space<vmem>>, vector<1x16xf32>,
          %get3A_727 = vector.shape_cast %get3A_726 : vector<1x16xf32> to vector<16xf32>
          %sub3A = arith.subf %get3A_727, %get3A_719 : vector<16xf32>
          %add3A_728 = arith.addf %get3A_723, %sub3A : vector<16xf32>
          %swap3A_729 = arith.index_cast %scan3A_705 : i32 to index
          %swap3A_730 = arith.constant 0 : index
          %swap3A_731 = tpu.vector_load %arg8[%swap3A_729, %swap3A_730] {strides = array<i32>} : memref<16x1024xf32, #tpu.memory_space<vmem>>, vector<1x16xf32>,
          %swap3A_732 = vector.shape_cast %swap3A_731 : vector<1x16xf32> to vector<16xf32>
          %swap3A_733 = vector.shape_cast %add3A_728 : vector<16xf32> to vector<1x16xf32>
          tpu.vector_store %arg8[%swap3A_729, %swap3A_730], %swap3A_733 {strides = array<i32>} : memref<16x1024xf32, #tpu.memory_space<vmem>>, vector<1x16xf32>,
          %get3A_734 = arith.constant 0 : i32
          %get3A_735 = arith.index_cast %get3A_734 : i32 to index
          %get3A_736 = arith.constant 16 : index
          %get3A_737 = tpu.vector_load %arg7[%get3A_735, %get3A_736] {strides = array<i32>} : memref<1x1024xf32, #tpu.memory_space<vmem>>, vector<1x16xf32>,
          %get3A_738 = vector.shape_cast %get3A_737 : vector<1x16xf32> to vector<16xf32>
          %get3A_739 = arith.index_cast %scan3A_705 : i32 to index
          %get3A_740 = arith.constant 16 : index
          %get3A_741 = tpu.vector_load %arg10[%get3A_739, %get3A_740] {strides = array<i32>} : memref<16x1024xf32, #tpu.memory_space<vmem>>, vector<1x16xf32>,
          %get3A_742 = vector.shape_cast %get3A_741 : vector<1x16xf32> to vector<16xf32>
          %get3A_743 = arith.index_cast %scan3A_705 : i32 to index
          %get3A_744 = arith.constant 16 : index
          %get3A_745 = tpu.vector_load %arg8[%get3A_743, %get3A_744] {strides = array<i32>} : memref<16x1024xf32, #tpu.memory_space<vmem>>, vector<1x16xf32>,
          %get3A_746 = vector.shape_cast %get3A_745 : vector<1x16xf32> to vector<16xf32>
          %sub3A_747 = arith.subf %get3A_746, %get3A_738 : vector<16xf32>
          %add3A_748 = arith.addf %get3A_742, %sub3A_747 : vector<16xf32>
          %swap3A_749 = arith.index_cast %scan3A_705 : i32 to index
          %swap3A_750 = arith.constant 16 : index
          %swap3A_751 = tpu.vector_load %arg8[%swap3A_749, %swap3A_750] {strides = array<i32>} : memref<16x1024xf32, #tpu.memory_space<vmem>>, vector<1x16xf32>,
          %swap3A_752 = vector.shape_cast %swap3A_751 : vector<1x16xf32> to vector<16xf32>
          %swap3A_753 = vector.shape_cast %add3A_748 : vector<16xf32> to vector<1x16xf32>
          tpu.vector_store %arg8[%swap3A_749, %swap3A_750], %swap3A_753 {strides = array<i32>} : memref<16x1024xf32, #tpu.memory_space<vmem>>, vector<1x16xf32>,
          %get3A_754 = arith.constant 0 : i32
          %get3A_755 = arith.index_cast %get3A_754 : i32 to index
          %get3A_756 = arith.constant 32 : index
          %get3A_757 = tpu.vector_load %arg7[%get3A_755, %get3A_756] {strides = array<i32>} : memref<1x1024xf32, #tpu.memory_space<vmem>>, vector<1x16xf32>,
          %get3A_758 = vector.shape_cast %get3A_757 : vector<1x16xf32> to vector<16xf32>
          %get3A_759 = arith.index_cast %scan3A_705 : i32 to index
          %get3A_760 = arith.constant 32 : index
          %get3A_761 = tpu.vector_load %arg10[%get3A_759, %get3A_760] {strides = array<i32>} : memref<16x1024xf32, #tpu.memory_space<vmem>>, vector<1x16xf32>,
          %get3A_762 = vector.shape_cast %get3A_761 : vector<1x16xf32> to vector<16xf32>
          %get3A_763 = arith.index_cast %scan3A_705 : i32 to index
          %get3A_764 = arith.constant 32 : index
          %get3A_765 = tpu.vector_load %arg8[%get3A_763, %get3A_764] {strides = array<i32>} : memref<16x1024xf32, #tpu.memory_space<vmem>>, vector<1x16xf32>,
          %get3A_766 = vector.shape_cast %get3A_765 : vector<1x16xf32> to vector<16xf32>
          %sub3A_767 = arith.subf %get3A_766, %get3A_758 : vector<16xf32>
          %add3A_768 = arith.addf %get3A_762, %sub3A_767 : vector<16xf32>
          %swap3A_769 = arith.index_cast %scan3A_705 : i32 to index
          %swap3A_770 = arith.constant 32 : index
          %swap3A_771 = tpu.vector_load %arg8[%swap3A_769, %swap3A_770] {strides = array<i32>} : memref<16x1024xf32, #tpu.memory_space<vmem>>, vector<1x16xf32>,
          %swap3A_772 = vector.shape_cast %swap3A_771 : vector<1x16xf32> to vector<16xf32>
          %swap3A_773 = vector.shape_cast %add3A_768 : vector<16xf32> to vector<1x16xf32>
          tpu.vector_store %arg8[%swap3A_769, %swap3A_770], %swap3A_773 {strides = array<i32>} : memref<16x1024xf32, #tpu.memory_space<vmem>>, vector<1x16xf32>,
          %get3A_774 = arith.constant 0 : i32
          %get3A_775 = arith.index_cast %get3A_774 : i32 to index
          %get3A_776 = arith.constant 48 : index
          %get3A_777 = tpu.vector_load %arg7[%get3A_775, %get3A_776] {strides = array<i32>} : memref<1x1024xf32, #tpu.memory_space<vmem>>, vector<1x16xf32>,
          %get3A_778 = vector.shape_cast %get3A_777 : vector<1x16xf32> to vector<16xf32>
          %get3A_779 = arith.index_cast %scan3A_705 : i32 to index
          %get3A_780 = arith.constant 48 : index
          %get3A_781 = tpu.vector_load %arg10[%get3A_779, %get3A_780] {strides = array<i32>} : memref<16x1024xf32, #tpu.memory_space<vmem>>, vector<1x16xf32>,
          %get3A_782 = vector.shape_cast %get3A_781 : vector<1x16xf32> to vector<16xf32>
          %get3A_783 = arith.index_cast %scan3A_705 : i32 to index
          %get3A_784 = arith.constant 48 : index
          %get3A_785 = tpu.vector_load %arg8[%get3A_783, %get3A_784] {strides = array<i32>} : memref<16x1024xf32, #tpu.memory_space<vmem>>, vector<1x16xf32>,
          %get3A_786 = vector.shape_cast %get3A_785 : vector<1x16xf32> to vector<16xf32>
          %sub3A_787 = arith.subf %get3A_786, %get3A_778 : vector<16xf32>
          %add3A_788 = arith.addf %get3A_782, %sub3A_787 : vector<16xf32>
          %swap3A_789 = arith.index_cast %scan3A_705 : i32 to index
          %swap3A_790 = arith.constant 48 : index
          %swap3A_791 = tpu.vector_load %arg8[%swap3A_789, %swap3A_790] {strides = array<i32>} : memref<16x1024xf32, #tpu.memory_space<vmem>>, vector<1x16xf32>,
          %swap3A_792 = vector.shape_cast %swap3A_791 : vector<1x16xf32> to vector<16xf32>
          %swap3A_793 = vector.shape_cast %add3A_788 : vector<16xf32> to vector<1x16xf32>
          tpu.vector_store %arg8[%swap3A_789, %swap3A_790], %swap3A_793 {strides = array<i32>} : memref<16x1024xf32, #tpu.memory_space<vmem>>, vector<1x16xf32>,
          %get3A_794 = arith.constant 0 : i32
          %get3A_795 = arith.index_cast %get3A_794 : i32 to index
          %get3A_796 = arith.constant 64 : index
          %get3A_797 = tpu.vector_load %arg7[%get3A_795, %get3A_796] {strides = array<i32>} : memref<1x1024xf32, #tpu.memory_space<vmem>>, vector<1x16xf32>,
          %get3A_798 = vector.shape_cast %get3A_797 : vector<1x16xf32> to vector<16xf32>
          %get3A_799 = arith.index_cast %scan3A_705 : i32 to index
          %get3A_800 = arith.constant 64 : index
          %get3A_801 = tpu.vector_load %arg10[%get3A_799, %get3A_800] {strides = array<i32>} : memref<16x1024xf32, #tpu.memory_space<vmem>>, vector<1x16xf32>,
          %get3A_802 = vector.shape_cast %get3A_801 : vector<1x16xf32> to vector<16xf32>
          %get3A_803 = arith.index_cast %scan3A_705 : i32 to index
          %get3A_804 = arith.constant 64 : index
          %get3A_805 = tpu.vector_load %arg8[%get3A_803, %get3A_804] {strides = array<i32>} : memref<16x1024xf32, #tpu.memory_space<vmem>>, vector<1x16xf32>,
          %get3A_806 = vector.shape_cast %get3A_805 : vector<1x16xf32> to vector<16xf32>
          %sub3A_807 = arith.subf %get3A_806, %get3A_798 : vector<16xf32>
          %add3A_808 = arith.addf %get3A_802, %sub3A_807 : vector<16xf32>
          %swap3A_809 = arith.index_cast %scan3A_705 : i32 to index
          %swap3A_810 = arith.constant 64 : index
          %swap3A_811 = tpu.vector_load %arg8[%swap3A_809, %swap3A_810] {strides = array<i32>} : memref<16x1024xf32, #tpu.memory_space<vmem>>, vector<1x16xf32>,
          %swap3A_812 = vector.shape_cast %swap3A_811 : vector<1x16xf32> to vector<16xf32>
          %swap3A_813 = vector.shape_cast %add3A_808 : vector<16xf32> to vector<1x16xf32>
          tpu.vector_store %arg8[%swap3A_809, %swap3A_810], %swap3A_813 {strides = array<i32>} : memref<16x1024xf32, #tpu.memory_space<vmem>>, vector<1x16xf32>,
          %get3A_814 = arith.constant 0 : i32
          %get3A_815 = arith.index_cast %get3A_814 : i32 to index
          %get3A_816 = arith.constant 80 : index
          %get3A_817 = tpu.vector_load %arg7[%get3A_815, %get3A_816] {strides = array<i32>} : memref<1x1024xf32, #tpu.memory_space<vmem>>, vector<1x16xf32>,
          %get3A_818 = vector.shape_cast %get3A_817 : vector<1x16xf32> to vector<16xf32>
          %get3A_819 = arith.index_cast %scan3A_705 : i32 to index
          %get3A_820 = arith.constant 80 : index
          %get3A_821 = tpu.vector_load %arg10[%get3A_819, %get3A_820] {strides = array<i32>} : memref<16x1024xf32, #tpu.memory_space<vmem>>, vector<1x16xf32>,
          %get3A_822 = vector.shape_cast %get3A_821 : vector<1x16xf32> to vector<16xf32>
          %get3A_823 = arith.index_cast %scan3A_705 : i32 to index
          %get3A_824 = arith.constant 80 : index
          %get3A_825 = tpu.vector_load %arg8[%get3A_823, %get3A_824] {strides = array<i32>} : memref<16x1024xf32, #tpu.memory_space<vmem>>, vector<1x16xf32>,
          %get3A_826 = vector.shape_cast %get3A_825 : vector<1x16xf32> to vector<16xf32>
          %sub3A_827 = arith.subf %get3A_826, %get3A_818 : vector<16xf32>
          %add3A_828 = arith.addf %get3A_822, %sub3A_827 : vector<16xf32>
          %swap3A_829 = arith.index_cast %scan3A_705 : i32 to index
          %swap3A_830 = arith.constant 80 : index
          %swap3A_831 = tpu.vector_load %arg8[%swap3A_829, %swap3A_830] {strides = array<i32>} : memref<16x1024xf32, #tpu.memory_space<vmem>>, vector<1x16xf32>,
          %swap3A_832 = vector.shape_cast %swap3A_831 : vector<1x16xf32> to vector<16xf32>
          %swap3A_833 = vector.shape_cast %add3A_828 : vector<16xf32> to vector<1x16xf32>
          tpu.vector_store %arg8[%swap3A_829, %swap3A_830], %swap3A_833 {strides = array<i32>} : memref<16x1024xf32, #tpu.memory_space<vmem>>, vector<1x16xf32>,
          %get3A_834 = arith.constant 0 : i32
          %get3A_835 = arith.index_cast %get3A_834 : i32 to index
          %get3A_836 = arith.constant 96 : index
          %get3A_837 = tpu.vector_load %arg7[%get3A_835, %get3A_836] {strides = array<i32>} : memref<1x1024xf32, #tpu.memory_space<vmem>>, vector<1x16xf32>,
          %get3A_838 = vector.shape_cast %get3A_837 : vector<1x16xf32> to vector<16xf32>
          %get3A_839 = arith.index_cast %scan3A_705 : i32 to index
          %get3A_840 = arith.constant 96 : index
          %get3A_841 = tpu.vector_load %arg10[%get3A_839, %get3A_840] {strides = array<i32>} : memref<16x1024xf32, #tpu.memory_space<vmem>>, vector<1x16xf32>,
          %get3A_842 = vector.shape_cast %get3A_841 : vector<1x16xf32> to vector<16xf32>
          %get3A_843 = arith.index_cast %scan3A_705 : i32 to index
          %get3A_844 = arith.constant 96 : index
          %get3A_845 = tpu.vector_load %arg8[%get3A_843, %get3A_844] {strides = array<i32>} : memref<16x1024xf32, #tpu.memory_space<vmem>>, vector<1x16xf32>,
          %get3A_846 = vector.shape_cast %get3A_845 : vector<1x16xf32> to vector<16xf32>
          %sub3A_847 = arith.subf %get3A_846, %get3A_838 : vector<16xf32>
          %add3A_848 = arith.addf %get3A_842, %sub3A_847 : vector<16xf32>
          %swap3A_849 = arith.index_cast %scan3A_705 : i32 to index
          %swap3A_850 = arith.constant 96 : index
          %swap3A_851 = tpu.vector_load %arg8[%swap3A_849, %swap3A_850] {strides = array<i32>} : memref<16x1024xf32, #tpu.memory_space<vmem>>, vector<1x16xf32>,
          %swap3A_852 = vector.shape_cast %swap3A_851 : vector<1x16xf32> to vector<16xf32>
          %swap3A_853 = vector.shape_cast %add3A_848 : vector<16xf32> to vector<1x16xf32>
          tpu.vector_store %arg8[%swap3A_849, %swap3A_850], %swap3A_853 {strides = array<i32>} : memref<16x1024xf32, #tpu.memory_space<vmem>>, vector<1x16xf32>,
          %get3A_854 = arith.constant 0 : i32
          %get3A_855 = arith.index_cast %get3A_854 : i32 to index
          %get3A_856 = arith.constant 112 : index
          %get3A_857 = tpu.vector_load %arg7[%get3A_855, %get3A_856] {strides = array<i32>} : memref<1x1024xf32, #tpu.memory_space<vmem>>, vector<1x16xf32>,
          %get3A_858 = vector.shape_cast %get3A_857 : vector<1x16xf32> to vector<16xf32>
          %get3A_859 = arith.index_cast %scan3A_705 : i32 to index
          %get3A_860 = arith.constant 112 : index
          %get3A_861 = tpu.vector_load %arg10[%get3A_859, %get3A_860] {strides = array<i32>} : memref<16x1024xf32, #tpu.memory_space<vmem>>, vector<1x16xf32>,
          %get3A_862 = vector.shape_cast %get3A_861 : vector<1x16xf32> to vector<16xf32>
          %get3A_863 = arith.index_cast %scan3A_705 : i32 to index
          %get3A_864 = arith.constant 112 : index
          %get3A_865 = tpu.vector_load %arg8[%get3A_863, %get3A_864] {strides = array<i32>} : memref<16x1024xf32, #tpu.memory_space<vmem>>, vector<1x16xf32>,
          %get3A_866 = vector.shape_cast %get3A_865 : vector<1x16xf32> to vector<16xf32>
          %sub3A_867 = arith.subf %get3A_866, %get3A_858 : vector<16xf32>
          %add3A_868 = arith.addf %get3A_862, %sub3A_867 : vector<16xf32>
          %swap3A_869 = arith.index_cast %scan3A_705 : i32 to index
          %swap3A_870 = arith.constant 112 : index
          %swap3A_871 = tpu.vector_load %arg8[%swap3A_869, %swap3A_870] {strides = array<i32>} : memref<16x1024xf32, #tpu.memory_space<vmem>>, vector<1x16xf32>,
          %swap3A_872 = vector.shape_cast %swap3A_871 : vector<1x16xf32> to vector<16xf32>
          %swap3A_873 = vector.shape_cast %add3A_868 : vector<16xf32> to vector<1x16xf32>
          tpu.vector_store %arg8[%swap3A_869, %swap3A_870], %swap3A_873 {strides = array<i32>} : memref<16x1024xf32, #tpu.memory_space<vmem>>, vector<1x16xf32>,
          %get3A_874 = arith.constant 0 : i32
          %get3A_875 = arith.index_cast %get3A_874 : i32 to index
          %get3A_876 = arith.constant 128 : index
          %get3A_877 = tpu.vector_load %arg7[%get3A_875, %get3A_876] {strides = array<i32>} : memref<1x1024xf32, #tpu.memory_space<vmem>>, vector<1x16xf32>,
          %get3A_878 = vector.shape_cast %get3A_877 : vector<1x16xf32> to vector<16xf32>
          %get3A_879 = arith.index_cast %scan3A_705 : i32 to index
          %get3A_880 = arith.constant 128 : index
          %get3A_881 = tpu.vector_load %arg10[%get3A_879, %get3A_880] {strides = array<i32>} : memref<16x1024xf32, #tpu.memory_space<vmem>>, vector<1x16xf32>,
          %get3A_882 = vector.shape_cast %get3A_881 : vector<1x16xf32> to vector<16xf32>
          %get3A_883 = arith.index_cast %scan3A_705 : i32 to index
          %get3A_884 = arith.constant 128 : index
          %get3A_885 = tpu.vector_load %arg8[%get3A_883, %get3A_884] {strides = array<i32>} : memref<16x1024xf32, #tpu.memory_space<vmem>>, vector<1x16xf32>,
          %get3A_886 = vector.shape_cast %get3A_885 : vector<1x16xf32> to vector<16xf32>
          %sub3A_887 = arith.subf %get3A_886, %get3A_878 : vector<16xf32>
          %add3A_888 = arith.addf %get3A_882, %sub3A_887 : vector<16xf32>
          %swap3A_889 = arith.index_cast %scan3A_705 : i32 to index
          %swap3A_890 = arith.constant 128 : index
          %swap3A_891 = tpu.vector_load %arg8[%swap3A_889, %swap3A_890] {strides = array<i32>} : memref<16x1024xf32, #tpu.memory_space<vmem>>, vector<1x16xf32>,
          %swap3A_892 = vector.shape_cast %swap3A_891 : vector<1x16xf32> to vector<16xf32>
          %swap3A_893 = vector.shape_cast %add3A_888 : vector<16xf32> to vector<1x16xf32>
          tpu.vector_store %arg8[%swap3A_889, %swap3A_890], %swap3A_893 {strides = array<i32>} : memref<16x1024xf32, #tpu.memory_space<vmem>>, vector<1x16xf32>,
          %get3A_894 = arith.constant 0 : i32
          %get3A_895 = arith.index_cast %get3A_894 : i32 to index
          %get3A_896 = arith.constant 144 : index
          %get3A_897 = tpu.vector_load %arg7[%get3A_895, %get3A_896] {strides = array<i32>} : memref<1x1024xf32, #tpu.memory_space<vmem>>, vector<1x16xf32>,
          %get3A_898 = vector.shape_cast %get3A_897 : vector<1x16xf32> to vector<16xf32>
          %get3A_899 = arith.index_cast %scan3A_705 : i32 to index
          %get3A_900 = arith.constant 144 : index
          %get3A_901 = tpu.vector_load %arg10[%get3A_899, %get3A_900] {strides = array<i32>} : memref<16x1024xf32, #tpu.memory_space<vmem>>, vector<1x16xf32>,
          %get3A_902 = vector.shape_cast %get3A_901 : vector<1x16xf32> to vector<16xf32>
          %get3A_903 = arith.index_cast %scan3A_705 : i32 to index
          %get3A_904 = arith.constant 144 : index
          %get3A_905 = tpu.vector_load %arg8[%get3A_903, %get3A_904] {strides = array<i32>} : memref<16x1024xf32, #tpu.memory_space<vmem>>, vector<1x16xf32>,
          %get3A_906 = vector.shape_cast %get3A_905 : vector<1x16xf32> to vector<16xf32>
          %sub3A_907 = arith.subf %get3A_906, %get3A_898 : vector<16xf32>
          %add3A_908 = arith.addf %get3A_902, %sub3A_907 : vector<16xf32>
          %swap3A_909 = arith.index_cast %scan3A_705 : i32 to index
          %swap3A_910 = arith.constant 144 : index
          %swap3A_911 = tpu.vector_load %arg8[%swap3A_909, %swap3A_910] {strides = array<i32>} : memref<16x1024xf32, #tpu.memory_space<vmem>>, vector<1x16xf32>,
          %swap3A_912 = vector.shape_cast %swap3A_911 : vector<1x16xf32> to vector<16xf32>
          %swap3A_913 = vector.shape_cast %add3A_908 : vector<16xf32> to vector<1x16xf32>
          tpu.vector_store %arg8[%swap3A_909, %swap3A_910], %swap3A_913 {strides = array<i32>} : memref<16x1024xf32, #tpu.memory_space<vmem>>, vector<1x16xf32>,
          %get3A_914 = arith.constant 0 : i32
          %get3A_915 = arith.index_cast %get3A_914 : i32 to index
          %get3A_916 = arith.constant 160 : index
          %get3A_917 = tpu.vector_load %arg7[%get3A_915, %get3A_916] {strides = array<i32>} : memref<1x1024xf32, #tpu.memory_space<vmem>>, vector<1x16xf32>,
          %get3A_918 = vector.shape_cast %get3A_917 : vector<1x16xf32> to vector<16xf32>
          %get3A_919 = arith.index_cast %scan3A_705 : i32 to index
          %get3A_920 = arith.constant 160 : index
          %get3A_921 = tpu.vector_load %arg10[%get3A_919, %get3A_920] {strides = array<i32>} : memref<16x1024xf32, #tpu.memory_space<vmem>>, vector<1x16xf32>,
          %get3A_922 = vector.shape_cast %get3A_921 : vector<1x16xf32> to vector<16xf32>
          %get3A_923 = arith.index_cast %scan3A_705 : i32 to index
          %get3A_924 = arith.constant 160 : index
          %get3A_925 = tpu.vector_load %arg8[%get3A_923, %get3A_924] {strides = array<i32>} : memref<16x1024xf32, #tpu.memory_space<vmem>>, vector<1x16xf32>,
          %get3A_926 = vector.shape_cast %get3A_925 : vector<1x16xf32> to vector<16xf32>
          %sub3A_927 = arith.subf %get3A_926, %get3A_918 : vector<16xf32>
          %add3A_928 = arith.addf %get3A_922, %sub3A_927 : vector<16xf32>
          %swap3A_929 = arith.index_cast %scan3A_705 : i32 to index
          %swap3A_930 = arith.constant 160 : index
          %swap3A_931 = tpu.vector_load %arg8[%swap3A_929, %swap3A_930] {strides = array<i32>} : memref<16x1024xf32, #tpu.memory_space<vmem>>, vector<1x16xf32>,
          %swap3A_932 = vector.shape_cast %swap3A_931 : vector<1x16xf32> to vector<16xf32>
          %swap3A_933 = vector.shape_cast %add3A_928 : vector<16xf32> to vector<1x16xf32>
          tpu.vector_store %arg8[%swap3A_929, %swap3A_930], %swap3A_933 {strides = array<i32>} : memref<16x1024xf32, #tpu.memory_space<vmem>>, vector<1x16xf32>,
          %get3A_934 = arith.constant 0 : i32
          %get3A_935 = arith.index_cast %get3A_934 : i32 to index
          %get3A_936 = arith.constant 176 : index
          %get3A_937 = tpu.vector_load %arg7[%get3A_935, %get3A_936] {strides = array<i32>} : memref<1x1024xf32, #tpu.memory_space<vmem>>, vector<1x16xf32>,
          %get3A_938 = vector.shape_cast %get3A_937 : vector<1x16xf32> to vector<16xf32>
          %get3A_939 = arith.index_cast %scan3A_705 : i32 to index
          %get3A_940 = arith.constant 176 : index
          %get3A_941 = tpu.vector_load %arg10[%get3A_939, %get3A_940] {strides = array<i32>} : memref<16x1024xf32, #tpu.memory_space<vmem>>, vector<1x16xf32>,
          %get3A_942 = vector.shape_cast %get3A_941 : vector<1x16xf32> to vector<16xf32>
          %get3A_943 = arith.index_cast %scan3A_705 : i32 to index
          %get3A_944 = arith.constant 176 : index
          %get3A_945 = tpu.vector_load %arg8[%get3A_943, %get3A_944] {strides = array<i32>} : memref<16x1024xf32, #tpu.memory_space<vmem>>, vector<1x16xf32>,
          %get3A_946 = vector.shape_cast %get3A_945 : vector<1x16xf32> to vector<16xf32>
          %sub3A_947 = arith.subf %get3A_946, %get3A_938 : vector<16xf32>
          %add3A_948 = arith.addf %get3A_942, %sub3A_947 : vector<16xf32>
          %swap3A_949 = arith.index_cast %scan3A_705 : i32 to index
          %swap3A_950 = arith.constant 176 : index
          %swap3A_951 = tpu.vector_load %arg8[%swap3A_949, %swap3A_950] {strides = array<i32>} : memref<16x1024xf32, #tpu.memory_space<vmem>>, vector<1x16xf32>,
          %swap3A_952 = vector.shape_cast %swap3A_951 : vector<1x16xf32> to vector<16xf32>
          %swap3A_953 = vector.shape_cast %add3A_948 : vector<16xf32> to vector<1x16xf32>
          tpu.vector_store %arg8[%swap3A_949, %swap3A_950], %swap3A_953 {strides = array<i32>} : memref<16x1024xf32, #tpu.memory_space<vmem>>, vector<1x16xf32>,
          %get3A_954 = arith.constant 0 : i32
          %get3A_955 = arith.index_cast %get3A_954 : i32 to index
          %get3A_956 = arith.constant 192 : index
          %get3A_957 = tpu.vector_load %arg7[%get3A_955, %get3A_956] {strides = array<i32>} : memref<1x1024xf32, #tpu.memory_space<vmem>>, vector<1x16xf32>,
          %get3A_958 = vector.shape_cast %get3A_957 : vector<1x16xf32> to vector<16xf32>
          %get3A_959 = arith.index_cast %scan3A_705 : i32 to index
          %get3A_960 = arith.constant 192 : index
          %get3A_961 = tpu.vector_load %arg10[%get3A_959, %get3A_960] {strides = array<i32>} : memref<16x1024xf32, #tpu.memory_space<vmem>>, vector<1x16xf32>,
          %get3A_962 = vector.shape_cast %get3A_961 : vector<1x16xf32> to vector<16xf32>
          %get3A_963 = arith.index_cast %scan3A_705 : i32 to index
          %get3A_964 = arith.constant 192 : index
          %get3A_965 = tpu.vector_load %arg8[%get3A_963, %get3A_964] {strides = array<i32>} : memref<16x1024xf32, #tpu.memory_space<vmem>>, vector<1x16xf32>,
          %get3A_966 = vector.shape_cast %get3A_965 : vector<1x16xf32> to vector<16xf32>
          %sub3A_967 = arith.subf %get3A_966, %get3A_958 : vector<16xf32>
          %add3A_968 = arith.addf %get3A_962, %sub3A_967 : vector<16xf32>
          %swap3A_969 = arith.index_cast %scan3A_705 : i32 to index
          %swap3A_970 = arith.constant 192 : index
          %swap3A_971 = tpu.vector_load %arg8[%swap3A_969, %swap3A_970] {strides = array<i32>} : memref<16x1024xf32, #tpu.memory_space<vmem>>, vector<1x16xf32>,
          %swap3A_972 = vector.shape_cast %swap3A_971 : vector<1x16xf32> to vector<16xf32>
          %swap3A_973 = vector.shape_cast %add3A_968 : vector<16xf32> to vector<1x16xf32>
          tpu.vector_store %arg8[%swap3A_969, %swap3A_970], %swap3A_973 {strides = array<i32>} : memref<16x1024xf32, #tpu.memory_space<vmem>>, vector<1x16xf32>,
          %get3A_974 = arith.constant 0 : i32
          %get3A_975 = arith.index_cast %get3A_974 : i32 to index
          %get3A_976 = arith.constant 208 : index
          %get3A_977 = tpu.vector_load %arg7[%get3A_975, %get3A_976] {strides = array<i32>} : memref<1x1024xf32, #tpu.memory_space<vmem>>, vector<1x16xf32>,
          %get3A_978 = vector.shape_cast %get3A_977 : vector<1x16xf32> to vector<16xf32>
          %get3A_979 = arith.index_cast %scan3A_705 : i32 to index
          %get3A_980 = arith.constant 208 : index
          %get3A_981 = tpu.vector_load %arg10[%get3A_979, %get3A_980] {strides = array<i32>} : memref<16x1024xf32, #tpu.memory_space<vmem>>, vector<1x16xf32>,
          %get3A_982 = vector.shape_cast %get3A_981 : vector<1x16xf32> to vector<16xf32>
          %get3A_983 = arith.index_cast %scan3A_705 : i32 to index
          %get3A_984 = arith.constant 208 : index
          %get3A_985 = tpu.vector_load %arg8[%get3A_983, %get3A_984] {strides = array<i32>} : memref<16x1024xf32, #tpu.memory_space<vmem>>, vector<1x16xf32>,
          %get3A_986 = vector.shape_cast %get3A_985 : vector<1x16xf32> to vector<16xf32>
          %sub3A_987 = arith.subf %get3A_986, %get3A_978 : vector<16xf32>
          %add3A_988 = arith.addf %get3A_982, %sub3A_987 : vector<16xf32>
          %swap3A_989 = arith.index_cast %scan3A_705 : i32 to index
          %swap3A_990 = arith.constant 208 : index
          %swap3A_991 = tpu.vector_load %arg8[%swap3A_989, %swap3A_990] {strides = array<i32>} : memref<16x1024xf32, #tpu.memory_space<vmem>>, vector<1x16xf32>,
          %swap3A_992 = vector.shape_cast %swap3A_991 : vector<1x16xf32> to vector<16xf32>
          %swap3A_993 = vector.shape_cast %add3A_988 : vector<16xf32> to vector<1x16xf32>
          tpu.vector_store %arg8[%swap3A_989, %swap3A_990], %swap3A_993 {strides = array<i32>} : memref<16x1024xf32, #tpu.memory_space<vmem>>, vector<1x16xf32>,
          %get3A_994 = arith.constant 0 : i32
          %get3A_995 = arith.index_cast %get3A_994 : i32 to index
          %get3A_996 = arith.constant 224 : index
          %get3A_997 = tpu.vector_load %arg7[%get3A_995, %get3A_996] {strides = array<i32>} : memref<1x1024xf32, #tpu.memory_space<vmem>>, vector<1x16xf32>,
          %get3A_998 = vector.shape_cast %get3A_997 : vector<1x16xf32> to vector<16xf32>
          %get3A_999 = arith.index_cast %scan3A_705 : i32 to index
          %get3A_1000 = arith.constant 224 : index
          %get3A_1001 = tpu.vector_load %arg10[%get3A_999, %get3A_1000] {strides = array<i32>} : memref<16x1024xf32, #tpu.memory_space<vmem>>, vector<1x16xf32>,
          %get3A_1002 = vector.shape_cast %get3A_1001 : vector<1x16xf32> to vector<16xf32>
          %get3A_1003 = arith.index_cast %scan3A_705 : i32 to index
          %get3A_1004 = arith.constant 224 : index
          %get3A_1005 = tpu.vector_load %arg8[%get3A_1003, %get3A_1004] {strides = array<i32>} : memref<16x1024xf32, #tpu.memory_space<vmem>>, vector<1x16xf32>,
          %get3A_1006 = vector.shape_cast %get3A_1005 : vector<1x16xf32> to vector<16xf32>
          %sub3A_1007 = arith.subf %get3A_1006, %get3A_998 : vector<16xf32>
          %add3A_1008 = arith.addf %get3A_1002, %sub3A_1007 : vector<16xf32>
          %swap3A_1009 = arith.index_cast %scan3A_705 : i32 to index
          %swap3A_1010 = arith.constant 224 : index
          %swap3A_1011 = tpu.vector_load %arg8[%swap3A_1009, %swap3A_1010] {strides = array<i32>} : memref<16x1024xf32, #tpu.memory_space<vmem>>, vector<1x16xf32>,
          %swap3A_1012 = vector.shape_cast %swap3A_1011 : vector<1x16xf32> to vector<16xf32>
          %swap3A_1013 = vector.shape_cast %add3A_1008 : vector<16xf32> to vector<1x16xf32>
          tpu.vector_store %arg8[%swap3A_1009, %swap3A_1010], %swap3A_1013 {strides = array<i32>} : memref<16x1024xf32, #tpu.memory_space<vmem>>, vector<1x16xf32>,
          %get3A_1014 = arith.constant 0 : i32
          %get3A_1015 = arith.index_cast %get3A_1014 : i32 to index
          %get3A_1016 = arith.constant 240 : index
          %get3A_1017 = tpu.vector_load %arg7[%get3A_1015, %get3A_1016] {strides = array<i32>} : memref<1x1024xf32, #tpu.memory_space<vmem>>, vector<1x16xf32>,
          %get3A_1018 = vector.shape_cast %get3A_1017 : vector<1x16xf32> to vector<16xf32>
          %get3A_1019 = arith.index_cast %scan3A_705 : i32 to index
          %get3A_1020 = arith.constant 240 : index
          %get3A_1021 = tpu.vector_load %arg10[%get3A_1019, %get3A_1020] {strides = array<i32>} : memref<16x1024xf32, #tpu.memory_space<vmem>>, vector<1x16xf32>,
          %get3A_1022 = vector.shape_cast %get3A_1021 : vector<1x16xf32> to vector<16xf32>
          %get3A_1023 = arith.index_cast %scan3A_705 : i32 to index
          %get3A_1024 = arith.constant 240 : index
          %get3A_1025 = tpu.vector_load %arg8[%get3A_1023, %get3A_1024] {strides = array<i32>} : memref<16x1024xf32, #tpu.memory_space<vmem>>, vector<1x16xf32>,
          %get3A_1026 = vector.shape_cast %get3A_1025 : vector<1x16xf32> to vector<16xf32>
          %sub3A_1027 = arith.subf %get3A_1026, %get3A_1018 : vector<16xf32>
          %add3A_1028 = arith.addf %get3A_1022, %sub3A_1027 : vector<16xf32>
          %swap3A_1029 = arith.index_cast %scan3A_705 : i32 to index
          %swap3A_1030 = arith.constant 240 : index
          %swap3A_1031 = tpu.vector_load %arg8[%swap3A_1029, %swap3A_1030] {strides = array<i32>} : memref<16x1024xf32, #tpu.memory_space<vmem>>, vector<1x16xf32>,
          %swap3A_1032 = vector.shape_cast %swap3A_1031 : vector<1x16xf32> to vector<16xf32>
          %swap3A_1033 = vector.shape_cast %add3A_1028 : vector<16xf32> to vector<1x16xf32>
          tpu.vector_store %arg8[%swap3A_1029, %swap3A_1030], %swap3A_1033 {strides = array<i32>} : memref<16x1024xf32, #tpu.memory_space<vmem>>, vector<1x16xf32>,
          %get3A_1034 = arith.constant 0 : i32
          %get3A_1035 = arith.index_cast %get3A_1034 : i32 to index
          %get3A_1036 = arith.constant 256 : index
          %get3A_1037 = tpu.vector_load %arg7[%get3A_1035, %get3A_1036] {strides = array<i32>} : memref<1x1024xf32, #tpu.memory_space<vmem>>, vector<1x16xf32>,
          %get3A_1038 = vector.shape_cast %get3A_1037 : vector<1x16xf32> to vector<16xf32>
          %get3A_1039 = arith.index_cast %scan3A_705 : i32 to index
          %get3A_1040 = arith.constant 256 : index
          %get3A_1041 = tpu.vector_load %arg10[%get3A_1039, %get3A_1040] {strides = array<i32>} : memref<16x1024xf32, #tpu.memory_space<vmem>>, vector<1x16xf32>,
          %get3A_1042 = vector.shape_cast %get3A_1041 : vector<1x16xf32> to vector<16xf32>
          %get3A_1043 = arith.index_cast %scan3A_705 : i32 to index
          %get3A_1044 = arith.constant 256 : index
          %get3A_1045 = tpu.vector_load %arg8[%get3A_1043, %get3A_1044] {strides = array<i32>} : memref<16x1024xf32, #tpu.memory_space<vmem>>, vector<1x16xf32>,
          %get3A_1046 = vector.shape_cast %get3A_1045 : vector<1x16xf32> to vector<16xf32>
          %sub3A_1047 = arith.subf %get3A_1046, %get3A_1038 : vector<16xf32>
          %add3A_1048 = arith.addf %get3A_1042, %sub3A_1047 : vector<16xf32>
          %swap3A_1049 = arith.index_cast %scan3A_705 : i32 to index
          %swap3A_1050 = arith.constant 256 : index
          %swap3A_1051 = tpu.vector_load %arg8[%swap3A_1049, %swap3A_1050] {strides = array<i32>} : memref<16x1024xf32, #tpu.memory_space<vmem>>, vector<1x16xf32>,
          %swap3A_1052 = vector.shape_cast %swap3A_1051 : vector<1x16xf32> to vector<16xf32>
          %swap3A_1053 = vector.shape_cast %add3A_1048 : vector<16xf32> to vector<1x16xf32>
          tpu.vector_store %arg8[%swap3A_1049, %swap3A_1050], %swap3A_1053 {strides = array<i32>} : memref<16x1024xf32, #tpu.memory_space<vmem>>, vector<1x16xf32>,
          %get3A_1054 = arith.constant 0 : i32
          %get3A_1055 = arith.index_cast %get3A_1054 : i32 to index
          %get3A_1056 = arith.constant 272 : index
          %get3A_1057 = tpu.vector_load %arg7[%get3A_1055, %get3A_1056] {strides = array<i32>} : memref<1x1024xf32, #tpu.memory_space<vmem>>, vector<1x16xf32>,
          %get3A_1058 = vector.shape_cast %get3A_1057 : vector<1x16xf32> to vector<16xf32>
          %get3A_1059 = arith.index_cast %scan3A_705 : i32 to index
          %get3A_1060 = arith.constant 272 : index
          %get3A_1061 = tpu.vector_load %arg10[%get3A_1059, %get3A_1060] {strides = array<i32>} : memref<16x1024xf32, #tpu.memory_space<vmem>>, vector<1x16xf32>,
          %get3A_1062 = vector.shape_cast %get3A_1061 : vector<1x16xf32> to vector<16xf32>
          %get3A_1063 = arith.index_cast %scan3A_705 : i32 to index
          %get3A_1064 = arith.constant 272 : index
          %get3A_1065 = tpu.vector_load %arg8[%get3A_1063, %get3A_1064] {strides = array<i32>} : memref<16x1024xf32, #tpu.memory_space<vmem>>, vector<1x16xf32>,
          %get3A_1066 = vector.shape_cast %get3A_1065 : vector<1x16xf32> to vector<16xf32>
          %sub3A_1067 = arith.subf %get3A_1066, %get3A_1058 : vector<16xf32>
          %add3A_1068 = arith.addf %get3A_1062, %sub3A_1067 : vector<16xf32>
          %swap3A_1069 = arith.index_cast %scan3A_705 : i32 to index
          %swap3A_1070 = arith.constant 272 : index
          %swap3A_1071 = tpu.vector_load %arg8[%swap3A_1069, %swap3A_1070] {strides = array<i32>} : memref<16x1024xf32, #tpu.memory_space<vmem>>, vector<1x16xf32>,
          %swap3A_1072 = vector.shape_cast %swap3A_1071 : vector<1x16xf32> to vector<16xf32>
          %swap3A_1073 = vector.shape_cast %add3A_1068 : vector<16xf32> to vector<1x16xf32>
          tpu.vector_store %arg8[%swap3A_1069, %swap3A_1070], %swap3A_1073 {strides = array<i32>} : memref<16x1024xf32, #tpu.memory_space<vmem>>, vector<1x16xf32>,
          %get3A_1074 = arith.constant 0 : i32
          %get3A_1075 = arith.index_cast %get3A_1074 : i32 to index
          %get3A_1076 = arith.constant 288 : index
          %get3A_1077 = tpu.vector_load %arg7[%get3A_1075, %get3A_1076] {strides = array<i32>} : memref<1x1024xf32, #tpu.memory_space<vmem>>, vector<1x16xf32>,
          %get3A_1078 = vector.shape_cast %get3A_1077 : vector<1x16xf32> to vector<16xf32>
          %get3A_1079 = arith.index_cast %scan3A_705 : i32 to index
          %get3A_1080 = arith.constant 288 : index
          %get3A_1081 = tpu.vector_load %arg10[%get3A_1079, %get3A_1080] {strides = array<i32>} : memref<16x1024xf32, #tpu.memory_space<vmem>>, vector<1x16xf32>,
          %get3A_1082 = vector.shape_cast %get3A_1081 : vector<1x16xf32> to vector<16xf32>
          %get3A_1083 = arith.index_cast %scan3A_705 : i32 to index
          %get3A_1084 = arith.constant 288 : index
          %get3A_1085 = tpu.vector_load %arg8[%get3A_1083, %get3A_1084] {strides = array<i32>} : memref<16x1024xf32, #tpu.memory_space<vmem>>, vector<1x16xf32>,
          %get3A_1086 = vector.shape_cast %get3A_1085 : vector<1x16xf32> to vector<16xf32>
          %sub3A_1087 = arith.subf %get3A_1086, %get3A_1078 : vector<16xf32>
          %add3A_1088 = arith.addf %get3A_1082, %sub3A_1087 : vector<16xf32>
          %swap3A_1089 = arith.index_cast %scan3A_705 : i32 to index
          %swap3A_1090 = arith.constant 288 : index
          %swap3A_1091 = tpu.vector_load %arg8[%swap3A_1089, %swap3A_1090] {strides = array<i32>} : memref<16x1024xf32, #tpu.memory_space<vmem>>, vector<1x16xf32>,
          %swap3A_1092 = vector.shape_cast %swap3A_1091 : vector<1x16xf32> to vector<16xf32>
          %swap3A_1093 = vector.shape_cast %add3A_1088 : vector<16xf32> to vector<1x16xf32>
          tpu.vector_store %arg8[%swap3A_1089, %swap3A_1090], %swap3A_1093 {strides = array<i32>} : memref<16x1024xf32, #tpu.memory_space<vmem>>, vector<1x16xf32>,
          %get3A_1094 = arith.constant 0 : i32
          %get3A_1095 = arith.index_cast %get3A_1094 : i32 to index
          %get3A_1096 = arith.constant 304 : index
          %get3A_1097 = tpu.vector_load %arg7[%get3A_1095, %get3A_1096] {strides = array<i32>} : memref<1x1024xf32, #tpu.memory_space<vmem>>, vector<1x16xf32>,
          %get3A_1098 = vector.shape_cast %get3A_1097 : vector<1x16xf32> to vector<16xf32>
          %get3A_1099 = arith.index_cast %scan3A_705 : i32 to index
          %get3A_1100 = arith.constant 304 : index
          %get3A_1101 = tpu.vector_load %arg10[%get3A_1099, %get3A_1100] {strides = array<i32>} : memref<16x1024xf32, #tpu.memory_space<vmem>>, vector<1x16xf32>,
          %get3A_1102 = vector.shape_cast %get3A_1101 : vector<1x16xf32> to vector<16xf32>
          %get3A_1103 = arith.index_cast %scan3A_705 : i32 to index
          %get3A_1104 = arith.constant 304 : index
          %get3A_1105 = tpu.vector_load %arg8[%get3A_1103, %get3A_1104] {strides = array<i32>} : memref<16x1024xf32, #tpu.memory_space<vmem>>, vector<1x16xf32>,
          %get3A_1106 = vector.shape_cast %get3A_1105 : vector<1x16xf32> to vector<16xf32>
          %sub3A_1107 = arith.subf %get3A_1106, %get3A_1098 : vector<16xf32>
          %add3A_1108 = arith.addf %get3A_1102, %sub3A_1107 : vector<16xf32>
          %swap3A_1109 = arith.index_cast %scan3A_705 : i32 to index
          %swap3A_1110 = arith.constant 304 : index
          %swap3A_1111 = tpu.vector_load %arg8[%swap3A_1109, %swap3A_1110] {strides = array<i32>} : memref<16x1024xf32, #tpu.memory_space<vmem>>, vector<1x16xf32>,
          %swap3A_1112 = vector.shape_cast %swap3A_1111 : vector<1x16xf32> to vector<16xf32>
          %swap3A_1113 = vector.shape_cast %add3A_1108 : vector<16xf32> to vector<1x16xf32>
          tpu.vector_store %arg8[%swap3A_1109, %swap3A_1110], %swap3A_1113 {strides = array<i32>} : memref<16x1024xf32, #tpu.memory_space<vmem>>, vector<1x16xf32>,
          %get3A_1114 = arith.constant 0 : i32
          %get3A_1115 = arith.index_cast %get3A_1114 : i32 to index
          %get3A_1116 = arith.constant 320 : index
          %get3A_1117 = tpu.vector_load %arg7[%get3A_1115, %get3A_1116] {strides = array<i32>} : memref<1x1024xf32, #tpu.memory_space<vmem>>, vector<1x16xf32>,
          %get3A_1118 = vector.shape_cast %get3A_1117 : vector<1x16xf32> to vector<16xf32>
          %get3A_1119 = arith.index_cast %scan3A_705 : i32 to index
          %get3A_1120 = arith.constant 320 : index
          %get3A_1121 = tpu.vector_load %arg10[%get3A_1119, %get3A_1120] {strides = array<i32>} : memref<16x1024xf32, #tpu.memory_space<vmem>>, vector<1x16xf32>,
          %get3A_1122 = vector.shape_cast %get3A_1121 : vector<1x16xf32> to vector<16xf32>
          %get3A_1123 = arith.index_cast %scan3A_705 : i32 to index
          %get3A_1124 = arith.constant 320 : index
          %get3A_1125 = tpu.vector_load %arg8[%get3A_1123, %get3A_1124] {strides = array<i32>} : memref<16x1024xf32, #tpu.memory_space<vmem>>, vector<1x16xf32>,
          %get3A_1126 = vector.shape_cast %get3A_1125 : vector<1x16xf32> to vector<16xf32>
          %sub3A_1127 = arith.subf %get3A_1126, %get3A_1118 : vector<16xf32>
          %add3A_1128 = arith.addf %get3A_1122, %sub3A_1127 : vector<16xf32>
          %swap3A_1129 = arith.index_cast %scan3A_705 : i32 to index
          %swap3A_1130 = arith.constant 320 : index
          %swap3A_1131 = tpu.vector_load %arg8[%swap3A_1129, %swap3A_1130] {strides = array<i32>} : memref<16x1024xf32, #tpu.memory_space<vmem>>, vector<1x16xf32>,
          %swap3A_1132 = vector.shape_cast %swap3A_1131 : vector<1x16xf32> to vector<16xf32>
          %swap3A_1133 = vector.shape_cast %add3A_1128 : vector<16xf32> to vector<1x16xf32>
          tpu.vector_store %arg8[%swap3A_1129, %swap3A_1130], %swap3A_1133 {strides = array<i32>} : memref<16x1024xf32, #tpu.memory_space<vmem>>, vector<1x16xf32>,
          %get3A_1134 = arith.constant 0 : i32
          %get3A_1135 = arith.index_cast %get3A_1134 : i32 to index
          %get3A_1136 = arith.constant 336 : index
          %get3A_1137 = tpu.vector_load %arg7[%get3A_1135, %get3A_1136] {strides = array<i32>} : memref<1x1024xf32, #tpu.memory_space<vmem>>, vector<1x16xf32>,
          %get3A_1138 = vector.shape_cast %get3A_1137 : vector<1x16xf32> to vector<16xf32>
          %get3A_1139 = arith.index_cast %scan3A_705 : i32 to index
          %get3A_1140 = arith.constant 336 : index
          %get3A_1141 = tpu.vector_load %arg10[%get3A_1139, %get3A_1140] {strides = array<i32>} : memref<16x1024xf32, #tpu.memory_space<vmem>>, vector<1x16xf32>,
          %get3A_1142 = vector.shape_cast %get3A_1141 : vector<1x16xf32> to vector<16xf32>
          %get3A_1143 = arith.index_cast %scan3A_705 : i32 to index
          %get3A_1144 = arith.constant 336 : index
          %get3A_1145 = tpu.vector_load %arg8[%get3A_1143, %get3A_1144] {strides = array<i32>} : memref<16x1024xf32, #tpu.memory_space<vmem>>, vector<1x16xf32>,
          %get3A_1146 = vector.shape_cast %get3A_1145 : vector<1x16xf32> to vector<16xf32>
          %sub3A_1147 = arith.subf %get3A_1146, %get3A_1138 : vector<16xf32>
          %add3A_1148 = arith.addf %get3A_1142, %sub3A_1147 : vector<16xf32>
          %swap3A_1149 = arith.index_cast %scan3A_705 : i32 to index
          %swap3A_1150 = arith.constant 336 : index
          %swap3A_1151 = tpu.vector_load %arg8[%swap3A_1149, %swap3A_1150] {strides = array<i32>} : memref<16x1024xf32, #tpu.memory_space<vmem>>, vector<1x16xf32>,
          %swap3A_1152 = vector.shape_cast %swap3A_1151 : vector<1x16xf32> to vector<16xf32>
          %swap3A_1153 = vector.shape_cast %add3A_1148 : vector<16xf32> to vector<1x16xf32>
          tpu.vector_store %arg8[%swap3A_1149, %swap3A_1150], %swap3A_1153 {strides = array<i32>} : memref<16x1024xf32, #tpu.memory_space<vmem>>, vector<1x16xf32>,
          %get3A_1154 = arith.constant 0 : i32
          %get3A_1155 = arith.index_cast %get3A_1154 : i32 to index
          %get3A_1156 = arith.constant 352 : index
          %get3A_1157 = tpu.vector_load %arg7[%get3A_1155, %get3A_1156] {strides = array<i32>} : memref<1x1024xf32, #tpu.memory_space<vmem>>, vector<1x16xf32>,
          %get3A_1158 = vector.shape_cast %get3A_1157 : vector<1x16xf32> to vector<16xf32>
          %get3A_1159 = arith.index_cast %scan3A_705 : i32 to index
          %get3A_1160 = arith.constant 352 : index
          %get3A_1161 = tpu.vector_load %arg10[%get3A_1159, %get3A_1160] {strides = array<i32>} : memref<16x1024xf32, #tpu.memory_space<vmem>>, vector<1x16xf32>,
          %get3A_1162 = vector.shape_cast %get3A_1161 : vector<1x16xf32> to vector<16xf32>
          %get3A_1163 = arith.index_cast %scan3A_705 : i32 to index
          %get3A_1164 = arith.constant 352 : index
          %get3A_1165 = tpu.vector_load %arg8[%get3A_1163, %get3A_1164] {strides = array<i32>} : memref<16x1024xf32, #tpu.memory_space<vmem>>, vector<1x16xf32>,
          %get3A_1166 = vector.shape_cast %get3A_1165 : vector<1x16xf32> to vector<16xf32>
          %sub3A_1167 = arith.subf %get3A_1166, %get3A_1158 : vector<16xf32>
          %add3A_1168 = arith.addf %get3A_1162, %sub3A_1167 : vector<16xf32>
          %swap3A_1169 = arith.index_cast %scan3A_705 : i32 to index
          %swap3A_1170 = arith.constant 352 : index
          %swap3A_1171 = tpu.vector_load %arg8[%swap3A_1169, %swap3A_1170] {strides = array<i32>} : memref<16x1024xf32, #tpu.memory_space<vmem>>, vector<1x16xf32>,
          %swap3A_1172 = vector.shape_cast %swap3A_1171 : vector<1x16xf32> to vector<16xf32>
          %swap3A_1173 = vector.shape_cast %add3A_1168 : vector<16xf32> to vector<1x16xf32>
          tpu.vector_store %arg8[%swap3A_1169, %swap3A_1170], %swap3A_1173 {strides = array<i32>} : memref<16x1024xf32, #tpu.memory_space<vmem>>, vector<1x16xf32>,
          %get3A_1174 = arith.constant 0 : i32
          %get3A_1175 = arith.index_cast %get3A_1174 : i32 to index
          %get3A_1176 = arith.constant 368 : index
          %get3A_1177 = tpu.vector_load %arg7[%get3A_1175, %get3A_1176] {strides = array<i32>} : memref<1x1024xf32, #tpu.memory_space<vmem>>, vector<1x16xf32>,
          %get3A_1178 = vector.shape_cast %get3A_1177 : vector<1x16xf32> to vector<16xf32>
          %get3A_1179 = arith.index_cast %scan3A_705 : i32 to index
          %get3A_1180 = arith.constant 368 : index
          %get3A_1181 = tpu.vector_load %arg10[%get3A_1179, %get3A_1180] {strides = array<i32>} : memref<16x1024xf32, #tpu.memory_space<vmem>>, vector<1x16xf32>,
          %get3A_1182 = vector.shape_cast %get3A_1181 : vector<1x16xf32> to vector<16xf32>
          %get3A_1183 = arith.index_cast %scan3A_705 : i32 to index
          %get3A_1184 = arith.constant 368 : index
          %get3A_1185 = tpu.vector_load %arg8[%get3A_1183, %get3A_1184] {strides = array<i32>} : memref<16x1024xf32, #tpu.memory_space<vmem>>, vector<1x16xf32>,
          %get3A_1186 = vector.shape_cast %get3A_1185 : vector<1x16xf32> to vector<16xf32>
          %sub3A_1187 = arith.subf %get3A_1186, %get3A_1178 : vector<16xf32>
          %add3A_1188 = arith.addf %get3A_1182, %sub3A_1187 : vector<16xf32>
          %swap3A_1189 = arith.index_cast %scan3A_705 : i32 to index
          %swap3A_1190 = arith.constant 368 : index
          %swap3A_1191 = tpu.vector_load %arg8[%swap3A_1189, %swap3A_1190] {strides = array<i32>} : memref<16x1024xf32, #tpu.memory_space<vmem>>, vector<1x16xf32>,
          %swap3A_1192 = vector.shape_cast %swap3A_1191 : vector<1x16xf32> to vector<16xf32>
          %swap3A_1193 = vector.shape_cast %add3A_1188 : vector<16xf32> to vector<1x16xf32>
          tpu.vector_store %arg8[%swap3A_1189, %swap3A_1190], %swap3A_1193 {strides = array<i32>} : memref<16x1024xf32, #tpu.memory_space<vmem>>, vector<1x16xf32>,
          %get3A_1194 = arith.constant 0 : i32
          %get3A_1195 = arith.index_cast %get3A_1194 : i32 to index
          %get3A_1196 = arith.constant 384 : index
          %get3A_1197 = tpu.vector_load %arg7[%get3A_1195, %get3A_1196] {strides = array<i32>} : memref<1x1024xf32, #tpu.memory_space<vmem>>, vector<1x16xf32>,
          %get3A_1198 = vector.shape_cast %get3A_1197 : vector<1x16xf32> to vector<16xf32>
          %get3A_1199 = arith.index_cast %scan3A_705 : i32 to index
          %get3A_1200 = arith.constant 384 : index
          %get3A_1201 = tpu.vector_load %arg10[%get3A_1199, %get3A_1200] {strides = array<i32>} : memref<16x1024xf32, #tpu.memory_space<vmem>>, vector<1x16xf32>,
          %get3A_1202 = vector.shape_cast %get3A_1201 : vector<1x16xf32> to vector<16xf32>
          %get3A_1203 = arith.index_cast %scan3A_705 : i32 to index
          %get3A_1204 = arith.constant 384 : index
          %get3A_1205 = tpu.vector_load %arg8[%get3A_1203, %get3A_1204] {strides = array<i32>} : memref<16x1024xf32, #tpu.memory_space<vmem>>, vector<1x16xf32>,
          %get3A_1206 = vector.shape_cast %get3A_1205 : vector<1x16xf32> to vector<16xf32>
          %sub3A_1207 = arith.subf %get3A_1206, %get3A_1198 : vector<16xf32>
          %add3A_1208 = arith.addf %get3A_1202, %sub3A_1207 : vector<16xf32>
          %swap3A_1209 = arith.index_cast %scan3A_705 : i32 to index
          %swap3A_1210 = arith.constant 384 : index
          %swap3A_1211 = tpu.vector_load %arg8[%swap3A_1209, %swap3A_1210] {strides = array<i32>} : memref<16x1024xf32, #tpu.memory_space<vmem>>, vector<1x16xf32>,
          %swap3A_1212 = vector.shape_cast %swap3A_1211 : vector<1x16xf32> to vector<16xf32>
          %swap3A_1213 = vector.shape_cast %add3A_1208 : vector<16xf32> to vector<1x16xf32>
          tpu.vector_store %arg8[%swap3A_1209, %swap3A_1210], %swap3A_1213 {strides = array<i32>} : memref<16x1024xf32, #tpu.memory_space<vmem>>, vector<1x16xf32>,
          %get3A_1214 = arith.constant 0 : i32
          %get3A_1215 = arith.index_cast %get3A_1214 : i32 to index
          %get3A_1216 = arith.constant 400 : index
          %get3A_1217 = tpu.vector_load %arg7[%get3A_1215, %get3A_1216] {strides = array<i32>} : memref<1x1024xf32, #tpu.memory_space<vmem>>, vector<1x16xf32>,
          %get3A_1218 = vector.shape_cast %get3A_1217 : vector<1x16xf32> to vector<16xf32>
          %get3A_1219 = arith.index_cast %scan3A_705 : i32 to index
          %get3A_1220 = arith.constant 400 : index
          %get3A_1221 = tpu.vector_load %arg10[%get3A_1219, %get3A_1220] {strides = array<i32>} : memref<16x1024xf32, #tpu.memory_space<vmem>>, vector<1x16xf32>,
          %get3A_1222 = vector.shape_cast %get3A_1221 : vector<1x16xf32> to vector<16xf32>
          %get3A_1223 = arith.index_cast %scan3A_705 : i32 to index
          %get3A_1224 = arith.constant 400 : index
          %get3A_1225 = tpu.vector_load %arg8[%get3A_1223, %get3A_1224] {strides = array<i32>} : memref<16x1024xf32, #tpu.memory_space<vmem>>, vector<1x16xf32>,
          %get3A_1226 = vector.shape_cast %get3A_1225 : vector<1x16xf32> to vector<16xf32>
          %sub3A_1227 = arith.subf %get3A_1226, %get3A_1218 : vector<16xf32>
          %add3A_1228 = arith.addf %get3A_1222, %sub3A_1227 : vector<16xf32>
          %swap3A_1229 = arith.index_cast %scan3A_705 : i32 to index
          %swap3A_1230 = arith.constant 400 : index
          %swap3A_1231 = tpu.vector_load %arg8[%swap3A_1229, %swap3A_1230] {strides = array<i32>} : memref<16x1024xf32, #tpu.memory_space<vmem>>, vector<1x16xf32>,
          %swap3A_1232 = vector.shape_cast %swap3A_1231 : vector<1x16xf32> to vector<16xf32>
          %swap3A_1233 = vector.shape_cast %add3A_1228 : vector<16xf32> to vector<1x16xf32>
          tpu.vector_store %arg8[%swap3A_1229, %swap3A_1230], %swap3A_1233 {strides = array<i32>} : memref<16x1024xf32, #tpu.memory_space<vmem>>, vector<1x16xf32>,
          %get3A_1234 = arith.constant 0 : i32
          %get3A_1235 = arith.index_cast %get3A_1234 : i32 to index
          %get3A_1236 = arith.constant 416 : index
          %get3A_1237 = tpu.vector_load %arg7[%get3A_1235, %get3A_1236] {strides = array<i32>} : memref<1x1024xf32, #tpu.memory_space<vmem>>, vector<1x16xf32>,
          %get3A_1238 = vector.shape_cast %get3A_1237 : vector<1x16xf32> to vector<16xf32>
          %get3A_1239 = arith.index_cast %scan3A_705 : i32 to index
          %get3A_1240 = arith.constant 416 : index
          %get3A_1241 = tpu.vector_load %arg10[%get3A_1239, %get3A_1240] {strides = array<i32>} : memref<16x1024xf32, #tpu.memory_space<vmem>>, vector<1x16xf32>,
          %get3A_1242 = vector.shape_cast %get3A_1241 : vector<1x16xf32> to vector<16xf32>
          %get3A_1243 = arith.index_cast %scan3A_705 : i32 to index
          %get3A_1244 = arith.constant 416 : index
          %get3A_1245 = tpu.vector_load %arg8[%get3A_1243, %get3A_1244] {strides = array<i32>} : memref<16x1024xf32, #tpu.memory_space<vmem>>, vector<1x16xf32>,
          %get3A_1246 = vector.shape_cast %get3A_1245 : vector<1x16xf32> to vector<16xf32>
          %sub3A_1247 = arith.subf %get3A_1246, %get3A_1238 : vector<16xf32>
          %add3A_1248 = arith.addf %get3A_1242, %sub3A_1247 : vector<16xf32>
          %swap3A_1249 = arith.index_cast %scan3A_705 : i32 to index
          %swap3A_1250 = arith.constant 416 : index
          %swap3A_1251 = tpu.vector_load %arg8[%swap3A_1249, %swap3A_1250] {strides = array<i32>} : memref<16x1024xf32, #tpu.memory_space<vmem>>, vector<1x16xf32>,
          %swap3A_1252 = vector.shape_cast %swap3A_1251 : vector<1x16xf32> to vector<16xf32>
          %swap3A_1253 = vector.shape_cast %add3A_1248 : vector<16xf32> to vector<1x16xf32>
          tpu.vector_store %arg8[%swap3A_1249, %swap3A_1250], %swap3A_1253 {strides = array<i32>} : memref<16x1024xf32, #tpu.memory_space<vmem>>, vector<1x16xf32>,
          %get3A_1254 = arith.constant 0 : i32
          %get3A_1255 = arith.index_cast %get3A_1254 : i32 to index
          %get3A_1256 = arith.constant 432 : index
          %get3A_1257 = tpu.vector_load %arg7[%get3A_1255, %get3A_1256] {strides = array<i32>} : memref<1x1024xf32, #tpu.memory_space<vmem>>, vector<1x16xf32>,
          %get3A_1258 = vector.shape_cast %get3A_1257 : vector<1x16xf32> to vector<16xf32>
          %get3A_1259 = arith.index_cast %scan3A_705 : i32 to index
          %get3A_1260 = arith.constant 432 : index
          %get3A_1261 = tpu.vector_load %arg10[%get3A_1259, %get3A_1260] {strides = array<i32>} : memref<16x1024xf32, #tpu.memory_space<vmem>>, vector<1x16xf32>,
          %get3A_1262 = vector.shape_cast %get3A_1261 : vector<1x16xf32> to vector<16xf32>
          %get3A_1263 = arith.index_cast %scan3A_705 : i32 to index
          %get3A_1264 = arith.constant 432 : index
          %get3A_1265 = tpu.vector_load %arg8[%get3A_1263, %get3A_1264] {strides = array<i32>} : memref<16x1024xf32, #tpu.memory_space<vmem>>, vector<1x16xf32>,
          %get3A_1266 = vector.shape_cast %get3A_1265 : vector<1x16xf32> to vector<16xf32>
          %sub3A_1267 = arith.subf %get3A_1266, %get3A_1258 : vector<16xf32>
          %add3A_1268 = arith.addf %get3A_1262, %sub3A_1267 : vector<16xf32>
          %swap3A_1269 = arith.index_cast %scan3A_705 : i32 to index
          %swap3A_1270 = arith.constant 432 : index
          %swap3A_1271 = tpu.vector_load %arg8[%swap3A_1269, %swap3A_1270] {strides = array<i32>} : memref<16x1024xf32, #tpu.memory_space<vmem>>, vector<1x16xf32>,
          %swap3A_1272 = vector.shape_cast %swap3A_1271 : vector<1x16xf32> to vector<16xf32>
          %swap3A_1273 = vector.shape_cast %add3A_1268 : vector<16xf32> to vector<1x16xf32>
          tpu.vector_store %arg8[%swap3A_1269, %swap3A_1270], %swap3A_1273 {strides = array<i32>} : memref<16x1024xf32, #tpu.memory_space<vmem>>, vector<1x16xf32>,
          %get3A_1274 = arith.constant 0 : i32
          %get3A_1275 = arith.index_cast %get3A_1274 : i32 to index
          %get3A_1276 = arith.constant 448 : index
          %get3A_1277 = tpu.vector_load %arg7[%get3A_1275, %get3A_1276] {strides = array<i32>} : memref<1x1024xf32, #tpu.memory_space<vmem>>, vector<1x16xf32>,
          %get3A_1278 = vector.shape_cast %get3A_1277 : vector<1x16xf32> to vector<16xf32>
          %get3A_1279 = arith.index_cast %scan3A_705 : i32 to index
          %get3A_1280 = arith.constant 448 : index
          %get3A_1281 = tpu.vector_load %arg10[%get3A_1279, %get3A_1280] {strides = array<i32>} : memref<16x1024xf32, #tpu.memory_space<vmem>>, vector<1x16xf32>,
          %get3A_1282 = vector.shape_cast %get3A_1281 : vector<1x16xf32> to vector<16xf32>
          %get3A_1283 = arith.index_cast %scan3A_705 : i32 to index
          %get3A_1284 = arith.constant 448 : index
          %get3A_1285 = tpu.vector_load %arg8[%get3A_1283, %get3A_1284] {strides = array<i32>} : memref<16x1024xf32, #tpu.memory_space<vmem>>, vector<1x16xf32>,
          %get3A_1286 = vector.shape_cast %get3A_1285 : vector<1x16xf32> to vector<16xf32>
          %sub3A_1287 = arith.subf %get3A_1286, %get3A_1278 : vector<16xf32>
          %add3A_1288 = arith.addf %get3A_1282, %sub3A_1287 : vector<16xf32>
          %swap3A_1289 = arith.index_cast %scan3A_705 : i32 to index
          %swap3A_1290 = arith.constant 448 : index
          %swap3A_1291 = tpu.vector_load %arg8[%swap3A_1289, %swap3A_1290] {strides = array<i32>} : memref<16x1024xf32, #tpu.memory_space<vmem>>, vector<1x16xf32>,
          %swap3A_1292 = vector.shape_cast %swap3A_1291 : vector<1x16xf32> to vector<16xf32>
          %swap3A_1293 = vector.shape_cast %add3A_1288 : vector<16xf32> to vector<1x16xf32>
          tpu.vector_store %arg8[%swap3A_1289, %swap3A_1290], %swap3A_1293 {strides = array<i32>} : memref<16x1024xf32, #tpu.memory_space<vmem>>, vector<1x16xf32>,
          %get3A_1294 = arith.constant 0 : i32
          %get3A_1295 = arith.index_cast %get3A_1294 : i32 to index
          %get3A_1296 = arith.constant 464 : index
          %get3A_1297 = tpu.vector_load %arg7[%get3A_1295, %get3A_1296] {strides = array<i32>} : memref<1x1024xf32, #tpu.memory_space<vmem>>, vector<1x16xf32>,
          %get3A_1298 = vector.shape_cast %get3A_1297 : vector<1x16xf32> to vector<16xf32>
          %get3A_1299 = arith.index_cast %scan3A_705 : i32 to index
          %get3A_1300 = arith.constant 464 : index
          %get3A_1301 = tpu.vector_load %arg10[%get3A_1299, %get3A_1300] {strides = array<i32>} : memref<16x1024xf32, #tpu.memory_space<vmem>>, vector<1x16xf32>,
          %get3A_1302 = vector.shape_cast %get3A_1301 : vector<1x16xf32> to vector<16xf32>
          %get3A_1303 = arith.index_cast %scan3A_705 : i32 to index
          %get3A_1304 = arith.constant 464 : index
          %get3A_1305 = tpu.vector_load %arg8[%get3A_1303, %get3A_1304] {strides = array<i32>} : memref<16x1024xf32, #tpu.memory_space<vmem>>, vector<1x16xf32>,
          %get3A_1306 = vector.shape_cast %get3A_1305 : vector<1x16xf32> to vector<16xf32>
          %sub3A_1307 = arith.subf %get3A_1306, %get3A_1298 : vector<16xf32>
          %add3A_1308 = arith.addf %get3A_1302, %sub3A_1307 : vector<16xf32>
          %swap3A_1309 = arith.index_cast %scan3A_705 : i32 to index
          %swap3A_1310 = arith.constant 464 : index
          %swap3A_1311 = tpu.vector_load %arg8[%swap3A_1309, %swap3A_1310] {strides = array<i32>} : memref<16x1024xf32, #tpu.memory_space<vmem>>, vector<1x16xf32>,
          %swap3A_1312 = vector.shape_cast %swap3A_1311 : vector<1x16xf32> to vector<16xf32>
          %swap3A_1313 = vector.shape_cast %add3A_1308 : vector<16xf32> to vector<1x16xf32>
          tpu.vector_store %arg8[%swap3A_1309, %swap3A_1310], %swap3A_1313 {strides = array<i32>} : memref<16x1024xf32, #tpu.memory_space<vmem>>, vector<1x16xf32>,
          %get3A_1314 = arith.constant 0 : i32
          %get3A_1315 = arith.index_cast %get3A_1314 : i32 to index
          %get3A_1316 = arith.constant 480 : index
          %get3A_1317 = tpu.vector_load %arg7[%get3A_1315, %get3A_1316] {strides = array<i32>} : memref<1x1024xf32, #tpu.memory_space<vmem>>, vector<1x16xf32>,
          %get3A_1318 = vector.shape_cast %get3A_1317 : vector<1x16xf32> to vector<16xf32>
          %get3A_1319 = arith.index_cast %scan3A_705 : i32 to index
          %get3A_1320 = arith.constant 480 : index
          %get3A_1321 = tpu.vector_load %arg10[%get3A_1319, %get3A_1320] {strides = array<i32>} : memref<16x1024xf32, #tpu.memory_space<vmem>>, vector<1x16xf32>,
          %get3A_1322 = vector.shape_cast %get3A_1321 : vector<1x16xf32> to vector<16xf32>
          %get3A_1323 = arith.index_cast %scan3A_705 : i32 to index
          %get3A_1324 = arith.constant 480 : index
          %get3A_1325 = tpu.vector_load %arg8[%get3A_1323, %get3A_1324] {strides = array<i32>} : memref<16x1024xf32, #tpu.memory_space<vmem>>, vector<1x16xf32>,
          %get3A_1326 = vector.shape_cast %get3A_1325 : vector<1x16xf32> to vector<16xf32>
          %sub3A_1327 = arith.subf %get3A_1326, %get3A_1318 : vector<16xf32>
          %add3A_1328 = arith.addf %get3A_1322, %sub3A_1327 : vector<16xf32>
          %swap3A_1329 = arith.index_cast %scan3A_705 : i32 to index
          %swap3A_1330 = arith.constant 480 : index
          %swap3A_1331 = tpu.vector_load %arg8[%swap3A_1329, %swap3A_1330] {strides = array<i32>} : memref<16x1024xf32, #tpu.memory_space<vmem>>, vector<1x16xf32>,
          %swap3A_1332 = vector.shape_cast %swap3A_1331 : vector<1x16xf32> to vector<16xf32>
          %swap3A_1333 = vector.shape_cast %add3A_1328 : vector<16xf32> to vector<1x16xf32>
          tpu.vector_store %arg8[%swap3A_1329, %swap3A_1330], %swap3A_1333 {strides = array<i32>} : memref<16x1024xf32, #tpu.memory_space<vmem>>, vector<1x16xf32>,
          %get3A_1334 = arith.constant 0 : i32
          %get3A_1335 = arith.index_cast %get3A_1334 : i32 to index
          %get3A_1336 = arith.constant 496 : index
          %get3A_1337 = tpu.vector_load %arg7[%get3A_1335, %get3A_1336] {strides = array<i32>} : memref<1x1024xf32, #tpu.memory_space<vmem>>, vector<1x16xf32>,
          %get3A_1338 = vector.shape_cast %get3A_1337 : vector<1x16xf32> to vector<16xf32>
          %get3A_1339 = arith.index_cast %scan3A_705 : i32 to index
          %get3A_1340 = arith.constant 496 : index
          %get3A_1341 = tpu.vector_load %arg10[%get3A_1339, %get3A_1340] {strides = array<i32>} : memref<16x1024xf32, #tpu.memory_space<vmem>>, vector<1x16xf32>,
          %get3A_1342 = vector.shape_cast %get3A_1341 : vector<1x16xf32> to vector<16xf32>
          %get3A_1343 = arith.index_cast %scan3A_705 : i32 to index
          %get3A_1344 = arith.constant 496 : index
          %get3A_1345 = tpu.vector_load %arg8[%get3A_1343, %get3A_1344] {strides = array<i32>} : memref<16x1024xf32, #tpu.memory_space<vmem>>, vector<1x16xf32>,
          %get3A_1346 = vector.shape_cast %get3A_1345 : vector<1x16xf32> to vector<16xf32>
          %sub3A_1347 = arith.subf %get3A_1346, %get3A_1338 : vector<16xf32>
          %add3A_1348 = arith.addf %get3A_1342, %sub3A_1347 : vector<16xf32>
          %swap3A_1349 = arith.index_cast %scan3A_705 : i32 to index
          %swap3A_1350 = arith.constant 496 : index
          %swap3A_1351 = tpu.vector_load %arg8[%swap3A_1349, %swap3A_1350] {strides = array<i32>} : memref<16x1024xf32, #tpu.memory_space<vmem>>, vector<1x16xf32>,
          %swap3A_1352 = vector.shape_cast %swap3A_1351 : vector<1x16xf32> to vector<16xf32>
          %swap3A_1353 = vector.shape_cast %add3A_1348 : vector<16xf32> to vector<1x16xf32>
          tpu.vector_store %arg8[%swap3A_1349, %swap3A_1350], %swap3A_1353 {strides = array<i32>} : memref<16x1024xf32, #tpu.memory_space<vmem>>, vector<1x16xf32>,
          %get3A_1354 = arith.constant 0 : i32
          %get3A_1355 = arith.index_cast %get3A_1354 : i32 to index
          %get3A_1356 = arith.constant 512 : index
          %get3A_1357 = tpu.vector_load %arg7[%get3A_1355, %get3A_1356] {strides = array<i32>} : memref<1x1024xf32, #tpu.memory_space<vmem>>, vector<1x16xf32>,
          %get3A_1358 = vector.shape_cast %get3A_1357 : vector<1x16xf32> to vector<16xf32>
          %get3A_1359 = arith.index_cast %scan3A_705 : i32 to index
          %get3A_1360 = arith.constant 512 : index
          %get3A_1361 = tpu.vector_load %arg10[%get3A_1359, %get3A_1360] {strides = array<i32>} : memref<16x1024xf32, #tpu.memory_space<vmem>>, vector<1x16xf32>,
          %get3A_1362 = vector.shape_cast %get3A_1361 : vector<1x16xf32> to vector<16xf32>
          %get3A_1363 = arith.index_cast %scan3A_705 : i32 to index
          %get3A_1364 = arith.constant 512 : index
          %get3A_1365 = tpu.vector_load %arg8[%get3A_1363, %get3A_1364] {strides = array<i32>} : memref<16x1024xf32, #tpu.memory_space<vmem>>, vector<1x16xf32>,
          %get3A_1366 = vector.shape_cast %get3A_1365 : vector<1x16xf32> to vector<16xf32>
          %sub3A_1367 = arith.subf %get3A_1366, %get3A_1358 : vector<16xf32>
          %add3A_1368 = arith.addf %get3A_1362, %sub3A_1367 : vector<16xf32>
          %swap3A_1369 = arith.index_cast %scan3A_705 : i32 to index
          %swap3A_1370 = arith.constant 512 : index
          %swap3A_1371 = tpu.vector_load %arg8[%swap3A_1369, %swap3A_1370] {strides = array<i32>} : memref<16x1024xf32, #tpu.memory_space<vmem>>, vector<1x16xf32>,
          %swap3A_1372 = vector.shape_cast %swap3A_1371 : vector<1x16xf32> to vector<16xf32>
          %swap3A_1373 = vector.shape_cast %add3A_1368 : vector<16xf32> to vector<1x16xf32>
          tpu.vector_store %arg8[%swap3A_1369, %swap3A_1370], %swap3A_1373 {strides = array<i32>} : memref<16x1024xf32, #tpu.memory_space<vmem>>, vector<1x16xf32>,
          %get3A_1374 = arith.constant 0 : i32
          %get3A_1375 = arith.index_cast %get3A_1374 : i32 to index
          %get3A_1376 = arith.constant 528 : index
          %get3A_1377 = tpu.vector_load %arg7[%get3A_1375, %get3A_1376] {strides = array<i32>} : memref<1x1024xf32, #tpu.memory_space<vmem>>, vector<1x16xf32>,
          %get3A_1378 = vector.shape_cast %get3A_1377 : vector<1x16xf32> to vector<16xf32>
          %get3A_1379 = arith.index_cast %scan3A_705 : i32 to index
          %get3A_1380 = arith.constant 528 : index
          %get3A_1381 = tpu.vector_load %arg10[%get3A_1379, %get3A_1380] {strides = array<i32>} : memref<16x1024xf32, #tpu.memory_space<vmem>>, vector<1x16xf32>,
          %get3A_1382 = vector.shape_cast %get3A_1381 : vector<1x16xf32> to vector<16xf32>
          %get3A_1383 = arith.index_cast %scan3A_705 : i32 to index
          %get3A_1384 = arith.constant 528 : index
          %get3A_1385 = tpu.vector_load %arg8[%get3A_1383, %get3A_1384] {strides = array<i32>} : memref<16x1024xf32, #tpu.memory_space<vmem>>, vector<1x16xf32>,
          %get3A_1386 = vector.shape_cast %get3A_1385 : vector<1x16xf32> to vector<16xf32>
          %sub3A_1387 = arith.subf %get3A_1386, %get3A_1378 : vector<16xf32>
          %add3A_1388 = arith.addf %get3A_1382, %sub3A_1387 : vector<16xf32>
          %swap3A_1389 = arith.index_cast %scan3A_705 : i32 to index
          %swap3A_1390 = arith.constant 528 : index
          %swap3A_1391 = tpu.vector_load %arg8[%swap3A_1389, %swap3A_1390] {strides = array<i32>} : memref<16x1024xf32, #tpu.memory_space<vmem>>, vector<1x16xf32>,
          %swap3A_1392 = vector.shape_cast %swap3A_1391 : vector<1x16xf32> to vector<16xf32>
          %swap3A_1393 = vector.shape_cast %add3A_1388 : vector<16xf32> to vector<1x16xf32>
          tpu.vector_store %arg8[%swap3A_1389, %swap3A_1390], %swap3A_1393 {strides = array<i32>} : memref<16x1024xf32, #tpu.memory_space<vmem>>, vector<1x16xf32>,
          %get3A_1394 = arith.constant 0 : i32
          %get3A_1395 = arith.index_cast %get3A_1394 : i32 to index
          %get3A_1396 = arith.constant 544 : index
          %get3A_1397 = tpu.vector_load %arg7[%get3A_1395, %get3A_1396] {strides = array<i32>} : memref<1x1024xf32, #tpu.memory_space<vmem>>, vector<1x16xf32>,
          %get3A_1398 = vector.shape_cast %get3A_1397 : vector<1x16xf32> to vector<16xf32>
          %get3A_1399 = arith.index_cast %scan3A_705 : i32 to index
          %get3A_1400 = arith.constant 544 : index
          %get3A_1401 = tpu.vector_load %arg10[%get3A_1399, %get3A_1400] {strides = array<i32>} : memref<16x1024xf32, #tpu.memory_space<vmem>>, vector<1x16xf32>,
          %get3A_1402 = vector.shape_cast %get3A_1401 : vector<1x16xf32> to vector<16xf32>
          %get3A_1403 = arith.index_cast %scan3A_705 : i32 to index
          %get3A_1404 = arith.constant 544 : index
          %get3A_1405 = tpu.vector_load %arg8[%get3A_1403, %get3A_1404] {strides = array<i32>} : memref<16x1024xf32, #tpu.memory_space<vmem>>, vector<1x16xf32>,
          %get3A_1406 = vector.shape_cast %get3A_1405 : vector<1x16xf32> to vector<16xf32>
          %sub3A_1407 = arith.subf %get3A_1406, %get3A_1398 : vector<16xf32>
          %add3A_1408 = arith.addf %get3A_1402, %sub3A_1407 : vector<16xf32>
          %swap3A_1409 = arith.index_cast %scan3A_705 : i32 to index
          %swap3A_1410 = arith.constant 544 : index
          %swap3A_1411 = tpu.vector_load %arg8[%swap3A_1409, %swap3A_1410] {strides = array<i32>} : memref<16x1024xf32, #tpu.memory_space<vmem>>, vector<1x16xf32>,
          %swap3A_1412 = vector.shape_cast %swap3A_1411 : vector<1x16xf32> to vector<16xf32>
          %swap3A_1413 = vector.shape_cast %add3A_1408 : vector<16xf32> to vector<1x16xf32>
          tpu.vector_store %arg8[%swap3A_1409, %swap3A_1410], %swap3A_1413 {strides = array<i32>} : memref<16x1024xf32, #tpu.memory_space<vmem>>, vector<1x16xf32>,
          %get3A_1414 = arith.constant 0 : i32
          %get3A_1415 = arith.index_cast %get3A_1414 : i32 to index
          %get3A_1416 = arith.constant 560 : index
          %get3A_1417 = tpu.vector_load %arg7[%get3A_1415, %get3A_1416] {strides = array<i32>} : memref<1x1024xf32, #tpu.memory_space<vmem>>, vector<1x16xf32>,
          %get3A_1418 = vector.shape_cast %get3A_1417 : vector<1x16xf32> to vector<16xf32>
          %get3A_1419 = arith.index_cast %scan3A_705 : i32 to index
          %get3A_1420 = arith.constant 560 : index
          %get3A_1421 = tpu.vector_load %arg10[%get3A_1419, %get3A_1420] {strides = array<i32>} : memref<16x1024xf32, #tpu.memory_space<vmem>>, vector<1x16xf32>,
          %get3A_1422 = vector.shape_cast %get3A_1421 : vector<1x16xf32> to vector<16xf32>
          %get3A_1423 = arith.index_cast %scan3A_705 : i32 to index
          %get3A_1424 = arith.constant 560 : index
          %get3A_1425 = tpu.vector_load %arg8[%get3A_1423, %get3A_1424] {strides = array<i32>} : memref<16x1024xf32, #tpu.memory_space<vmem>>, vector<1x16xf32>,
          %get3A_1426 = vector.shape_cast %get3A_1425 : vector<1x16xf32> to vector<16xf32>
          %sub3A_1427 = arith.subf %get3A_1426, %get3A_1418 : vector<16xf32>
          %add3A_1428 = arith.addf %get3A_1422, %sub3A_1427 : vector<16xf32>
          %swap3A_1429 = arith.index_cast %scan3A_705 : i32 to index
          %swap3A_1430 = arith.constant 560 : index
          %swap3A_1431 = tpu.vector_load %arg8[%swap3A_1429, %swap3A_1430] {strides = array<i32>} : memref<16x1024xf32, #tpu.memory_space<vmem>>, vector<1x16xf32>,
          %swap3A_1432 = vector.shape_cast %swap3A_1431 : vector<1x16xf32> to vector<16xf32>
          %swap3A_1433 = vector.shape_cast %add3A_1428 : vector<16xf32> to vector<1x16xf32>
          tpu.vector_store %arg8[%swap3A_1429, %swap3A_1430], %swap3A_1433 {strides = array<i32>} : memref<16x1024xf32, #tpu.memory_space<vmem>>, vector<1x16xf32>,
          %get3A_1434 = arith.constant 0 : i32
          %get3A_1435 = arith.index_cast %get3A_1434 : i32 to index
          %get3A_1436 = arith.constant 576 : index
          %get3A_1437 = tpu.vector_load %arg7[%get3A_1435, %get3A_1436] {strides = array<i32>} : memref<1x1024xf32, #tpu.memory_space<vmem>>, vector<1x16xf32>,
          %get3A_1438 = vector.shape_cast %get3A_1437 : vector<1x16xf32> to vector<16xf32>
          %get3A_1439 = arith.index_cast %scan3A_705 : i32 to index
          %get3A_1440 = arith.constant 576 : index
          %get3A_1441 = tpu.vector_load %arg10[%get3A_1439, %get3A_1440] {strides = array<i32>} : memref<16x1024xf32, #tpu.memory_space<vmem>>, vector<1x16xf32>,
          %get3A_1442 = vector.shape_cast %get3A_1441 : vector<1x16xf32> to vector<16xf32>
          %get3A_1443 = arith.index_cast %scan3A_705 : i32 to index
          %get3A_1444 = arith.constant 576 : index
          %get3A_1445 = tpu.vector_load %arg8[%get3A_1443, %get3A_1444] {strides = array<i32>} : memref<16x1024xf32, #tpu.memory_space<vmem>>, vector<1x16xf32>,
          %get3A_1446 = vector.shape_cast %get3A_1445 : vector<1x16xf32> to vector<16xf32>
          %sub3A_1447 = arith.subf %get3A_1446, %get3A_1438 : vector<16xf32>
          %add3A_1448 = arith.addf %get3A_1442, %sub3A_1447 : vector<16xf32>
          %swap3A_1449 = arith.index_cast %scan3A_705 : i32 to index
          %swap3A_1450 = arith.constant 576 : index
          %swap3A_1451 = tpu.vector_load %arg8[%swap3A_1449, %swap3A_1450] {strides = array<i32>} : memref<16x1024xf32, #tpu.memory_space<vmem>>, vector<1x16xf32>,
          %swap3A_1452 = vector.shape_cast %swap3A_1451 : vector<1x16xf32> to vector<16xf32>
          %swap3A_1453 = vector.shape_cast %add3A_1448 : vector<16xf32> to vector<1x16xf32>
          tpu.vector_store %arg8[%swap3A_1449, %swap3A_1450], %swap3A_1453 {strides = array<i32>} : memref<16x1024xf32, #tpu.memory_space<vmem>>, vector<1x16xf32>,
          %get3A_1454 = arith.constant 0 : i32
          %get3A_1455 = arith.index_cast %get3A_1454 : i32 to index
          %get3A_1456 = arith.constant 592 : index
          %get3A_1457 = tpu.vector_load %arg7[%get3A_1455, %get3A_1456] {strides = array<i32>} : memref<1x1024xf32, #tpu.memory_space<vmem>>, vector<1x16xf32>,
          %get3A_1458 = vector.shape_cast %get3A_1457 : vector<1x16xf32> to vector<16xf32>
          %get3A_1459 = arith.index_cast %scan3A_705 : i32 to index
          %get3A_1460 = arith.constant 592 : index
          %get3A_1461 = tpu.vector_load %arg10[%get3A_1459, %get3A_1460] {strides = array<i32>} : memref<16x1024xf32, #tpu.memory_space<vmem>>, vector<1x16xf32>,
          %get3A_1462 = vector.shape_cast %get3A_1461 : vector<1x16xf32> to vector<16xf32>
          %get3A_1463 = arith.index_cast %scan3A_705 : i32 to index
          %get3A_1464 = arith.constant 592 : index
          %get3A_1465 = tpu.vector_load %arg8[%get3A_1463, %get3A_1464] {strides = array<i32>} : memref<16x1024xf32, #tpu.memory_space<vmem>>, vector<1x16xf32>,
          %get3A_1466 = vector.shape_cast %get3A_1465 : vector<1x16xf32> to vector<16xf32>
          %sub3A_1467 = arith.subf %get3A_1466, %get3A_1458 : vector<16xf32>
          %add3A_1468 = arith.addf %get3A_1462, %sub3A_1467 : vector<16xf32>
          %swap3A_1469 = arith.index_cast %scan3A_705 : i32 to index
          %swap3A_1470 = arith.constant 592 : index
          %swap3A_1471 = tpu.vector_load %arg8[%swap3A_1469, %swap3A_1470] {strides = array<i32>} : memref<16x1024xf32, #tpu.memory_space<vmem>>, vector<1x16xf32>,
          %swap3A_1472 = vector.shape_cast %swap3A_1471 : vector<1x16xf32> to vector<16xf32>
          %swap3A_1473 = vector.shape_cast %add3A_1468 : vector<16xf32> to vector<1x16xf32>
          tpu.vector_store %arg8[%swap3A_1469, %swap3A_1470], %swap3A_1473 {strides = array<i32>} : memref<16x1024xf32, #tpu.memory_space<vmem>>, vector<1x16xf32>,
          %get3A_1474 = arith.constant 0 : i32
          %get3A_1475 = arith.index_cast %get3A_1474 : i32 to index
          %get3A_1476 = arith.constant 608 : index
          %get3A_1477 = tpu.vector_load %arg7[%get3A_1475, %get3A_1476] {strides = array<i32>} : memref<1x1024xf32, #tpu.memory_space<vmem>>, vector<1x16xf32>,
          %get3A_1478 = vector.shape_cast %get3A_1477 : vector<1x16xf32> to vector<16xf32>
          %get3A_1479 = arith.index_cast %scan3A_705 : i32 to index
          %get3A_1480 = arith.constant 608 : index
          %get3A_1481 = tpu.vector_load %arg10[%get3A_1479, %get3A_1480] {strides = array<i32>} : memref<16x1024xf32, #tpu.memory_space<vmem>>, vector<1x16xf32>,
          %get3A_1482 = vector.shape_cast %get3A_1481 : vector<1x16xf32> to vector<16xf32>
          %get3A_1483 = arith.index_cast %scan3A_705 : i32 to index
          %get3A_1484 = arith.constant 608 : index
          %get3A_1485 = tpu.vector_load %arg8[%get3A_1483, %get3A_1484] {strides = array<i32>} : memref<16x1024xf32, #tpu.memory_space<vmem>>, vector<1x16xf32>,
          %get3A_1486 = vector.shape_cast %get3A_1485 : vector<1x16xf32> to vector<16xf32>
          %sub3A_1487 = arith.subf %get3A_1486, %get3A_1478 : vector<16xf32>
          %add3A_1488 = arith.addf %get3A_1482, %sub3A_1487 : vector<16xf32>
          %swap3A_1489 = arith.index_cast %scan3A_705 : i32 to index
          %swap3A_1490 = arith.constant 608 : index
          %swap3A_1491 = tpu.vector_load %arg8[%swap3A_1489, %swap3A_1490] {strides = array<i32>} : memref<16x1024xf32, #tpu.memory_space<vmem>>, vector<1x16xf32>,
          %swap3A_1492 = vector.shape_cast %swap3A_1491 : vector<1x16xf32> to vector<16xf32>
          %swap3A_1493 = vector.shape_cast %add3A_1488 : vector<16xf32> to vector<1x16xf32>
          tpu.vector_store %arg8[%swap3A_1489, %swap3A_1490], %swap3A_1493 {strides = array<i32>} : memref<16x1024xf32, #tpu.memory_space<vmem>>, vector<1x16xf32>,
          %get3A_1494 = arith.constant 0 : i32
          %get3A_1495 = arith.index_cast %get3A_1494 : i32 to index
          %get3A_1496 = arith.constant 624 : index
          %get3A_1497 = tpu.vector_load %arg7[%get3A_1495, %get3A_1496] {strides = array<i32>} : memref<1x1024xf32, #tpu.memory_space<vmem>>, vector<1x16xf32>,
          %get3A_1498 = vector.shape_cast %get3A_1497 : vector<1x16xf32> to vector<16xf32>
          %get3A_1499 = arith.index_cast %scan3A_705 : i32 to index
          %get3A_1500 = arith.constant 624 : index
          %get3A_1501 = tpu.vector_load %arg10[%get3A_1499, %get3A_1500] {strides = array<i32>} : memref<16x1024xf32, #tpu.memory_space<vmem>>, vector<1x16xf32>,
          %get3A_1502 = vector.shape_cast %get3A_1501 : vector<1x16xf32> to vector<16xf32>
          %get3A_1503 = arith.index_cast %scan3A_705 : i32 to index
          %get3A_1504 = arith.constant 624 : index
          %get3A_1505 = tpu.vector_load %arg8[%get3A_1503, %get3A_1504] {strides = array<i32>} : memref<16x1024xf32, #tpu.memory_space<vmem>>, vector<1x16xf32>,
          %get3A_1506 = vector.shape_cast %get3A_1505 : vector<1x16xf32> to vector<16xf32>
          %sub3A_1507 = arith.subf %get3A_1506, %get3A_1498 : vector<16xf32>
          %add3A_1508 = arith.addf %get3A_1502, %sub3A_1507 : vector<16xf32>
          %swap3A_1509 = arith.index_cast %scan3A_705 : i32 to index
          %swap3A_1510 = arith.constant 624 : index
          %swap3A_1511 = tpu.vector_load %arg8[%swap3A_1509, %swap3A_1510] {strides = array<i32>} : memref<16x1024xf32, #tpu.memory_space<vmem>>, vector<1x16xf32>,
          %swap3A_1512 = vector.shape_cast %swap3A_1511 : vector<1x16xf32> to vector<16xf32>
          %swap3A_1513 = vector.shape_cast %add3A_1508 : vector<16xf32> to vector<1x16xf32>
          tpu.vector_store %arg8[%swap3A_1509, %swap3A_1510], %swap3A_1513 {strides = array<i32>} : memref<16x1024xf32, #tpu.memory_space<vmem>>, vector<1x16xf32>,
          %get3A_1514 = arith.constant 0 : i32
          %get3A_1515 = arith.index_cast %get3A_1514 : i32 to index
          %get3A_1516 = arith.constant 640 : index
          %get3A_1517 = tpu.vector_load %arg7[%get3A_1515, %get3A_1516] {strides = array<i32>} : memref<1x1024xf32, #tpu.memory_space<vmem>>, vector<1x16xf32>,
          %get3A_1518 = vector.shape_cast %get3A_1517 : vector<1x16xf32> to vector<16xf32>
          %get3A_1519 = arith.index_cast %scan3A_705 : i32 to index
          %get3A_1520 = arith.constant 640 : index
          %get3A_1521 = tpu.vector_load %arg10[%get3A_1519, %get3A_1520] {strides = array<i32>} : memref<16x1024xf32, #tpu.memory_space<vmem>>, vector<1x16xf32>,
          %get3A_1522 = vector.shape_cast %get3A_1521 : vector<1x16xf32> to vector<16xf32>
          %get3A_1523 = arith.index_cast %scan3A_705 : i32 to index
          %get3A_1524 = arith.constant 640 : index
          %get3A_1525 = tpu.vector_load %arg8[%get3A_1523, %get3A_1524] {strides = array<i32>} : memref<16x1024xf32, #tpu.memory_space<vmem>>, vector<1x16xf32>,
          %get3A_1526 = vector.shape_cast %get3A_1525 : vector<1x16xf32> to vector<16xf32>
          %sub3A_1527 = arith.subf %get3A_1526, %get3A_1518 : vector<16xf32>
          %add3A_1528 = arith.addf %get3A_1522, %sub3A_1527 : vector<16xf32>
          %swap3A_1529 = arith.index_cast %scan3A_705 : i32 to index
          %swap3A_1530 = arith.constant 640 : index
          %swap3A_1531 = tpu.vector_load %arg8[%swap3A_1529, %swap3A_1530] {strides = array<i32>} : memref<16x1024xf32, #tpu.memory_space<vmem>>, vector<1x16xf32>,
          %swap3A_1532 = vector.shape_cast %swap3A_1531 : vector<1x16xf32> to vector<16xf32>
          %swap3A_1533 = vector.shape_cast %add3A_1528 : vector<16xf32> to vector<1x16xf32>
          tpu.vector_store %arg8[%swap3A_1529, %swap3A_1530], %swap3A_1533 {strides = array<i32>} : memref<16x1024xf32, #tpu.memory_space<vmem>>, vector<1x16xf32>,
          %get3A_1534 = arith.constant 0 : i32
          %get3A_1535 = arith.index_cast %get3A_1534 : i32 to index
          %get3A_1536 = arith.constant 656 : index
          %get3A_1537 = tpu.vector_load %arg7[%get3A_1535, %get3A_1536] {strides = array<i32>} : memref<1x1024xf32, #tpu.memory_space<vmem>>, vector<1x16xf32>,
          %get3A_1538 = vector.shape_cast %get3A_1537 : vector<1x16xf32> to vector<16xf32>
          %get3A_1539 = arith.index_cast %scan3A_705 : i32 to index
          %get3A_1540 = arith.constant 656 : index
          %get3A_1541 = tpu.vector_load %arg10[%get3A_1539, %get3A_1540] {strides = array<i32>} : memref<16x1024xf32, #tpu.memory_space<vmem>>, vector<1x16xf32>,
          %get3A_1542 = vector.shape_cast %get3A_1541 : vector<1x16xf32> to vector<16xf32>
          %get3A_1543 = arith.index_cast %scan3A_705 : i32 to index
          %get3A_1544 = arith.constant 656 : index
          %get3A_1545 = tpu.vector_load %arg8[%get3A_1543, %get3A_1544] {strides = array<i32>} : memref<16x1024xf32, #tpu.memory_space<vmem>>, vector<1x16xf32>,
          %get3A_1546 = vector.shape_cast %get3A_1545 : vector<1x16xf32> to vector<16xf32>
          %sub3A_1547 = arith.subf %get3A_1546, %get3A_1538 : vector<16xf32>
          %add3A_1548 = arith.addf %get3A_1542, %sub3A_1547 : vector<16xf32>
          %swap3A_1549 = arith.index_cast %scan3A_705 : i32 to index
          %swap3A_1550 = arith.constant 656 : index
          %swap3A_1551 = tpu.vector_load %arg8[%swap3A_1549, %swap3A_1550] {strides = array<i32>} : memref<16x1024xf32, #tpu.memory_space<vmem>>, vector<1x16xf32>,
          %swap3A_1552 = vector.shape_cast %swap3A_1551 : vector<1x16xf32> to vector<16xf32>
          %swap3A_1553 = vector.shape_cast %add3A_1548 : vector<16xf32> to vector<1x16xf32>
          tpu.vector_store %arg8[%swap3A_1549, %swap3A_1550], %swap3A_1553 {strides = array<i32>} : memref<16x1024xf32, #tpu.memory_space<vmem>>, vector<1x16xf32>,
          %get3A_1554 = arith.constant 0 : i32
          %get3A_1555 = arith.index_cast %get3A_1554 : i32 to index
          %get3A_1556 = arith.constant 672 : index
          %get3A_1557 = tpu.vector_load %arg7[%get3A_1555, %get3A_1556] {strides = array<i32>} : memref<1x1024xf32, #tpu.memory_space<vmem>>, vector<1x16xf32>,
          %get3A_1558 = vector.shape_cast %get3A_1557 : vector<1x16xf32> to vector<16xf32>
          %get3A_1559 = arith.index_cast %scan3A_705 : i32 to index
          %get3A_1560 = arith.constant 672 : index
          %get3A_1561 = tpu.vector_load %arg10[%get3A_1559, %get3A_1560] {strides = array<i32>} : memref<16x1024xf32, #tpu.memory_space<vmem>>, vector<1x16xf32>,
          %get3A_1562 = vector.shape_cast %get3A_1561 : vector<1x16xf32> to vector<16xf32>
          %get3A_1563 = arith.index_cast %scan3A_705 : i32 to index
          %get3A_1564 = arith.constant 672 : index
          %get3A_1565 = tpu.vector_load %arg8[%get3A_1563, %get3A_1564] {strides = array<i32>} : memref<16x1024xf32, #tpu.memory_space<vmem>>, vector<1x16xf32>,
          %get3A_1566 = vector.shape_cast %get3A_1565 : vector<1x16xf32> to vector<16xf32>
          %sub3A_1567 = arith.subf %get3A_1566, %get3A_1558 : vector<16xf32>
          %add3A_1568 = arith.addf %get3A_1562, %sub3A_1567 : vector<16xf32>
          %swap3A_1569 = arith.index_cast %scan3A_705 : i32 to index
          %swap3A_1570 = arith.constant 672 : index
          %swap3A_1571 = tpu.vector_load %arg8[%swap3A_1569, %swap3A_1570] {strides = array<i32>} : memref<16x1024xf32, #tpu.memory_space<vmem>>, vector<1x16xf32>,
          %swap3A_1572 = vector.shape_cast %swap3A_1571 : vector<1x16xf32> to vector<16xf32>
          %swap3A_1573 = vector.shape_cast %add3A_1568 : vector<16xf32> to vector<1x16xf32>
          tpu.vector_store %arg8[%swap3A_1569, %swap3A_1570], %swap3A_1573 {strides = array<i32>} : memref<16x1024xf32, #tpu.memory_space<vmem>>, vector<1x16xf32>,
          %get3A_1574 = arith.constant 0 : i32
          %get3A_1575 = arith.index_cast %get3A_1574 : i32 to index
          %get3A_1576 = arith.constant 688 : index
          %get3A_1577 = tpu.vector_load %arg7[%get3A_1575, %get3A_1576] {strides = array<i32>} : memref<1x1024xf32, #tpu.memory_space<vmem>>, vector<1x16xf32>,
          %get3A_1578 = vector.shape_cast %get3A_1577 : vector<1x16xf32> to vector<16xf32>
          %get3A_1579 = arith.index_cast %scan3A_705 : i32 to index
          %get3A_1580 = arith.constant 688 : index
          %get3A_1581 = tpu.vector_load %arg10[%get3A_1579, %get3A_1580] {strides = array<i32>} : memref<16x1024xf32, #tpu.memory_space<vmem>>, vector<1x16xf32>,
          %get3A_1582 = vector.shape_cast %get3A_1581 : vector<1x16xf32> to vector<16xf32>
          %get3A_1583 = arith.index_cast %scan3A_705 : i32 to index
          %get3A_1584 = arith.constant 688 : index
          %get3A_1585 = tpu.vector_load %arg8[%get3A_1583, %get3A_1584] {strides = array<i32>} : memref<16x1024xf32, #tpu.memory_space<vmem>>, vector<1x16xf32>,
          %get3A_1586 = vector.shape_cast %get3A_1585 : vector<1x16xf32> to vector<16xf32>
          %sub3A_1587 = arith.subf %get3A_1586, %get3A_1578 : vector<16xf32>
          %add3A_1588 = arith.addf %get3A_1582, %sub3A_1587 : vector<16xf32>
          %swap3A_1589 = arith.index_cast %scan3A_705 : i32 to index
          %swap3A_1590 = arith.constant 688 : index
          %swap3A_1591 = tpu.vector_load %arg8[%swap3A_1589, %swap3A_1590] {strides = array<i32>} : memref<16x1024xf32, #tpu.memory_space<vmem>>, vector<1x16xf32>,
          %swap3A_1592 = vector.shape_cast %swap3A_1591 : vector<1x16xf32> to vector<16xf32>
          %swap3A_1593 = vector.shape_cast %add3A_1588 : vector<16xf32> to vector<1x16xf32>
          tpu.vector_store %arg8[%swap3A_1589, %swap3A_1590], %swap3A_1593 {strides = array<i32>} : memref<16x1024xf32, #tpu.memory_space<vmem>>, vector<1x16xf32>,
          %get3A_1594 = arith.constant 0 : i32
          %get3A_1595 = arith.index_cast %get3A_1594 : i32 to index
          %get3A_1596 = arith.constant 704 : index
          %get3A_1597 = tpu.vector_load %arg7[%get3A_1595, %get3A_1596] {strides = array<i32>} : memref<1x1024xf32, #tpu.memory_space<vmem>>, vector<1x16xf32>,
          %get3A_1598 = vector.shape_cast %get3A_1597 : vector<1x16xf32> to vector<16xf32>
          %get3A_1599 = arith.index_cast %scan3A_705 : i32 to index
          %get3A_1600 = arith.constant 704 : index
          %get3A_1601 = tpu.vector_load %arg10[%get3A_1599, %get3A_1600] {strides = array<i32>} : memref<16x1024xf32, #tpu.memory_space<vmem>>, vector<1x16xf32>,
          %get3A_1602 = vector.shape_cast %get3A_1601 : vector<1x16xf32> to vector<16xf32>
          %get3A_1603 = arith.index_cast %scan3A_705 : i32 to index
          %get3A_1604 = arith.constant 704 : index
          %get3A_1605 = tpu.vector_load %arg8[%get3A_1603, %get3A_1604] {strides = array<i32>} : memref<16x1024xf32, #tpu.memory_space<vmem>>, vector<1x16xf32>,
          %get3A_1606 = vector.shape_cast %get3A_1605 : vector<1x16xf32> to vector<16xf32>
          %sub3A_1607 = arith.subf %get3A_1606, %get3A_1598 : vector<16xf32>
          %add3A_1608 = arith.addf %get3A_1602, %sub3A_1607 : vector<16xf32>
          %swap3A_1609 = arith.index_cast %scan3A_705 : i32 to index
          %swap3A_1610 = arith.constant 704 : index
          %swap3A_1611 = tpu.vector_load %arg8[%swap3A_1609, %swap3A_1610] {strides = array<i32>} : memref<16x1024xf32, #tpu.memory_space<vmem>>, vector<1x16xf32>,
          %swap3A_1612 = vector.shape_cast %swap3A_1611 : vector<1x16xf32> to vector<16xf32>
          %swap3A_1613 = vector.shape_cast %add3A_1608 : vector<16xf32> to vector<1x16xf32>
          tpu.vector_store %arg8[%swap3A_1609, %swap3A_1610], %swap3A_1613 {strides = array<i32>} : memref<16x1024xf32, #tpu.memory_space<vmem>>, vector<1x16xf32>,
          %get3A_1614 = arith.constant 0 : i32
          %get3A_1615 = arith.index_cast %get3A_1614 : i32 to index
          %get3A_1616 = arith.constant 720 : index
          %get3A_1617 = tpu.vector_load %arg7[%get3A_1615, %get3A_1616] {strides = array<i32>} : memref<1x1024xf32, #tpu.memory_space<vmem>>, vector<1x16xf32>,
          %get3A_1618 = vector.shape_cast %get3A_1617 : vector<1x16xf32> to vector<16xf32>
          %get3A_1619 = arith.index_cast %scan3A_705 : i32 to index
          %get3A_1620 = arith.constant 720 : index
          %get3A_1621 = tpu.vector_load %arg10[%get3A_1619, %get3A_1620] {strides = array<i32>} : memref<16x1024xf32, #tpu.memory_space<vmem>>, vector<1x16xf32>,
          %get3A_1622 = vector.shape_cast %get3A_1621 : vector<1x16xf32> to vector<16xf32>
          %get3A_1623 = arith.index_cast %scan3A_705 : i32 to index
          %get3A_1624 = arith.constant 720 : index
          %get3A_1625 = tpu.vector_load %arg8[%get3A_1623, %get3A_1624] {strides = array<i32>} : memref<16x1024xf32, #tpu.memory_space<vmem>>, vector<1x16xf32>,
          %get3A_1626 = vector.shape_cast %get3A_1625 : vector<1x16xf32> to vector<16xf32>
          %sub3A_1627 = arith.subf %get3A_1626, %get3A_1618 : vector<16xf32>
          %add3A_1628 = arith.addf %get3A_1622, %sub3A_1627 : vector<16xf32>
          %swap3A_1629 = arith.index_cast %scan3A_705 : i32 to index
          %swap3A_1630 = arith.constant 720 : index
          %swap3A_1631 = tpu.vector_load %arg8[%swap3A_1629, %swap3A_1630] {strides = array<i32>} : memref<16x1024xf32, #tpu.memory_space<vmem>>, vector<1x16xf32>,
          %swap3A_1632 = vector.shape_cast %swap3A_1631 : vector<1x16xf32> to vector<16xf32>
          %swap3A_1633 = vector.shape_cast %add3A_1628 : vector<16xf32> to vector<1x16xf32>
          tpu.vector_store %arg8[%swap3A_1629, %swap3A_1630], %swap3A_1633 {strides = array<i32>} : memref<16x1024xf32, #tpu.memory_space<vmem>>, vector<1x16xf32>,
          %get3A_1634 = arith.constant 0 : i32
          %get3A_1635 = arith.index_cast %get3A_1634 : i32 to index
          %get3A_1636 = arith.constant 736 : index
          %get3A_1637 = tpu.vector_load %arg7[%get3A_1635, %get3A_1636] {strides = array<i32>} : memref<1x1024xf32, #tpu.memory_space<vmem>>, vector<1x16xf32>,
          %get3A_1638 = vector.shape_cast %get3A_1637 : vector<1x16xf32> to vector<16xf32>
          %get3A_1639 = arith.index_cast %scan3A_705 : i32 to index
          %get3A_1640 = arith.constant 736 : index
          %get3A_1641 = tpu.vector_load %arg10[%get3A_1639, %get3A_1640] {strides = array<i32>} : memref<16x1024xf32, #tpu.memory_space<vmem>>, vector<1x16xf32>,
          %get3A_1642 = vector.shape_cast %get3A_1641 : vector<1x16xf32> to vector<16xf32>
          %get3A_1643 = arith.index_cast %scan3A_705 : i32 to index
          %get3A_1644 = arith.constant 736 : index
          %get3A_1645 = tpu.vector_load %arg8[%get3A_1643, %get3A_1644] {strides = array<i32>} : memref<16x1024xf32, #tpu.memory_space<vmem>>, vector<1x16xf32>,
          %get3A_1646 = vector.shape_cast %get3A_1645 : vector<1x16xf32> to vector<16xf32>
          %sub3A_1647 = arith.subf %get3A_1646, %get3A_1638 : vector<16xf32>
          %add3A_1648 = arith.addf %get3A_1642, %sub3A_1647 : vector<16xf32>
          %swap3A_1649 = arith.index_cast %scan3A_705 : i32 to index
          %swap3A_1650 = arith.constant 736 : index
          %swap3A_1651 = tpu.vector_load %arg8[%swap3A_1649, %swap3A_1650] {strides = array<i32>} : memref<16x1024xf32, #tpu.memory_space<vmem>>, vector<1x16xf32>,
          %swap3A_1652 = vector.shape_cast %swap3A_1651 : vector<1x16xf32> to vector<16xf32>
          %swap3A_1653 = vector.shape_cast %add3A_1648 : vector<16xf32> to vector<1x16xf32>
          tpu.vector_store %arg8[%swap3A_1649, %swap3A_1650], %swap3A_1653 {strides = array<i32>} : memref<16x1024xf32, #tpu.memory_space<vmem>>, vector<1x16xf32>,
          %get3A_1654 = arith.constant 0 : i32
          %get3A_1655 = arith.index_cast %get3A_1654 : i32 to index
          %get3A_1656 = arith.constant 752 : index
          %get3A_1657 = tpu.vector_load %arg7[%get3A_1655, %get3A_1656] {strides = array<i32>} : memref<1x1024xf32, #tpu.memory_space<vmem>>, vector<1x16xf32>,
          %get3A_1658 = vector.shape_cast %get3A_1657 : vector<1x16xf32> to vector<16xf32>
          %get3A_1659 = arith.index_cast %scan3A_705 : i32 to index
          %get3A_1660 = arith.constant 752 : index
          %get3A_1661 = tpu.vector_load %arg10[%get3A_1659, %get3A_1660] {strides = array<i32>} : memref<16x1024xf32, #tpu.memory_space<vmem>>, vector<1x16xf32>,
          %get3A_1662 = vector.shape_cast %get3A_1661 : vector<1x16xf32> to vector<16xf32>
          %get3A_1663 = arith.index_cast %scan3A_705 : i32 to index
          %get3A_1664 = arith.constant 752 : index
          %get3A_1665 = tpu.vector_load %arg8[%get3A_1663, %get3A_1664] {strides = array<i32>} : memref<16x1024xf32, #tpu.memory_space<vmem>>, vector<1x16xf32>,
          %get3A_1666 = vector.shape_cast %get3A_1665 : vector<1x16xf32> to vector<16xf32>
          %sub3A_1667 = arith.subf %get3A_1666, %get3A_1658 : vector<16xf32>
          %add3A_1668 = arith.addf %get3A_1662, %sub3A_1667 : vector<16xf32>
          %swap3A_1669 = arith.index_cast %scan3A_705 : i32 to index
          %swap3A_1670 = arith.constant 752 : index
          %swap3A_1671 = tpu.vector_load %arg8[%swap3A_1669, %swap3A_1670] {strides = array<i32>} : memref<16x1024xf32, #tpu.memory_space<vmem>>, vector<1x16xf32>,
          %swap3A_1672 = vector.shape_cast %swap3A_1671 : vector<1x16xf32> to vector<16xf32>
          %swap3A_1673 = vector.shape_cast %add3A_1668 : vector<16xf32> to vector<1x16xf32>
          tpu.vector_store %arg8[%swap3A_1669, %swap3A_1670], %swap3A_1673 {strides = array<i32>} : memref<16x1024xf32, #tpu.memory_space<vmem>>, vector<1x16xf32>,
          %get3A_1674 = arith.constant 0 : i32
          %get3A_1675 = arith.index_cast %get3A_1674 : i32 to index
          %get3A_1676 = arith.constant 768 : index
          %get3A_1677 = tpu.vector_load %arg7[%get3A_1675, %get3A_1676] {strides = array<i32>} : memref<1x1024xf32, #tpu.memory_space<vmem>>, vector<1x16xf32>,
          %get3A_1678 = vector.shape_cast %get3A_1677 : vector<1x16xf32> to vector<16xf32>
          %get3A_1679 = arith.index_cast %scan3A_705 : i32 to index
          %get3A_1680 = arith.constant 768 : index
          %get3A_1681 = tpu.vector_load %arg10[%get3A_1679, %get3A_1680] {strides = array<i32>} : memref<16x1024xf32, #tpu.memory_space<vmem>>, vector<1x16xf32>,
          %get3A_1682 = vector.shape_cast %get3A_1681 : vector<1x16xf32> to vector<16xf32>
          %get3A_1683 = arith.index_cast %scan3A_705 : i32 to index
          %get3A_1684 = arith.constant 768 : index
          %get3A_1685 = tpu.vector_load %arg8[%get3A_1683, %get3A_1684] {strides = array<i32>} : memref<16x1024xf32, #tpu.memory_space<vmem>>, vector<1x16xf32>,
          %get3A_1686 = vector.shape_cast %get3A_1685 : vector<1x16xf32> to vector<16xf32>
          %sub3A_1687 = arith.subf %get3A_1686, %get3A_1678 : vector<16xf32>
          %add3A_1688 = arith.addf %get3A_1682, %sub3A_1687 : vector<16xf32>
          %swap3A_1689 = arith.index_cast %scan3A_705 : i32 to index
          %swap3A_1690 = arith.constant 768 : index
          %swap3A_1691 = tpu.vector_load %arg8[%swap3A_1689, %swap3A_1690] {strides = array<i32>} : memref<16x1024xf32, #tpu.memory_space<vmem>>, vector<1x16xf32>,
          %swap3A_1692 = vector.shape_cast %swap3A_1691 : vector<1x16xf32> to vector<16xf32>
          %swap3A_1693 = vector.shape_cast %add3A_1688 : vector<16xf32> to vector<1x16xf32>
          tpu.vector_store %arg8[%swap3A_1689, %swap3A_1690], %swap3A_1693 {strides = array<i32>} : memref<16x1024xf32, #tpu.memory_space<vmem>>, vector<1x16xf32>,
          %get3A_1694 = arith.constant 0 : i32
          %get3A_1695 = arith.index_cast %get3A_1694 : i32 to index
          %get3A_1696 = arith.constant 784 : index
          %get3A_1697 = tpu.vector_load %arg7[%get3A_1695, %get3A_1696] {strides = array<i32>} : memref<1x1024xf32, #tpu.memory_space<vmem>>, vector<1x16xf32>,
          %get3A_1698 = vector.shape_cast %get3A_1697 : vector<1x16xf32> to vector<16xf32>
          %get3A_1699 = arith.index_cast %scan3A_705 : i32 to index
          %get3A_1700 = arith.constant 784 : index
          %get3A_1701 = tpu.vector_load %arg10[%get3A_1699, %get3A_1700] {strides = array<i32>} : memref<16x1024xf32, #tpu.memory_space<vmem>>, vector<1x16xf32>,
          %get3A_1702 = vector.shape_cast %get3A_1701 : vector<1x16xf32> to vector<16xf32>
          %get3A_1703 = arith.index_cast %scan3A_705 : i32 to index
          %get3A_1704 = arith.constant 784 : index
          %get3A_1705 = tpu.vector_load %arg8[%get3A_1703, %get3A_1704] {strides = array<i32>} : memref<16x1024xf32, #tpu.memory_space<vmem>>, vector<1x16xf32>,
          %get3A_1706 = vector.shape_cast %get3A_1705 : vector<1x16xf32> to vector<16xf32>
          %sub3A_1707 = arith.subf %get3A_1706, %get3A_1698 : vector<16xf32>
          %add3A_1708 = arith.addf %get3A_1702, %sub3A_1707 : vector<16xf32>
          %swap3A_1709 = arith.index_cast %scan3A_705 : i32 to index
          %swap3A_1710 = arith.constant 784 : index
          %swap3A_1711 = tpu.vector_load %arg8[%swap3A_1709, %swap3A_1710] {strides = array<i32>} : memref<16x1024xf32, #tpu.memory_space<vmem>>, vector<1x16xf32>,
          %swap3A_1712 = vector.shape_cast %swap3A_1711 : vector<1x16xf32> to vector<16xf32>
          %swap3A_1713 = vector.shape_cast %add3A_1708 : vector<16xf32> to vector<1x16xf32>
          tpu.vector_store %arg8[%swap3A_1709, %swap3A_1710], %swap3A_1713 {strides = array<i32>} : memref<16x1024xf32, #tpu.memory_space<vmem>>, vector<1x16xf32>,
          %get3A_1714 = arith.constant 0 : i32
          %get3A_1715 = arith.index_cast %get3A_1714 : i32 to index
          %get3A_1716 = arith.constant 800 : index
          %get3A_1717 = tpu.vector_load %arg7[%get3A_1715, %get3A_1716] {strides = array<i32>} : memref<1x1024xf32, #tpu.memory_space<vmem>>, vector<1x16xf32>,
          %get3A_1718 = vector.shape_cast %get3A_1717 : vector<1x16xf32> to vector<16xf32>
          %get3A_1719 = arith.index_cast %scan3A_705 : i32 to index
          %get3A_1720 = arith.constant 800 : index
          %get3A_1721 = tpu.vector_load %arg10[%get3A_1719, %get3A_1720] {strides = array<i32>} : memref<16x1024xf32, #tpu.memory_space<vmem>>, vector<1x16xf32>,
          %get3A_1722 = vector.shape_cast %get3A_1721 : vector<1x16xf32> to vector<16xf32>
          %get3A_1723 = arith.index_cast %scan3A_705 : i32 to index
          %get3A_1724 = arith.constant 800 : index
          %get3A_1725 = tpu.vector_load %arg8[%get3A_1723, %get3A_1724] {strides = array<i32>} : memref<16x1024xf32, #tpu.memory_space<vmem>>, vector<1x16xf32>,
          %get3A_1726 = vector.shape_cast %get3A_1725 : vector<1x16xf32> to vector<16xf32>
          %sub3A_1727 = arith.subf %get3A_1726, %get3A_1718 : vector<16xf32>
          %add3A_1728 = arith.addf %get3A_1722, %sub3A_1727 : vector<16xf32>
          %swap3A_1729 = arith.index_cast %scan3A_705 : i32 to index
          %swap3A_1730 = arith.constant 800 : index
          %swap3A_1731 = tpu.vector_load %arg8[%swap3A_1729, %swap3A_1730] {strides = array<i32>} : memref<16x1024xf32, #tpu.memory_space<vmem>>, vector<1x16xf32>,
          %swap3A_1732 = vector.shape_cast %swap3A_1731 : vector<1x16xf32> to vector<16xf32>
          %swap3A_1733 = vector.shape_cast %add3A_1728 : vector<16xf32> to vector<1x16xf32>
          tpu.vector_store %arg8[%swap3A_1729, %swap3A_1730], %swap3A_1733 {strides = array<i32>} : memref<16x1024xf32, #tpu.memory_space<vmem>>, vector<1x16xf32>,
          %get3A_1734 = arith.constant 0 : i32
          %get3A_1735 = arith.index_cast %get3A_1734 : i32 to index
          %get3A_1736 = arith.constant 816 : index
          %get3A_1737 = tpu.vector_load %arg7[%get3A_1735, %get3A_1736] {strides = array<i32>} : memref<1x1024xf32, #tpu.memory_space<vmem>>, vector<1x16xf32>,
          %get3A_1738 = vector.shape_cast %get3A_1737 : vector<1x16xf32> to vector<16xf32>
          %get3A_1739 = arith.index_cast %scan3A_705 : i32 to index
          %get3A_1740 = arith.constant 816 : index
          %get3A_1741 = tpu.vector_load %arg10[%get3A_1739, %get3A_1740] {strides = array<i32>} : memref<16x1024xf32, #tpu.memory_space<vmem>>, vector<1x16xf32>,
          %get3A_1742 = vector.shape_cast %get3A_1741 : vector<1x16xf32> to vector<16xf32>
          %get3A_1743 = arith.index_cast %scan3A_705 : i32 to index
          %get3A_1744 = arith.constant 816 : index
          %get3A_1745 = tpu.vector_load %arg8[%get3A_1743, %get3A_1744] {strides = array<i32>} : memref<16x1024xf32, #tpu.memory_space<vmem>>, vector<1x16xf32>,
          %get3A_1746 = vector.shape_cast %get3A_1745 : vector<1x16xf32> to vector<16xf32>
          %sub3A_1747 = arith.subf %get3A_1746, %get3A_1738 : vector<16xf32>
          %add3A_1748 = arith.addf %get3A_1742, %sub3A_1747 : vector<16xf32>
          %swap3A_1749 = arith.index_cast %scan3A_705 : i32 to index
          %swap3A_1750 = arith.constant 816 : index
          %swap3A_1751 = tpu.vector_load %arg8[%swap3A_1749, %swap3A_1750] {strides = array<i32>} : memref<16x1024xf32, #tpu.memory_space<vmem>>, vector<1x16xf32>,
          %swap3A_1752 = vector.shape_cast %swap3A_1751 : vector<1x16xf32> to vector<16xf32>
          %swap3A_1753 = vector.shape_cast %add3A_1748 : vector<16xf32> to vector<1x16xf32>
          tpu.vector_store %arg8[%swap3A_1749, %swap3A_1750], %swap3A_1753 {strides = array<i32>} : memref<16x1024xf32, #tpu.memory_space<vmem>>, vector<1x16xf32>,
          %get3A_1754 = arith.constant 0 : i32
          %get3A_1755 = arith.index_cast %get3A_1754 : i32 to index
          %get3A_1756 = arith.constant 832 : index
          %get3A_1757 = tpu.vector_load %arg7[%get3A_1755, %get3A_1756] {strides = array<i32>} : memref<1x1024xf32, #tpu.memory_space<vmem>>, vector<1x16xf32>,
          %get3A_1758 = vector.shape_cast %get3A_1757 : vector<1x16xf32> to vector<16xf32>
          %get3A_1759 = arith.index_cast %scan3A_705 : i32 to index
          %get3A_1760 = arith.constant 832 : index
          %get3A_1761 = tpu.vector_load %arg10[%get3A_1759, %get3A_1760] {strides = array<i32>} : memref<16x1024xf32, #tpu.memory_space<vmem>>, vector<1x16xf32>,
          %get3A_1762 = vector.shape_cast %get3A_1761 : vector<1x16xf32> to vector<16xf32>
          %get3A_1763 = arith.index_cast %scan3A_705 : i32 to index
          %get3A_1764 = arith.constant 832 : index
          %get3A_1765 = tpu.vector_load %arg8[%get3A_1763, %get3A_1764] {strides = array<i32>} : memref<16x1024xf32, #tpu.memory_space<vmem>>, vector<1x16xf32>,
          %get3A_1766 = vector.shape_cast %get3A_1765 : vector<1x16xf32> to vector<16xf32>
          %sub3A_1767 = arith.subf %get3A_1766, %get3A_1758 : vector<16xf32>
          %add3A_1768 = arith.addf %get3A_1762, %sub3A_1767 : vector<16xf32>
          %swap3A_1769 = arith.index_cast %scan3A_705 : i32 to index
          %swap3A_1770 = arith.constant 832 : index
          %swap3A_1771 = tpu.vector_load %arg8[%swap3A_1769, %swap3A_1770] {strides = array<i32>} : memref<16x1024xf32, #tpu.memory_space<vmem>>, vector<1x16xf32>,
          %swap3A_1772 = vector.shape_cast %swap3A_1771 : vector<1x16xf32> to vector<16xf32>
          %swap3A_1773 = vector.shape_cast %add3A_1768 : vector<16xf32> to vector<1x16xf32>
          tpu.vector_store %arg8[%swap3A_1769, %swap3A_1770], %swap3A_1773 {strides = array<i32>} : memref<16x1024xf32, #tpu.memory_space<vmem>>, vector<1x16xf32>,
          %get3A_1774 = arith.constant 0 : i32
          %get3A_1775 = arith.index_cast %get3A_1774 : i32 to index
          %get3A_1776 = arith.constant 848 : index
          %get3A_1777 = tpu.vector_load %arg7[%get3A_1775, %get3A_1776] {strides = array<i32>} : memref<1x1024xf32, #tpu.memory_space<vmem>>, vector<1x16xf32>,
          %get3A_1778 = vector.shape_cast %get3A_1777 : vector<1x16xf32> to vector<16xf32>
          %get3A_1779 = arith.index_cast %scan3A_705 : i32 to index
          %get3A_1780 = arith.constant 848 : index
          %get3A_1781 = tpu.vector_load %arg10[%get3A_1779, %get3A_1780] {strides = array<i32>} : memref<16x1024xf32, #tpu.memory_space<vmem>>, vector<1x16xf32>,
          %get3A_1782 = vector.shape_cast %get3A_1781 : vector<1x16xf32> to vector<16xf32>
          %get3A_1783 = arith.index_cast %scan3A_705 : i32 to index
          %get3A_1784 = arith.constant 848 : index
          %get3A_1785 = tpu.vector_load %arg8[%get3A_1783, %get3A_1784] {strides = array<i32>} : memref<16x1024xf32, #tpu.memory_space<vmem>>, vector<1x16xf32>,
          %get3A_1786 = vector.shape_cast %get3A_1785 : vector<1x16xf32> to vector<16xf32>
          %sub3A_1787 = arith.subf %get3A_1786, %get3A_1778 : vector<16xf32>
          %add3A_1788 = arith.addf %get3A_1782, %sub3A_1787 : vector<16xf32>
          %swap3A_1789 = arith.index_cast %scan3A_705 : i32 to index
          %swap3A_1790 = arith.constant 848 : index
          %swap3A_1791 = tpu.vector_load %arg8[%swap3A_1789, %swap3A_1790] {strides = array<i32>} : memref<16x1024xf32, #tpu.memory_space<vmem>>, vector<1x16xf32>,
          %swap3A_1792 = vector.shape_cast %swap3A_1791 : vector<1x16xf32> to vector<16xf32>
          %swap3A_1793 = vector.shape_cast %add3A_1788 : vector<16xf32> to vector<1x16xf32>
          tpu.vector_store %arg8[%swap3A_1789, %swap3A_1790], %swap3A_1793 {strides = array<i32>} : memref<16x1024xf32, #tpu.memory_space<vmem>>, vector<1x16xf32>,
          %get3A_1794 = arith.constant 0 : i32
          %get3A_1795 = arith.index_cast %get3A_1794 : i32 to index
          %get3A_1796 = arith.constant 864 : index
          %get3A_1797 = tpu.vector_load %arg7[%get3A_1795, %get3A_1796] {strides = array<i32>} : memref<1x1024xf32, #tpu.memory_space<vmem>>, vector<1x16xf32>,
          %get3A_1798 = vector.shape_cast %get3A_1797 : vector<1x16xf32> to vector<16xf32>
          %get3A_1799 = arith.index_cast %scan3A_705 : i32 to index
          %get3A_1800 = arith.constant 864 : index
          %get3A_1801 = tpu.vector_load %arg10[%get3A_1799, %get3A_1800] {strides = array<i32>} : memref<16x1024xf32, #tpu.memory_space<vmem>>, vector<1x16xf32>,
          %get3A_1802 = vector.shape_cast %get3A_1801 : vector<1x16xf32> to vector<16xf32>
          %get3A_1803 = arith.index_cast %scan3A_705 : i32 to index
          %get3A_1804 = arith.constant 864 : index
          %get3A_1805 = tpu.vector_load %arg8[%get3A_1803, %get3A_1804] {strides = array<i32>} : memref<16x1024xf32, #tpu.memory_space<vmem>>, vector<1x16xf32>,
          %get3A_1806 = vector.shape_cast %get3A_1805 : vector<1x16xf32> to vector<16xf32>
          %sub3A_1807 = arith.subf %get3A_1806, %get3A_1798 : vector<16xf32>
          %add3A_1808 = arith.addf %get3A_1802, %sub3A_1807 : vector<16xf32>
          %swap3A_1809 = arith.index_cast %scan3A_705 : i32 to index
          %swap3A_1810 = arith.constant 864 : index
          %swap3A_1811 = tpu.vector_load %arg8[%swap3A_1809, %swap3A_1810] {strides = array<i32>} : memref<16x1024xf32, #tpu.memory_space<vmem>>, vector<1x16xf32>,
          %swap3A_1812 = vector.shape_cast %swap3A_1811 : vector<1x16xf32> to vector<16xf32>
          %swap3A_1813 = vector.shape_cast %add3A_1808 : vector<16xf32> to vector<1x16xf32>
          tpu.vector_store %arg8[%swap3A_1809, %swap3A_1810], %swap3A_1813 {strides = array<i32>} : memref<16x1024xf32, #tpu.memory_space<vmem>>, vector<1x16xf32>,
          %get3A_1814 = arith.constant 0 : i32
          %get3A_1815 = arith.index_cast %get3A_1814 : i32 to index
          %get3A_1816 = arith.constant 880 : index
          %get3A_1817 = tpu.vector_load %arg7[%get3A_1815, %get3A_1816] {strides = array<i32>} : memref<1x1024xf32, #tpu.memory_space<vmem>>, vector<1x16xf32>,
          %get3A_1818 = vector.shape_cast %get3A_1817 : vector<1x16xf32> to vector<16xf32>
          %get3A_1819 = arith.index_cast %scan3A_705 : i32 to index
          %get3A_1820 = arith.constant 880 : index
          %get3A_1821 = tpu.vector_load %arg10[%get3A_1819, %get3A_1820] {strides = array<i32>} : memref<16x1024xf32, #tpu.memory_space<vmem>>, vector<1x16xf32>,
          %get3A_1822 = vector.shape_cast %get3A_1821 : vector<1x16xf32> to vector<16xf32>
          %get3A_1823 = arith.index_cast %scan3A_705 : i32 to index
          %get3A_1824 = arith.constant 880 : index
          %get3A_1825 = tpu.vector_load %arg8[%get3A_1823, %get3A_1824] {strides = array<i32>} : memref<16x1024xf32, #tpu.memory_space<vmem>>, vector<1x16xf32>,
          %get3A_1826 = vector.shape_cast %get3A_1825 : vector<1x16xf32> to vector<16xf32>
          %sub3A_1827 = arith.subf %get3A_1826, %get3A_1818 : vector<16xf32>
          %add3A_1828 = arith.addf %get3A_1822, %sub3A_1827 : vector<16xf32>
          %swap3A_1829 = arith.index_cast %scan3A_705 : i32 to index
          %swap3A_1830 = arith.constant 880 : index
          %swap3A_1831 = tpu.vector_load %arg8[%swap3A_1829, %swap3A_1830] {strides = array<i32>} : memref<16x1024xf32, #tpu.memory_space<vmem>>, vector<1x16xf32>,
          %swap3A_1832 = vector.shape_cast %swap3A_1831 : vector<1x16xf32> to vector<16xf32>
          %swap3A_1833 = vector.shape_cast %add3A_1828 : vector<16xf32> to vector<1x16xf32>
          tpu.vector_store %arg8[%swap3A_1829, %swap3A_1830], %swap3A_1833 {strides = array<i32>} : memref<16x1024xf32, #tpu.memory_space<vmem>>, vector<1x16xf32>,
          %get3A_1834 = arith.constant 0 : i32
          %get3A_1835 = arith.index_cast %get3A_1834 : i32 to index
          %get3A_1836 = arith.constant 896 : index
          %get3A_1837 = tpu.vector_load %arg7[%get3A_1835, %get3A_1836] {strides = array<i32>} : memref<1x1024xf32, #tpu.memory_space<vmem>>, vector<1x16xf32>,
          %get3A_1838 = vector.shape_cast %get3A_1837 : vector<1x16xf32> to vector<16xf32>
          %get3A_1839 = arith.index_cast %scan3A_705 : i32 to index
          %get3A_1840 = arith.constant 896 : index
          %get3A_1841 = tpu.vector_load %arg10[%get3A_1839, %get3A_1840] {strides = array<i32>} : memref<16x1024xf32, #tpu.memory_space<vmem>>, vector<1x16xf32>,
          %get3A_1842 = vector.shape_cast %get3A_1841 : vector<1x16xf32> to vector<16xf32>
          %get3A_1843 = arith.index_cast %scan3A_705 : i32 to index
          %get3A_1844 = arith.constant 896 : index
          %get3A_1845 = tpu.vector_load %arg8[%get3A_1843, %get3A_1844] {strides = array<i32>} : memref<16x1024xf32, #tpu.memory_space<vmem>>, vector<1x16xf32>,
          %get3A_1846 = vector.shape_cast %get3A_1845 : vector<1x16xf32> to vector<16xf32>
          %sub3A_1847 = arith.subf %get3A_1846, %get3A_1838 : vector<16xf32>
          %add3A_1848 = arith.addf %get3A_1842, %sub3A_1847 : vector<16xf32>
          %swap3A_1849 = arith.index_cast %scan3A_705 : i32 to index
          %swap3A_1850 = arith.constant 896 : index
          %swap3A_1851 = tpu.vector_load %arg8[%swap3A_1849, %swap3A_1850] {strides = array<i32>} : memref<16x1024xf32, #tpu.memory_space<vmem>>, vector<1x16xf32>,
          %swap3A_1852 = vector.shape_cast %swap3A_1851 : vector<1x16xf32> to vector<16xf32>
          %swap3A_1853 = vector.shape_cast %add3A_1848 : vector<16xf32> to vector<1x16xf32>
          tpu.vector_store %arg8[%swap3A_1849, %swap3A_1850], %swap3A_1853 {strides = array<i32>} : memref<16x1024xf32, #tpu.memory_space<vmem>>, vector<1x16xf32>,
          %get3A_1854 = arith.constant 0 : i32
          %get3A_1855 = arith.index_cast %get3A_1854 : i32 to index
          %get3A_1856 = arith.constant 912 : index
          %get3A_1857 = tpu.vector_load %arg7[%get3A_1855, %get3A_1856] {strides = array<i32>} : memref<1x1024xf32, #tpu.memory_space<vmem>>, vector<1x16xf32>,
          %get3A_1858 = vector.shape_cast %get3A_1857 : vector<1x16xf32> to vector<16xf32>
          %get3A_1859 = arith.index_cast %scan3A_705 : i32 to index
          %get3A_1860 = arith.constant 912 : index
          %get3A_1861 = tpu.vector_load %arg10[%get3A_1859, %get3A_1860] {strides = array<i32>} : memref<16x1024xf32, #tpu.memory_space<vmem>>, vector<1x16xf32>,
          %get3A_1862 = vector.shape_cast %get3A_1861 : vector<1x16xf32> to vector<16xf32>
          %get3A_1863 = arith.index_cast %scan3A_705 : i32 to index
          %get3A_1864 = arith.constant 912 : index
          %get3A_1865 = tpu.vector_load %arg8[%get3A_1863, %get3A_1864] {strides = array<i32>} : memref<16x1024xf32, #tpu.memory_space<vmem>>, vector<1x16xf32>,
          %get3A_1866 = vector.shape_cast %get3A_1865 : vector<1x16xf32> to vector<16xf32>
          %sub3A_1867 = arith.subf %get3A_1866, %get3A_1858 : vector<16xf32>
          %add3A_1868 = arith.addf %get3A_1862, %sub3A_1867 : vector<16xf32>
          %swap3A_1869 = arith.index_cast %scan3A_705 : i32 to index
          %swap3A_1870 = arith.constant 912 : index
          %swap3A_1871 = tpu.vector_load %arg8[%swap3A_1869, %swap3A_1870] {strides = array<i32>} : memref<16x1024xf32, #tpu.memory_space<vmem>>, vector<1x16xf32>,
          %swap3A_1872 = vector.shape_cast %swap3A_1871 : vector<1x16xf32> to vector<16xf32>
          %swap3A_1873 = vector.shape_cast %add3A_1868 : vector<16xf32> to vector<1x16xf32>
          tpu.vector_store %arg8[%swap3A_1869, %swap3A_1870], %swap3A_1873 {strides = array<i32>} : memref<16x1024xf32, #tpu.memory_space<vmem>>, vector<1x16xf32>,
          %get3A_1874 = arith.constant 0 : i32
          %get3A_1875 = arith.index_cast %get3A_1874 : i32 to index
          %get3A_1876 = arith.constant 928 : index
          %get3A_1877 = tpu.vector_load %arg7[%get3A_1875, %get3A_1876] {strides = array<i32>} : memref<1x1024xf32, #tpu.memory_space<vmem>>, vector<1x16xf32>,
          %get3A_1878 = vector.shape_cast %get3A_1877 : vector<1x16xf32> to vector<16xf32>
          %get3A_1879 = arith.index_cast %scan3A_705 : i32 to index
          %get3A_1880 = arith.constant 928 : index
          %get3A_1881 = tpu.vector_load %arg10[%get3A_1879, %get3A_1880] {strides = array<i32>} : memref<16x1024xf32, #tpu.memory_space<vmem>>, vector<1x16xf32>,
          %get3A_1882 = vector.shape_cast %get3A_1881 : vector<1x16xf32> to vector<16xf32>
          %get3A_1883 = arith.index_cast %scan3A_705 : i32 to index
          %get3A_1884 = arith.constant 928 : index
          %get3A_1885 = tpu.vector_load %arg8[%get3A_1883, %get3A_1884] {strides = array<i32>} : memref<16x1024xf32, #tpu.memory_space<vmem>>, vector<1x16xf32>,
          %get3A_1886 = vector.shape_cast %get3A_1885 : vector<1x16xf32> to vector<16xf32>
          %sub3A_1887 = arith.subf %get3A_1886, %get3A_1878 : vector<16xf32>
          %add3A_1888 = arith.addf %get3A_1882, %sub3A_1887 : vector<16xf32>
          %swap3A_1889 = arith.index_cast %scan3A_705 : i32 to index
          %swap3A_1890 = arith.constant 928 : index
          %swap3A_1891 = tpu.vector_load %arg8[%swap3A_1889, %swap3A_1890] {strides = array<i32>} : memref<16x1024xf32, #tpu.memory_space<vmem>>, vector<1x16xf32>,
          %swap3A_1892 = vector.shape_cast %swap3A_1891 : vector<1x16xf32> to vector<16xf32>
          %swap3A_1893 = vector.shape_cast %add3A_1888 : vector<16xf32> to vector<1x16xf32>
          tpu.vector_store %arg8[%swap3A_1889, %swap3A_1890], %swap3A_1893 {strides = array<i32>} : memref<16x1024xf32, #tpu.memory_space<vmem>>, vector<1x16xf32>,
          %get3A_1894 = arith.constant 0 : i32
          %get3A_1895 = arith.index_cast %get3A_1894 : i32 to index
          %get3A_1896 = arith.constant 944 : index
          %get3A_1897 = tpu.vector_load %arg7[%get3A_1895, %get3A_1896] {strides = array<i32>} : memref<1x1024xf32, #tpu.memory_space<vmem>>, vector<1x16xf32>,
          %get3A_1898 = vector.shape_cast %get3A_1897 : vector<1x16xf32> to vector<16xf32>
          %get3A_1899 = arith.index_cast %scan3A_705 : i32 to index
          %get3A_1900 = arith.constant 944 : index
          %get3A_1901 = tpu.vector_load %arg10[%get3A_1899, %get3A_1900] {strides = array<i32>} : memref<16x1024xf32, #tpu.memory_space<vmem>>, vector<1x16xf32>,
          %get3A_1902 = vector.shape_cast %get3A_1901 : vector<1x16xf32> to vector<16xf32>
          %get3A_1903 = arith.index_cast %scan3A_705 : i32 to index
          %get3A_1904 = arith.constant 944 : index
          %get3A_1905 = tpu.vector_load %arg8[%get3A_1903, %get3A_1904] {strides = array<i32>} : memref<16x1024xf32, #tpu.memory_space<vmem>>, vector<1x16xf32>,
          %get3A_1906 = vector.shape_cast %get3A_1905 : vector<1x16xf32> to vector<16xf32>
          %sub3A_1907 = arith.subf %get3A_1906, %get3A_1898 : vector<16xf32>
          %add3A_1908 = arith.addf %get3A_1902, %sub3A_1907 : vector<16xf32>
          %swap3A_1909 = arith.index_cast %scan3A_705 : i32 to index
          %swap3A_1910 = arith.constant 944 : index
          %swap3A_1911 = tpu.vector_load %arg8[%swap3A_1909, %swap3A_1910] {strides = array<i32>} : memref<16x1024xf32, #tpu.memory_space<vmem>>, vector<1x16xf32>,
          %swap3A_1912 = vector.shape_cast %swap3A_1911 : vector<1x16xf32> to vector<16xf32>
          %swap3A_1913 = vector.shape_cast %add3A_1908 : vector<16xf32> to vector<1x16xf32>
          tpu.vector_store %arg8[%swap3A_1909, %swap3A_1910], %swap3A_1913 {strides = array<i32>} : memref<16x1024xf32, #tpu.memory_space<vmem>>, vector<1x16xf32>,
          %get3A_1914 = arith.constant 0 : i32
          %get3A_1915 = arith.index_cast %get3A_1914 : i32 to index
          %get3A_1916 = arith.constant 960 : index
          %get3A_1917 = tpu.vector_load %arg7[%get3A_1915, %get3A_1916] {strides = array<i32>} : memref<1x1024xf32, #tpu.memory_space<vmem>>, vector<1x16xf32>,
          %get3A_1918 = vector.shape_cast %get3A_1917 : vector<1x16xf32> to vector<16xf32>
          %get3A_1919 = arith.index_cast %scan3A_705 : i32 to index
          %get3A_1920 = arith.constant 960 : index
          %get3A_1921 = tpu.vector_load %arg10[%get3A_1919, %get3A_1920] {strides = array<i32>} : memref<16x1024xf32, #tpu.memory_space<vmem>>, vector<1x16xf32>,
          %get3A_1922 = vector.shape_cast %get3A_1921 : vector<1x16xf32> to vector<16xf32>
          %get3A_1923 = arith.index_cast %scan3A_705 : i32 to index
          %get3A_1924 = arith.constant 960 : index
          %get3A_1925 = tpu.vector_load %arg8[%get3A_1923, %get3A_1924] {strides = array<i32>} : memref<16x1024xf32, #tpu.memory_space<vmem>>, vector<1x16xf32>,
          %get3A_1926 = vector.shape_cast %get3A_1925 : vector<1x16xf32> to vector<16xf32>
          %sub3A_1927 = arith.subf %get3A_1926, %get3A_1918 : vector<16xf32>
          %add3A_1928 = arith.addf %get3A_1922, %sub3A_1927 : vector<16xf32>
          %swap3A_1929 = arith.index_cast %scan3A_705 : i32 to index
          %swap3A_1930 = arith.constant 960 : index
          %swap3A_1931 = tpu.vector_load %arg8[%swap3A_1929, %swap3A_1930] {strides = array<i32>} : memref<16x1024xf32, #tpu.memory_space<vmem>>, vector<1x16xf32>,
          %swap3A_1932 = vector.shape_cast %swap3A_1931 : vector<1x16xf32> to vector<16xf32>
          %swap3A_1933 = vector.shape_cast %add3A_1928 : vector<16xf32> to vector<1x16xf32>
          tpu.vector_store %arg8[%swap3A_1929, %swap3A_1930], %swap3A_1933 {strides = array<i32>} : memref<16x1024xf32, #tpu.memory_space<vmem>>, vector<1x16xf32>,
          %get3A_1934 = arith.constant 0 : i32
          %get3A_1935 = arith.index_cast %get3A_1934 : i32 to index
          %get3A_1936 = arith.constant 976 : index
          %get3A_1937 = tpu.vector_load %arg7[%get3A_1935, %get3A_1936] {strides = array<i32>} : memref<1x1024xf32, #tpu.memory_space<vmem>>, vector<1x16xf32>,
          %get3A_1938 = vector.shape_cast %get3A_1937 : vector<1x16xf32> to vector<16xf32>
          %get3A_1939 = arith.index_cast %scan3A_705 : i32 to index
          %get3A_1940 = arith.constant 976 : index
          %get3A_1941 = tpu.vector_load %arg10[%get3A_1939, %get3A_1940] {strides = array<i32>} : memref<16x1024xf32, #tpu.memory_space<vmem>>, vector<1x16xf32>,
          %get3A_1942 = vector.shape_cast %get3A_1941 : vector<1x16xf32> to vector<16xf32>
          %get3A_1943 = arith.index_cast %scan3A_705 : i32 to index
          %get3A_1944 = arith.constant 976 : index
          %get3A_1945 = tpu.vector_load %arg8[%get3A_1943, %get3A_1944] {strides = array<i32>} : memref<16x1024xf32, #tpu.memory_space<vmem>>, vector<1x16xf32>,
          %get3A_1946 = vector.shape_cast %get3A_1945 : vector<1x16xf32> to vector<16xf32>
          %sub3A_1947 = arith.subf %get3A_1946, %get3A_1938 : vector<16xf32>
          %add3A_1948 = arith.addf %get3A_1942, %sub3A_1947 : vector<16xf32>
          %swap3A_1949 = arith.index_cast %scan3A_705 : i32 to index
          %swap3A_1950 = arith.constant 976 : index
          %swap3A_1951 = tpu.vector_load %arg8[%swap3A_1949, %swap3A_1950] {strides = array<i32>} : memref<16x1024xf32, #tpu.memory_space<vmem>>, vector<1x16xf32>,
          %swap3A_1952 = vector.shape_cast %swap3A_1951 : vector<1x16xf32> to vector<16xf32>
          %swap3A_1953 = vector.shape_cast %add3A_1948 : vector<16xf32> to vector<1x16xf32>
          tpu.vector_store %arg8[%swap3A_1949, %swap3A_1950], %swap3A_1953 {strides = array<i32>} : memref<16x1024xf32, #tpu.memory_space<vmem>>, vector<1x16xf32>,
          %get3A_1954 = arith.constant 0 : i32
          %get3A_1955 = arith.index_cast %get3A_1954 : i32 to index
          %get3A_1956 = arith.constant 992 : index
          %get3A_1957 = tpu.vector_load %arg7[%get3A_1955, %get3A_1956] {strides = array<i32>} : memref<1x1024xf32, #tpu.memory_space<vmem>>, vector<1x16xf32>,
          %get3A_1958 = vector.shape_cast %get3A_1957 : vector<1x16xf32> to vector<16xf32>
          %get3A_1959 = arith.index_cast %scan3A_705 : i32 to index
          %get3A_1960 = arith.constant 992 : index
          %get3A_1961 = tpu.vector_load %arg10[%get3A_1959, %get3A_1960] {strides = array<i32>} : memref<16x1024xf32, #tpu.memory_space<vmem>>, vector<1x16xf32>,
          %get3A_1962 = vector.shape_cast %get3A_1961 : vector<1x16xf32> to vector<16xf32>
          %get3A_1963 = arith.index_cast %scan3A_705 : i32 to index
          %get3A_1964 = arith.constant 992 : index
          %get3A_1965 = tpu.vector_load %arg8[%get3A_1963, %get3A_1964] {strides = array<i32>} : memref<16x1024xf32, #tpu.memory_space<vmem>>, vector<1x16xf32>,
          %get3A_1966 = vector.shape_cast %get3A_1965 : vector<1x16xf32> to vector<16xf32>
          %sub3A_1967 = arith.subf %get3A_1966, %get3A_1958 : vector<16xf32>
          %add3A_1968 = arith.addf %get3A_1962, %sub3A_1967 : vector<16xf32>
          %swap3A_1969 = arith.index_cast %scan3A_705 : i32 to index
          %swap3A_1970 = arith.constant 992 : index
          %swap3A_1971 = tpu.vector_load %arg8[%swap3A_1969, %swap3A_1970] {strides = array<i32>} : memref<16x1024xf32, #tpu.memory_space<vmem>>, vector<1x16xf32>,
          %swap3A_1972 = vector.shape_cast %swap3A_1971 : vector<1x16xf32> to vector<16xf32>
          %swap3A_1973 = vector.shape_cast %add3A_1968 : vector<16xf32> to vector<1x16xf32>
          tpu.vector_store %arg8[%swap3A_1969, %swap3A_1970], %swap3A_1973 {strides = array<i32>} : memref<16x1024xf32, #tpu.memory_space<vmem>>, vector<1x16xf32>,
          %get3A_1974 = arith.constant 0 : i32
          %get3A_1975 = arith.index_cast %get3A_1974 : i32 to index
          %get3A_1976 = arith.constant 1008 : index
          %get3A_1977 = tpu.vector_load %arg7[%get3A_1975, %get3A_1976] {strides = array<i32>} : memref<1x1024xf32, #tpu.memory_space<vmem>>, vector<1x16xf32>,
          %get3A_1978 = vector.shape_cast %get3A_1977 : vector<1x16xf32> to vector<16xf32>
          %get3A_1979 = arith.index_cast %scan3A_705 : i32 to index
          %get3A_1980 = arith.constant 1008 : index
          %get3A_1981 = tpu.vector_load %arg10[%get3A_1979, %get3A_1980] {strides = array<i32>} : memref<16x1024xf32, #tpu.memory_space<vmem>>, vector<1x16xf32>,
          %get3A_1982 = vector.shape_cast %get3A_1981 : vector<1x16xf32> to vector<16xf32>
          %get3A_1983 = arith.index_cast %scan3A_705 : i32 to index
          %get3A_1984 = arith.constant 1008 : index
          %get3A_1985 = tpu.vector_load %arg8[%get3A_1983, %get3A_1984] {strides = array<i32>} : memref<16x1024xf32, #tpu.memory_space<vmem>>, vector<1x16xf32>,
          %get3A_1986 = vector.shape_cast %get3A_1985 : vector<1x16xf32> to vector<16xf32>
          %sub3A_1987 = arith.subf %get3A_1986, %get3A_1978 : vector<16xf32>
          %add3A_1988 = arith.addf %get3A_1982, %sub3A_1987 : vector<16xf32>
          %swap3A_1989 = arith.index_cast %scan3A_705 : i32 to index
          %swap3A_1990 = arith.constant 1008 : index
          %swap3A_1991 = tpu.vector_load %arg8[%swap3A_1989, %swap3A_1990] {strides = array<i32>} : memref<16x1024xf32, #tpu.memory_space<vmem>>, vector<1x16xf32>,
          %swap3A_1992 = vector.shape_cast %swap3A_1991 : vector<1x16xf32> to vector<16xf32>
          %swap3A_1993 = vector.shape_cast %add3A_1988 : vector<16xf32> to vector<1x16xf32>
          tpu.vector_store %arg8[%swap3A_1989, %swap3A_1990], %swap3A_1993 {strides = array<i32>} : memref<16x1024xf32, #tpu.memory_space<vmem>>, vector<1x16xf32>,
        } else {
        }
        %scan3A_714 = arith.constant 0 : i32
        scf.yield %scan3A_714 : i32
      }
      %scan3A_652 = arith.constant 16 : i32
      %mul3A_653 = arith.constant 16 : i32
      %mul3A_654 = arith.muli %add3A_620, %mul3A_653 : i32
      %add3A_655 = arith.addi %mul3A_2, %mul3A_654 : i32
      %dma_start3A_656 = arith.constant 0 : i32
      %dma_start3A_657 = tpu.memref_slice %arg5[%add3A_655, %dma_start3A_656] : memref<8192x1024xf32, #tpu.memory_space<hbm>> -> memref<16x1024xf32, #tpu.memory_space<hbm>>
      %dma_start3A_658 = arith.constant 0 : i32
      %dma_start3A_659 = tpu.memref_slice %arg5[%add3A_655, %dma_start3A_658] : memref<8192x1024xf32, #tpu.memory_space<hbm>> -> memref<16x1024xf32, #tpu.memory_space<hbm>>
      tpu.enqueue_dma source(%arg8 : memref<16x1024xf32, #tpu.memory_space<vmem>>) target(%dma_start3A_659 : memref<16x1024xf32, #tpu.memory_space<hbm>>) target_semaphore(%arg18 : memref<!tpu.dma_semaphore, #tpu.memory_space<semaphore_mem>>)
      %mul3A_660 = arith.constant 2 : i32
      %mul3A_661 = arith.muli %scan3A_29, %mul3A_660 : i32
      %add3A_662 = arith.constant 1 : i32
      %add3A_663 = arith.addi %mul3A_661, %add3A_662 : i32
      %dma_wait3A_664 = arith.constant 0 : i32
      %dma_wait3A_665 = arith.constant 0 : i32
      %dma_wait3A_666 = tpu.memref_slice %arg4[%dma_wait3A_664, %dma_wait3A_665] : memref<2048x1024xf32, #tpu.memory_space<hbm>> -> memref<16x1024xf32, #tpu.memory_space<hbm>>
      %dma_wait3A_667 = arith.constant 0 : i32
      %dma_wait3A_668 = arith.constant 0 : i32
      %dma_wait3A_669 = tpu.memref_slice %arg4[%dma_wait3A_667, %dma_wait3A_668] : memref<2048x1024xf32, #tpu.memory_space<hbm>> -> memref<16x1024xf32, #tpu.memory_space<hbm>>
      tpu.wait_dma2 semaphore(%arg17 : memref<!tpu.dma_semaphore, #tpu.memory_space<semaphore_mem>>) src(%dma_wait3A_669 : memref<16x1024xf32, #tpu.memory_space<hbm>>) dst(%arg9 : memref<16x1024xf32, #tpu.memory_space<vmem>>)
      %scan3A_670 = arith.constant 0 : i32
      %scan3A_671 = arith.constant 0 : i32
      %scan3A_672 = arith.constant 64 : i32
      %scan3A_673 = arith.addi %scan3A_671, %scan3A_672 : i32
      %scan3A_674 = arith.constant 1 : i32
      %scan3A_675 = scf.for %scan3A_705 = %scan3A_671 to %scan3A_673 step %scan3A_674 iter_args(%scan3A_706 = %scan3A_670) -> (i32)  : i32 {
        %mul3A_707 = arith.constant 16 : i32
        %mul3A_708 = arith.muli %scan3A_705, %mul3A_707 : i32
        %get3A_709 = arith.constant 0 : i32
        %get3A_710 = arith.index_cast %get3A_709 : i32 to index
        %get3A_711 = arith.index_cast %mul3A_708 : i32 to index
        %get3A_712 = tpu.vector_load %arg7[%get3A_710, %get3A_711] {strides = array<i32>} : memref<1x1024xf32, #tpu.memory_space<vmem>>, vector<1x16xf32>,
        %get3A_713 = vector.shape_cast %get3A_712 : vector<1x16xf32> to vector<16xf32>
        %swap3A_714 = arith.constant 0 : i32
        %swap3A_715 = arith.index_cast %swap3A_714 : i32 to index
        %swap3A_716 = arith.index_cast %mul3A_708 : i32 to index
        %swap3A_717 = tpu.vector_load %arg9[%swap3A_715, %swap3A_716] {strides = array<i32>} : memref<16x1024xf32, #tpu.memory_space<vmem>>, vector<1x16xf32>,
        %swap3A_718 = vector.shape_cast %swap3A_717 : vector<1x16xf32> to vector<16xf32>
        %swap3A_719 = vector.shape_cast %get3A_713 : vector<16xf32> to vector<1x16xf32>
        tpu.vector_store %arg9[%swap3A_715, %swap3A_716], %swap3A_719 {add = true, strides = array<i32>} : memref<16x1024xf32, #tpu.memory_space<vmem>>, vector<1x16xf32>,
        %swap3A_720 = arith.constant 1 : i32
        %swap3A_721 = arith.index_cast %swap3A_720 : i32 to index
        %swap3A_722 = arith.index_cast %mul3A_708 : i32 to index
        %swap3A_723 = tpu.vector_load %arg9[%swap3A_721, %swap3A_722] {strides = array<i32>} : memref<16x1024xf32, #tpu.memory_space<vmem>>, vector<1x16xf32>,
        %swap3A_724 = vector.shape_cast %swap3A_723 : vector<1x16xf32> to vector<16xf32>
        %swap3A_725 = vector.shape_cast %get3A_713 : vector<16xf32> to vector<1x16xf32>
        tpu.vector_store %arg9[%swap3A_721, %swap3A_722], %swap3A_725 {add = true, strides = array<i32>} : memref<16x1024xf32, #tpu.memory_space<vmem>>, vector<1x16xf32>,
        %swap3A_726 = arith.constant 2 : i32
        %swap3A_727 = arith.index_cast %swap3A_726 : i32 to index
        %swap3A_728 = arith.index_cast %mul3A_708 : i32 to index
        %swap3A_729 = tpu.vector_load %arg9[%swap3A_727, %swap3A_728] {strides = array<i32>} : memref<16x1024xf32, #tpu.memory_space<vmem>>, vector<1x16xf32>,
        %swap3A_730 = vector.shape_cast %swap3A_729 : vector<1x16xf32> to vector<16xf32>
        %swap3A_731 = vector.shape_cast %get3A_713 : vector<16xf32> to vector<1x16xf32>
        tpu.vector_store %arg9[%swap3A_727, %swap3A_728], %swap3A_731 {add = true, strides = array<i32>} : memref<16x1024xf32, #tpu.memory_space<vmem>>, vector<1x16xf32>,
        %swap3A_732 = arith.constant 3 : i32
        %swap3A_733 = arith.index_cast %swap3A_732 : i32 to index
        %swap3A_734 = arith.index_cast %mul3A_708 : i32 to index
        %swap3A_735 = tpu.vector_load %arg9[%swap3A_733, %swap3A_734] {strides = array<i32>} : memref<16x1024xf32, #tpu.memory_space<vmem>>, vector<1x16xf32>,
        %swap3A_736 = vector.shape_cast %swap3A_735 : vector<1x16xf32> to vector<16xf32>
        %swap3A_737 = vector.shape_cast %get3A_713 : vector<16xf32> to vector<1x16xf32>
        tpu.vector_store %arg9[%swap3A_733, %swap3A_734], %swap3A_737 {add = true, strides = array<i32>} : memref<16x1024xf32, #tpu.memory_space<vmem>>, vector<1x16xf32>,
        %swap3A_738 = arith.constant 4 : i32
        %swap3A_739 = arith.index_cast %swap3A_738 : i32 to index
        %swap3A_740 = arith.index_cast %mul3A_708 : i32 to index
        %swap3A_741 = tpu.vector_load %arg9[%swap3A_739, %swap3A_740] {strides = array<i32>} : memref<16x1024xf32, #tpu.memory_space<vmem>>, vector<1x16xf32>,
        %swap3A_742 = vector.shape_cast %swap3A_741 : vector<1x16xf32> to vector<16xf32>
        %swap3A_743 = vector.shape_cast %get3A_713 : vector<16xf32> to vector<1x16xf32>
        tpu.vector_store %arg9[%swap3A_739, %swap3A_740], %swap3A_743 {add = true, strides = array<i32>} : memref<16x1024xf32, #tpu.memory_space<vmem>>, vector<1x16xf32>,
        %swap3A_744 = arith.constant 5 : i32
        %swap3A_745 = arith.index_cast %swap3A_744 : i32 to index
        %swap3A_746 = arith.index_cast %mul3A_708 : i32 to index
        %swap3A_747 = tpu.vector_load %arg9[%swap3A_745, %swap3A_746] {strides = array<i32>} : memref<16x1024xf32, #tpu.memory_space<vmem>>, vector<1x16xf32>,
        %swap3A_748 = vector.shape_cast %swap3A_747 : vector<1x16xf32> to vector<16xf32>
        %swap3A_749 = vector.shape_cast %get3A_713 : vector<16xf32> to vector<1x16xf32>
        tpu.vector_store %arg9[%swap3A_745, %swap3A_746], %swap3A_749 {add = true, strides = array<i32>} : memref<16x1024xf32, #tpu.memory_space<vmem>>, vector<1x16xf32>,
        %swap3A_750 = arith.constant 6 : i32
        %swap3A_751 = arith.index_cast %swap3A_750 : i32 to index
        %swap3A_752 = arith.index_cast %mul3A_708 : i32 to index
        %swap3A_753 = tpu.vector_load %arg9[%swap3A_751, %swap3A_752] {strides = array<i32>} : memref<16x1024xf32, #tpu.memory_space<vmem>>, vector<1x16xf32>,
        %swap3A_754 = vector.shape_cast %swap3A_753 : vector<1x16xf32> to vector<16xf32>
        %swap3A_755 = vector.shape_cast %get3A_713 : vector<16xf32> to vector<1x16xf32>
        tpu.vector_store %arg9[%swap3A_751, %swap3A_752], %swap3A_755 {add = true, strides = array<i32>} : memref<16x1024xf32, #tpu.memory_space<vmem>>, vector<1x16xf32>,
        %swap3A_756 = arith.constant 7 : i32
        %swap3A_757 = arith.index_cast %swap3A_756 : i32 to index
        %swap3A_758 = arith.index_cast %mul3A_708 : i32 to index
        %swap3A_759 = tpu.vector_load %arg9[%swap3A_757, %swap3A_758] {strides = array<i32>} : memref<16x1024xf32, #tpu.memory_space<vmem>>, vector<1x16xf32>,
        %swap3A_760 = vector.shape_cast %swap3A_759 : vector<1x16xf32> to vector<16xf32>
        %swap3A_761 = vector.shape_cast %get3A_713 : vector<16xf32> to vector<1x16xf32>
        tpu.vector_store %arg9[%swap3A_757, %swap3A_758], %swap3A_761 {add = true, strides = array<i32>} : memref<16x1024xf32, #tpu.memory_space<vmem>>, vector<1x16xf32>,
        %swap3A_762 = arith.constant 8 : i32
        %swap3A_763 = arith.index_cast %swap3A_762 : i32 to index
        %swap3A_764 = arith.index_cast %mul3A_708 : i32 to index
        %swap3A_765 = tpu.vector_load %arg9[%swap3A_763, %swap3A_764] {strides = array<i32>} : memref<16x1024xf32, #tpu.memory_space<vmem>>, vector<1x16xf32>,
        %swap3A_766 = vector.shape_cast %swap3A_765 : vector<1x16xf32> to vector<16xf32>
        %swap3A_767 = vector.shape_cast %get3A_713 : vector<16xf32> to vector<1x16xf32>
        tpu.vector_store %arg9[%swap3A_763, %swap3A_764], %swap3A_767 {add = true, strides = array<i32>} : memref<16x1024xf32, #tpu.memory_space<vmem>>, vector<1x16xf32>,
        %swap3A_768 = arith.constant 9 : i32
        %swap3A_769 = arith.index_cast %swap3A_768 : i32 to index
        %swap3A_770 = arith.index_cast %mul3A_708 : i32 to index
        %swap3A_771 = tpu.vector_load %arg9[%swap3A_769, %swap3A_770] {strides = array<i32>} : memref<16x1024xf32, #tpu.memory_space<vmem>>, vector<1x16xf32>,
        %swap3A_772 = vector.shape_cast %swap3A_771 : vector<1x16xf32> to vector<16xf32>
        %swap3A_773 = vector.shape_cast %get3A_713 : vector<16xf32> to vector<1x16xf32>
        tpu.vector_store %arg9[%swap3A_769, %swap3A_770], %swap3A_773 {add = true, strides = array<i32>} : memref<16x1024xf32, #tpu.memory_space<vmem>>, vector<1x16xf32>,
        %swap3A_774 = arith.constant 10 : i32
        %swap3A_775 = arith.index_cast %swap3A_774 : i32 to index
        %swap3A_776 = arith.index_cast %mul3A_708 : i32 to index
        %swap3A_777 = tpu.vector_load %arg9[%swap3A_775, %swap3A_776] {strides = array<i32>} : memref<16x1024xf32, #tpu.memory_space<vmem>>, vector<1x16xf32>,
        %swap3A_778 = vector.shape_cast %swap3A_777 : vector<1x16xf32> to vector<16xf32>
        %swap3A_779 = vector.shape_cast %get3A_713 : vector<16xf32> to vector<1x16xf32>
        tpu.vector_store %arg9[%swap3A_775, %swap3A_776], %swap3A_779 {add = true, strides = array<i32>} : memref<16x1024xf32, #tpu.memory_space<vmem>>, vector<1x16xf32>,
        %swap3A_780 = arith.constant 11 : i32
        %swap3A_781 = arith.index_cast %swap3A_780 : i32 to index
        %swap3A_782 = arith.index_cast %mul3A_708 : i32 to index
        %swap3A_783 = tpu.vector_load %arg9[%swap3A_781, %swap3A_782] {strides = array<i32>} : memref<16x1024xf32, #tpu.memory_space<vmem>>, vector<1x16xf32>,
        %swap3A_784 = vector.shape_cast %swap3A_783 : vector<1x16xf32> to vector<16xf32>
        %swap3A_785 = vector.shape_cast %get3A_713 : vector<16xf32> to vector<1x16xf32>
        tpu.vector_store %arg9[%swap3A_781, %swap3A_782], %swap3A_785 {add = true, strides = array<i32>} : memref<16x1024xf32, #tpu.memory_space<vmem>>, vector<1x16xf32>,
        %swap3A_786 = arith.constant 12 : i32
        %swap3A_787 = arith.index_cast %swap3A_786 : i32 to index
        %swap3A_788 = arith.index_cast %mul3A_708 : i32 to index
        %swap3A_789 = tpu.vector_load %arg9[%swap3A_787, %swap3A_788] {strides = array<i32>} : memref<16x1024xf32, #tpu.memory_space<vmem>>, vector<1x16xf32>,
        %swap3A_790 = vector.shape_cast %swap3A_789 : vector<1x16xf32> to vector<16xf32>
        %swap3A_791 = vector.shape_cast %get3A_713 : vector<16xf32> to vector<1x16xf32>
        tpu.vector_store %arg9[%swap3A_787, %swap3A_788], %swap3A_791 {add = true, strides = array<i32>} : memref<16x1024xf32, #tpu.memory_space<vmem>>, vector<1x16xf32>,
        %swap3A_792 = arith.constant 13 : i32
        %swap3A_793 = arith.index_cast %swap3A_792 : i32 to index
        %swap3A_794 = arith.index_cast %mul3A_708 : i32 to index
        %swap3A_795 = tpu.vector_load %arg9[%swap3A_793, %swap3A_794] {strides = array<i32>} : memref<16x1024xf32, #tpu.memory_space<vmem>>, vector<1x16xf32>,
        %swap3A_796 = vector.shape_cast %swap3A_795 : vector<1x16xf32> to vector<16xf32>
        %swap3A_797 = vector.shape_cast %get3A_713 : vector<16xf32> to vector<1x16xf32>
        tpu.vector_store %arg9[%swap3A_793, %swap3A_794], %swap3A_797 {add = true, strides = array<i32>} : memref<16x1024xf32, #tpu.memory_space<vmem>>, vector<1x16xf32>,
        %swap3A_798 = arith.constant 14 : i32
        %swap3A_799 = arith.index_cast %swap3A_798 : i32 to index
        %swap3A_800 = arith.index_cast %mul3A_708 : i32 to index
        %swap3A_801 = tpu.vector_load %arg9[%swap3A_799, %swap3A_800] {strides = array<i32>} : memref<16x1024xf32, #tpu.memory_space<vmem>>, vector<1x16xf32>,
        %swap3A_802 = vector.shape_cast %swap3A_801 : vector<1x16xf32> to vector<16xf32>
        %swap3A_803 = vector.shape_cast %get3A_713 : vector<16xf32> to vector<1x16xf32>
        tpu.vector_store %arg9[%swap3A_799, %swap3A_800], %swap3A_803 {add = true, strides = array<i32>} : memref<16x1024xf32, #tpu.memory_space<vmem>>, vector<1x16xf32>,
        %swap3A_804 = arith.constant 15 : i32
        %swap3A_805 = arith.index_cast %swap3A_804 : i32 to index
        %swap3A_806 = arith.index_cast %mul3A_708 : i32 to index
        %swap3A_807 = tpu.vector_load %arg9[%swap3A_805, %swap3A_806] {strides = array<i32>} : memref<16x1024xf32, #tpu.memory_space<vmem>>, vector<1x16xf32>,
        %swap3A_808 = vector.shape_cast %swap3A_807 : vector<1x16xf32> to vector<16xf32>
        %swap3A_809 = vector.shape_cast %get3A_713 : vector<16xf32> to vector<1x16xf32>
        tpu.vector_store %arg9[%swap3A_805, %swap3A_806], %swap3A_809 {add = true, strides = array<i32>} : memref<16x1024xf32, #tpu.memory_space<vmem>>, vector<1x16xf32>,
        %scan3A_810 = arith.constant 0 : i32
        scf.yield %scan3A_810 : i32
      }
      %scan3A_676 = arith.constant 64 : i32
      %get3A_677 = arith.constant 16 : i32
      %get3A_678 = arith.index_cast %get3A_677 : i32 to index
      %get3A_679 = memref.load %arg13[%get3A_678] : memref<17xi32, #tpu.memory_space<smem>>
      %while3A_680 = arith.constant 0 : i32
      %while3A_681 = arith.constant 0 : i32
      %while3A_682 = arith.subi %get3A_679, %while3A_681 : i32
      %while3A_683 = arith.addi %while3A_681, %while3A_682 : i32
      %while3A_684 = arith.constant 1 : i32
      %while3A_685 = arith.divsi %while3A_682, %while3A_684 : i32
      %while3A_686 = arith.muli %while3A_685, %while3A_684 : i32
      %while3A_687 = arith.addi %while3A_681, %while3A_686 : i32
      %while3A_688 = arith.constant 1 : i32
      scf.for %while3A_705 = %while3A_681 to %while3A_687 step %while3A_688  : i32 {
        %dma_wait3A_706 = arith.constant 0 : i32
        %dma_wait3A_707 = arith.constant 0 : i32
        %dma_wait3A_708 = tpu.memref_slice %arg11[%dma_wait3A_706, %dma_wait3A_707] : memref<16x1024xf32, #tpu.memory_space<vmem>> -> memref<1x1024xf32, #tpu.memory_space<vmem>>
        %dma_wait3A_709 = arith.constant 0 : i32
        %dma_wait3A_710 = arith.constant 0 : i32
        %dma_wait3A_711 = tpu.memref_slice %arg3[%dma_wait3A_709, %dma_wait3A_710] : memref<12500x1024xf32, #tpu.memory_space<hbm>> -> memref<1x1024xf32, #tpu.memory_space<hbm>>
        %dma_wait3A_712 = arith.constant 0 : i32
        %dma_wait3A_713 = arith.constant 0 : i32
        %dma_wait3A_714 = tpu.memref_slice %arg11[%dma_wait3A_712, %dma_wait3A_713] : memref<16x1024xf32, #tpu.memory_space<vmem>> -> memref<1x1024xf32, #tpu.memory_space<vmem>>
        %dma_wait3A_715 = arith.constant 0 : i32
        %dma_wait3A_716 = arith.constant 0 : i32
        %dma_wait3A_717 = tpu.memref_slice %arg3[%dma_wait3A_715, %dma_wait3A_716] : memref<12500x1024xf32, #tpu.memory_space<hbm>> -> memref<1x1024xf32, #tpu.memory_space<hbm>>
        tpu.wait_dma2 semaphore(%arg15 : memref<!tpu.dma_semaphore, #tpu.memory_space<semaphore_mem>>) src(%dma_wait3A_717 : memref<1x1024xf32, #tpu.memory_space<hbm>>) dst(%dma_wait3A_714 : memref<1x1024xf32, #tpu.memory_space<vmem>>)
      }
      %while3A_689 = arith.constant 1 : i32
      scf.for %while3A_705 = %while3A_687 to %while3A_683 step %while3A_689  : i32 {
        %dma_wait3A_706 = arith.constant 0 : i32
        %dma_wait3A_707 = arith.constant 0 : i32
        %dma_wait3A_708 = tpu.memref_slice %arg11[%dma_wait3A_706, %dma_wait3A_707] : memref<16x1024xf32, #tpu.memory_space<vmem>> -> memref<1x1024xf32, #tpu.memory_space<vmem>>
        %dma_wait3A_709 = arith.constant 0 : i32
        %dma_wait3A_710 = arith.constant 0 : i32
        %dma_wait3A_711 = tpu.memref_slice %arg3[%dma_wait3A_709, %dma_wait3A_710] : memref<12500x1024xf32, #tpu.memory_space<hbm>> -> memref<1x1024xf32, #tpu.memory_space<hbm>>
        %dma_wait3A_712 = arith.constant 0 : i32
        %dma_wait3A_713 = arith.constant 0 : i32
        %dma_wait3A_714 = tpu.memref_slice %arg11[%dma_wait3A_712, %dma_wait3A_713] : memref<16x1024xf32, #tpu.memory_space<vmem>> -> memref<1x1024xf32, #tpu.memory_space<vmem>>
        %dma_wait3A_715 = arith.constant 0 : i32
        %dma_wait3A_716 = arith.constant 0 : i32
        %dma_wait3A_717 = tpu.memref_slice %arg3[%dma_wait3A_715, %dma_wait3A_716] : memref<12500x1024xf32, #tpu.memory_space<hbm>> -> memref<1x1024xf32, #tpu.memory_space<hbm>>
        tpu.wait_dma2 semaphore(%arg15 : memref<!tpu.dma_semaphore, #tpu.memory_space<semaphore_mem>>) src(%dma_wait3A_717 : memref<1x1024xf32, #tpu.memory_space<hbm>>) dst(%dma_wait3A_714 : memref<1x1024xf32, #tpu.memory_space<vmem>>)
      }
      %scan3A_690 = arith.constant 0 : i32
      %scan3A_691 = arith.constant 0 : i32
      %scan3A_692 = arith.constant 16 : i32
      %scan3A_693 = arith.addi %scan3A_691, %scan3A_692 : i32
      %scan3A_694 = arith.constant 1 : i32
      %scan3A_695 = scf.for %scan3A_705 = %scan3A_691 to %scan3A_693 step %scan3A_694 iter_args(%scan3A_706 = %scan3A_690) -> (i32)  : i32 {
        %get3A_707 = arith.index_cast %scan3A_705 : i32 to index
        %get3A_708 = memref.load %arg13[%get3A_707] : memref<17xi32, #tpu.memory_space<smem>>
        %ne3A_709 = arith.constant 0 : i32
        %ne3A_710 = arith.cmpi ne, %get3A_708, %ne3A_709 : i32
        %convert_element_type3A_711 = arith.extui %ne3A_710 : i1 to i32
        %cond3A_712 = arith.constant 0 : i32
        %cond3A_713 = arith.cmpi ne, %convert_element_type3A_711, %cond3A_712 : i32
        scf.if %cond3A_713 {
          %get3A_715 = arith.constant 0 : i32
          %get3A_716 = arith.index_cast %get3A_715 : i32 to index
          %get3A_717 = arith.constant 0 : index
          %get3A_718 = tpu.vector_load %arg7[%get3A_716, %get3A_717] {strides = array<i32>} : memref<1x1024xf32, #tpu.memory_space<vmem>>, vector<1x16xf32>,
          %get3A_719 = vector.shape_cast %get3A_718 : vector<1x16xf32> to vector<16xf32>
          %get3A_720 = arith.index_cast %scan3A_705 : i32 to index
          %get3A_721 = arith.constant 0 : index
          %get3A_722 = tpu.vector_load %arg11[%get3A_720, %get3A_721] {strides = array<i32>} : memref<16x1024xf32, #tpu.memory_space<vmem>>, vector<1x16xf32>,
          %get3A_723 = vector.shape_cast %get3A_722 : vector<1x16xf32> to vector<16xf32>
          %get3A_724 = arith.index_cast %scan3A_705 : i32 to index
          %get3A_725 = arith.constant 0 : index
          %get3A_726 = tpu.vector_load %arg9[%get3A_724, %get3A_725] {strides = array<i32>} : memref<16x1024xf32, #tpu.memory_space<vmem>>, vector<1x16xf32>,
          %get3A_727 = vector.shape_cast %get3A_726 : vector<1x16xf32> to vector<16xf32>
          %sub3A = arith.subf %get3A_727, %get3A_719 : vector<16xf32>
          %add3A_728 = arith.addf %get3A_723, %sub3A : vector<16xf32>
          %swap3A_729 = arith.index_cast %scan3A_705 : i32 to index
          %swap3A_730 = arith.constant 0 : index
          %swap3A_731 = tpu.vector_load %arg9[%swap3A_729, %swap3A_730] {strides = array<i32>} : memref<16x1024xf32, #tpu.memory_space<vmem>>, vector<1x16xf32>,
          %swap3A_732 = vector.shape_cast %swap3A_731 : vector<1x16xf32> to vector<16xf32>
          %swap3A_733 = vector.shape_cast %add3A_728 : vector<16xf32> to vector<1x16xf32>
          tpu.vector_store %arg9[%swap3A_729, %swap3A_730], %swap3A_733 {strides = array<i32>} : memref<16x1024xf32, #tpu.memory_space<vmem>>, vector<1x16xf32>,
          %get3A_734 = arith.constant 0 : i32
          %get3A_735 = arith.index_cast %get3A_734 : i32 to index
          %get3A_736 = arith.constant 16 : index
          %get3A_737 = tpu.vector_load %arg7[%get3A_735, %get3A_736] {strides = array<i32>} : memref<1x1024xf32, #tpu.memory_space<vmem>>, vector<1x16xf32>,
          %get3A_738 = vector.shape_cast %get3A_737 : vector<1x16xf32> to vector<16xf32>
          %get3A_739 = arith.index_cast %scan3A_705 : i32 to index
          %get3A_740 = arith.constant 16 : index
          %get3A_741 = tpu.vector_load %arg11[%get3A_739, %get3A_740] {strides = array<i32>} : memref<16x1024xf32, #tpu.memory_space<vmem>>, vector<1x16xf32>,
          %get3A_742 = vector.shape_cast %get3A_741 : vector<1x16xf32> to vector<16xf32>
          %get3A_743 = arith.index_cast %scan3A_705 : i32 to index
          %get3A_744 = arith.constant 16 : index
          %get3A_745 = tpu.vector_load %arg9[%get3A_743, %get3A_744] {strides = array<i32>} : memref<16x1024xf32, #tpu.memory_space<vmem>>, vector<1x16xf32>,
          %get3A_746 = vector.shape_cast %get3A_745 : vector<1x16xf32> to vector<16xf32>
          %sub3A_747 = arith.subf %get3A_746, %get3A_738 : vector<16xf32>
          %add3A_748 = arith.addf %get3A_742, %sub3A_747 : vector<16xf32>
          %swap3A_749 = arith.index_cast %scan3A_705 : i32 to index
          %swap3A_750 = arith.constant 16 : index
          %swap3A_751 = tpu.vector_load %arg9[%swap3A_749, %swap3A_750] {strides = array<i32>} : memref<16x1024xf32, #tpu.memory_space<vmem>>, vector<1x16xf32>,
          %swap3A_752 = vector.shape_cast %swap3A_751 : vector<1x16xf32> to vector<16xf32>
          %swap3A_753 = vector.shape_cast %add3A_748 : vector<16xf32> to vector<1x16xf32>
          tpu.vector_store %arg9[%swap3A_749, %swap3A_750], %swap3A_753 {strides = array<i32>} : memref<16x1024xf32, #tpu.memory_space<vmem>>, vector<1x16xf32>,
          %get3A_754 = arith.constant 0 : i32
          %get3A_755 = arith.index_cast %get3A_754 : i32 to index
          %get3A_756 = arith.constant 32 : index
          %get3A_757 = tpu.vector_load %arg7[%get3A_755, %get3A_756] {strides = array<i32>} : memref<1x1024xf32, #tpu.memory_space<vmem>>, vector<1x16xf32>,
          %get3A_758 = vector.shape_cast %get3A_757 : vector<1x16xf32> to vector<16xf32>
          %get3A_759 = arith.index_cast %scan3A_705 : i32 to index
          %get3A_760 = arith.constant 32 : index
          %get3A_761 = tpu.vector_load %arg11[%get3A_759, %get3A_760] {strides = array<i32>} : memref<16x1024xf32, #tpu.memory_space<vmem>>, vector<1x16xf32>,
          %get3A_762 = vector.shape_cast %get3A_761 : vector<1x16xf32> to vector<16xf32>
          %get3A_763 = arith.index_cast %scan3A_705 : i32 to index
          %get3A_764 = arith.constant 32 : index
          %get3A_765 = tpu.vector_load %arg9[%get3A_763, %get3A_764] {strides = array<i32>} : memref<16x1024xf32, #tpu.memory_space<vmem>>, vector<1x16xf32>,
          %get3A_766 = vector.shape_cast %get3A_765 : vector<1x16xf32> to vector<16xf32>
          %sub3A_767 = arith.subf %get3A_766, %get3A_758 : vector<16xf32>
          %add3A_768 = arith.addf %get3A_762, %sub3A_767 : vector<16xf32>
          %swap3A_769 = arith.index_cast %scan3A_705 : i32 to index
          %swap3A_770 = arith.constant 32 : index
          %swap3A_771 = tpu.vector_load %arg9[%swap3A_769, %swap3A_770] {strides = array<i32>} : memref<16x1024xf32, #tpu.memory_space<vmem>>, vector<1x16xf32>,
          %swap3A_772 = vector.shape_cast %swap3A_771 : vector<1x16xf32> to vector<16xf32>
          %swap3A_773 = vector.shape_cast %add3A_768 : vector<16xf32> to vector<1x16xf32>
          tpu.vector_store %arg9[%swap3A_769, %swap3A_770], %swap3A_773 {strides = array<i32>} : memref<16x1024xf32, #tpu.memory_space<vmem>>, vector<1x16xf32>,
          %get3A_774 = arith.constant 0 : i32
          %get3A_775 = arith.index_cast %get3A_774 : i32 to index
          %get3A_776 = arith.constant 48 : index
          %get3A_777 = tpu.vector_load %arg7[%get3A_775, %get3A_776] {strides = array<i32>} : memref<1x1024xf32, #tpu.memory_space<vmem>>, vector<1x16xf32>,
          %get3A_778 = vector.shape_cast %get3A_777 : vector<1x16xf32> to vector<16xf32>
          %get3A_779 = arith.index_cast %scan3A_705 : i32 to index
          %get3A_780 = arith.constant 48 : index
          %get3A_781 = tpu.vector_load %arg11[%get3A_779, %get3A_780] {strides = array<i32>} : memref<16x1024xf32, #tpu.memory_space<vmem>>, vector<1x16xf32>,
          %get3A_782 = vector.shape_cast %get3A_781 : vector<1x16xf32> to vector<16xf32>
          %get3A_783 = arith.index_cast %scan3A_705 : i32 to index
          %get3A_784 = arith.constant 48 : index
          %get3A_785 = tpu.vector_load %arg9[%get3A_783, %get3A_784] {strides = array<i32>} : memref<16x1024xf32, #tpu.memory_space<vmem>>, vector<1x16xf32>,
          %get3A_786 = vector.shape_cast %get3A_785 : vector<1x16xf32> to vector<16xf32>
          %sub3A_787 = arith.subf %get3A_786, %get3A_778 : vector<16xf32>
          %add3A_788 = arith.addf %get3A_782, %sub3A_787 : vector<16xf32>
          %swap3A_789 = arith.index_cast %scan3A_705 : i32 to index
          %swap3A_790 = arith.constant 48 : index
          %swap3A_791 = tpu.vector_load %arg9[%swap3A_789, %swap3A_790] {strides = array<i32>} : memref<16x1024xf32, #tpu.memory_space<vmem>>, vector<1x16xf32>,
          %swap3A_792 = vector.shape_cast %swap3A_791 : vector<1x16xf32> to vector<16xf32>
          %swap3A_793 = vector.shape_cast %add3A_788 : vector<16xf32> to vector<1x16xf32>
          tpu.vector_store %arg9[%swap3A_789, %swap3A_790], %swap3A_793 {strides = array<i32>} : memref<16x1024xf32, #tpu.memory_space<vmem>>, vector<1x16xf32>,
          %get3A_794 = arith.constant 0 : i32
          %get3A_795 = arith.index_cast %get3A_794 : i32 to index
          %get3A_796 = arith.constant 64 : index
          %get3A_797 = tpu.vector_load %arg7[%get3A_795, %get3A_796] {strides = array<i32>} : memref<1x1024xf32, #tpu.memory_space<vmem>>, vector<1x16xf32>,
          %get3A_798 = vector.shape_cast %get3A_797 : vector<1x16xf32> to vector<16xf32>
          %get3A_799 = arith.index_cast %scan3A_705 : i32 to index
          %get3A_800 = arith.constant 64 : index
          %get3A_801 = tpu.vector_load %arg11[%get3A_799, %get3A_800] {strides = array<i32>} : memref<16x1024xf32, #tpu.memory_space<vmem>>, vector<1x16xf32>,
          %get3A_802 = vector.shape_cast %get3A_801 : vector<1x16xf32> to vector<16xf32>
          %get3A_803 = arith.index_cast %scan3A_705 : i32 to index
          %get3A_804 = arith.constant 64 : index
          %get3A_805 = tpu.vector_load %arg9[%get3A_803, %get3A_804] {strides = array<i32>} : memref<16x1024xf32, #tpu.memory_space<vmem>>, vector<1x16xf32>,
          %get3A_806 = vector.shape_cast %get3A_805 : vector<1x16xf32> to vector<16xf32>
          %sub3A_807 = arith.subf %get3A_806, %get3A_798 : vector<16xf32>
          %add3A_808 = arith.addf %get3A_802, %sub3A_807 : vector<16xf32>
          %swap3A_809 = arith.index_cast %scan3A_705 : i32 to index
          %swap3A_810 = arith.constant 64 : index
          %swap3A_811 = tpu.vector_load %arg9[%swap3A_809, %swap3A_810] {strides = array<i32>} : memref<16x1024xf32, #tpu.memory_space<vmem>>, vector<1x16xf32>,
          %swap3A_812 = vector.shape_cast %swap3A_811 : vector<1x16xf32> to vector<16xf32>
          %swap3A_813 = vector.shape_cast %add3A_808 : vector<16xf32> to vector<1x16xf32>
          tpu.vector_store %arg9[%swap3A_809, %swap3A_810], %swap3A_813 {strides = array<i32>} : memref<16x1024xf32, #tpu.memory_space<vmem>>, vector<1x16xf32>,
          %get3A_814 = arith.constant 0 : i32
          %get3A_815 = arith.index_cast %get3A_814 : i32 to index
          %get3A_816 = arith.constant 80 : index
          %get3A_817 = tpu.vector_load %arg7[%get3A_815, %get3A_816] {strides = array<i32>} : memref<1x1024xf32, #tpu.memory_space<vmem>>, vector<1x16xf32>,
          %get3A_818 = vector.shape_cast %get3A_817 : vector<1x16xf32> to vector<16xf32>
          %get3A_819 = arith.index_cast %scan3A_705 : i32 to index
          %get3A_820 = arith.constant 80 : index
          %get3A_821 = tpu.vector_load %arg11[%get3A_819, %get3A_820] {strides = array<i32>} : memref<16x1024xf32, #tpu.memory_space<vmem>>, vector<1x16xf32>,
          %get3A_822 = vector.shape_cast %get3A_821 : vector<1x16xf32> to vector<16xf32>
          %get3A_823 = arith.index_cast %scan3A_705 : i32 to index
          %get3A_824 = arith.constant 80 : index
          %get3A_825 = tpu.vector_load %arg9[%get3A_823, %get3A_824] {strides = array<i32>} : memref<16x1024xf32, #tpu.memory_space<vmem>>, vector<1x16xf32>,
          %get3A_826 = vector.shape_cast %get3A_825 : vector<1x16xf32> to vector<16xf32>
          %sub3A_827 = arith.subf %get3A_826, %get3A_818 : vector<16xf32>
          %add3A_828 = arith.addf %get3A_822, %sub3A_827 : vector<16xf32>
          %swap3A_829 = arith.index_cast %scan3A_705 : i32 to index
          %swap3A_830 = arith.constant 80 : index
          %swap3A_831 = tpu.vector_load %arg9[%swap3A_829, %swap3A_830] {strides = array<i32>} : memref<16x1024xf32, #tpu.memory_space<vmem>>, vector<1x16xf32>,
          %swap3A_832 = vector.shape_cast %swap3A_831 : vector<1x16xf32> to vector<16xf32>
          %swap3A_833 = vector.shape_cast %add3A_828 : vector<16xf32> to vector<1x16xf32>
          tpu.vector_store %arg9[%swap3A_829, %swap3A_830], %swap3A_833 {strides = array<i32>} : memref<16x1024xf32, #tpu.memory_space<vmem>>, vector<1x16xf32>,
          %get3A_834 = arith.constant 0 : i32
          %get3A_835 = arith.index_cast %get3A_834 : i32 to index
          %get3A_836 = arith.constant 96 : index
          %get3A_837 = tpu.vector_load %arg7[%get3A_835, %get3A_836] {strides = array<i32>} : memref<1x1024xf32, #tpu.memory_space<vmem>>, vector<1x16xf32>,
          %get3A_838 = vector.shape_cast %get3A_837 : vector<1x16xf32> to vector<16xf32>
          %get3A_839 = arith.index_cast %scan3A_705 : i32 to index
          %get3A_840 = arith.constant 96 : index
          %get3A_841 = tpu.vector_load %arg11[%get3A_839, %get3A_840] {strides = array<i32>} : memref<16x1024xf32, #tpu.memory_space<vmem>>, vector<1x16xf32>,
          %get3A_842 = vector.shape_cast %get3A_841 : vector<1x16xf32> to vector<16xf32>
          %get3A_843 = arith.index_cast %scan3A_705 : i32 to index
          %get3A_844 = arith.constant 96 : index
          %get3A_845 = tpu.vector_load %arg9[%get3A_843, %get3A_844] {strides = array<i32>} : memref<16x1024xf32, #tpu.memory_space<vmem>>, vector<1x16xf32>,
          %get3A_846 = vector.shape_cast %get3A_845 : vector<1x16xf32> to vector<16xf32>
          %sub3A_847 = arith.subf %get3A_846, %get3A_838 : vector<16xf32>
          %add3A_848 = arith.addf %get3A_842, %sub3A_847 : vector<16xf32>
          %swap3A_849 = arith.index_cast %scan3A_705 : i32 to index
          %swap3A_850 = arith.constant 96 : index
          %swap3A_851 = tpu.vector_load %arg9[%swap3A_849, %swap3A_850] {strides = array<i32>} : memref<16x1024xf32, #tpu.memory_space<vmem>>, vector<1x16xf32>,
          %swap3A_852 = vector.shape_cast %swap3A_851 : vector<1x16xf32> to vector<16xf32>
          %swap3A_853 = vector.shape_cast %add3A_848 : vector<16xf32> to vector<1x16xf32>
          tpu.vector_store %arg9[%swap3A_849, %swap3A_850], %swap3A_853 {strides = array<i32>} : memref<16x1024xf32, #tpu.memory_space<vmem>>, vector<1x16xf32>,
          %get3A_854 = arith.constant 0 : i32
          %get3A_855 = arith.index_cast %get3A_854 : i32 to index
          %get3A_856 = arith.constant 112 : index
          %get3A_857 = tpu.vector_load %arg7[%get3A_855, %get3A_856] {strides = array<i32>} : memref<1x1024xf32, #tpu.memory_space<vmem>>, vector<1x16xf32>,
          %get3A_858 = vector.shape_cast %get3A_857 : vector<1x16xf32> to vector<16xf32>
          %get3A_859 = arith.index_cast %scan3A_705 : i32 to index
          %get3A_860 = arith.constant 112 : index
          %get3A_861 = tpu.vector_load %arg11[%get3A_859, %get3A_860] {strides = array<i32>} : memref<16x1024xf32, #tpu.memory_space<vmem>>, vector<1x16xf32>,
          %get3A_862 = vector.shape_cast %get3A_861 : vector<1x16xf32> to vector<16xf32>
          %get3A_863 = arith.index_cast %scan3A_705 : i32 to index
          %get3A_864 = arith.constant 112 : index
          %get3A_865 = tpu.vector_load %arg9[%get3A_863, %get3A_864] {strides = array<i32>} : memref<16x1024xf32, #tpu.memory_space<vmem>>, vector<1x16xf32>,
          %get3A_866 = vector.shape_cast %get3A_865 : vector<1x16xf32> to vector<16xf32>
          %sub3A_867 = arith.subf %get3A_866, %get3A_858 : vector<16xf32>
          %add3A_868 = arith.addf %get3A_862, %sub3A_867 : vector<16xf32>
          %swap3A_869 = arith.index_cast %scan3A_705 : i32 to index
          %swap3A_870 = arith.constant 112 : index
          %swap3A_871 = tpu.vector_load %arg9[%swap3A_869, %swap3A_870] {strides = array<i32>} : memref<16x1024xf32, #tpu.memory_space<vmem>>, vector<1x16xf32>,
          %swap3A_872 = vector.shape_cast %swap3A_871 : vector<1x16xf32> to vector<16xf32>
          %swap3A_873 = vector.shape_cast %add3A_868 : vector<16xf32> to vector<1x16xf32>
          tpu.vector_store %arg9[%swap3A_869, %swap3A_870], %swap3A_873 {strides = array<i32>} : memref<16x1024xf32, #tpu.memory_space<vmem>>, vector<1x16xf32>,
          %get3A_874 = arith.constant 0 : i32
          %get3A_875 = arith.index_cast %get3A_874 : i32 to index
          %get3A_876 = arith.constant 128 : index
          %get3A_877 = tpu.vector_load %arg7[%get3A_875, %get3A_876] {strides = array<i32>} : memref<1x1024xf32, #tpu.memory_space<vmem>>, vector<1x16xf32>,
          %get3A_878 = vector.shape_cast %get3A_877 : vector<1x16xf32> to vector<16xf32>
          %get3A_879 = arith.index_cast %scan3A_705 : i32 to index
          %get3A_880 = arith.constant 128 : index
          %get3A_881 = tpu.vector_load %arg11[%get3A_879, %get3A_880] {strides = array<i32>} : memref<16x1024xf32, #tpu.memory_space<vmem>>, vector<1x16xf32>,
          %get3A_882 = vector.shape_cast %get3A_881 : vector<1x16xf32> to vector<16xf32>
          %get3A_883 = arith.index_cast %scan3A_705 : i32 to index
          %get3A_884 = arith.constant 128 : index
          %get3A_885 = tpu.vector_load %arg9[%get3A_883, %get3A_884] {strides = array<i32>} : memref<16x1024xf32, #tpu.memory_space<vmem>>, vector<1x16xf32>,
          %get3A_886 = vector.shape_cast %get3A_885 : vector<1x16xf32> to vector<16xf32>
          %sub3A_887 = arith.subf %get3A_886, %get3A_878 : vector<16xf32>
          %add3A_888 = arith.addf %get3A_882, %sub3A_887 : vector<16xf32>
          %swap3A_889 = arith.index_cast %scan3A_705 : i32 to index
          %swap3A_890 = arith.constant 128 : index
          %swap3A_891 = tpu.vector_load %arg9[%swap3A_889, %swap3A_890] {strides = array<i32>} : memref<16x1024xf32, #tpu.memory_space<vmem>>, vector<1x16xf32>,
          %swap3A_892 = vector.shape_cast %swap3A_891 : vector<1x16xf32> to vector<16xf32>
          %swap3A_893 = vector.shape_cast %add3A_888 : vector<16xf32> to vector<1x16xf32>
          tpu.vector_store %arg9[%swap3A_889, %swap3A_890], %swap3A_893 {strides = array<i32>} : memref<16x1024xf32, #tpu.memory_space<vmem>>, vector<1x16xf32>,
          %get3A_894 = arith.constant 0 : i32
          %get3A_895 = arith.index_cast %get3A_894 : i32 to index
          %get3A_896 = arith.constant 144 : index
          %get3A_897 = tpu.vector_load %arg7[%get3A_895, %get3A_896] {strides = array<i32>} : memref<1x1024xf32, #tpu.memory_space<vmem>>, vector<1x16xf32>,
          %get3A_898 = vector.shape_cast %get3A_897 : vector<1x16xf32> to vector<16xf32>
          %get3A_899 = arith.index_cast %scan3A_705 : i32 to index
          %get3A_900 = arith.constant 144 : index
          %get3A_901 = tpu.vector_load %arg11[%get3A_899, %get3A_900] {strides = array<i32>} : memref<16x1024xf32, #tpu.memory_space<vmem>>, vector<1x16xf32>,
          %get3A_902 = vector.shape_cast %get3A_901 : vector<1x16xf32> to vector<16xf32>
          %get3A_903 = arith.index_cast %scan3A_705 : i32 to index
          %get3A_904 = arith.constant 144 : index
          %get3A_905 = tpu.vector_load %arg9[%get3A_903, %get3A_904] {strides = array<i32>} : memref<16x1024xf32, #tpu.memory_space<vmem>>, vector<1x16xf32>,
          %get3A_906 = vector.shape_cast %get3A_905 : vector<1x16xf32> to vector<16xf32>
          %sub3A_907 = arith.subf %get3A_906, %get3A_898 : vector<16xf32>
          %add3A_908 = arith.addf %get3A_902, %sub3A_907 : vector<16xf32>
          %swap3A_909 = arith.index_cast %scan3A_705 : i32 to index
          %swap3A_910 = arith.constant 144 : index
          %swap3A_911 = tpu.vector_load %arg9[%swap3A_909, %swap3A_910] {strides = array<i32>} : memref<16x1024xf32, #tpu.memory_space<vmem>>, vector<1x16xf32>,
          %swap3A_912 = vector.shape_cast %swap3A_911 : vector<1x16xf32> to vector<16xf32>
          %swap3A_913 = vector.shape_cast %add3A_908 : vector<16xf32> to vector<1x16xf32>
          tpu.vector_store %arg9[%swap3A_909, %swap3A_910], %swap3A_913 {strides = array<i32>} : memref<16x1024xf32, #tpu.memory_space<vmem>>, vector<1x16xf32>,
          %get3A_914 = arith.constant 0 : i32
          %get3A_915 = arith.index_cast %get3A_914 : i32 to index
          %get3A_916 = arith.constant 160 : index
          %get3A_917 = tpu.vector_load %arg7[%get3A_915, %get3A_916] {strides = array<i32>} : memref<1x1024xf32, #tpu.memory_space<vmem>>, vector<1x16xf32>,
          %get3A_918 = vector.shape_cast %get3A_917 : vector<1x16xf32> to vector<16xf32>
          %get3A_919 = arith.index_cast %scan3A_705 : i32 to index
          %get3A_920 = arith.constant 160 : index
          %get3A_921 = tpu.vector_load %arg11[%get3A_919, %get3A_920] {strides = array<i32>} : memref<16x1024xf32, #tpu.memory_space<vmem>>, vector<1x16xf32>,
          %get3A_922 = vector.shape_cast %get3A_921 : vector<1x16xf32> to vector<16xf32>
          %get3A_923 = arith.index_cast %scan3A_705 : i32 to index
          %get3A_924 = arith.constant 160 : index
          %get3A_925 = tpu.vector_load %arg9[%get3A_923, %get3A_924] {strides = array<i32>} : memref<16x1024xf32, #tpu.memory_space<vmem>>, vector<1x16xf32>,
          %get3A_926 = vector.shape_cast %get3A_925 : vector<1x16xf32> to vector<16xf32>
          %sub3A_927 = arith.subf %get3A_926, %get3A_918 : vector<16xf32>
          %add3A_928 = arith.addf %get3A_922, %sub3A_927 : vector<16xf32>
          %swap3A_929 = arith.index_cast %scan3A_705 : i32 to index
          %swap3A_930 = arith.constant 160 : index
          %swap3A_931 = tpu.vector_load %arg9[%swap3A_929, %swap3A_930] {strides = array<i32>} : memref<16x1024xf32, #tpu.memory_space<vmem>>, vector<1x16xf32>,
          %swap3A_932 = vector.shape_cast %swap3A_931 : vector<1x16xf32> to vector<16xf32>
          %swap3A_933 = vector.shape_cast %add3A_928 : vector<16xf32> to vector<1x16xf32>
          tpu.vector_store %arg9[%swap3A_929, %swap3A_930], %swap3A_933 {strides = array<i32>} : memref<16x1024xf32, #tpu.memory_space<vmem>>, vector<1x16xf32>,
          %get3A_934 = arith.constant 0 : i32
          %get3A_935 = arith.index_cast %get3A_934 : i32 to index
          %get3A_936 = arith.constant 176 : index
          %get3A_937 = tpu.vector_load %arg7[%get3A_935, %get3A_936] {strides = array<i32>} : memref<1x1024xf32, #tpu.memory_space<vmem>>, vector<1x16xf32>,
          %get3A_938 = vector.shape_cast %get3A_937 : vector<1x16xf32> to vector<16xf32>
          %get3A_939 = arith.index_cast %scan3A_705 : i32 to index
          %get3A_940 = arith.constant 176 : index
          %get3A_941 = tpu.vector_load %arg11[%get3A_939, %get3A_940] {strides = array<i32>} : memref<16x1024xf32, #tpu.memory_space<vmem>>, vector<1x16xf32>,
          %get3A_942 = vector.shape_cast %get3A_941 : vector<1x16xf32> to vector<16xf32>
          %get3A_943 = arith.index_cast %scan3A_705 : i32 to index
          %get3A_944 = arith.constant 176 : index
          %get3A_945 = tpu.vector_load %arg9[%get3A_943, %get3A_944] {strides = array<i32>} : memref<16x1024xf32, #tpu.memory_space<vmem>>, vector<1x16xf32>,
          %get3A_946 = vector.shape_cast %get3A_945 : vector<1x16xf32> to vector<16xf32>
          %sub3A_947 = arith.subf %get3A_946, %get3A_938 : vector<16xf32>
          %add3A_948 = arith.addf %get3A_942, %sub3A_947 : vector<16xf32>
          %swap3A_949 = arith.index_cast %scan3A_705 : i32 to index
          %swap3A_950 = arith.constant 176 : index
          %swap3A_951 = tpu.vector_load %arg9[%swap3A_949, %swap3A_950] {strides = array<i32>} : memref<16x1024xf32, #tpu.memory_space<vmem>>, vector<1x16xf32>,
          %swap3A_952 = vector.shape_cast %swap3A_951 : vector<1x16xf32> to vector<16xf32>
          %swap3A_953 = vector.shape_cast %add3A_948 : vector<16xf32> to vector<1x16xf32>
          tpu.vector_store %arg9[%swap3A_949, %swap3A_950], %swap3A_953 {strides = array<i32>} : memref<16x1024xf32, #tpu.memory_space<vmem>>, vector<1x16xf32>,
          %get3A_954 = arith.constant 0 : i32
          %get3A_955 = arith.index_cast %get3A_954 : i32 to index
          %get3A_956 = arith.constant 192 : index
          %get3A_957 = tpu.vector_load %arg7[%get3A_955, %get3A_956] {strides = array<i32>} : memref<1x1024xf32, #tpu.memory_space<vmem>>, vector<1x16xf32>,
          %get3A_958 = vector.shape_cast %get3A_957 : vector<1x16xf32> to vector<16xf32>
          %get3A_959 = arith.index_cast %scan3A_705 : i32 to index
          %get3A_960 = arith.constant 192 : index
          %get3A_961 = tpu.vector_load %arg11[%get3A_959, %get3A_960] {strides = array<i32>} : memref<16x1024xf32, #tpu.memory_space<vmem>>, vector<1x16xf32>,
          %get3A_962 = vector.shape_cast %get3A_961 : vector<1x16xf32> to vector<16xf32>
          %get3A_963 = arith.index_cast %scan3A_705 : i32 to index
          %get3A_964 = arith.constant 192 : index
          %get3A_965 = tpu.vector_load %arg9[%get3A_963, %get3A_964] {strides = array<i32>} : memref<16x1024xf32, #tpu.memory_space<vmem>>, vector<1x16xf32>,
          %get3A_966 = vector.shape_cast %get3A_965 : vector<1x16xf32> to vector<16xf32>
          %sub3A_967 = arith.subf %get3A_966, %get3A_958 : vector<16xf32>
          %add3A_968 = arith.addf %get3A_962, %sub3A_967 : vector<16xf32>
          %swap3A_969 = arith.index_cast %scan3A_705 : i32 to index
          %swap3A_970 = arith.constant 192 : index
          %swap3A_971 = tpu.vector_load %arg9[%swap3A_969, %swap3A_970] {strides = array<i32>} : memref<16x1024xf32, #tpu.memory_space<vmem>>, vector<1x16xf32>,
          %swap3A_972 = vector.shape_cast %swap3A_971 : vector<1x16xf32> to vector<16xf32>
          %swap3A_973 = vector.shape_cast %add3A_968 : vector<16xf32> to vector<1x16xf32>
          tpu.vector_store %arg9[%swap3A_969, %swap3A_970], %swap3A_973 {strides = array<i32>} : memref<16x1024xf32, #tpu.memory_space<vmem>>, vector<1x16xf32>,
          %get3A_974 = arith.constant 0 : i32
          %get3A_975 = arith.index_cast %get3A_974 : i32 to index
          %get3A_976 = arith.constant 208 : index
          %get3A_977 = tpu.vector_load %arg7[%get3A_975, %get3A_976] {strides = array<i32>} : memref<1x1024xf32, #tpu.memory_space<vmem>>, vector<1x16xf32>,
          %get3A_978 = vector.shape_cast %get3A_977 : vector<1x16xf32> to vector<16xf32>
          %get3A_979 = arith.index_cast %scan3A_705 : i32 to index
          %get3A_980 = arith.constant 208 : index
          %get3A_981 = tpu.vector_load %arg11[%get3A_979, %get3A_980] {strides = array<i32>} : memref<16x1024xf32, #tpu.memory_space<vmem>>, vector<1x16xf32>,
          %get3A_982 = vector.shape_cast %get3A_981 : vector<1x16xf32> to vector<16xf32>
          %get3A_983 = arith.index_cast %scan3A_705 : i32 to index
          %get3A_984 = arith.constant 208 : index
          %get3A_985 = tpu.vector_load %arg9[%get3A_983, %get3A_984] {strides = array<i32>} : memref<16x1024xf32, #tpu.memory_space<vmem>>, vector<1x16xf32>,
          %get3A_986 = vector.shape_cast %get3A_985 : vector<1x16xf32> to vector<16xf32>
          %sub3A_987 = arith.subf %get3A_986, %get3A_978 : vector<16xf32>
          %add3A_988 = arith.addf %get3A_982, %sub3A_987 : vector<16xf32>
          %swap3A_989 = arith.index_cast %scan3A_705 : i32 to index
          %swap3A_990 = arith.constant 208 : index
          %swap3A_991 = tpu.vector_load %arg9[%swap3A_989, %swap3A_990] {strides = array<i32>} : memref<16x1024xf32, #tpu.memory_space<vmem>>, vector<1x16xf32>,
          %swap3A_992 = vector.shape_cast %swap3A_991 : vector<1x16xf32> to vector<16xf32>
          %swap3A_993 = vector.shape_cast %add3A_988 : vector<16xf32> to vector<1x16xf32>
          tpu.vector_store %arg9[%swap3A_989, %swap3A_990], %swap3A_993 {strides = array<i32>} : memref<16x1024xf32, #tpu.memory_space<vmem>>, vector<1x16xf32>,
          %get3A_994 = arith.constant 0 : i32
          %get3A_995 = arith.index_cast %get3A_994 : i32 to index
          %get3A_996 = arith.constant 224 : index
          %get3A_997 = tpu.vector_load %arg7[%get3A_995, %get3A_996] {strides = array<i32>} : memref<1x1024xf32, #tpu.memory_space<vmem>>, vector<1x16xf32>,
          %get3A_998 = vector.shape_cast %get3A_997 : vector<1x16xf32> to vector<16xf32>
          %get3A_999 = arith.index_cast %scan3A_705 : i32 to index
          %get3A_1000 = arith.constant 224 : index
          %get3A_1001 = tpu.vector_load %arg11[%get3A_999, %get3A_1000] {strides = array<i32>} : memref<16x1024xf32, #tpu.memory_space<vmem>>, vector<1x16xf32>,
          %get3A_1002 = vector.shape_cast %get3A_1001 : vector<1x16xf32> to vector<16xf32>
          %get3A_1003 = arith.index_cast %scan3A_705 : i32 to index
          %get3A_1004 = arith.constant 224 : index
          %get3A_1005 = tpu.vector_load %arg9[%get3A_1003, %get3A_1004] {strides = array<i32>} : memref<16x1024xf32, #tpu.memory_space<vmem>>, vector<1x16xf32>,
          %get3A_1006 = vector.shape_cast %get3A_1005 : vector<1x16xf32> to vector<16xf32>
          %sub3A_1007 = arith.subf %get3A_1006, %get3A_998 : vector<16xf32>
          %add3A_1008 = arith.addf %get3A_1002, %sub3A_1007 : vector<16xf32>
          %swap3A_1009 = arith.index_cast %scan3A_705 : i32 to index
          %swap3A_1010 = arith.constant 224 : index
          %swap3A_1011 = tpu.vector_load %arg9[%swap3A_1009, %swap3A_1010] {strides = array<i32>} : memref<16x1024xf32, #tpu.memory_space<vmem>>, vector<1x16xf32>,
          %swap3A_1012 = vector.shape_cast %swap3A_1011 : vector<1x16xf32> to vector<16xf32>
          %swap3A_1013 = vector.shape_cast %add3A_1008 : vector<16xf32> to vector<1x16xf32>
          tpu.vector_store %arg9[%swap3A_1009, %swap3A_1010], %swap3A_1013 {strides = array<i32>} : memref<16x1024xf32, #tpu.memory_space<vmem>>, vector<1x16xf32>,
          %get3A_1014 = arith.constant 0 : i32
          %get3A_1015 = arith.index_cast %get3A_1014 : i32 to index
          %get3A_1016 = arith.constant 240 : index
          %get3A_1017 = tpu.vector_load %arg7[%get3A_1015, %get3A_1016] {strides = array<i32>} : memref<1x1024xf32, #tpu.memory_space<vmem>>, vector<1x16xf32>,
          %get3A_1018 = vector.shape_cast %get3A_1017 : vector<1x16xf32> to vector<16xf32>
          %get3A_1019 = arith.index_cast %scan3A_705 : i32 to index
          %get3A_1020 = arith.constant 240 : index
          %get3A_1021 = tpu.vector_load %arg11[%get3A_1019, %get3A_1020] {strides = array<i32>} : memref<16x1024xf32, #tpu.memory_space<vmem>>, vector<1x16xf32>,
          %get3A_1022 = vector.shape_cast %get3A_1021 : vector<1x16xf32> to vector<16xf32>
          %get3A_1023 = arith.index_cast %scan3A_705 : i32 to index
          %get3A_1024 = arith.constant 240 : index
          %get3A_1025 = tpu.vector_load %arg9[%get3A_1023, %get3A_1024] {strides = array<i32>} : memref<16x1024xf32, #tpu.memory_space<vmem>>, vector<1x16xf32>,
          %get3A_1026 = vector.shape_cast %get3A_1025 : vector<1x16xf32> to vector<16xf32>
          %sub3A_1027 = arith.subf %get3A_1026, %get3A_1018 : vector<16xf32>
          %add3A_1028 = arith.addf %get3A_1022, %sub3A_1027 : vector<16xf32>
          %swap3A_1029 = arith.index_cast %scan3A_705 : i32 to index
          %swap3A_1030 = arith.constant 240 : index
          %swap3A_1031 = tpu.vector_load %arg9[%swap3A_1029, %swap3A_1030] {strides = array<i32>} : memref<16x1024xf32, #tpu.memory_space<vmem>>, vector<1x16xf32>,
          %swap3A_1032 = vector.shape_cast %swap3A_1031 : vector<1x16xf32> to vector<16xf32>
          %swap3A_1033 = vector.shape_cast %add3A_1028 : vector<16xf32> to vector<1x16xf32>
          tpu.vector_store %arg9[%swap3A_1029, %swap3A_1030], %swap3A_1033 {strides = array<i32>} : memref<16x1024xf32, #tpu.memory_space<vmem>>, vector<1x16xf32>,
          %get3A_1034 = arith.constant 0 : i32
          %get3A_1035 = arith.index_cast %get3A_1034 : i32 to index
          %get3A_1036 = arith.constant 256 : index
          %get3A_1037 = tpu.vector_load %arg7[%get3A_1035, %get3A_1036] {strides = array<i32>} : memref<1x1024xf32, #tpu.memory_space<vmem>>, vector<1x16xf32>,
          %get3A_1038 = vector.shape_cast %get3A_1037 : vector<1x16xf32> to vector<16xf32>
          %get3A_1039 = arith.index_cast %scan3A_705 : i32 to index
          %get3A_1040 = arith.constant 256 : index
          %get3A_1041 = tpu.vector_load %arg11[%get3A_1039, %get3A_1040] {strides = array<i32>} : memref<16x1024xf32, #tpu.memory_space<vmem>>, vector<1x16xf32>,
          %get3A_1042 = vector.shape_cast %get3A_1041 : vector<1x16xf32> to vector<16xf32>
          %get3A_1043 = arith.index_cast %scan3A_705 : i32 to index
          %get3A_1044 = arith.constant 256 : index
          %get3A_1045 = tpu.vector_load %arg9[%get3A_1043, %get3A_1044] {strides = array<i32>} : memref<16x1024xf32, #tpu.memory_space<vmem>>, vector<1x16xf32>,
          %get3A_1046 = vector.shape_cast %get3A_1045 : vector<1x16xf32> to vector<16xf32>
          %sub3A_1047 = arith.subf %get3A_1046, %get3A_1038 : vector<16xf32>
          %add3A_1048 = arith.addf %get3A_1042, %sub3A_1047 : vector<16xf32>
          %swap3A_1049 = arith.index_cast %scan3A_705 : i32 to index
          %swap3A_1050 = arith.constant 256 : index
          %swap3A_1051 = tpu.vector_load %arg9[%swap3A_1049, %swap3A_1050] {strides = array<i32>} : memref<16x1024xf32, #tpu.memory_space<vmem>>, vector<1x16xf32>,
          %swap3A_1052 = vector.shape_cast %swap3A_1051 : vector<1x16xf32> to vector<16xf32>
          %swap3A_1053 = vector.shape_cast %add3A_1048 : vector<16xf32> to vector<1x16xf32>
          tpu.vector_store %arg9[%swap3A_1049, %swap3A_1050], %swap3A_1053 {strides = array<i32>} : memref<16x1024xf32, #tpu.memory_space<vmem>>, vector<1x16xf32>,
          %get3A_1054 = arith.constant 0 : i32
          %get3A_1055 = arith.index_cast %get3A_1054 : i32 to index
          %get3A_1056 = arith.constant 272 : index
          %get3A_1057 = tpu.vector_load %arg7[%get3A_1055, %get3A_1056] {strides = array<i32>} : memref<1x1024xf32, #tpu.memory_space<vmem>>, vector<1x16xf32>,
          %get3A_1058 = vector.shape_cast %get3A_1057 : vector<1x16xf32> to vector<16xf32>
          %get3A_1059 = arith.index_cast %scan3A_705 : i32 to index
          %get3A_1060 = arith.constant 272 : index
          %get3A_1061 = tpu.vector_load %arg11[%get3A_1059, %get3A_1060] {strides = array<i32>} : memref<16x1024xf32, #tpu.memory_space<vmem>>, vector<1x16xf32>,
          %get3A_1062 = vector.shape_cast %get3A_1061 : vector<1x16xf32> to vector<16xf32>
          %get3A_1063 = arith.index_cast %scan3A_705 : i32 to index
          %get3A_1064 = arith.constant 272 : index
          %get3A_1065 = tpu.vector_load %arg9[%get3A_1063, %get3A_1064] {strides = array<i32>} : memref<16x1024xf32, #tpu.memory_space<vmem>>, vector<1x16xf32>,
          %get3A_1066 = vector.shape_cast %get3A_1065 : vector<1x16xf32> to vector<16xf32>
          %sub3A_1067 = arith.subf %get3A_1066, %get3A_1058 : vector<16xf32>
          %add3A_1068 = arith.addf %get3A_1062, %sub3A_1067 : vector<16xf32>
          %swap3A_1069 = arith.index_cast %scan3A_705 : i32 to index
          %swap3A_1070 = arith.constant 272 : index
          %swap3A_1071 = tpu.vector_load %arg9[%swap3A_1069, %swap3A_1070] {strides = array<i32>} : memref<16x1024xf32, #tpu.memory_space<vmem>>, vector<1x16xf32>,
          %swap3A_1072 = vector.shape_cast %swap3A_1071 : vector<1x16xf32> to vector<16xf32>
          %swap3A_1073 = vector.shape_cast %add3A_1068 : vector<16xf32> to vector<1x16xf32>
          tpu.vector_store %arg9[%swap3A_1069, %swap3A_1070], %swap3A_1073 {strides = array<i32>} : memref<16x1024xf32, #tpu.memory_space<vmem>>, vector<1x16xf32>,
          %get3A_1074 = arith.constant 0 : i32
          %get3A_1075 = arith.index_cast %get3A_1074 : i32 to index
          %get3A_1076 = arith.constant 288 : index
          %get3A_1077 = tpu.vector_load %arg7[%get3A_1075, %get3A_1076] {strides = array<i32>} : memref<1x1024xf32, #tpu.memory_space<vmem>>, vector<1x16xf32>,
          %get3A_1078 = vector.shape_cast %get3A_1077 : vector<1x16xf32> to vector<16xf32>
          %get3A_1079 = arith.index_cast %scan3A_705 : i32 to index
          %get3A_1080 = arith.constant 288 : index
          %get3A_1081 = tpu.vector_load %arg11[%get3A_1079, %get3A_1080] {strides = array<i32>} : memref<16x1024xf32, #tpu.memory_space<vmem>>, vector<1x16xf32>,
          %get3A_1082 = vector.shape_cast %get3A_1081 : vector<1x16xf32> to vector<16xf32>
          %get3A_1083 = arith.index_cast %scan3A_705 : i32 to index
          %get3A_1084 = arith.constant 288 : index
          %get3A_1085 = tpu.vector_load %arg9[%get3A_1083, %get3A_1084] {strides = array<i32>} : memref<16x1024xf32, #tpu.memory_space<vmem>>, vector<1x16xf32>,
          %get3A_1086 = vector.shape_cast %get3A_1085 : vector<1x16xf32> to vector<16xf32>
          %sub3A_1087 = arith.subf %get3A_1086, %get3A_1078 : vector<16xf32>
          %add3A_1088 = arith.addf %get3A_1082, %sub3A_1087 : vector<16xf32>
          %swap3A_1089 = arith.index_cast %scan3A_705 : i32 to index
          %swap3A_1090 = arith.constant 288 : index
          %swap3A_1091 = tpu.vector_load %arg9[%swap3A_1089, %swap3A_1090] {strides = array<i32>} : memref<16x1024xf32, #tpu.memory_space<vmem>>, vector<1x16xf32>,
          %swap3A_1092 = vector.shape_cast %swap3A_1091 : vector<1x16xf32> to vector<16xf32>
          %swap3A_1093 = vector.shape_cast %add3A_1088 : vector<16xf32> to vector<1x16xf32>
          tpu.vector_store %arg9[%swap3A_1089, %swap3A_1090], %swap3A_1093 {strides = array<i32>} : memref<16x1024xf32, #tpu.memory_space<vmem>>, vector<1x16xf32>,
          %get3A_1094 = arith.constant 0 : i32
          %get3A_1095 = arith.index_cast %get3A_1094 : i32 to index
          %get3A_1096 = arith.constant 304 : index
          %get3A_1097 = tpu.vector_load %arg7[%get3A_1095, %get3A_1096] {strides = array<i32>} : memref<1x1024xf32, #tpu.memory_space<vmem>>, vector<1x16xf32>,
          %get3A_1098 = vector.shape_cast %get3A_1097 : vector<1x16xf32> to vector<16xf32>
          %get3A_1099 = arith.index_cast %scan3A_705 : i32 to index
          %get3A_1100 = arith.constant 304 : index
          %get3A_1101 = tpu.vector_load %arg11[%get3A_1099, %get3A_1100] {strides = array<i32>} : memref<16x1024xf32, #tpu.memory_space<vmem>>, vector<1x16xf32>,
          %get3A_1102 = vector.shape_cast %get3A_1101 : vector<1x16xf32> to vector<16xf32>
          %get3A_1103 = arith.index_cast %scan3A_705 : i32 to index
          %get3A_1104 = arith.constant 304 : index
          %get3A_1105 = tpu.vector_load %arg9[%get3A_1103, %get3A_1104] {strides = array<i32>} : memref<16x1024xf32, #tpu.memory_space<vmem>>, vector<1x16xf32>,
          %get3A_1106 = vector.shape_cast %get3A_1105 : vector<1x16xf32> to vector<16xf32>
          %sub3A_1107 = arith.subf %get3A_1106, %get3A_1098 : vector<16xf32>
          %add3A_1108 = arith.addf %get3A_1102, %sub3A_1107 : vector<16xf32>
          %swap3A_1109 = arith.index_cast %scan3A_705 : i32 to index
          %swap3A_1110 = arith.constant 304 : index
          %swap3A_1111 = tpu.vector_load %arg9[%swap3A_1109, %swap3A_1110] {strides = array<i32>} : memref<16x1024xf32, #tpu.memory_space<vmem>>, vector<1x16xf32>,
          %swap3A_1112 = vector.shape_cast %swap3A_1111 : vector<1x16xf32> to vector<16xf32>
          %swap3A_1113 = vector.shape_cast %add3A_1108 : vector<16xf32> to vector<1x16xf32>
          tpu.vector_store %arg9[%swap3A_1109, %swap3A_1110], %swap3A_1113 {strides = array<i32>} : memref<16x1024xf32, #tpu.memory_space<vmem>>, vector<1x16xf32>,
          %get3A_1114 = arith.constant 0 : i32
          %get3A_1115 = arith.index_cast %get3A_1114 : i32 to index
          %get3A_1116 = arith.constant 320 : index
          %get3A_1117 = tpu.vector_load %arg7[%get3A_1115, %get3A_1116] {strides = array<i32>} : memref<1x1024xf32, #tpu.memory_space<vmem>>, vector<1x16xf32>,
          %get3A_1118 = vector.shape_cast %get3A_1117 : vector<1x16xf32> to vector<16xf32>
          %get3A_1119 = arith.index_cast %scan3A_705 : i32 to index
          %get3A_1120 = arith.constant 320 : index
          %get3A_1121 = tpu.vector_load %arg11[%get3A_1119, %get3A_1120] {strides = array<i32>} : memref<16x1024xf32, #tpu.memory_space<vmem>>, vector<1x16xf32>,
          %get3A_1122 = vector.shape_cast %get3A_1121 : vector<1x16xf32> to vector<16xf32>
          %get3A_1123 = arith.index_cast %scan3A_705 : i32 to index
          %get3A_1124 = arith.constant 320 : index
          %get3A_1125 = tpu.vector_load %arg9[%get3A_1123, %get3A_1124] {strides = array<i32>} : memref<16x1024xf32, #tpu.memory_space<vmem>>, vector<1x16xf32>,
          %get3A_1126 = vector.shape_cast %get3A_1125 : vector<1x16xf32> to vector<16xf32>
          %sub3A_1127 = arith.subf %get3A_1126, %get3A_1118 : vector<16xf32>
          %add3A_1128 = arith.addf %get3A_1122, %sub3A_1127 : vector<16xf32>
          %swap3A_1129 = arith.index_cast %scan3A_705 : i32 to index
          %swap3A_1130 = arith.constant 320 : index
          %swap3A_1131 = tpu.vector_load %arg9[%swap3A_1129, %swap3A_1130] {strides = array<i32>} : memref<16x1024xf32, #tpu.memory_space<vmem>>, vector<1x16xf32>,
          %swap3A_1132 = vector.shape_cast %swap3A_1131 : vector<1x16xf32> to vector<16xf32>
          %swap3A_1133 = vector.shape_cast %add3A_1128 : vector<16xf32> to vector<1x16xf32>
          tpu.vector_store %arg9[%swap3A_1129, %swap3A_1130], %swap3A_1133 {strides = array<i32>} : memref<16x1024xf32, #tpu.memory_space<vmem>>, vector<1x16xf32>,
          %get3A_1134 = arith.constant 0 : i32
          %get3A_1135 = arith.index_cast %get3A_1134 : i32 to index
          %get3A_1136 = arith.constant 336 : index
          %get3A_1137 = tpu.vector_load %arg7[%get3A_1135, %get3A_1136] {strides = array<i32>} : memref<1x1024xf32, #tpu.memory_space<vmem>>, vector<1x16xf32>,
          %get3A_1138 = vector.shape_cast %get3A_1137 : vector<1x16xf32> to vector<16xf32>
          %get3A_1139 = arith.index_cast %scan3A_705 : i32 to index
          %get3A_1140 = arith.constant 336 : index
          %get3A_1141 = tpu.vector_load %arg11[%get3A_1139, %get3A_1140] {strides = array<i32>} : memref<16x1024xf32, #tpu.memory_space<vmem>>, vector<1x16xf32>,
          %get3A_1142 = vector.shape_cast %get3A_1141 : vector<1x16xf32> to vector<16xf32>
          %get3A_1143 = arith.index_cast %scan3A_705 : i32 to index
          %get3A_1144 = arith.constant 336 : index
          %get3A_1145 = tpu.vector_load %arg9[%get3A_1143, %get3A_1144] {strides = array<i32>} : memref<16x1024xf32, #tpu.memory_space<vmem>>, vector<1x16xf32>,
          %get3A_1146 = vector.shape_cast %get3A_1145 : vector<1x16xf32> to vector<16xf32>
          %sub3A_1147 = arith.subf %get3A_1146, %get3A_1138 : vector<16xf32>
          %add3A_1148 = arith.addf %get3A_1142, %sub3A_1147 : vector<16xf32>
          %swap3A_1149 = arith.index_cast %scan3A_705 : i32 to index
          %swap3A_1150 = arith.constant 336 : index
          %swap3A_1151 = tpu.vector_load %arg9[%swap3A_1149, %swap3A_1150] {strides = array<i32>} : memref<16x1024xf32, #tpu.memory_space<vmem>>, vector<1x16xf32>,
          %swap3A_1152 = vector.shape_cast %swap3A_1151 : vector<1x16xf32> to vector<16xf32>
          %swap3A_1153 = vector.shape_cast %add3A_1148 : vector<16xf32> to vector<1x16xf32>
          tpu.vector_store %arg9[%swap3A_1149, %swap3A_1150], %swap3A_1153 {strides = array<i32>} : memref<16x1024xf32, #tpu.memory_space<vmem>>, vector<1x16xf32>,
          %get3A_1154 = arith.constant 0 : i32
          %get3A_1155 = arith.index_cast %get3A_1154 : i32 to index
          %get3A_1156 = arith.constant 352 : index
          %get3A_1157 = tpu.vector_load %arg7[%get3A_1155, %get3A_1156] {strides = array<i32>} : memref<1x1024xf32, #tpu.memory_space<vmem>>, vector<1x16xf32>,
          %get3A_1158 = vector.shape_cast %get3A_1157 : vector<1x16xf32> to vector<16xf32>
          %get3A_1159 = arith.index_cast %scan3A_705 : i32 to index
          %get3A_1160 = arith.constant 352 : index
          %get3A_1161 = tpu.vector_load %arg11[%get3A_1159, %get3A_1160] {strides = array<i32>} : memref<16x1024xf32, #tpu.memory_space<vmem>>, vector<1x16xf32>,
          %get3A_1162 = vector.shape_cast %get3A_1161 : vector<1x16xf32> to vector<16xf32>
          %get3A_1163 = arith.index_cast %scan3A_705 : i32 to index
          %get3A_1164 = arith.constant 352 : index
          %get3A_1165 = tpu.vector_load %arg9[%get3A_1163, %get3A_1164] {strides = array<i32>} : memref<16x1024xf32, #tpu.memory_space<vmem>>, vector<1x16xf32>,
          %get3A_1166 = vector.shape_cast %get3A_1165 : vector<1x16xf32> to vector<16xf32>
          %sub3A_1167 = arith.subf %get3A_1166, %get3A_1158 : vector<16xf32>
          %add3A_1168 = arith.addf %get3A_1162, %sub3A_1167 : vector<16xf32>
          %swap3A_1169 = arith.index_cast %scan3A_705 : i32 to index
          %swap3A_1170 = arith.constant 352 : index
          %swap3A_1171 = tpu.vector_load %arg9[%swap3A_1169, %swap3A_1170] {strides = array<i32>} : memref<16x1024xf32, #tpu.memory_space<vmem>>, vector<1x16xf32>,
          %swap3A_1172 = vector.shape_cast %swap3A_1171 : vector<1x16xf32> to vector<16xf32>
          %swap3A_1173 = vector.shape_cast %add3A_1168 : vector<16xf32> to vector<1x16xf32>
          tpu.vector_store %arg9[%swap3A_1169, %swap3A_1170], %swap3A_1173 {strides = array<i32>} : memref<16x1024xf32, #tpu.memory_space<vmem>>, vector<1x16xf32>,
          %get3A_1174 = arith.constant 0 : i32
          %get3A_1175 = arith.index_cast %get3A_1174 : i32 to index
          %get3A_1176 = arith.constant 368 : index
          %get3A_1177 = tpu.vector_load %arg7[%get3A_1175, %get3A_1176] {strides = array<i32>} : memref<1x1024xf32, #tpu.memory_space<vmem>>, vector<1x16xf32>,
          %get3A_1178 = vector.shape_cast %get3A_1177 : vector<1x16xf32> to vector<16xf32>
          %get3A_1179 = arith.index_cast %scan3A_705 : i32 to index
          %get3A_1180 = arith.constant 368 : index
          %get3A_1181 = tpu.vector_load %arg11[%get3A_1179, %get3A_1180] {strides = array<i32>} : memref<16x1024xf32, #tpu.memory_space<vmem>>, vector<1x16xf32>,
          %get3A_1182 = vector.shape_cast %get3A_1181 : vector<1x16xf32> to vector<16xf32>
          %get3A_1183 = arith.index_cast %scan3A_705 : i32 to index
          %get3A_1184 = arith.constant 368 : index
          %get3A_1185 = tpu.vector_load %arg9[%get3A_1183, %get3A_1184] {strides = array<i32>} : memref<16x1024xf32, #tpu.memory_space<vmem>>, vector<1x16xf32>,
          %get3A_1186 = vector.shape_cast %get3A_1185 : vector<1x16xf32> to vector<16xf32>
          %sub3A_1187 = arith.subf %get3A_1186, %get3A_1178 : vector<16xf32>
          %add3A_1188 = arith.addf %get3A_1182, %sub3A_1187 : vector<16xf32>
          %swap3A_1189 = arith.index_cast %scan3A_705 : i32 to index
          %swap3A_1190 = arith.constant 368 : index
          %swap3A_1191 = tpu.vector_load %arg9[%swap3A_1189, %swap3A_1190] {strides = array<i32>} : memref<16x1024xf32, #tpu.memory_space<vmem>>, vector<1x16xf32>,
          %swap3A_1192 = vector.shape_cast %swap3A_1191 : vector<1x16xf32> to vector<16xf32>
          %swap3A_1193 = vector.shape_cast %add3A_1188 : vector<16xf32> to vector<1x16xf32>
          tpu.vector_store %arg9[%swap3A_1189, %swap3A_1190], %swap3A_1193 {strides = array<i32>} : memref<16x1024xf32, #tpu.memory_space<vmem>>, vector<1x16xf32>,
          %get3A_1194 = arith.constant 0 : i32
          %get3A_1195 = arith.index_cast %get3A_1194 : i32 to index
          %get3A_1196 = arith.constant 384 : index
          %get3A_1197 = tpu.vector_load %arg7[%get3A_1195, %get3A_1196] {strides = array<i32>} : memref<1x1024xf32, #tpu.memory_space<vmem>>, vector<1x16xf32>,
          %get3A_1198 = vector.shape_cast %get3A_1197 : vector<1x16xf32> to vector<16xf32>
          %get3A_1199 = arith.index_cast %scan3A_705 : i32 to index
          %get3A_1200 = arith.constant 384 : index
          %get3A_1201 = tpu.vector_load %arg11[%get3A_1199, %get3A_1200] {strides = array<i32>} : memref<16x1024xf32, #tpu.memory_space<vmem>>, vector<1x16xf32>,
          %get3A_1202 = vector.shape_cast %get3A_1201 : vector<1x16xf32> to vector<16xf32>
          %get3A_1203 = arith.index_cast %scan3A_705 : i32 to index
          %get3A_1204 = arith.constant 384 : index
          %get3A_1205 = tpu.vector_load %arg9[%get3A_1203, %get3A_1204] {strides = array<i32>} : memref<16x1024xf32, #tpu.memory_space<vmem>>, vector<1x16xf32>,
          %get3A_1206 = vector.shape_cast %get3A_1205 : vector<1x16xf32> to vector<16xf32>
          %sub3A_1207 = arith.subf %get3A_1206, %get3A_1198 : vector<16xf32>
          %add3A_1208 = arith.addf %get3A_1202, %sub3A_1207 : vector<16xf32>
          %swap3A_1209 = arith.index_cast %scan3A_705 : i32 to index
          %swap3A_1210 = arith.constant 384 : index
          %swap3A_1211 = tpu.vector_load %arg9[%swap3A_1209, %swap3A_1210] {strides = array<i32>} : memref<16x1024xf32, #tpu.memory_space<vmem>>, vector<1x16xf32>,
          %swap3A_1212 = vector.shape_cast %swap3A_1211 : vector<1x16xf32> to vector<16xf32>
          %swap3A_1213 = vector.shape_cast %add3A_1208 : vector<16xf32> to vector<1x16xf32>
          tpu.vector_store %arg9[%swap3A_1209, %swap3A_1210], %swap3A_1213 {strides = array<i32>} : memref<16x1024xf32, #tpu.memory_space<vmem>>, vector<1x16xf32>,
          %get3A_1214 = arith.constant 0 : i32
          %get3A_1215 = arith.index_cast %get3A_1214 : i32 to index
          %get3A_1216 = arith.constant 400 : index
          %get3A_1217 = tpu.vector_load %arg7[%get3A_1215, %get3A_1216] {strides = array<i32>} : memref<1x1024xf32, #tpu.memory_space<vmem>>, vector<1x16xf32>,
          %get3A_1218 = vector.shape_cast %get3A_1217 : vector<1x16xf32> to vector<16xf32>
          %get3A_1219 = arith.index_cast %scan3A_705 : i32 to index
          %get3A_1220 = arith.constant 400 : index
          %get3A_1221 = tpu.vector_load %arg11[%get3A_1219, %get3A_1220] {strides = array<i32>} : memref<16x1024xf32, #tpu.memory_space<vmem>>, vector<1x16xf32>,
          %get3A_1222 = vector.shape_cast %get3A_1221 : vector<1x16xf32> to vector<16xf32>
          %get3A_1223 = arith.index_cast %scan3A_705 : i32 to index
          %get3A_1224 = arith.constant 400 : index
          %get3A_1225 = tpu.vector_load %arg9[%get3A_1223, %get3A_1224] {strides = array<i32>} : memref<16x1024xf32, #tpu.memory_space<vmem>>, vector<1x16xf32>,
          %get3A_1226 = vector.shape_cast %get3A_1225 : vector<1x16xf32> to vector<16xf32>
          %sub3A_1227 = arith.subf %get3A_1226, %get3A_1218 : vector<16xf32>
          %add3A_1228 = arith.addf %get3A_1222, %sub3A_1227 : vector<16xf32>
          %swap3A_1229 = arith.index_cast %scan3A_705 : i32 to index
          %swap3A_1230 = arith.constant 400 : index
          %swap3A_1231 = tpu.vector_load %arg9[%swap3A_1229, %swap3A_1230] {strides = array<i32>} : memref<16x1024xf32, #tpu.memory_space<vmem>>, vector<1x16xf32>,
          %swap3A_1232 = vector.shape_cast %swap3A_1231 : vector<1x16xf32> to vector<16xf32>
          %swap3A_1233 = vector.shape_cast %add3A_1228 : vector<16xf32> to vector<1x16xf32>
          tpu.vector_store %arg9[%swap3A_1229, %swap3A_1230], %swap3A_1233 {strides = array<i32>} : memref<16x1024xf32, #tpu.memory_space<vmem>>, vector<1x16xf32>,
          %get3A_1234 = arith.constant 0 : i32
          %get3A_1235 = arith.index_cast %get3A_1234 : i32 to index
          %get3A_1236 = arith.constant 416 : index
          %get3A_1237 = tpu.vector_load %arg7[%get3A_1235, %get3A_1236] {strides = array<i32>} : memref<1x1024xf32, #tpu.memory_space<vmem>>, vector<1x16xf32>,
          %get3A_1238 = vector.shape_cast %get3A_1237 : vector<1x16xf32> to vector<16xf32>
          %get3A_1239 = arith.index_cast %scan3A_705 : i32 to index
          %get3A_1240 = arith.constant 416 : index
          %get3A_1241 = tpu.vector_load %arg11[%get3A_1239, %get3A_1240] {strides = array<i32>} : memref<16x1024xf32, #tpu.memory_space<vmem>>, vector<1x16xf32>,
          %get3A_1242 = vector.shape_cast %get3A_1241 : vector<1x16xf32> to vector<16xf32>
          %get3A_1243 = arith.index_cast %scan3A_705 : i32 to index
          %get3A_1244 = arith.constant 416 : index
          %get3A_1245 = tpu.vector_load %arg9[%get3A_1243, %get3A_1244] {strides = array<i32>} : memref<16x1024xf32, #tpu.memory_space<vmem>>, vector<1x16xf32>,
          %get3A_1246 = vector.shape_cast %get3A_1245 : vector<1x16xf32> to vector<16xf32>
          %sub3A_1247 = arith.subf %get3A_1246, %get3A_1238 : vector<16xf32>
          %add3A_1248 = arith.addf %get3A_1242, %sub3A_1247 : vector<16xf32>
          %swap3A_1249 = arith.index_cast %scan3A_705 : i32 to index
          %swap3A_1250 = arith.constant 416 : index
          %swap3A_1251 = tpu.vector_load %arg9[%swap3A_1249, %swap3A_1250] {strides = array<i32>} : memref<16x1024xf32, #tpu.memory_space<vmem>>, vector<1x16xf32>,
          %swap3A_1252 = vector.shape_cast %swap3A_1251 : vector<1x16xf32> to vector<16xf32>
          %swap3A_1253 = vector.shape_cast %add3A_1248 : vector<16xf32> to vector<1x16xf32>
          tpu.vector_store %arg9[%swap3A_1249, %swap3A_1250], %swap3A_1253 {strides = array<i32>} : memref<16x1024xf32, #tpu.memory_space<vmem>>, vector<1x16xf32>,
          %get3A_1254 = arith.constant 0 : i32
          %get3A_1255 = arith.index_cast %get3A_1254 : i32 to index
          %get3A_1256 = arith.constant 432 : index
          %get3A_1257 = tpu.vector_load %arg7[%get3A_1255, %get3A_1256] {strides = array<i32>} : memref<1x1024xf32, #tpu.memory_space<vmem>>, vector<1x16xf32>,
          %get3A_1258 = vector.shape_cast %get3A_1257 : vector<1x16xf32> to vector<16xf32>
          %get3A_1259 = arith.index_cast %scan3A_705 : i32 to index
          %get3A_1260 = arith.constant 432 : index
          %get3A_1261 = tpu.vector_load %arg11[%get3A_1259, %get3A_1260] {strides = array<i32>} : memref<16x1024xf32, #tpu.memory_space<vmem>>, vector<1x16xf32>,
          %get3A_1262 = vector.shape_cast %get3A_1261 : vector<1x16xf32> to vector<16xf32>
          %get3A_1263 = arith.index_cast %scan3A_705 : i32 to index
          %get3A_1264 = arith.constant 432 : index
          %get3A_1265 = tpu.vector_load %arg9[%get3A_1263, %get3A_1264] {strides = array<i32>} : memref<16x1024xf32, #tpu.memory_space<vmem>>, vector<1x16xf32>,
          %get3A_1266 = vector.shape_cast %get3A_1265 : vector<1x16xf32> to vector<16xf32>
          %sub3A_1267 = arith.subf %get3A_1266, %get3A_1258 : vector<16xf32>
          %add3A_1268 = arith.addf %get3A_1262, %sub3A_1267 : vector<16xf32>
          %swap3A_1269 = arith.index_cast %scan3A_705 : i32 to index
          %swap3A_1270 = arith.constant 432 : index
          %swap3A_1271 = tpu.vector_load %arg9[%swap3A_1269, %swap3A_1270] {strides = array<i32>} : memref<16x1024xf32, #tpu.memory_space<vmem>>, vector<1x16xf32>,
          %swap3A_1272 = vector.shape_cast %swap3A_1271 : vector<1x16xf32> to vector<16xf32>
          %swap3A_1273 = vector.shape_cast %add3A_1268 : vector<16xf32> to vector<1x16xf32>
          tpu.vector_store %arg9[%swap3A_1269, %swap3A_1270], %swap3A_1273 {strides = array<i32>} : memref<16x1024xf32, #tpu.memory_space<vmem>>, vector<1x16xf32>,
          %get3A_1274 = arith.constant 0 : i32
          %get3A_1275 = arith.index_cast %get3A_1274 : i32 to index
          %get3A_1276 = arith.constant 448 : index
          %get3A_1277 = tpu.vector_load %arg7[%get3A_1275, %get3A_1276] {strides = array<i32>} : memref<1x1024xf32, #tpu.memory_space<vmem>>, vector<1x16xf32>,
          %get3A_1278 = vector.shape_cast %get3A_1277 : vector<1x16xf32> to vector<16xf32>
          %get3A_1279 = arith.index_cast %scan3A_705 : i32 to index
          %get3A_1280 = arith.constant 448 : index
          %get3A_1281 = tpu.vector_load %arg11[%get3A_1279, %get3A_1280] {strides = array<i32>} : memref<16x1024xf32, #tpu.memory_space<vmem>>, vector<1x16xf32>,
          %get3A_1282 = vector.shape_cast %get3A_1281 : vector<1x16xf32> to vector<16xf32>
          %get3A_1283 = arith.index_cast %scan3A_705 : i32 to index
          %get3A_1284 = arith.constant 448 : index
          %get3A_1285 = tpu.vector_load %arg9[%get3A_1283, %get3A_1284] {strides = array<i32>} : memref<16x1024xf32, #tpu.memory_space<vmem>>, vector<1x16xf32>,
          %get3A_1286 = vector.shape_cast %get3A_1285 : vector<1x16xf32> to vector<16xf32>
          %sub3A_1287 = arith.subf %get3A_1286, %get3A_1278 : vector<16xf32>
          %add3A_1288 = arith.addf %get3A_1282, %sub3A_1287 : vector<16xf32>
          %swap3A_1289 = arith.index_cast %scan3A_705 : i32 to index
          %swap3A_1290 = arith.constant 448 : index
          %swap3A_1291 = tpu.vector_load %arg9[%swap3A_1289, %swap3A_1290] {strides = array<i32>} : memref<16x1024xf32, #tpu.memory_space<vmem>>, vector<1x16xf32>,
          %swap3A_1292 = vector.shape_cast %swap3A_1291 : vector<1x16xf32> to vector<16xf32>
          %swap3A_1293 = vector.shape_cast %add3A_1288 : vector<16xf32> to vector<1x16xf32>
          tpu.vector_store %arg9[%swap3A_1289, %swap3A_1290], %swap3A_1293 {strides = array<i32>} : memref<16x1024xf32, #tpu.memory_space<vmem>>, vector<1x16xf32>,
          %get3A_1294 = arith.constant 0 : i32
          %get3A_1295 = arith.index_cast %get3A_1294 : i32 to index
          %get3A_1296 = arith.constant 464 : index
          %get3A_1297 = tpu.vector_load %arg7[%get3A_1295, %get3A_1296] {strides = array<i32>} : memref<1x1024xf32, #tpu.memory_space<vmem>>, vector<1x16xf32>,
          %get3A_1298 = vector.shape_cast %get3A_1297 : vector<1x16xf32> to vector<16xf32>
          %get3A_1299 = arith.index_cast %scan3A_705 : i32 to index
          %get3A_1300 = arith.constant 464 : index
          %get3A_1301 = tpu.vector_load %arg11[%get3A_1299, %get3A_1300] {strides = array<i32>} : memref<16x1024xf32, #tpu.memory_space<vmem>>, vector<1x16xf32>,
          %get3A_1302 = vector.shape_cast %get3A_1301 : vector<1x16xf32> to vector<16xf32>
          %get3A_1303 = arith.index_cast %scan3A_705 : i32 to index
          %get3A_1304 = arith.constant 464 : index
          %get3A_1305 = tpu.vector_load %arg9[%get3A_1303, %get3A_1304] {strides = array<i32>} : memref<16x1024xf32, #tpu.memory_space<vmem>>, vector<1x16xf32>,
          %get3A_1306 = vector.shape_cast %get3A_1305 : vector<1x16xf32> to vector<16xf32>
          %sub3A_1307 = arith.subf %get3A_1306, %get3A_1298 : vector<16xf32>
          %add3A_1308 = arith.addf %get3A_1302, %sub3A_1307 : vector<16xf32>
          %swap3A_1309 = arith.index_cast %scan3A_705 : i32 to index
          %swap3A_1310 = arith.constant 464 : index
          %swap3A_1311 = tpu.vector_load %arg9[%swap3A_1309, %swap3A_1310] {strides = array<i32>} : memref<16x1024xf32, #tpu.memory_space<vmem>>, vector<1x16xf32>,
          %swap3A_1312 = vector.shape_cast %swap3A_1311 : vector<1x16xf32> to vector<16xf32>
          %swap3A_1313 = vector.shape_cast %add3A_1308 : vector<16xf32> to vector<1x16xf32>
          tpu.vector_store %arg9[%swap3A_1309, %swap3A_1310], %swap3A_1313 {strides = array<i32>} : memref<16x1024xf32, #tpu.memory_space<vmem>>, vector<1x16xf32>,
          %get3A_1314 = arith.constant 0 : i32
          %get3A_1315 = arith.index_cast %get3A_1314 : i32 to index
          %get3A_1316 = arith.constant 480 : index
          %get3A_1317 = tpu.vector_load %arg7[%get3A_1315, %get3A_1316] {strides = array<i32>} : memref<1x1024xf32, #tpu.memory_space<vmem>>, vector<1x16xf32>,
          %get3A_1318 = vector.shape_cast %get3A_1317 : vector<1x16xf32> to vector<16xf32>
          %get3A_1319 = arith.index_cast %scan3A_705 : i32 to index
          %get3A_1320 = arith.constant 480 : index
          %get3A_1321 = tpu.vector_load %arg11[%get3A_1319, %get3A_1320] {strides = array<i32>} : memref<16x1024xf32, #tpu.memory_space<vmem>>, vector<1x16xf32>,
          %get3A_1322 = vector.shape_cast %get3A_1321 : vector<1x16xf32> to vector<16xf32>
          %get3A_1323 = arith.index_cast %scan3A_705 : i32 to index
          %get3A_1324 = arith.constant 480 : index
          %get3A_1325 = tpu.vector_load %arg9[%get3A_1323, %get3A_1324] {strides = array<i32>} : memref<16x1024xf32, #tpu.memory_space<vmem>>, vector<1x16xf32>,
          %get3A_1326 = vector.shape_cast %get3A_1325 : vector<1x16xf32> to vector<16xf32>
          %sub3A_1327 = arith.subf %get3A_1326, %get3A_1318 : vector<16xf32>
          %add3A_1328 = arith.addf %get3A_1322, %sub3A_1327 : vector<16xf32>
          %swap3A_1329 = arith.index_cast %scan3A_705 : i32 to index
          %swap3A_1330 = arith.constant 480 : index
          %swap3A_1331 = tpu.vector_load %arg9[%swap3A_1329, %swap3A_1330] {strides = array<i32>} : memref<16x1024xf32, #tpu.memory_space<vmem>>, vector<1x16xf32>,
          %swap3A_1332 = vector.shape_cast %swap3A_1331 : vector<1x16xf32> to vector<16xf32>
          %swap3A_1333 = vector.shape_cast %add3A_1328 : vector<16xf32> to vector<1x16xf32>
          tpu.vector_store %arg9[%swap3A_1329, %swap3A_1330], %swap3A_1333 {strides = array<i32>} : memref<16x1024xf32, #tpu.memory_space<vmem>>, vector<1x16xf32>,
          %get3A_1334 = arith.constant 0 : i32
          %get3A_1335 = arith.index_cast %get3A_1334 : i32 to index
          %get3A_1336 = arith.constant 496 : index
          %get3A_1337 = tpu.vector_load %arg7[%get3A_1335, %get3A_1336] {strides = array<i32>} : memref<1x1024xf32, #tpu.memory_space<vmem>>, vector<1x16xf32>,
          %get3A_1338 = vector.shape_cast %get3A_1337 : vector<1x16xf32> to vector<16xf32>
          %get3A_1339 = arith.index_cast %scan3A_705 : i32 to index
          %get3A_1340 = arith.constant 496 : index
          %get3A_1341 = tpu.vector_load %arg11[%get3A_1339, %get3A_1340] {strides = array<i32>} : memref<16x1024xf32, #tpu.memory_space<vmem>>, vector<1x16xf32>,
          %get3A_1342 = vector.shape_cast %get3A_1341 : vector<1x16xf32> to vector<16xf32>
          %get3A_1343 = arith.index_cast %scan3A_705 : i32 to index
          %get3A_1344 = arith.constant 496 : index
          %get3A_1345 = tpu.vector_load %arg9[%get3A_1343, %get3A_1344] {strides = array<i32>} : memref<16x1024xf32, #tpu.memory_space<vmem>>, vector<1x16xf32>,
          %get3A_1346 = vector.shape_cast %get3A_1345 : vector<1x16xf32> to vector<16xf32>
          %sub3A_1347 = arith.subf %get3A_1346, %get3A_1338 : vector<16xf32>
          %add3A_1348 = arith.addf %get3A_1342, %sub3A_1347 : vector<16xf32>
          %swap3A_1349 = arith.index_cast %scan3A_705 : i32 to index
          %swap3A_1350 = arith.constant 496 : index
          %swap3A_1351 = tpu.vector_load %arg9[%swap3A_1349, %swap3A_1350] {strides = array<i32>} : memref<16x1024xf32, #tpu.memory_space<vmem>>, vector<1x16xf32>,
          %swap3A_1352 = vector.shape_cast %swap3A_1351 : vector<1x16xf32> to vector<16xf32>
          %swap3A_1353 = vector.shape_cast %add3A_1348 : vector<16xf32> to vector<1x16xf32>
          tpu.vector_store %arg9[%swap3A_1349, %swap3A_1350], %swap3A_1353 {strides = array<i32>} : memref<16x1024xf32, #tpu.memory_space<vmem>>, vector<1x16xf32>,
          %get3A_1354 = arith.constant 0 : i32
          %get3A_1355 = arith.index_cast %get3A_1354 : i32 to index
          %get3A_1356 = arith.constant 512 : index
          %get3A_1357 = tpu.vector_load %arg7[%get3A_1355, %get3A_1356] {strides = array<i32>} : memref<1x1024xf32, #tpu.memory_space<vmem>>, vector<1x16xf32>,
          %get3A_1358 = vector.shape_cast %get3A_1357 : vector<1x16xf32> to vector<16xf32>
          %get3A_1359 = arith.index_cast %scan3A_705 : i32 to index
          %get3A_1360 = arith.constant 512 : index
          %get3A_1361 = tpu.vector_load %arg11[%get3A_1359, %get3A_1360] {strides = array<i32>} : memref<16x1024xf32, #tpu.memory_space<vmem>>, vector<1x16xf32>,
          %get3A_1362 = vector.shape_cast %get3A_1361 : vector<1x16xf32> to vector<16xf32>
          %get3A_1363 = arith.index_cast %scan3A_705 : i32 to index
          %get3A_1364 = arith.constant 512 : index
          %get3A_1365 = tpu.vector_load %arg9[%get3A_1363, %get3A_1364] {strides = array<i32>} : memref<16x1024xf32, #tpu.memory_space<vmem>>, vector<1x16xf32>,
          %get3A_1366 = vector.shape_cast %get3A_1365 : vector<1x16xf32> to vector<16xf32>
          %sub3A_1367 = arith.subf %get3A_1366, %get3A_1358 : vector<16xf32>
          %add3A_1368 = arith.addf %get3A_1362, %sub3A_1367 : vector<16xf32>
          %swap3A_1369 = arith.index_cast %scan3A_705 : i32 to index
          %swap3A_1370 = arith.constant 512 : index
          %swap3A_1371 = tpu.vector_load %arg9[%swap3A_1369, %swap3A_1370] {strides = array<i32>} : memref<16x1024xf32, #tpu.memory_space<vmem>>, vector<1x16xf32>,
          %swap3A_1372 = vector.shape_cast %swap3A_1371 : vector<1x16xf32> to vector<16xf32>
          %swap3A_1373 = vector.shape_cast %add3A_1368 : vector<16xf32> to vector<1x16xf32>
          tpu.vector_store %arg9[%swap3A_1369, %swap3A_1370], %swap3A_1373 {strides = array<i32>} : memref<16x1024xf32, #tpu.memory_space<vmem>>, vector<1x16xf32>,
          %get3A_1374 = arith.constant 0 : i32
          %get3A_1375 = arith.index_cast %get3A_1374 : i32 to index
          %get3A_1376 = arith.constant 528 : index
          %get3A_1377 = tpu.vector_load %arg7[%get3A_1375, %get3A_1376] {strides = array<i32>} : memref<1x1024xf32, #tpu.memory_space<vmem>>, vector<1x16xf32>,
          %get3A_1378 = vector.shape_cast %get3A_1377 : vector<1x16xf32> to vector<16xf32>
          %get3A_1379 = arith.index_cast %scan3A_705 : i32 to index
          %get3A_1380 = arith.constant 528 : index
          %get3A_1381 = tpu.vector_load %arg11[%get3A_1379, %get3A_1380] {strides = array<i32>} : memref<16x1024xf32, #tpu.memory_space<vmem>>, vector<1x16xf32>,
          %get3A_1382 = vector.shape_cast %get3A_1381 : vector<1x16xf32> to vector<16xf32>
          %get3A_1383 = arith.index_cast %scan3A_705 : i32 to index
          %get3A_1384 = arith.constant 528 : index
          %get3A_1385 = tpu.vector_load %arg9[%get3A_1383, %get3A_1384] {strides = array<i32>} : memref<16x1024xf32, #tpu.memory_space<vmem>>, vector<1x16xf32>,
          %get3A_1386 = vector.shape_cast %get3A_1385 : vector<1x16xf32> to vector<16xf32>
          %sub3A_1387 = arith.subf %get3A_1386, %get3A_1378 : vector<16xf32>
          %add3A_1388 = arith.addf %get3A_1382, %sub3A_1387 : vector<16xf32>
          %swap3A_1389 = arith.index_cast %scan3A_705 : i32 to index
          %swap3A_1390 = arith.constant 528 : index
          %swap3A_1391 = tpu.vector_load %arg9[%swap3A_1389, %swap3A_1390] {strides = array<i32>} : memref<16x1024xf32, #tpu.memory_space<vmem>>, vector<1x16xf32>,
          %swap3A_1392 = vector.shape_cast %swap3A_1391 : vector<1x16xf32> to vector<16xf32>
          %swap3A_1393 = vector.shape_cast %add3A_1388 : vector<16xf32> to vector<1x16xf32>
          tpu.vector_store %arg9[%swap3A_1389, %swap3A_1390], %swap3A_1393 {strides = array<i32>} : memref<16x1024xf32, #tpu.memory_space<vmem>>, vector<1x16xf32>,
          %get3A_1394 = arith.constant 0 : i32
          %get3A_1395 = arith.index_cast %get3A_1394 : i32 to index
          %get3A_1396 = arith.constant 544 : index
          %get3A_1397 = tpu.vector_load %arg7[%get3A_1395, %get3A_1396] {strides = array<i32>} : memref<1x1024xf32, #tpu.memory_space<vmem>>, vector<1x16xf32>,
          %get3A_1398 = vector.shape_cast %get3A_1397 : vector<1x16xf32> to vector<16xf32>
          %get3A_1399 = arith.index_cast %scan3A_705 : i32 to index
          %get3A_1400 = arith.constant 544 : index
          %get3A_1401 = tpu.vector_load %arg11[%get3A_1399, %get3A_1400] {strides = array<i32>} : memref<16x1024xf32, #tpu.memory_space<vmem>>, vector<1x16xf32>,
          %get3A_1402 = vector.shape_cast %get3A_1401 : vector<1x16xf32> to vector<16xf32>
          %get3A_1403 = arith.index_cast %scan3A_705 : i32 to index
          %get3A_1404 = arith.constant 544 : index
          %get3A_1405 = tpu.vector_load %arg9[%get3A_1403, %get3A_1404] {strides = array<i32>} : memref<16x1024xf32, #tpu.memory_space<vmem>>, vector<1x16xf32>,
          %get3A_1406 = vector.shape_cast %get3A_1405 : vector<1x16xf32> to vector<16xf32>
          %sub3A_1407 = arith.subf %get3A_1406, %get3A_1398 : vector<16xf32>
          %add3A_1408 = arith.addf %get3A_1402, %sub3A_1407 : vector<16xf32>
          %swap3A_1409 = arith.index_cast %scan3A_705 : i32 to index
          %swap3A_1410 = arith.constant 544 : index
          %swap3A_1411 = tpu.vector_load %arg9[%swap3A_1409, %swap3A_1410] {strides = array<i32>} : memref<16x1024xf32, #tpu.memory_space<vmem>>, vector<1x16xf32>,
          %swap3A_1412 = vector.shape_cast %swap3A_1411 : vector<1x16xf32> to vector<16xf32>
          %swap3A_1413 = vector.shape_cast %add3A_1408 : vector<16xf32> to vector<1x16xf32>
          tpu.vector_store %arg9[%swap3A_1409, %swap3A_1410], %swap3A_1413 {strides = array<i32>} : memref<16x1024xf32, #tpu.memory_space<vmem>>, vector<1x16xf32>,
          %get3A_1414 = arith.constant 0 : i32
          %get3A_1415 = arith.index_cast %get3A_1414 : i32 to index
          %get3A_1416 = arith.constant 560 : index
          %get3A_1417 = tpu.vector_load %arg7[%get3A_1415, %get3A_1416] {strides = array<i32>} : memref<1x1024xf32, #tpu.memory_space<vmem>>, vector<1x16xf32>,
          %get3A_1418 = vector.shape_cast %get3A_1417 : vector<1x16xf32> to vector<16xf32>
          %get3A_1419 = arith.index_cast %scan3A_705 : i32 to index
          %get3A_1420 = arith.constant 560 : index
          %get3A_1421 = tpu.vector_load %arg11[%get3A_1419, %get3A_1420] {strides = array<i32>} : memref<16x1024xf32, #tpu.memory_space<vmem>>, vector<1x16xf32>,
          %get3A_1422 = vector.shape_cast %get3A_1421 : vector<1x16xf32> to vector<16xf32>
          %get3A_1423 = arith.index_cast %scan3A_705 : i32 to index
          %get3A_1424 = arith.constant 560 : index
          %get3A_1425 = tpu.vector_load %arg9[%get3A_1423, %get3A_1424] {strides = array<i32>} : memref<16x1024xf32, #tpu.memory_space<vmem>>, vector<1x16xf32>,
          %get3A_1426 = vector.shape_cast %get3A_1425 : vector<1x16xf32> to vector<16xf32>
          %sub3A_1427 = arith.subf %get3A_1426, %get3A_1418 : vector<16xf32>
          %add3A_1428 = arith.addf %get3A_1422, %sub3A_1427 : vector<16xf32>
          %swap3A_1429 = arith.index_cast %scan3A_705 : i32 to index
          %swap3A_1430 = arith.constant 560 : index
          %swap3A_1431 = tpu.vector_load %arg9[%swap3A_1429, %swap3A_1430] {strides = array<i32>} : memref<16x1024xf32, #tpu.memory_space<vmem>>, vector<1x16xf32>,
          %swap3A_1432 = vector.shape_cast %swap3A_1431 : vector<1x16xf32> to vector<16xf32>
          %swap3A_1433 = vector.shape_cast %add3A_1428 : vector<16xf32> to vector<1x16xf32>
          tpu.vector_store %arg9[%swap3A_1429, %swap3A_1430], %swap3A_1433 {strides = array<i32>} : memref<16x1024xf32, #tpu.memory_space<vmem>>, vector<1x16xf32>,
          %get3A_1434 = arith.constant 0 : i32
          %get3A_1435 = arith.index_cast %get3A_1434 : i32 to index
          %get3A_1436 = arith.constant 576 : index
          %get3A_1437 = tpu.vector_load %arg7[%get3A_1435, %get3A_1436] {strides = array<i32>} : memref<1x1024xf32, #tpu.memory_space<vmem>>, vector<1x16xf32>,
          %get3A_1438 = vector.shape_cast %get3A_1437 : vector<1x16xf32> to vector<16xf32>
          %get3A_1439 = arith.index_cast %scan3A_705 : i32 to index
          %get3A_1440 = arith.constant 576 : index
          %get3A_1441 = tpu.vector_load %arg11[%get3A_1439, %get3A_1440] {strides = array<i32>} : memref<16x1024xf32, #tpu.memory_space<vmem>>, vector<1x16xf32>,
          %get3A_1442 = vector.shape_cast %get3A_1441 : vector<1x16xf32> to vector<16xf32>
          %get3A_1443 = arith.index_cast %scan3A_705 : i32 to index
          %get3A_1444 = arith.constant 576 : index
          %get3A_1445 = tpu.vector_load %arg9[%get3A_1443, %get3A_1444] {strides = array<i32>} : memref<16x1024xf32, #tpu.memory_space<vmem>>, vector<1x16xf32>,
          %get3A_1446 = vector.shape_cast %get3A_1445 : vector<1x16xf32> to vector<16xf32>
          %sub3A_1447 = arith.subf %get3A_1446, %get3A_1438 : vector<16xf32>
          %add3A_1448 = arith.addf %get3A_1442, %sub3A_1447 : vector<16xf32>
          %swap3A_1449 = arith.index_cast %scan3A_705 : i32 to index
          %swap3A_1450 = arith.constant 576 : index
          %swap3A_1451 = tpu.vector_load %arg9[%swap3A_1449, %swap3A_1450] {strides = array<i32>} : memref<16x1024xf32, #tpu.memory_space<vmem>>, vector<1x16xf32>,
          %swap3A_1452 = vector.shape_cast %swap3A_1451 : vector<1x16xf32> to vector<16xf32>
          %swap3A_1453 = vector.shape_cast %add3A_1448 : vector<16xf32> to vector<1x16xf32>
          tpu.vector_store %arg9[%swap3A_1449, %swap3A_1450], %swap3A_1453 {strides = array<i32>} : memref<16x1024xf32, #tpu.memory_space<vmem>>, vector<1x16xf32>,
          %get3A_1454 = arith.constant 0 : i32
          %get3A_1455 = arith.index_cast %get3A_1454 : i32 to index
          %get3A_1456 = arith.constant 592 : index
          %get3A_1457 = tpu.vector_load %arg7[%get3A_1455, %get3A_1456] {strides = array<i32>} : memref<1x1024xf32, #tpu.memory_space<vmem>>, vector<1x16xf32>,
          %get3A_1458 = vector.shape_cast %get3A_1457 : vector<1x16xf32> to vector<16xf32>
          %get3A_1459 = arith.index_cast %scan3A_705 : i32 to index
          %get3A_1460 = arith.constant 592 : index
          %get3A_1461 = tpu.vector_load %arg11[%get3A_1459, %get3A_1460] {strides = array<i32>} : memref<16x1024xf32, #tpu.memory_space<vmem>>, vector<1x16xf32>,
          %get3A_1462 = vector.shape_cast %get3A_1461 : vector<1x16xf32> to vector<16xf32>
          %get3A_1463 = arith.index_cast %scan3A_705 : i32 to index
          %get3A_1464 = arith.constant 592 : index
          %get3A_1465 = tpu.vector_load %arg9[%get3A_1463, %get3A_1464] {strides = array<i32>} : memref<16x1024xf32, #tpu.memory_space<vmem>>, vector<1x16xf32>,
          %get3A_1466 = vector.shape_cast %get3A_1465 : vector<1x16xf32> to vector<16xf32>
          %sub3A_1467 = arith.subf %get3A_1466, %get3A_1458 : vector<16xf32>
          %add3A_1468 = arith.addf %get3A_1462, %sub3A_1467 : vector<16xf32>
          %swap3A_1469 = arith.index_cast %scan3A_705 : i32 to index
          %swap3A_1470 = arith.constant 592 : index
          %swap3A_1471 = tpu.vector_load %arg9[%swap3A_1469, %swap3A_1470] {strides = array<i32>} : memref<16x1024xf32, #tpu.memory_space<vmem>>, vector<1x16xf32>,
          %swap3A_1472 = vector.shape_cast %swap3A_1471 : vector<1x16xf32> to vector<16xf32>
          %swap3A_1473 = vector.shape_cast %add3A_1468 : vector<16xf32> to vector<1x16xf32>
          tpu.vector_store %arg9[%swap3A_1469, %swap3A_1470], %swap3A_1473 {strides = array<i32>} : memref<16x1024xf32, #tpu.memory_space<vmem>>, vector<1x16xf32>,
          %get3A_1474 = arith.constant 0 : i32
          %get3A_1475 = arith.index_cast %get3A_1474 : i32 to index
          %get3A_1476 = arith.constant 608 : index
          %get3A_1477 = tpu.vector_load %arg7[%get3A_1475, %get3A_1476] {strides = array<i32>} : memref<1x1024xf32, #tpu.memory_space<vmem>>, vector<1x16xf32>,
          %get3A_1478 = vector.shape_cast %get3A_1477 : vector<1x16xf32> to vector<16xf32>
          %get3A_1479 = arith.index_cast %scan3A_705 : i32 to index
          %get3A_1480 = arith.constant 608 : index
          %get3A_1481 = tpu.vector_load %arg11[%get3A_1479, %get3A_1480] {strides = array<i32>} : memref<16x1024xf32, #tpu.memory_space<vmem>>, vector<1x16xf32>,
          %get3A_1482 = vector.shape_cast %get3A_1481 : vector<1x16xf32> to vector<16xf32>
          %get3A_1483 = arith.index_cast %scan3A_705 : i32 to index
          %get3A_1484 = arith.constant 608 : index
          %get3A_1485 = tpu.vector_load %arg9[%get3A_1483, %get3A_1484] {strides = array<i32>} : memref<16x1024xf32, #tpu.memory_space<vmem>>, vector<1x16xf32>,
          %get3A_1486 = vector.shape_cast %get3A_1485 : vector<1x16xf32> to vector<16xf32>
          %sub3A_1487 = arith.subf %get3A_1486, %get3A_1478 : vector<16xf32>
          %add3A_1488 = arith.addf %get3A_1482, %sub3A_1487 : vector<16xf32>
          %swap3A_1489 = arith.index_cast %scan3A_705 : i32 to index
          %swap3A_1490 = arith.constant 608 : index
          %swap3A_1491 = tpu.vector_load %arg9[%swap3A_1489, %swap3A_1490] {strides = array<i32>} : memref<16x1024xf32, #tpu.memory_space<vmem>>, vector<1x16xf32>,
          %swap3A_1492 = vector.shape_cast %swap3A_1491 : vector<1x16xf32> to vector<16xf32>
          %swap3A_1493 = vector.shape_cast %add3A_1488 : vector<16xf32> to vector<1x16xf32>
          tpu.vector_store %arg9[%swap3A_1489, %swap3A_1490], %swap3A_1493 {strides = array<i32>} : memref<16x1024xf32, #tpu.memory_space<vmem>>, vector<1x16xf32>,
          %get3A_1494 = arith.constant 0 : i32
          %get3A_1495 = arith.index_cast %get3A_1494 : i32 to index
          %get3A_1496 = arith.constant 624 : index
          %get3A_1497 = tpu.vector_load %arg7[%get3A_1495, %get3A_1496] {strides = array<i32>} : memref<1x1024xf32, #tpu.memory_space<vmem>>, vector<1x16xf32>,
          %get3A_1498 = vector.shape_cast %get3A_1497 : vector<1x16xf32> to vector<16xf32>
          %get3A_1499 = arith.index_cast %scan3A_705 : i32 to index
          %get3A_1500 = arith.constant 624 : index
          %get3A_1501 = tpu.vector_load %arg11[%get3A_1499, %get3A_1500] {strides = array<i32>} : memref<16x1024xf32, #tpu.memory_space<vmem>>, vector<1x16xf32>,
          %get3A_1502 = vector.shape_cast %get3A_1501 : vector<1x16xf32> to vector<16xf32>
          %get3A_1503 = arith.index_cast %scan3A_705 : i32 to index
          %get3A_1504 = arith.constant 624 : index
          %get3A_1505 = tpu.vector_load %arg9[%get3A_1503, %get3A_1504] {strides = array<i32>} : memref<16x1024xf32, #tpu.memory_space<vmem>>, vector<1x16xf32>,
          %get3A_1506 = vector.shape_cast %get3A_1505 : vector<1x16xf32> to vector<16xf32>
          %sub3A_1507 = arith.subf %get3A_1506, %get3A_1498 : vector<16xf32>
          %add3A_1508 = arith.addf %get3A_1502, %sub3A_1507 : vector<16xf32>
          %swap3A_1509 = arith.index_cast %scan3A_705 : i32 to index
          %swap3A_1510 = arith.constant 624 : index
          %swap3A_1511 = tpu.vector_load %arg9[%swap3A_1509, %swap3A_1510] {strides = array<i32>} : memref<16x1024xf32, #tpu.memory_space<vmem>>, vector<1x16xf32>,
          %swap3A_1512 = vector.shape_cast %swap3A_1511 : vector<1x16xf32> to vector<16xf32>
          %swap3A_1513 = vector.shape_cast %add3A_1508 : vector<16xf32> to vector<1x16xf32>
          tpu.vector_store %arg9[%swap3A_1509, %swap3A_1510], %swap3A_1513 {strides = array<i32>} : memref<16x1024xf32, #tpu.memory_space<vmem>>, vector<1x16xf32>,
          %get3A_1514 = arith.constant 0 : i32
          %get3A_1515 = arith.index_cast %get3A_1514 : i32 to index
          %get3A_1516 = arith.constant 640 : index
          %get3A_1517 = tpu.vector_load %arg7[%get3A_1515, %get3A_1516] {strides = array<i32>} : memref<1x1024xf32, #tpu.memory_space<vmem>>, vector<1x16xf32>,
          %get3A_1518 = vector.shape_cast %get3A_1517 : vector<1x16xf32> to vector<16xf32>
          %get3A_1519 = arith.index_cast %scan3A_705 : i32 to index
          %get3A_1520 = arith.constant 640 : index
          %get3A_1521 = tpu.vector_load %arg11[%get3A_1519, %get3A_1520] {strides = array<i32>} : memref<16x1024xf32, #tpu.memory_space<vmem>>, vector<1x16xf32>,
          %get3A_1522 = vector.shape_cast %get3A_1521 : vector<1x16xf32> to vector<16xf32>
          %get3A_1523 = arith.index_cast %scan3A_705 : i32 to index
          %get3A_1524 = arith.constant 640 : index
          %get3A_1525 = tpu.vector_load %arg9[%get3A_1523, %get3A_1524] {strides = array<i32>} : memref<16x1024xf32, #tpu.memory_space<vmem>>, vector<1x16xf32>,
          %get3A_1526 = vector.shape_cast %get3A_1525 : vector<1x16xf32> to vector<16xf32>
          %sub3A_1527 = arith.subf %get3A_1526, %get3A_1518 : vector<16xf32>
          %add3A_1528 = arith.addf %get3A_1522, %sub3A_1527 : vector<16xf32>
          %swap3A_1529 = arith.index_cast %scan3A_705 : i32 to index
          %swap3A_1530 = arith.constant 640 : index
          %swap3A_1531 = tpu.vector_load %arg9[%swap3A_1529, %swap3A_1530] {strides = array<i32>} : memref<16x1024xf32, #tpu.memory_space<vmem>>, vector<1x16xf32>,
          %swap3A_1532 = vector.shape_cast %swap3A_1531 : vector<1x16xf32> to vector<16xf32>
          %swap3A_1533 = vector.shape_cast %add3A_1528 : vector<16xf32> to vector<1x16xf32>
          tpu.vector_store %arg9[%swap3A_1529, %swap3A_1530], %swap3A_1533 {strides = array<i32>} : memref<16x1024xf32, #tpu.memory_space<vmem>>, vector<1x16xf32>,
          %get3A_1534 = arith.constant 0 : i32
          %get3A_1535 = arith.index_cast %get3A_1534 : i32 to index
          %get3A_1536 = arith.constant 656 : index
          %get3A_1537 = tpu.vector_load %arg7[%get3A_1535, %get3A_1536] {strides = array<i32>} : memref<1x1024xf32, #tpu.memory_space<vmem>>, vector<1x16xf32>,
          %get3A_1538 = vector.shape_cast %get3A_1537 : vector<1x16xf32> to vector<16xf32>
          %get3A_1539 = arith.index_cast %scan3A_705 : i32 to index
          %get3A_1540 = arith.constant 656 : index
          %get3A_1541 = tpu.vector_load %arg11[%get3A_1539, %get3A_1540] {strides = array<i32>} : memref<16x1024xf32, #tpu.memory_space<vmem>>, vector<1x16xf32>,
          %get3A_1542 = vector.shape_cast %get3A_1541 : vector<1x16xf32> to vector<16xf32>
          %get3A_1543 = arith.index_cast %scan3A_705 : i32 to index
          %get3A_1544 = arith.constant 656 : index
          %get3A_1545 = tpu.vector_load %arg9[%get3A_1543, %get3A_1544] {strides = array<i32>} : memref<16x1024xf32, #tpu.memory_space<vmem>>, vector<1x16xf32>,
          %get3A_1546 = vector.shape_cast %get3A_1545 : vector<1x16xf32> to vector<16xf32>
          %sub3A_1547 = arith.subf %get3A_1546, %get3A_1538 : vector<16xf32>
          %add3A_1548 = arith.addf %get3A_1542, %sub3A_1547 : vector<16xf32>
          %swap3A_1549 = arith.index_cast %scan3A_705 : i32 to index
          %swap3A_1550 = arith.constant 656 : index
          %swap3A_1551 = tpu.vector_load %arg9[%swap3A_1549, %swap3A_1550] {strides = array<i32>} : memref<16x1024xf32, #tpu.memory_space<vmem>>, vector<1x16xf32>,
          %swap3A_1552 = vector.shape_cast %swap3A_1551 : vector<1x16xf32> to vector<16xf32>
          %swap3A_1553 = vector.shape_cast %add3A_1548 : vector<16xf32> to vector<1x16xf32>
          tpu.vector_store %arg9[%swap3A_1549, %swap3A_1550], %swap3A_1553 {strides = array<i32>} : memref<16x1024xf32, #tpu.memory_space<vmem>>, vector<1x16xf32>,
          %get3A_1554 = arith.constant 0 : i32
          %get3A_1555 = arith.index_cast %get3A_1554 : i32 to index
          %get3A_1556 = arith.constant 672 : index
          %get3A_1557 = tpu.vector_load %arg7[%get3A_1555, %get3A_1556] {strides = array<i32>} : memref<1x1024xf32, #tpu.memory_space<vmem>>, vector<1x16xf32>,
          %get3A_1558 = vector.shape_cast %get3A_1557 : vector<1x16xf32> to vector<16xf32>
          %get3A_1559 = arith.index_cast %scan3A_705 : i32 to index
          %get3A_1560 = arith.constant 672 : index
          %get3A_1561 = tpu.vector_load %arg11[%get3A_1559, %get3A_1560] {strides = array<i32>} : memref<16x1024xf32, #tpu.memory_space<vmem>>, vector<1x16xf32>,
          %get3A_1562 = vector.shape_cast %get3A_1561 : vector<1x16xf32> to vector<16xf32>
          %get3A_1563 = arith.index_cast %scan3A_705 : i32 to index
          %get3A_1564 = arith.constant 672 : index
          %get3A_1565 = tpu.vector_load %arg9[%get3A_1563, %get3A_1564] {strides = array<i32>} : memref<16x1024xf32, #tpu.memory_space<vmem>>, vector<1x16xf32>,
          %get3A_1566 = vector.shape_cast %get3A_1565 : vector<1x16xf32> to vector<16xf32>
          %sub3A_1567 = arith.subf %get3A_1566, %get3A_1558 : vector<16xf32>
          %add3A_1568 = arith.addf %get3A_1562, %sub3A_1567 : vector<16xf32>
          %swap3A_1569 = arith.index_cast %scan3A_705 : i32 to index
          %swap3A_1570 = arith.constant 672 : index
          %swap3A_1571 = tpu.vector_load %arg9[%swap3A_1569, %swap3A_1570] {strides = array<i32>} : memref<16x1024xf32, #tpu.memory_space<vmem>>, vector<1x16xf32>,
          %swap3A_1572 = vector.shape_cast %swap3A_1571 : vector<1x16xf32> to vector<16xf32>
          %swap3A_1573 = vector.shape_cast %add3A_1568 : vector<16xf32> to vector<1x16xf32>
          tpu.vector_store %arg9[%swap3A_1569, %swap3A_1570], %swap3A_1573 {strides = array<i32>} : memref<16x1024xf32, #tpu.memory_space<vmem>>, vector<1x16xf32>,
          %get3A_1574 = arith.constant 0 : i32
          %get3A_1575 = arith.index_cast %get3A_1574 : i32 to index
          %get3A_1576 = arith.constant 688 : index
          %get3A_1577 = tpu.vector_load %arg7[%get3A_1575, %get3A_1576] {strides = array<i32>} : memref<1x1024xf32, #tpu.memory_space<vmem>>, vector<1x16xf32>,
          %get3A_1578 = vector.shape_cast %get3A_1577 : vector<1x16xf32> to vector<16xf32>
          %get3A_1579 = arith.index_cast %scan3A_705 : i32 to index
          %get3A_1580 = arith.constant 688 : index
          %get3A_1581 = tpu.vector_load %arg11[%get3A_1579, %get3A_1580] {strides = array<i32>} : memref<16x1024xf32, #tpu.memory_space<vmem>>, vector<1x16xf32>,
          %get3A_1582 = vector.shape_cast %get3A_1581 : vector<1x16xf32> to vector<16xf32>
          %get3A_1583 = arith.index_cast %scan3A_705 : i32 to index
          %get3A_1584 = arith.constant 688 : index
          %get3A_1585 = tpu.vector_load %arg9[%get3A_1583, %get3A_1584] {strides = array<i32>} : memref<16x1024xf32, #tpu.memory_space<vmem>>, vector<1x16xf32>,
          %get3A_1586 = vector.shape_cast %get3A_1585 : vector<1x16xf32> to vector<16xf32>
          %sub3A_1587 = arith.subf %get3A_1586, %get3A_1578 : vector<16xf32>
          %add3A_1588 = arith.addf %get3A_1582, %sub3A_1587 : vector<16xf32>
          %swap3A_1589 = arith.index_cast %scan3A_705 : i32 to index
          %swap3A_1590 = arith.constant 688 : index
          %swap3A_1591 = tpu.vector_load %arg9[%swap3A_1589, %swap3A_1590] {strides = array<i32>} : memref<16x1024xf32, #tpu.memory_space<vmem>>, vector<1x16xf32>,
          %swap3A_1592 = vector.shape_cast %swap3A_1591 : vector<1x16xf32> to vector<16xf32>
          %swap3A_1593 = vector.shape_cast %add3A_1588 : vector<16xf32> to vector<1x16xf32>
          tpu.vector_store %arg9[%swap3A_1589, %swap3A_1590], %swap3A_1593 {strides = array<i32>} : memref<16x1024xf32, #tpu.memory_space<vmem>>, vector<1x16xf32>,
          %get3A_1594 = arith.constant 0 : i32
          %get3A_1595 = arith.index_cast %get3A_1594 : i32 to index
          %get3A_1596 = arith.constant 704 : index
          %get3A_1597 = tpu.vector_load %arg7[%get3A_1595, %get3A_1596] {strides = array<i32>} : memref<1x1024xf32, #tpu.memory_space<vmem>>, vector<1x16xf32>,
          %get3A_1598 = vector.shape_cast %get3A_1597 : vector<1x16xf32> to vector<16xf32>
          %get3A_1599 = arith.index_cast %scan3A_705 : i32 to index
          %get3A_1600 = arith.constant 704 : index
          %get3A_1601 = tpu.vector_load %arg11[%get3A_1599, %get3A_1600] {strides = array<i32>} : memref<16x1024xf32, #tpu.memory_space<vmem>>, vector<1x16xf32>,
          %get3A_1602 = vector.shape_cast %get3A_1601 : vector<1x16xf32> to vector<16xf32>
          %get3A_1603 = arith.index_cast %scan3A_705 : i32 to index
          %get3A_1604 = arith.constant 704 : index
          %get3A_1605 = tpu.vector_load %arg9[%get3A_1603, %get3A_1604] {strides = array<i32>} : memref<16x1024xf32, #tpu.memory_space<vmem>>, vector<1x16xf32>,
          %get3A_1606 = vector.shape_cast %get3A_1605 : vector<1x16xf32> to vector<16xf32>
          %sub3A_1607 = arith.subf %get3A_1606, %get3A_1598 : vector<16xf32>
          %add3A_1608 = arith.addf %get3A_1602, %sub3A_1607 : vector<16xf32>
          %swap3A_1609 = arith.index_cast %scan3A_705 : i32 to index
          %swap3A_1610 = arith.constant 704 : index
          %swap3A_1611 = tpu.vector_load %arg9[%swap3A_1609, %swap3A_1610] {strides = array<i32>} : memref<16x1024xf32, #tpu.memory_space<vmem>>, vector<1x16xf32>,
          %swap3A_1612 = vector.shape_cast %swap3A_1611 : vector<1x16xf32> to vector<16xf32>
          %swap3A_1613 = vector.shape_cast %add3A_1608 : vector<16xf32> to vector<1x16xf32>
          tpu.vector_store %arg9[%swap3A_1609, %swap3A_1610], %swap3A_1613 {strides = array<i32>} : memref<16x1024xf32, #tpu.memory_space<vmem>>, vector<1x16xf32>,
          %get3A_1614 = arith.constant 0 : i32
          %get3A_1615 = arith.index_cast %get3A_1614 : i32 to index
          %get3A_1616 = arith.constant 720 : index
          %get3A_1617 = tpu.vector_load %arg7[%get3A_1615, %get3A_1616] {strides = array<i32>} : memref<1x1024xf32, #tpu.memory_space<vmem>>, vector<1x16xf32>,
          %get3A_1618 = vector.shape_cast %get3A_1617 : vector<1x16xf32> to vector<16xf32>
          %get3A_1619 = arith.index_cast %scan3A_705 : i32 to index
          %get3A_1620 = arith.constant 720 : index
          %get3A_1621 = tpu.vector_load %arg11[%get3A_1619, %get3A_1620] {strides = array<i32>} : memref<16x1024xf32, #tpu.memory_space<vmem>>, vector<1x16xf32>,
          %get3A_1622 = vector.shape_cast %get3A_1621 : vector<1x16xf32> to vector<16xf32>
          %get3A_1623 = arith.index_cast %scan3A_705 : i32 to index
          %get3A_1624 = arith.constant 720 : index
          %get3A_1625 = tpu.vector_load %arg9[%get3A_1623, %get3A_1624] {strides = array<i32>} : memref<16x1024xf32, #tpu.memory_space<vmem>>, vector<1x16xf32>,
          %get3A_1626 = vector.shape_cast %get3A_1625 : vector<1x16xf32> to vector<16xf32>
          %sub3A_1627 = arith.subf %get3A_1626, %get3A_1618 : vector<16xf32>
          %add3A_1628 = arith.addf %get3A_1622, %sub3A_1627 : vector<16xf32>
          %swap3A_1629 = arith.index_cast %scan3A_705 : i32 to index
          %swap3A_1630 = arith.constant 720 : index
          %swap3A_1631 = tpu.vector_load %arg9[%swap3A_1629, %swap3A_1630] {strides = array<i32>} : memref<16x1024xf32, #tpu.memory_space<vmem>>, vector<1x16xf32>,
          %swap3A_1632 = vector.shape_cast %swap3A_1631 : vector<1x16xf32> to vector<16xf32>
          %swap3A_1633 = vector.shape_cast %add3A_1628 : vector<16xf32> to vector<1x16xf32>
          tpu.vector_store %arg9[%swap3A_1629, %swap3A_1630], %swap3A_1633 {strides = array<i32>} : memref<16x1024xf32, #tpu.memory_space<vmem>>, vector<1x16xf32>,
          %get3A_1634 = arith.constant 0 : i32
          %get3A_1635 = arith.index_cast %get3A_1634 : i32 to index
          %get3A_1636 = arith.constant 736 : index
          %get3A_1637 = tpu.vector_load %arg7[%get3A_1635, %get3A_1636] {strides = array<i32>} : memref<1x1024xf32, #tpu.memory_space<vmem>>, vector<1x16xf32>,
          %get3A_1638 = vector.shape_cast %get3A_1637 : vector<1x16xf32> to vector<16xf32>
          %get3A_1639 = arith.index_cast %scan3A_705 : i32 to index
          %get3A_1640 = arith.constant 736 : index
          %get3A_1641 = tpu.vector_load %arg11[%get3A_1639, %get3A_1640] {strides = array<i32>} : memref<16x1024xf32, #tpu.memory_space<vmem>>, vector<1x16xf32>,
          %get3A_1642 = vector.shape_cast %get3A_1641 : vector<1x16xf32> to vector<16xf32>
          %get3A_1643 = arith.index_cast %scan3A_705 : i32 to index
          %get3A_1644 = arith.constant 736 : index
          %get3A_1645 = tpu.vector_load %arg9[%get3A_1643, %get3A_1644] {strides = array<i32>} : memref<16x1024xf32, #tpu.memory_space<vmem>>, vector<1x16xf32>,
          %get3A_1646 = vector.shape_cast %get3A_1645 : vector<1x16xf32> to vector<16xf32>
          %sub3A_1647 = arith.subf %get3A_1646, %get3A_1638 : vector<16xf32>
          %add3A_1648 = arith.addf %get3A_1642, %sub3A_1647 : vector<16xf32>
          %swap3A_1649 = arith.index_cast %scan3A_705 : i32 to index
          %swap3A_1650 = arith.constant 736 : index
          %swap3A_1651 = tpu.vector_load %arg9[%swap3A_1649, %swap3A_1650] {strides = array<i32>} : memref<16x1024xf32, #tpu.memory_space<vmem>>, vector<1x16xf32>,
          %swap3A_1652 = vector.shape_cast %swap3A_1651 : vector<1x16xf32> to vector<16xf32>
          %swap3A_1653 = vector.shape_cast %add3A_1648 : vector<16xf32> to vector<1x16xf32>
          tpu.vector_store %arg9[%swap3A_1649, %swap3A_1650], %swap3A_1653 {strides = array<i32>} : memref<16x1024xf32, #tpu.memory_space<vmem>>, vector<1x16xf32>,
          %get3A_1654 = arith.constant 0 : i32
          %get3A_1655 = arith.index_cast %get3A_1654 : i32 to index
          %get3A_1656 = arith.constant 752 : index
          %get3A_1657 = tpu.vector_load %arg7[%get3A_1655, %get3A_1656] {strides = array<i32>} : memref<1x1024xf32, #tpu.memory_space<vmem>>, vector<1x16xf32>,
          %get3A_1658 = vector.shape_cast %get3A_1657 : vector<1x16xf32> to vector<16xf32>
          %get3A_1659 = arith.index_cast %scan3A_705 : i32 to index
          %get3A_1660 = arith.constant 752 : index
          %get3A_1661 = tpu.vector_load %arg11[%get3A_1659, %get3A_1660] {strides = array<i32>} : memref<16x1024xf32, #tpu.memory_space<vmem>>, vector<1x16xf32>,
          %get3A_1662 = vector.shape_cast %get3A_1661 : vector<1x16xf32> to vector<16xf32>
          %get3A_1663 = arith.index_cast %scan3A_705 : i32 to index
          %get3A_1664 = arith.constant 752 : index
          %get3A_1665 = tpu.vector_load %arg9[%get3A_1663, %get3A_1664] {strides = array<i32>} : memref<16x1024xf32, #tpu.memory_space<vmem>>, vector<1x16xf32>,
          %get3A_1666 = vector.shape_cast %get3A_1665 : vector<1x16xf32> to vector<16xf32>
          %sub3A_1667 = arith.subf %get3A_1666, %get3A_1658 : vector<16xf32>
          %add3A_1668 = arith.addf %get3A_1662, %sub3A_1667 : vector<16xf32>
          %swap3A_1669 = arith.index_cast %scan3A_705 : i32 to index
          %swap3A_1670 = arith.constant 752 : index
          %swap3A_1671 = tpu.vector_load %arg9[%swap3A_1669, %swap3A_1670] {strides = array<i32>} : memref<16x1024xf32, #tpu.memory_space<vmem>>, vector<1x16xf32>,
          %swap3A_1672 = vector.shape_cast %swap3A_1671 : vector<1x16xf32> to vector<16xf32>
          %swap3A_1673 = vector.shape_cast %add3A_1668 : vector<16xf32> to vector<1x16xf32>
          tpu.vector_store %arg9[%swap3A_1669, %swap3A_1670], %swap3A_1673 {strides = array<i32>} : memref<16x1024xf32, #tpu.memory_space<vmem>>, vector<1x16xf32>,
          %get3A_1674 = arith.constant 0 : i32
          %get3A_1675 = arith.index_cast %get3A_1674 : i32 to index
          %get3A_1676 = arith.constant 768 : index
          %get3A_1677 = tpu.vector_load %arg7[%get3A_1675, %get3A_1676] {strides = array<i32>} : memref<1x1024xf32, #tpu.memory_space<vmem>>, vector<1x16xf32>,
          %get3A_1678 = vector.shape_cast %get3A_1677 : vector<1x16xf32> to vector<16xf32>
          %get3A_1679 = arith.index_cast %scan3A_705 : i32 to index
          %get3A_1680 = arith.constant 768 : index
          %get3A_1681 = tpu.vector_load %arg11[%get3A_1679, %get3A_1680] {strides = array<i32>} : memref<16x1024xf32, #tpu.memory_space<vmem>>, vector<1x16xf32>,
          %get3A_1682 = vector.shape_cast %get3A_1681 : vector<1x16xf32> to vector<16xf32>
          %get3A_1683 = arith.index_cast %scan3A_705 : i32 to index
          %get3A_1684 = arith.constant 768 : index
          %get3A_1685 = tpu.vector_load %arg9[%get3A_1683, %get3A_1684] {strides = array<i32>} : memref<16x1024xf32, #tpu.memory_space<vmem>>, vector<1x16xf32>,
          %get3A_1686 = vector.shape_cast %get3A_1685 : vector<1x16xf32> to vector<16xf32>
          %sub3A_1687 = arith.subf %get3A_1686, %get3A_1678 : vector<16xf32>
          %add3A_1688 = arith.addf %get3A_1682, %sub3A_1687 : vector<16xf32>
          %swap3A_1689 = arith.index_cast %scan3A_705 : i32 to index
          %swap3A_1690 = arith.constant 768 : index
          %swap3A_1691 = tpu.vector_load %arg9[%swap3A_1689, %swap3A_1690] {strides = array<i32>} : memref<16x1024xf32, #tpu.memory_space<vmem>>, vector<1x16xf32>,
          %swap3A_1692 = vector.shape_cast %swap3A_1691 : vector<1x16xf32> to vector<16xf32>
          %swap3A_1693 = vector.shape_cast %add3A_1688 : vector<16xf32> to vector<1x16xf32>
          tpu.vector_store %arg9[%swap3A_1689, %swap3A_1690], %swap3A_1693 {strides = array<i32>} : memref<16x1024xf32, #tpu.memory_space<vmem>>, vector<1x16xf32>,
          %get3A_1694 = arith.constant 0 : i32
          %get3A_1695 = arith.index_cast %get3A_1694 : i32 to index
          %get3A_1696 = arith.constant 784 : index
          %get3A_1697 = tpu.vector_load %arg7[%get3A_1695, %get3A_1696] {strides = array<i32>} : memref<1x1024xf32, #tpu.memory_space<vmem>>, vector<1x16xf32>,
          %get3A_1698 = vector.shape_cast %get3A_1697 : vector<1x16xf32> to vector<16xf32>
          %get3A_1699 = arith.index_cast %scan3A_705 : i32 to index
          %get3A_1700 = arith.constant 784 : index
          %get3A_1701 = tpu.vector_load %arg11[%get3A_1699, %get3A_1700] {strides = array<i32>} : memref<16x1024xf32, #tpu.memory_space<vmem>>, vector<1x16xf32>,
          %get3A_1702 = vector.shape_cast %get3A_1701 : vector<1x16xf32> to vector<16xf32>
          %get3A_1703 = arith.index_cast %scan3A_705 : i32 to index
          %get3A_1704 = arith.constant 784 : index
          %get3A_1705 = tpu.vector_load %arg9[%get3A_1703, %get3A_1704] {strides = array<i32>} : memref<16x1024xf32, #tpu.memory_space<vmem>>, vector<1x16xf32>,
          %get3A_1706 = vector.shape_cast %get3A_1705 : vector<1x16xf32> to vector<16xf32>
          %sub3A_1707 = arith.subf %get3A_1706, %get3A_1698 : vector<16xf32>
          %add3A_1708 = arith.addf %get3A_1702, %sub3A_1707 : vector<16xf32>
          %swap3A_1709 = arith.index_cast %scan3A_705 : i32 to index
          %swap3A_1710 = arith.constant 784 : index
          %swap3A_1711 = tpu.vector_load %arg9[%swap3A_1709, %swap3A_1710] {strides = array<i32>} : memref<16x1024xf32, #tpu.memory_space<vmem>>, vector<1x16xf32>,
          %swap3A_1712 = vector.shape_cast %swap3A_1711 : vector<1x16xf32> to vector<16xf32>
          %swap3A_1713 = vector.shape_cast %add3A_1708 : vector<16xf32> to vector<1x16xf32>
          tpu.vector_store %arg9[%swap3A_1709, %swap3A_1710], %swap3A_1713 {strides = array<i32>} : memref<16x1024xf32, #tpu.memory_space<vmem>>, vector<1x16xf32>,
          %get3A_1714 = arith.constant 0 : i32
          %get3A_1715 = arith.index_cast %get3A_1714 : i32 to index
          %get3A_1716 = arith.constant 800 : index
          %get3A_1717 = tpu.vector_load %arg7[%get3A_1715, %get3A_1716] {strides = array<i32>} : memref<1x1024xf32, #tpu.memory_space<vmem>>, vector<1x16xf32>,
          %get3A_1718 = vector.shape_cast %get3A_1717 : vector<1x16xf32> to vector<16xf32>
          %get3A_1719 = arith.index_cast %scan3A_705 : i32 to index
          %get3A_1720 = arith.constant 800 : index
          %get3A_1721 = tpu.vector_load %arg11[%get3A_1719, %get3A_1720] {strides = array<i32>} : memref<16x1024xf32, #tpu.memory_space<vmem>>, vector<1x16xf32>,
          %get3A_1722 = vector.shape_cast %get3A_1721 : vector<1x16xf32> to vector<16xf32>
          %get3A_1723 = arith.index_cast %scan3A_705 : i32 to index
          %get3A_1724 = arith.constant 800 : index
          %get3A_1725 = tpu.vector_load %arg9[%get3A_1723, %get3A_1724] {strides = array<i32>} : memref<16x1024xf32, #tpu.memory_space<vmem>>, vector<1x16xf32>,
          %get3A_1726 = vector.shape_cast %get3A_1725 : vector<1x16xf32> to vector<16xf32>
          %sub3A_1727 = arith.subf %get3A_1726, %get3A_1718 : vector<16xf32>
          %add3A_1728 = arith.addf %get3A_1722, %sub3A_1727 : vector<16xf32>
          %swap3A_1729 = arith.index_cast %scan3A_705 : i32 to index
          %swap3A_1730 = arith.constant 800 : index
          %swap3A_1731 = tpu.vector_load %arg9[%swap3A_1729, %swap3A_1730] {strides = array<i32>} : memref<16x1024xf32, #tpu.memory_space<vmem>>, vector<1x16xf32>,
          %swap3A_1732 = vector.shape_cast %swap3A_1731 : vector<1x16xf32> to vector<16xf32>
          %swap3A_1733 = vector.shape_cast %add3A_1728 : vector<16xf32> to vector<1x16xf32>
          tpu.vector_store %arg9[%swap3A_1729, %swap3A_1730], %swap3A_1733 {strides = array<i32>} : memref<16x1024xf32, #tpu.memory_space<vmem>>, vector<1x16xf32>,
          %get3A_1734 = arith.constant 0 : i32
          %get3A_1735 = arith.index_cast %get3A_1734 : i32 to index
          %get3A_1736 = arith.constant 816 : index
          %get3A_1737 = tpu.vector_load %arg7[%get3A_1735, %get3A_1736] {strides = array<i32>} : memref<1x1024xf32, #tpu.memory_space<vmem>>, vector<1x16xf32>,
          %get3A_1738 = vector.shape_cast %get3A_1737 : vector<1x16xf32> to vector<16xf32>
          %get3A_1739 = arith.index_cast %scan3A_705 : i32 to index
          %get3A_1740 = arith.constant 816 : index
          %get3A_1741 = tpu.vector_load %arg11[%get3A_1739, %get3A_1740] {strides = array<i32>} : memref<16x1024xf32, #tpu.memory_space<vmem>>, vector<1x16xf32>,
          %get3A_1742 = vector.shape_cast %get3A_1741 : vector<1x16xf32> to vector<16xf32>
          %get3A_1743 = arith.index_cast %scan3A_705 : i32 to index
          %get3A_1744 = arith.constant 816 : index
          %get3A_1745 = tpu.vector_load %arg9[%get3A_1743, %get3A_1744] {strides = array<i32>} : memref<16x1024xf32, #tpu.memory_space<vmem>>, vector<1x16xf32>,
          %get3A_1746 = vector.shape_cast %get3A_1745 : vector<1x16xf32> to vector<16xf32>
          %sub3A_1747 = arith.subf %get3A_1746, %get3A_1738 : vector<16xf32>
          %add3A_1748 = arith.addf %get3A_1742, %sub3A_1747 : vector<16xf32>
          %swap3A_1749 = arith.index_cast %scan3A_705 : i32 to index
          %swap3A_1750 = arith.constant 816 : index
          %swap3A_1751 = tpu.vector_load %arg9[%swap3A_1749, %swap3A_1750] {strides = array<i32>} : memref<16x1024xf32, #tpu.memory_space<vmem>>, vector<1x16xf32>,
          %swap3A_1752 = vector.shape_cast %swap3A_1751 : vector<1x16xf32> to vector<16xf32>
          %swap3A_1753 = vector.shape_cast %add3A_1748 : vector<16xf32> to vector<1x16xf32>
          tpu.vector_store %arg9[%swap3A_1749, %swap3A_1750], %swap3A_1753 {strides = array<i32>} : memref<16x1024xf32, #tpu.memory_space<vmem>>, vector<1x16xf32>,
          %get3A_1754 = arith.constant 0 : i32
          %get3A_1755 = arith.index_cast %get3A_1754 : i32 to index
          %get3A_1756 = arith.constant 832 : index
          %get3A_1757 = tpu.vector_load %arg7[%get3A_1755, %get3A_1756] {strides = array<i32>} : memref<1x1024xf32, #tpu.memory_space<vmem>>, vector<1x16xf32>,
          %get3A_1758 = vector.shape_cast %get3A_1757 : vector<1x16xf32> to vector<16xf32>
          %get3A_1759 = arith.index_cast %scan3A_705 : i32 to index
          %get3A_1760 = arith.constant 832 : index
          %get3A_1761 = tpu.vector_load %arg11[%get3A_1759, %get3A_1760] {strides = array<i32>} : memref<16x1024xf32, #tpu.memory_space<vmem>>, vector<1x16xf32>,
          %get3A_1762 = vector.shape_cast %get3A_1761 : vector<1x16xf32> to vector<16xf32>
          %get3A_1763 = arith.index_cast %scan3A_705 : i32 to index
          %get3A_1764 = arith.constant 832 : index
          %get3A_1765 = tpu.vector_load %arg9[%get3A_1763, %get3A_1764] {strides = array<i32>} : memref<16x1024xf32, #tpu.memory_space<vmem>>, vector<1x16xf32>,
          %get3A_1766 = vector.shape_cast %get3A_1765 : vector<1x16xf32> to vector<16xf32>
          %sub3A_1767 = arith.subf %get3A_1766, %get3A_1758 : vector<16xf32>
          %add3A_1768 = arith.addf %get3A_1762, %sub3A_1767 : vector<16xf32>
          %swap3A_1769 = arith.index_cast %scan3A_705 : i32 to index
          %swap3A_1770 = arith.constant 832 : index
          %swap3A_1771 = tpu.vector_load %arg9[%swap3A_1769, %swap3A_1770] {strides = array<i32>} : memref<16x1024xf32, #tpu.memory_space<vmem>>, vector<1x16xf32>,
          %swap3A_1772 = vector.shape_cast %swap3A_1771 : vector<1x16xf32> to vector<16xf32>
          %swap3A_1773 = vector.shape_cast %add3A_1768 : vector<16xf32> to vector<1x16xf32>
          tpu.vector_store %arg9[%swap3A_1769, %swap3A_1770], %swap3A_1773 {strides = array<i32>} : memref<16x1024xf32, #tpu.memory_space<vmem>>, vector<1x16xf32>,
          %get3A_1774 = arith.constant 0 : i32
          %get3A_1775 = arith.index_cast %get3A_1774 : i32 to index
          %get3A_1776 = arith.constant 848 : index
          %get3A_1777 = tpu.vector_load %arg7[%get3A_1775, %get3A_1776] {strides = array<i32>} : memref<1x1024xf32, #tpu.memory_space<vmem>>, vector<1x16xf32>,
          %get3A_1778 = vector.shape_cast %get3A_1777 : vector<1x16xf32> to vector<16xf32>
          %get3A_1779 = arith.index_cast %scan3A_705 : i32 to index
          %get3A_1780 = arith.constant 848 : index
          %get3A_1781 = tpu.vector_load %arg11[%get3A_1779, %get3A_1780] {strides = array<i32>} : memref<16x1024xf32, #tpu.memory_space<vmem>>, vector<1x16xf32>,
          %get3A_1782 = vector.shape_cast %get3A_1781 : vector<1x16xf32> to vector<16xf32>
          %get3A_1783 = arith.index_cast %scan3A_705 : i32 to index
          %get3A_1784 = arith.constant 848 : index
          %get3A_1785 = tpu.vector_load %arg9[%get3A_1783, %get3A_1784] {strides = array<i32>} : memref<16x1024xf32, #tpu.memory_space<vmem>>, vector<1x16xf32>,
          %get3A_1786 = vector.shape_cast %get3A_1785 : vector<1x16xf32> to vector<16xf32>
          %sub3A_1787 = arith.subf %get3A_1786, %get3A_1778 : vector<16xf32>
          %add3A_1788 = arith.addf %get3A_1782, %sub3A_1787 : vector<16xf32>
          %swap3A_1789 = arith.index_cast %scan3A_705 : i32 to index
          %swap3A_1790 = arith.constant 848 : index
          %swap3A_1791 = tpu.vector_load %arg9[%swap3A_1789, %swap3A_1790] {strides = array<i32>} : memref<16x1024xf32, #tpu.memory_space<vmem>>, vector<1x16xf32>,
          %swap3A_1792 = vector.shape_cast %swap3A_1791 : vector<1x16xf32> to vector<16xf32>
          %swap3A_1793 = vector.shape_cast %add3A_1788 : vector<16xf32> to vector<1x16xf32>
          tpu.vector_store %arg9[%swap3A_1789, %swap3A_1790], %swap3A_1793 {strides = array<i32>} : memref<16x1024xf32, #tpu.memory_space<vmem>>, vector<1x16xf32>,
          %get3A_1794 = arith.constant 0 : i32
          %get3A_1795 = arith.index_cast %get3A_1794 : i32 to index
          %get3A_1796 = arith.constant 864 : index
          %get3A_1797 = tpu.vector_load %arg7[%get3A_1795, %get3A_1796] {strides = array<i32>} : memref<1x1024xf32, #tpu.memory_space<vmem>>, vector<1x16xf32>,
          %get3A_1798 = vector.shape_cast %get3A_1797 : vector<1x16xf32> to vector<16xf32>
          %get3A_1799 = arith.index_cast %scan3A_705 : i32 to index
          %get3A_1800 = arith.constant 864 : index
          %get3A_1801 = tpu.vector_load %arg11[%get3A_1799, %get3A_1800] {strides = array<i32>} : memref<16x1024xf32, #tpu.memory_space<vmem>>, vector<1x16xf32>,
          %get3A_1802 = vector.shape_cast %get3A_1801 : vector<1x16xf32> to vector<16xf32>
          %get3A_1803 = arith.index_cast %scan3A_705 : i32 to index
          %get3A_1804 = arith.constant 864 : index
          %get3A_1805 = tpu.vector_load %arg9[%get3A_1803, %get3A_1804] {strides = array<i32>} : memref<16x1024xf32, #tpu.memory_space<vmem>>, vector<1x16xf32>,
          %get3A_1806 = vector.shape_cast %get3A_1805 : vector<1x16xf32> to vector<16xf32>
          %sub3A_1807 = arith.subf %get3A_1806, %get3A_1798 : vector<16xf32>
          %add3A_1808 = arith.addf %get3A_1802, %sub3A_1807 : vector<16xf32>
          %swap3A_1809 = arith.index_cast %scan3A_705 : i32 to index
          %swap3A_1810 = arith.constant 864 : index
          %swap3A_1811 = tpu.vector_load %arg9[%swap3A_1809, %swap3A_1810] {strides = array<i32>} : memref<16x1024xf32, #tpu.memory_space<vmem>>, vector<1x16xf32>,
          %swap3A_1812 = vector.shape_cast %swap3A_1811 : vector<1x16xf32> to vector<16xf32>
          %swap3A_1813 = vector.shape_cast %add3A_1808 : vector<16xf32> to vector<1x16xf32>
          tpu.vector_store %arg9[%swap3A_1809, %swap3A_1810], %swap3A_1813 {strides = array<i32>} : memref<16x1024xf32, #tpu.memory_space<vmem>>, vector<1x16xf32>,
          %get3A_1814 = arith.constant 0 : i32
          %get3A_1815 = arith.index_cast %get3A_1814 : i32 to index
          %get3A_1816 = arith.constant 880 : index
          %get3A_1817 = tpu.vector_load %arg7[%get3A_1815, %get3A_1816] {strides = array<i32>} : memref<1x1024xf32, #tpu.memory_space<vmem>>, vector<1x16xf32>,
          %get3A_1818 = vector.shape_cast %get3A_1817 : vector<1x16xf32> to vector<16xf32>
          %get3A_1819 = arith.index_cast %scan3A_705 : i32 to index
          %get3A_1820 = arith.constant 880 : index
          %get3A_1821 = tpu.vector_load %arg11[%get3A_1819, %get3A_1820] {strides = array<i32>} : memref<16x1024xf32, #tpu.memory_space<vmem>>, vector<1x16xf32>,
          %get3A_1822 = vector.shape_cast %get3A_1821 : vector<1x16xf32> to vector<16xf32>
          %get3A_1823 = arith.index_cast %scan3A_705 : i32 to index
          %get3A_1824 = arith.constant 880 : index
          %get3A_1825 = tpu.vector_load %arg9[%get3A_1823, %get3A_1824] {strides = array<i32>} : memref<16x1024xf32, #tpu.memory_space<vmem>>, vector<1x16xf32>,
          %get3A_1826 = vector.shape_cast %get3A_1825 : vector<1x16xf32> to vector<16xf32>
          %sub3A_1827 = arith.subf %get3A_1826, %get3A_1818 : vector<16xf32>
          %add3A_1828 = arith.addf %get3A_1822, %sub3A_1827 : vector<16xf32>
          %swap3A_1829 = arith.index_cast %scan3A_705 : i32 to index
          %swap3A_1830 = arith.constant 880 : index
          %swap3A_1831 = tpu.vector_load %arg9[%swap3A_1829, %swap3A_1830] {strides = array<i32>} : memref<16x1024xf32, #tpu.memory_space<vmem>>, vector<1x16xf32>,
          %swap3A_1832 = vector.shape_cast %swap3A_1831 : vector<1x16xf32> to vector<16xf32>
          %swap3A_1833 = vector.shape_cast %add3A_1828 : vector<16xf32> to vector<1x16xf32>
          tpu.vector_store %arg9[%swap3A_1829, %swap3A_1830], %swap3A_1833 {strides = array<i32>} : memref<16x1024xf32, #tpu.memory_space<vmem>>, vector<1x16xf32>,
          %get3A_1834 = arith.constant 0 : i32
          %get3A_1835 = arith.index_cast %get3A_1834 : i32 to index
          %get3A_1836 = arith.constant 896 : index
          %get3A_1837 = tpu.vector_load %arg7[%get3A_1835, %get3A_1836] {strides = array<i32>} : memref<1x1024xf32, #tpu.memory_space<vmem>>, vector<1x16xf32>,
          %get3A_1838 = vector.shape_cast %get3A_1837 : vector<1x16xf32> to vector<16xf32>
          %get3A_1839 = arith.index_cast %scan3A_705 : i32 to index
          %get3A_1840 = arith.constant 896 : index
          %get3A_1841 = tpu.vector_load %arg11[%get3A_1839, %get3A_1840] {strides = array<i32>} : memref<16x1024xf32, #tpu.memory_space<vmem>>, vector<1x16xf32>,
          %get3A_1842 = vector.shape_cast %get3A_1841 : vector<1x16xf32> to vector<16xf32>
          %get3A_1843 = arith.index_cast %scan3A_705 : i32 to index
          %get3A_1844 = arith.constant 896 : index
          %get3A_1845 = tpu.vector_load %arg9[%get3A_1843, %get3A_1844] {strides = array<i32>} : memref<16x1024xf32, #tpu.memory_space<vmem>>, vector<1x16xf32>,
          %get3A_1846 = vector.shape_cast %get3A_1845 : vector<1x16xf32> to vector<16xf32>
          %sub3A_1847 = arith.subf %get3A_1846, %get3A_1838 : vector<16xf32>
          %add3A_1848 = arith.addf %get3A_1842, %sub3A_1847 : vector<16xf32>
          %swap3A_1849 = arith.index_cast %scan3A_705 : i32 to index
          %swap3A_1850 = arith.constant 896 : index
          %swap3A_1851 = tpu.vector_load %arg9[%swap3A_1849, %swap3A_1850] {strides = array<i32>} : memref<16x1024xf32, #tpu.memory_space<vmem>>, vector<1x16xf32>,
          %swap3A_1852 = vector.shape_cast %swap3A_1851 : vector<1x16xf32> to vector<16xf32>
          %swap3A_1853 = vector.shape_cast %add3A_1848 : vector<16xf32> to vector<1x16xf32>
          tpu.vector_store %arg9[%swap3A_1849, %swap3A_1850], %swap3A_1853 {strides = array<i32>} : memref<16x1024xf32, #tpu.memory_space<vmem>>, vector<1x16xf32>,
          %get3A_1854 = arith.constant 0 : i32
          %get3A_1855 = arith.index_cast %get3A_1854 : i32 to index
          %get3A_1856 = arith.constant 912 : index
          %get3A_1857 = tpu.vector_load %arg7[%get3A_1855, %get3A_1856] {strides = array<i32>} : memref<1x1024xf32, #tpu.memory_space<vmem>>, vector<1x16xf32>,
          %get3A_1858 = vector.shape_cast %get3A_1857 : vector<1x16xf32> to vector<16xf32>
          %get3A_1859 = arith.index_cast %scan3A_705 : i32 to index
          %get3A_1860 = arith.constant 912 : index
          %get3A_1861 = tpu.vector_load %arg11[%get3A_1859, %get3A_1860] {strides = array<i32>} : memref<16x1024xf32, #tpu.memory_space<vmem>>, vector<1x16xf32>,
          %get3A_1862 = vector.shape_cast %get3A_1861 : vector<1x16xf32> to vector<16xf32>
          %get3A_1863 = arith.index_cast %scan3A_705 : i32 to index
          %get3A_1864 = arith.constant 912 : index
          %get3A_1865 = tpu.vector_load %arg9[%get3A_1863, %get3A_1864] {strides = array<i32>} : memref<16x1024xf32, #tpu.memory_space<vmem>>, vector<1x16xf32>,
          %get3A_1866 = vector.shape_cast %get3A_1865 : vector<1x16xf32> to vector<16xf32>
          %sub3A_1867 = arith.subf %get3A_1866, %get3A_1858 : vector<16xf32>
          %add3A_1868 = arith.addf %get3A_1862, %sub3A_1867 : vector<16xf32>
          %swap3A_1869 = arith.index_cast %scan3A_705 : i32 to index
          %swap3A_1870 = arith.constant 912 : index
          %swap3A_1871 = tpu.vector_load %arg9[%swap3A_1869, %swap3A_1870] {strides = array<i32>} : memref<16x1024xf32, #tpu.memory_space<vmem>>, vector<1x16xf32>,
          %swap3A_1872 = vector.shape_cast %swap3A_1871 : vector<1x16xf32> to vector<16xf32>
          %swap3A_1873 = vector.shape_cast %add3A_1868 : vector<16xf32> to vector<1x16xf32>
          tpu.vector_store %arg9[%swap3A_1869, %swap3A_1870], %swap3A_1873 {strides = array<i32>} : memref<16x1024xf32, #tpu.memory_space<vmem>>, vector<1x16xf32>,
          %get3A_1874 = arith.constant 0 : i32
          %get3A_1875 = arith.index_cast %get3A_1874 : i32 to index
          %get3A_1876 = arith.constant 928 : index
          %get3A_1877 = tpu.vector_load %arg7[%get3A_1875, %get3A_1876] {strides = array<i32>} : memref<1x1024xf32, #tpu.memory_space<vmem>>, vector<1x16xf32>,
          %get3A_1878 = vector.shape_cast %get3A_1877 : vector<1x16xf32> to vector<16xf32>
          %get3A_1879 = arith.index_cast %scan3A_705 : i32 to index
          %get3A_1880 = arith.constant 928 : index
          %get3A_1881 = tpu.vector_load %arg11[%get3A_1879, %get3A_1880] {strides = array<i32>} : memref<16x1024xf32, #tpu.memory_space<vmem>>, vector<1x16xf32>,
          %get3A_1882 = vector.shape_cast %get3A_1881 : vector<1x16xf32> to vector<16xf32>
          %get3A_1883 = arith.index_cast %scan3A_705 : i32 to index
          %get3A_1884 = arith.constant 928 : index
          %get3A_1885 = tpu.vector_load %arg9[%get3A_1883, %get3A_1884] {strides = array<i32>} : memref<16x1024xf32, #tpu.memory_space<vmem>>, vector<1x16xf32>,
          %get3A_1886 = vector.shape_cast %get3A_1885 : vector<1x16xf32> to vector<16xf32>
          %sub3A_1887 = arith.subf %get3A_1886, %get3A_1878 : vector<16xf32>
          %add3A_1888 = arith.addf %get3A_1882, %sub3A_1887 : vector<16xf32>
          %swap3A_1889 = arith.index_cast %scan3A_705 : i32 to index
          %swap3A_1890 = arith.constant 928 : index
          %swap3A_1891 = tpu.vector_load %arg9[%swap3A_1889, %swap3A_1890] {strides = array<i32>} : memref<16x1024xf32, #tpu.memory_space<vmem>>, vector<1x16xf32>,
          %swap3A_1892 = vector.shape_cast %swap3A_1891 : vector<1x16xf32> to vector<16xf32>
          %swap3A_1893 = vector.shape_cast %add3A_1888 : vector<16xf32> to vector<1x16xf32>
          tpu.vector_store %arg9[%swap3A_1889, %swap3A_1890], %swap3A_1893 {strides = array<i32>} : memref<16x1024xf32, #tpu.memory_space<vmem>>, vector<1x16xf32>,
          %get3A_1894 = arith.constant 0 : i32
          %get3A_1895 = arith.index_cast %get3A_1894 : i32 to index
          %get3A_1896 = arith.constant 944 : index
          %get3A_1897 = tpu.vector_load %arg7[%get3A_1895, %get3A_1896] {strides = array<i32>} : memref<1x1024xf32, #tpu.memory_space<vmem>>, vector<1x16xf32>,
          %get3A_1898 = vector.shape_cast %get3A_1897 : vector<1x16xf32> to vector<16xf32>
          %get3A_1899 = arith.index_cast %scan3A_705 : i32 to index
          %get3A_1900 = arith.constant 944 : index
          %get3A_1901 = tpu.vector_load %arg11[%get3A_1899, %get3A_1900] {strides = array<i32>} : memref<16x1024xf32, #tpu.memory_space<vmem>>, vector<1x16xf32>,
          %get3A_1902 = vector.shape_cast %get3A_1901 : vector<1x16xf32> to vector<16xf32>
          %get3A_1903 = arith.index_cast %scan3A_705 : i32 to index
          %get3A_1904 = arith.constant 944 : index
          %get3A_1905 = tpu.vector_load %arg9[%get3A_1903, %get3A_1904] {strides = array<i32>} : memref<16x1024xf32, #tpu.memory_space<vmem>>, vector<1x16xf32>,
          %get3A_1906 = vector.shape_cast %get3A_1905 : vector<1x16xf32> to vector<16xf32>
          %sub3A_1907 = arith.subf %get3A_1906, %get3A_1898 : vector<16xf32>
          %add3A_1908 = arith.addf %get3A_1902, %sub3A_1907 : vector<16xf32>
          %swap3A_1909 = arith.index_cast %scan3A_705 : i32 to index
          %swap3A_1910 = arith.constant 944 : index
          %swap3A_1911 = tpu.vector_load %arg9[%swap3A_1909, %swap3A_1910] {strides = array<i32>} : memref<16x1024xf32, #tpu.memory_space<vmem>>, vector<1x16xf32>,
          %swap3A_1912 = vector.shape_cast %swap3A_1911 : vector<1x16xf32> to vector<16xf32>
          %swap3A_1913 = vector.shape_cast %add3A_1908 : vector<16xf32> to vector<1x16xf32>
          tpu.vector_store %arg9[%swap3A_1909, %swap3A_1910], %swap3A_1913 {strides = array<i32>} : memref<16x1024xf32, #tpu.memory_space<vmem>>, vector<1x16xf32>,
          %get3A_1914 = arith.constant 0 : i32
          %get3A_1915 = arith.index_cast %get3A_1914 : i32 to index
          %get3A_1916 = arith.constant 960 : index
          %get3A_1917 = tpu.vector_load %arg7[%get3A_1915, %get3A_1916] {strides = array<i32>} : memref<1x1024xf32, #tpu.memory_space<vmem>>, vector<1x16xf32>,
          %get3A_1918 = vector.shape_cast %get3A_1917 : vector<1x16xf32> to vector<16xf32>
          %get3A_1919 = arith.index_cast %scan3A_705 : i32 to index
          %get3A_1920 = arith.constant 960 : index
          %get3A_1921 = tpu.vector_load %arg11[%get3A_1919, %get3A_1920] {strides = array<i32>} : memref<16x1024xf32, #tpu.memory_space<vmem>>, vector<1x16xf32>,
          %get3A_1922 = vector.shape_cast %get3A_1921 : vector<1x16xf32> to vector<16xf32>
          %get3A_1923 = arith.index_cast %scan3A_705 : i32 to index
          %get3A_1924 = arith.constant 960 : index
          %get3A_1925 = tpu.vector_load %arg9[%get3A_1923, %get3A_1924] {strides = array<i32>} : memref<16x1024xf32, #tpu.memory_space<vmem>>, vector<1x16xf32>,
          %get3A_1926 = vector.shape_cast %get3A_1925 : vector<1x16xf32> to vector<16xf32>
          %sub3A_1927 = arith.subf %get3A_1926, %get3A_1918 : vector<16xf32>
          %add3A_1928 = arith.addf %get3A_1922, %sub3A_1927 : vector<16xf32>
          %swap3A_1929 = arith.index_cast %scan3A_705 : i32 to index
          %swap3A_1930 = arith.constant 960 : index
          %swap3A_1931 = tpu.vector_load %arg9[%swap3A_1929, %swap3A_1930] {strides = array<i32>} : memref<16x1024xf32, #tpu.memory_space<vmem>>, vector<1x16xf32>,
          %swap3A_1932 = vector.shape_cast %swap3A_1931 : vector<1x16xf32> to vector<16xf32>
          %swap3A_1933 = vector.shape_cast %add3A_1928 : vector<16xf32> to vector<1x16xf32>
          tpu.vector_store %arg9[%swap3A_1929, %swap3A_1930], %swap3A_1933 {strides = array<i32>} : memref<16x1024xf32, #tpu.memory_space<vmem>>, vector<1x16xf32>,
          %get3A_1934 = arith.constant 0 : i32
          %get3A_1935 = arith.index_cast %get3A_1934 : i32 to index
          %get3A_1936 = arith.constant 976 : index
          %get3A_1937 = tpu.vector_load %arg7[%get3A_1935, %get3A_1936] {strides = array<i32>} : memref<1x1024xf32, #tpu.memory_space<vmem>>, vector<1x16xf32>,
          %get3A_1938 = vector.shape_cast %get3A_1937 : vector<1x16xf32> to vector<16xf32>
          %get3A_1939 = arith.index_cast %scan3A_705 : i32 to index
          %get3A_1940 = arith.constant 976 : index
          %get3A_1941 = tpu.vector_load %arg11[%get3A_1939, %get3A_1940] {strides = array<i32>} : memref<16x1024xf32, #tpu.memory_space<vmem>>, vector<1x16xf32>,
          %get3A_1942 = vector.shape_cast %get3A_1941 : vector<1x16xf32> to vector<16xf32>
          %get3A_1943 = arith.index_cast %scan3A_705 : i32 to index
          %get3A_1944 = arith.constant 976 : index
          %get3A_1945 = tpu.vector_load %arg9[%get3A_1943, %get3A_1944] {strides = array<i32>} : memref<16x1024xf32, #tpu.memory_space<vmem>>, vector<1x16xf32>,
          %get3A_1946 = vector.shape_cast %get3A_1945 : vector<1x16xf32> to vector<16xf32>
          %sub3A_1947 = arith.subf %get3A_1946, %get3A_1938 : vector<16xf32>
          %add3A_1948 = arith.addf %get3A_1942, %sub3A_1947 : vector<16xf32>
          %swap3A_1949 = arith.index_cast %scan3A_705 : i32 to index
          %swap3A_1950 = arith.constant 976 : index
          %swap3A_1951 = tpu.vector_load %arg9[%swap3A_1949, %swap3A_1950] {strides = array<i32>} : memref<16x1024xf32, #tpu.memory_space<vmem>>, vector<1x16xf32>,
          %swap3A_1952 = vector.shape_cast %swap3A_1951 : vector<1x16xf32> to vector<16xf32>
          %swap3A_1953 = vector.shape_cast %add3A_1948 : vector<16xf32> to vector<1x16xf32>
          tpu.vector_store %arg9[%swap3A_1949, %swap3A_1950], %swap3A_1953 {strides = array<i32>} : memref<16x1024xf32, #tpu.memory_space<vmem>>, vector<1x16xf32>,
          %get3A_1954 = arith.constant 0 : i32
          %get3A_1955 = arith.index_cast %get3A_1954 : i32 to index
          %get3A_1956 = arith.constant 992 : index
          %get3A_1957 = tpu.vector_load %arg7[%get3A_1955, %get3A_1956] {strides = array<i32>} : memref<1x1024xf32, #tpu.memory_space<vmem>>, vector<1x16xf32>,
          %get3A_1958 = vector.shape_cast %get3A_1957 : vector<1x16xf32> to vector<16xf32>
          %get3A_1959 = arith.index_cast %scan3A_705 : i32 to index
          %get3A_1960 = arith.constant 992 : index
          %get3A_1961 = tpu.vector_load %arg11[%get3A_1959, %get3A_1960] {strides = array<i32>} : memref<16x1024xf32, #tpu.memory_space<vmem>>, vector<1x16xf32>,
          %get3A_1962 = vector.shape_cast %get3A_1961 : vector<1x16xf32> to vector<16xf32>
          %get3A_1963 = arith.index_cast %scan3A_705 : i32 to index
          %get3A_1964 = arith.constant 992 : index
          %get3A_1965 = tpu.vector_load %arg9[%get3A_1963, %get3A_1964] {strides = array<i32>} : memref<16x1024xf32, #tpu.memory_space<vmem>>, vector<1x16xf32>,
          %get3A_1966 = vector.shape_cast %get3A_1965 : vector<1x16xf32> to vector<16xf32>
          %sub3A_1967 = arith.subf %get3A_1966, %get3A_1958 : vector<16xf32>
          %add3A_1968 = arith.addf %get3A_1962, %sub3A_1967 : vector<16xf32>
          %swap3A_1969 = arith.index_cast %scan3A_705 : i32 to index
          %swap3A_1970 = arith.constant 992 : index
          %swap3A_1971 = tpu.vector_load %arg9[%swap3A_1969, %swap3A_1970] {strides = array<i32>} : memref<16x1024xf32, #tpu.memory_space<vmem>>, vector<1x16xf32>,
          %swap3A_1972 = vector.shape_cast %swap3A_1971 : vector<1x16xf32> to vector<16xf32>
          %swap3A_1973 = vector.shape_cast %add3A_1968 : vector<16xf32> to vector<1x16xf32>
          tpu.vector_store %arg9[%swap3A_1969, %swap3A_1970], %swap3A_1973 {strides = array<i32>} : memref<16x1024xf32, #tpu.memory_space<vmem>>, vector<1x16xf32>,
          %get3A_1974 = arith.constant 0 : i32
          %get3A_1975 = arith.index_cast %get3A_1974 : i32 to index
          %get3A_1976 = arith.constant 1008 : index
          %get3A_1977 = tpu.vector_load %arg7[%get3A_1975, %get3A_1976] {strides = array<i32>} : memref<1x1024xf32, #tpu.memory_space<vmem>>, vector<1x16xf32>,
          %get3A_1978 = vector.shape_cast %get3A_1977 : vector<1x16xf32> to vector<16xf32>
          %get3A_1979 = arith.index_cast %scan3A_705 : i32 to index
          %get3A_1980 = arith.constant 1008 : index
          %get3A_1981 = tpu.vector_load %arg11[%get3A_1979, %get3A_1980] {strides = array<i32>} : memref<16x1024xf32, #tpu.memory_space<vmem>>, vector<1x16xf32>,
          %get3A_1982 = vector.shape_cast %get3A_1981 : vector<1x16xf32> to vector<16xf32>
          %get3A_1983 = arith.index_cast %scan3A_705 : i32 to index
          %get3A_1984 = arith.constant 1008 : index
          %get3A_1985 = tpu.vector_load %arg9[%get3A_1983, %get3A_1984] {strides = array<i32>} : memref<16x1024xf32, #tpu.memory_space<vmem>>, vector<1x16xf32>,
          %get3A_1986 = vector.shape_cast %get3A_1985 : vector<1x16xf32> to vector<16xf32>
          %sub3A_1987 = arith.subf %get3A_1986, %get3A_1978 : vector<16xf32>
          %add3A_1988 = arith.addf %get3A_1982, %sub3A_1987 : vector<16xf32>
          %swap3A_1989 = arith.index_cast %scan3A_705 : i32 to index
          %swap3A_1990 = arith.constant 1008 : index
          %swap3A_1991 = tpu.vector_load %arg9[%swap3A_1989, %swap3A_1990] {strides = array<i32>} : memref<16x1024xf32, #tpu.memory_space<vmem>>, vector<1x16xf32>,
          %swap3A_1992 = vector.shape_cast %swap3A_1991 : vector<1x16xf32> to vector<16xf32>
          %swap3A_1993 = vector.shape_cast %add3A_1988 : vector<16xf32> to vector<1x16xf32>
          tpu.vector_store %arg9[%swap3A_1989, %swap3A_1990], %swap3A_1993 {strides = array<i32>} : memref<16x1024xf32, #tpu.memory_space<vmem>>, vector<1x16xf32>,
        } else {
        }
        %scan3A_714 = arith.constant 0 : i32
        scf.yield %scan3A_714 : i32
      }
      %scan3A_696 = arith.constant 16 : i32
      %mul3A_697 = arith.constant 16 : i32
      %mul3A_698 = arith.muli %add3A_663, %mul3A_697 : i32
      %add3A_699 = arith.addi %mul3A_2, %mul3A_698 : i32
      %dma_start3A_700 = arith.constant 0 : i32
      %dma_start3A_701 = tpu.memref_slice %arg5[%add3A_699, %dma_start3A_700] : memref<8192x1024xf32, #tpu.memory_space<hbm>> -> memref<16x1024xf32, #tpu.memory_space<hbm>>
      %dma_start3A_702 = arith.constant 0 : i32
      %dma_start3A_703 = tpu.memref_slice %arg5[%add3A_699, %dma_start3A_702] : memref<8192x1024xf32, #tpu.memory_space<hbm>> -> memref<16x1024xf32, #tpu.memory_space<hbm>>
      tpu.enqueue_dma source(%arg9 : memref<16x1024xf32, #tpu.memory_space<vmem>>) target(%dma_start3A_703 : memref<16x1024xf32, #tpu.memory_space<hbm>>) target_semaphore(%arg19 : memref<!tpu.dma_semaphore, #tpu.memory_space<semaphore_mem>>)
      %scan3A_704 = arith.constant 0 : i32
      scf.yield %scan3A_704 : i32
    }
    %scan3A_17 = arith.constant 8 : i32
    %dma_wait3A = arith.constant 0 : i32
    %dma_wait3A_18 = arith.constant 0 : i32
    %dma_wait3A_19 = tpu.memref_slice %arg5[%dma_wait3A, %dma_wait3A_18] : memref<8192x1024xf32, #tpu.memory_space<hbm>> -> memref<16x1024xf32, #tpu.memory_space<hbm>>
    %dma_wait3A_20 = arith.constant 0 : i32
    %dma_wait3A_21 = arith.constant 0 : i32
    %dma_wait3A_22 = tpu.memref_slice %arg5[%dma_wait3A_20, %dma_wait3A_21] : memref<8192x1024xf32, #tpu.memory_space<hbm>> -> memref<16x1024xf32, #tpu.memory_space<hbm>>
    tpu.wait_dma2 semaphore(%arg18 : memref<!tpu.dma_semaphore, #tpu.memory_space<semaphore_mem>>) src(%arg8 : memref<16x1024xf32, #tpu.memory_space<vmem>>) dst(%dma_wait3A_22 : memref<16x1024xf32, #tpu.memory_space<hbm>>)
    %dma_wait3A_23 = arith.constant 0 : i32
    %dma_wait3A_24 = arith.constant 0 : i32
    %dma_wait3A_25 = tpu.memref_slice %arg5[%dma_wait3A_23, %dma_wait3A_24] : memref<8192x1024xf32, #tpu.memory_space<hbm>> -> memref<16x1024xf32, #tpu.memory_space<hbm>>
    %dma_wait3A_26 = arith.constant 0 : i32
    %dma_wait3A_27 = arith.constant 0 : i32
    %dma_wait3A_28 = tpu.memref_slice %arg5[%dma_wait3A_26, %dma_wait3A_27] : memref<8192x1024xf32, #tpu.memory_space<hbm>> -> memref<16x1024xf32, #tpu.memory_space<hbm>>
    tpu.wait_dma2 semaphore(%arg19 : memref<!tpu.dma_semaphore, #tpu.memory_space<semaphore_mem>>) src(%arg9 : memref<16x1024xf32, #tpu.memory_space<vmem>>) dst(%dma_wait3A_28 : memref<16x1024xf32, #tpu.memory_space<hbm>>)
    return
  }
}

</mosaic_0001>

<sc_bundles>
// kernel: kernel.3.cloned.1.call-start
scs
__scs_entry_jumppad:
0x0: {  	(pc) =	sbr.rel $0x88, $3  }
0x1: {  	(tag) =	ssettag $0x0;
	lr =	simm.s32 $0x1  }
0x2: {  	[smem:$0x3F9E] =	sst lr;
	_ =	strace $0xD0000000  }
0x3: {  	_ = 	snop  }
0x4: {  	_ = 	snop  }
0x5: {  	_ = 	snop  }
0x6: {  	_ = 	snop  }
0x7: {  	_ = 	snop  }
__scs_overlays_trampoline_lowered:
0x8: {  	[smem:$0x3FAD] =	sst s0  }
0x9: {  	[smem:$0x3FAE] =	sst s1  }
0xa: {  	[smem:$0x3FAF] =	sst s2  }
0xb: {  	[smem:$0x3FB0] =	sst s3  }
0xc: {  	[smem:$0x3FB1] =	sst s4  }
0xd: {  	[smem:$0x3FB2] =	sst s5  }
0xe: {  	[smem:$0x3FB3] =	sst s6  }
0xf: {  	[smem:$0x3FB4] =	sst s7  }
0x10: {  	[smem:$0x3FB5] =	sst s8  }
0x11: {  	[smem:$0x3FB6] =	sst s9;
	s0 =	simm.s32 @!p0 $0x0  }
0x12: {  	s1 =	sld [smem:$0x3F9C];
	s0 =	simm.s32 @p0 $0x1  }
0x13: {  	[smem:$0x3FB7] =	sst s0;
	s0 =	simm.s32 @!p1 $0x0  }
0x14: {  	s2 =	sld [smem:$0x3F9B];
	s0 =	simm.s32 @p1 $0x1  }
0x15: {  	[smem:$0x3FB8] =	sst s0;
	s0 =	simm.s32 @!p2 $0x0  }
0x16: {  	s3 =	sld [smem:$0x3FDB];
	s0 =	simm.s32 @p2 $0x1  }
0x17: {  	s4 =	simm.s32 $0x1BF5;
	[smem:$0x3FBA] =	sst s0  }
0x18: {  	s0 =	sld [smem:$0x3F9D];
	_ =	swait.ge [sflag:s4], $0x0  }
0x19: {  	s7 =	sld [smem:$0x3F9E]  }
0x1a: {  	s8 =	sadd.s32 $0xFFFFE003, lr  }
0x1b: {  	s9 =	sadd.s32 $0xFFFFFEF7, lr;
	s5 =	simm.s32 $0xFFFFFFFF;
	p2 =	slt.u32 s8, $0xFFFFF086  }
0x1c: {  	p1 =	slt.u32 s9, $0xF7A;
	s5 =	simm.s32 @!p2 $0x0  }
0x1d: {  	s5 =	simm.s32 @p1 $0x1;
	p0 =	seq.s32 s7, s2  }
0x1e: {  	s7 =	smul.u32 @!p0 $0xF7A, s2;
	p2 =	seq.s32 @!p0 s5, $0x0  }
0x1f: {  	s9 =	smul.u32 $0xF7A, s1;
	s8 =	simm.s32 @!p0 $0x1BF5;
	p2 =	por !p2, p0  }
0x20: {  	[sflag:s8] =	ssyncset.s32 @!p0 $0xFFFFF086;
	s6 =	sadd.s32 @!p0 s3, s7;
	s7 =	simm.s32 @!p0 $0x108  }
0x21: {  	s3 =	sadd.s32 s3, s9;
	s6 =	sadd.s32 @!p0 $0x88, s6;
	s7 =	simm.s32 @p2 $0x1082  }
0x22: {  	[simem:s7], [sflag:s8] =	dma.local @!p0 [hbm:s6], $0xF7A  }
0x23: {  	s9 =	sor.u32 $0xD0000000, s2;
	s6 =	simm.s32 $0x108;
	_ =	swait.ge @!p0 [sflag:s8], $0x0  }
0x24: {  	s3 =	sadd.s32 $0x88, s3;
	s6 =	simm.s32 @!p1 $0x1082;
	[sflag:s4] =	ssyncset.s32 $0xFFFFF086  }
0x25: {  	[simem:s6], [sflag:s4] =	dma.local [hbm:s3], $0xF7A  }
0x26: {  	[smem:$0x3F9E] =	sst s1;
	(tag) =	ssettag s2;
	_ =	strace s9  }
0x27: {  	s1 =	sld [smem:$0x3FAE]  }
0x28: {  	s2 =	sld [smem:$0x3FAF]  }
0x29: {  	s4 =	sld [smem:$0x3FB1]  }
0x2a: {  	p0 =	seq.s32 s5, $0x0;
	s5 =	sld [smem:$0x3FB2]  }
0x2b: {  	s6 =	sld [smem:$0x3FB3]  }
0x2c: {  	s7 =	sld [smem:$0x3FB4]  }
0x2d: {  	s3 =	simm.s32 $0x108;
	s8 =	sld [smem:$0x3FB5]  }
0x2e: {  	s3 =	simm.s32 @!p0 $0x1082;
	s9 =	sld [smem:$0x3FB6]  }
0x2f: {  	lr =	sadd.s32 s0, s3;
	s0 =	sld [smem:$0x3FAD]  }
0x30: {  	s3 =	sld [smem:$0x3FB0]  }
0x31: {  	[smem:$0x3FB9] =	sst s10  }
0x32: {  	s10 =	sld [smem:$0x3FB7];
	_ =	sdelay $0x3  }
0x33: {  	p0 =	seq.s32 s10, $0x1;
	s10 =	sld [smem:$0x3FB9];
	_ =	sdelay $0x3  }
0x34: {  	[smem:$0x3FB9] =	sst s10  }
0x35: {  	s10 =	sld [smem:$0x3FB8];
	_ =	sdelay $0x3  }
0x36: {  	p1 =	seq.s32 s10, $0x1;
	s10 =	sld [smem:$0x3FB9];
	_ =	sdelay $0x3  }
0x37: {  	[smem:$0x3FB9] =	sst s10  }
0x38: {  	s10 =	sld [smem:$0x3FBA]  }
0x39: {  	_ = 	snop;
	(pc) =	sbr.ind lr, $3  }
0x3a: {  	_ = 	snop  }
0x3b: {  	_ = 	snop  }
0x3c: {  	p2 =	seq.s32 s10, $0x1;
	s10 =	sld [smem:$0x3FB9]  }
0x3d: {  	_ =	shalt  }
0x3e: {  	_ =	shalt  }
0x3f: {  	_ =	shalt  }
0x40: {  	_ =	shalt  }
0x41: {  	_ =	shalt  }
0x42: {  	_ =	shalt  }
0x43: {  	_ =	shalt  }
0x44: {  	_ =	shalt  }
0x45: {  	_ =	shalt  }
0x46: {  	_ =	shalt  }
0x47: {  	_ =	shalt  }
0x48: {  	_ =	shalt  }
0x49: {  	_ =	shalt  }
0x4a: {  	_ =	shalt  }
0x4b: {  	_ =	shalt  }
0x4c: {  	_ =	shalt  }
0x4d: {  	_ =	shalt  }
0x4e: {  	_ =	shalt  }
0x4f: {  	_ =	shalt  }
0x50: {  	_ =	shalt  }
0x51: {  	_ =	shalt  }
0x52: {  	_ =	shalt  }
0x53: {  	_ =	shalt  }
0x54: {  	_ =	shalt  }
0x55: {  	_ =	shalt  }
0x56: {  	_ =	shalt  }
0x57: {  	_ =	shalt  }
0x58: {  	_ =	shalt  }
0x59: {  	_ =	shalt  }
0x5a: {  	_ =	shalt  }
0x5b: {  	_ =	shalt  }
0x5c: {  	_ =	shalt  }
0x5d: {  	_ =	shalt  }
0x5e: {  	_ =	shalt  }
0x5f: {  	_ =	shalt  }
0x60: {  	_ =	shalt  }
0x61: {  	_ =	shalt  }
0x62: {  	_ =	shalt  }
0x63: {  	_ =	shalt  }
0x64: {  	_ =	shalt  }
0x65: {  	_ =	shalt  }
0x66: {  	_ =	shalt  }
0x67: {  	_ =	shalt  }
0x68: {  	_ =	shalt  }
0x69: {  	_ =	shalt  }
0x6a: {  	_ =	shalt  }
0x6b: {  	_ =	shalt  }
0x6c: {  	_ =	shalt  }
0x6d: {  	_ =	shalt  }
0x6e: {  	_ =	shalt  }
0x6f: {  	_ =	shalt  }
0x70: {  	_ =	shalt  }
0x71: {  	_ =	shalt  }
0x72: {  	_ =	shalt  }
0x73: {  	_ =	shalt  }
0x74: {  	_ =	shalt  }
0x75: {  	_ =	shalt  }
0x76: {  	_ =	shalt  }
0x77: {  	_ =	shalt  }
0x78: {  	_ =	shalt  }
0x79: {  	_ =	shalt  }
0x7a: {  	_ =	shalt  }
0x7b: {  	_ =	shalt  }
0x7c: {  	_ =	shalt  }
0x7d: {  	_ =	shalt  }
0x7e: {  	_ =	shalt  }
0x7f: {  	_ =	shalt  }
0x80: {  	_ =	shalt  }
0x81: {  	_ =	shalt  }
0x82: {  	_ =	shalt  }
0x83: {  	_ =	shalt  }
0x84: {  	_ =	shalt  }
0x85: {  	_ =	shalt  }
0x86: {  	_ =	shalt  }
0x87: {  	_ =	shalt  }
.Lfunc_end0:
.L_simem_size_0:
called_computation_lowered:
.L_overlay_start_0:
0x88: {  	s2 =	sld [smem:$0x3FD9]  }
0x89: {  	s3 =	sld [smem:$0x3FFE];
	_ =	sdelay $0x1  }
0x8a: {  	s1 =	srdreg.scid  }
0x8b: {  	s0 =	sand.u32 $0x1, s1  }
0x8c: {  	s17 =	sshll.u32 s0, $0xA;
	s2 =	sadd.s32 s3, s2  }
0x8d: {  	s2 =	sadd.s32 s2, s17  }
0x8e: {  	[smem:$0x3FC5] =	sst s2  }
0x8f: {  	_ = 	snop  }
0x90: {  	s2 =	sld [smem:$0x3FC8]  }
0x91: {  	s18 =	sld [smem:$0x3FC7]  }
0x92: {  	s4 =	sld [smem:$0x3FD0];
	(tm) =	ssettm $0x1  }
0x93: {  	s5 =	sld [smem:$0x3FFB];
	_ =	sdelay $0x3  }
0x94: {  	_ =	strace s5  }
0x95: {  	s5 =	sld [smem:$0x3FFC];
	_ =	sdelay $0x3  }
0x96: {  	_ =	strace s5  }
0x97: {  	s5 =	sld [smem:$0x3FFD];
	_ =	sdelay $0x3  }
0x98: {  	_ =	strace s5  }
0x99: {  	_ =	strace $0x8FFFFFFF  }
0x9a: {  	s19 =	sld [smem:$0x3FDB];
	_ =	sdelay $0x1  }
0x9b: {  	s6 =	simm.s32 $_scs_section_size  }
0x9c: {  	s7 =	simm.s32 $_size__tile_overlayer_lowered;
	s8 =	simm.s32 $_tile_overlayer_lowered  }
0x9d: {  	s22 =	simm.s32 $0x1BFF;
	s21 =	sshll.u32 s8, $0x1;
	s5 =	sadd.s32 s6, s19  }
0x9e: {  	s9 =	simm.s32 $0x0;
	s20 =	sshll.u32 s7, $0x1;
	s7 =	sadd.s32 s21, s5  }
0x9f: {  	[timem:s9], [sflag:s22] =	dma.local [hbm:s7], s20  }
0xa0: {  	_ =	swait.ge [sflag:s22], s20  }
0xa1: {  	s6 =	ssub.s32 $0x0, s20;
	[sflag:s22] =	ssyncset.done $0x0  }
0xa2: {  	[sflag:s22] =	ssyncadd.s32 s6;
	_ =	sdelay $0x1  }
0xa3: {  	s23 =	simm.s32 $0x1B8B  }
0xa4: {  	_ =	swait.ge [sflag:s23], $0x1  }
0xa5: {  	[sflag:s23] =	ssyncset.done $0x0  }
0xa6: {  	s25 =	simm.s32 $0x1B8E;
	s24 =	sld [smem:$0x3FFE];
	[sflag:s23] =	ssyncadd.s32 $0xFFFFFFFF  }
0xa7: {  	s26 =	simm.s32 $execute0_lowered;
	[smem:$0x3FD2] =	sst s25  }
0xa8: {  	s7 =	sshll.u32 s26, $0x1;
	_ =	strace $0x80000046;
	[dreg:$0x1] =	wrdreg $0xFFFFFFFF  }
0xa9: {  	s28 =	simm.s32 $_size_execute0_lowered;
	s5 =	sadd.s32 s5, s7;
	[dreg:$0x0] =	wrdreg $0x0  }
0xaa: {  	s7 =	sshll.u32 s28, $0x1;
	[dreg:$0x2] =	wrdreg s5  }
0xab: {  	[dreg:$0x3] =	wrdreg s7  }
0xac: {  	[dreg:$0x4] =	wrdreg $0xC0  }
0xad: {  	_ =	task [dreg:s9], $0x5FFFF  }
0xae: {  	[dreg:$0x1] =	wrdreg $0xFFFFFFFF  }
0xaf: {  	[dreg:$0x0] =	wrdreg $0x60  }
0xb0: {  	[dreg:$0x2] =	wrdreg s24  }
0xb1: {  	[dreg:$0x3] =	wrdreg s2  }
0xb2: {  	[dreg:$0x4] =	wrdreg s18  }
0xb3: {  	[dreg:$0x5] =	wrdreg s4  }
0xb4: {  	[dreg:$0x6] =	wrdreg $0x9  }
0xb5: {  	_ =	task.clear_ibuf [dreg:s9], $0x7FFFF;
	_ =	strace $0x90000046  }
0xb6: {  	s29 =	simm.s32 $0x9;
	_ =	strace $0x80000048  }
0xb7: {  	_ =	swait.ge [sflag:s29], $0x1  }
0xb8: {  	[sflag:s29] =	ssyncadd.s32 $0xFFFFFFFF  }
0xb9: {  	_ =	strace $0x90000048  }
0xba: {  	_ =	sfence  }
0xbb: {  	s30 =	sld [smem:$0x0];
	_ =	sdelay $0x2  }
0xbc: {  	s31 =	sshll.u32 s1, $0xD;
	s1 =	sshrl.u32 s1, $0x2  }
0xbd: {  	s3 =	sand.u32 $0x4000, s31;
	s1 =	sadd.s32 s1, s30  }
0xbe: {  	s0 =	sor.u32 s3, s0;
	s1 =	sshll.u32 s1, $0x11  }
0xbf: {  	s0 =	sor.u32 s1, s0  }
0xc0: {  	s0 =	sadd.s32 $0x8F2B, s0  }
0xc1: {  	[sflag:s0] =	ssyncadd.remote.s32 $0x1  }
0xc2: {  	_ =	sfence.sel $0xFFFF  }
0xc3: {  	[dreg:$0x0] =	wrdreg $0xFFFFFFFF;
	(pc) =	sbr.abs _section_cstart, $3  }
0xc4: {  	[dreg:$0x1] =	wrdreg $0xFFFFFFFF  }
0xc5: {  	_ =	task.clear_ibuf [dreg:s9], $0x2FFFF;
	_ =	strace $0x9FFFFFFF  }
0xc6: {  	(tm) =	ssettm $0x7FFFFFFF  }
0xc7: {  	_ =	shalt  }
tec
execute0_lowered:
.L_overlay_start_1:
0x0: {  	(tag) =	ssettag $0x1  }
0x1: {  	s0 =	rddreg [dreg:$0x0]  }
0x2: {  	s1 =	rddreg [dreg:$0x1]  }
0x3: {  	s17 =	rddreg [dreg:$0x3];
	s2 =	srdreg.scid  }
0x4: {  	s3 =	stileid.u32;
	s4 =	simm.s32 $0x0;
	s14 =	simm.s32 $0x1  }
0x5: {  	s15 =	simm.s32 $0x500;
	s18 =	simm.s32 $0x4;
	s2 =	sand.u32 $0x1, s2  }
0x6: {  	s6 =	sshll.u32 s3, $0x9;
	s7 =	sshll.u32 s2, $0x8;
	s2 =	ssub.s32 $0x2, s2  }
.Ltmp0:
0x7: {  	s6 =	sor.u32 s7, s6;
	s8 =	sshrl.u32 s2, $0x1;
	(pc) =	sbr.rel .LBB2_1-.Ltmp0, $4  }
0x8: {  	s19 =	simm.s32 $0x2;
	s7 =	sshrl.u32 s6, $0x3;
	s2 =	ssub.s32 s2, s8  }
0x9: {  	[smem:$0x7FF] =	sst s4;
	s0 =	sadd.s32 s7, s0;
	s31 =	smax.u32 s2, $0x1  }
0xa: {  	_ =	strace $0x80000047;
	s0 =	sadd.s32 $0x400, s0;
	[dreg:$0x6] =	wrdreg s31  }
0xb: {  	s3 =	simm.s32 $0x0;
	s7 =	sand.u32 $0x700, s6;
	[dreg:$0x5] =	wrdreg s0  }
.LBB2_23:
0xc: {  	s0 =	simm.s32 $0x5  }
0xd: {  	_ =	swait.ge [sflag:s0], $0x4000  }
0xe: {  	[sflag:s0] =	ssyncset.done $0x0  }
0xf: {  	s2 =	simm.s32 $0x6;
	[sflag:s0] =	ssyncadd.s32 $0xFFFFC000  }
0x10: {  	_ =	swait.ge [sflag:s2], $0x4000  }
0x11: {  	s3 =	rddreg [dreg:$0x7]  }
0x12: {  	s31 =	rddreg [dreg:$0x6];
	s3 =	sadd.s32 $0x1, s3  }
0x13: {  	p0 =	sne.s32 s3, s31  }
.Ltmp1:
0x14: {  	_ = 	snop;
	(pc) =	sbr.rel @!p0 .LBB2_24-.Ltmp1, $3  }
0x15: {  	_ =	sdelay $0x1  }
0x16: {  	[sflag:s2] =	ssyncset.done $0x0  }
0x17: {  	[sflag:s2] =	ssyncadd.s32 $0xFFFFC000  }
.LBB2_1:
0x18: {  	[dreg:$0x7] =	wrdreg s3  }
0x19: {  	s0 =	rddreg [dreg:$0x5];
	s30 =	simm.s32 $0x7  }
0x1a: {  	[tilespmem:s4], [sflag:$0x7] =	stream.linear.gather [hbm4b:s0+s4], $0x100, $0x38;
	[tilespmem:$0x10500] =	vst v63  }
0x1b: {  	_ =	swait.ge [sflag:s30], $0x100  }
0x1c: {  	s2 =	simm.s32 $0x80;
	s31 =	simm.s32 $0x400;
	[sflag:s30] =	ssyncset.done $0x0  }
.Ltmp2:
0x1d: {  	s5 =	simm.s32 $0x100;
	[sflag:s30] =	ssyncadd.s32 $0xFFFFFF00;
	(pc) =	sbr.rel .LBB2_2-.Ltmp2, $4  }
0x1e: {  	[tilespmem:s5], [sflag:$0x7] =	stream.strided.gather [hbm4b:s1+s2], $0x400, s31, s2, $0x38;
	[tilespmem:$0x10500] =	vst v63  }
0x1f: {  	_ =	swait.ge [sflag:s30], $0x400  }
0x20: {  	[sflag:s30] =	ssyncset.done $0x0  }
0x21: {  	s23 =	simm.s32 $0x0;
	[sflag:s30] =	ssyncadd.s32 $0xFFFFFC00  }
.LBB2_22:
0x22: {  	s23 =	sadd.s32 $0x1, s23  }
0x23: {  	p0 =	sne.s32 s23, $0x8  }
.Ltmp3:
0x24: {  	_ = 	snop;
	(pc) =	sbr.rel @!p0 .LBB2_23-.Ltmp3, $4  }
0x25: {  	s0 =	sadd.s32 s6, s25  }
0x26: {  	s0 =	sshll.u32 s0, $0x7  }
0x27: {  	s0 =	sadd.s32 s17, s0  }
0x28: {  	[hbm4b:s0+s4] =	stream.linear.scatter [tilespmem:s11], [sflag:$0x6], $0x4000, $0x38;
	[tilespmem:$0x10500] =	vst v63  }
.LBB2_2:
0x29: {  	p0 =	seq.s32 s23, $0x0  }
0x2a: {  	s0 =	simm.s32 @!p0 $0x5  }
0x2b: {  	_ =	swait.ge @!p0 [sflag:s0], $0x4000  }
0x2c: {  	[sflag:s0] =	ssyncset.done @!p0 $0x0  }
0x2d: {  	s24 =	sshll.u32 s23, $0x5;
	[sflag:s0] =	ssyncadd.s32 @!p0 $0xFFFFC000  }
0x2e: {  	v0 =	vld [tilespmem:s24+$0x0];
	_ =	sdelay $0x4  }
0x2f: {  	(v2sf) =	vpush v0, $0x0;
	_ =	sdelay $0xe  }
0x30: {  	s0 =	spop (v2sf)  }
0x31: {  	p1 =	sgt.s32 s0, $0x30D3  }
0x32: {  	s2 =	sshll.u32 @!p1 s0, $0xA;
	s8 =	sshll.u32 @!p1 s0, $0x7  }
0x33: {  	s2 =	sand.u32 @!p1 $0xFFFFE000, s2;
	s8 =	sand.u32 @!p1 $0x380, s8  }
0x34: {  	s2 =	sor.u32 @!p1 s8, s2  }
0x35: {  	(v2sf) =	vpush v0, $0x1;
	s2 =	sshrl.u32 @!p1 s2, $0x3  }
0x36: {  	s9 =	simm.s32 @!p1 $0x8500;
	s8 =	simm.s32 @!p1 $0x0;
	s2 =	sadd.s32 @!p1 s1, s2  }
0x37: {  	[tilespmem:s9], [sflag:$0x1] =	stream.linear.gather @!p1 [hbm4b:s2+s8], $0x80, $0x38;
	[tilespmem:$0x10500] =	vst v63  }
0x38: {  	s10 =	simm.s32 @!p1 $0x8900;
	s9 =	sadd.s32 @!p1 $0x80, s2  }
0x39: {  	[tilespmem:s10], [sflag:$0x1] =	stream.linear.gather @!p1 [hbm4b:s9+s8], $0x80, $0x38;
	[tilespmem:$0x10500] =	vst v63  }
0x3a: {  	s9 =	sadd.s32 @!p1 $0x100, s2;
	s10 =	simm.s32 @!p1 $0x8D00  }
0x3b: {  	[tilespmem:s10], [sflag:$0x1] =	stream.linear.gather @!p1 [hbm4b:s9+s8], $0x80, $0x38;
	[tilespmem:$0x10500] =	vst v63  }
0x3c: {  	s9 =	sadd.s32 @!p1 $0x180, s2;
	s10 =	simm.s32 @!p1 $0x9100  }
0x3d: {  	[tilespmem:s10], [sflag:$0x1] =	stream.linear.gather @!p1 [hbm4b:s9+s8], $0x80, $0x38;
	[tilespmem:$0x10500] =	vst v63  }
0x3e: {  	s9 =	sadd.s32 @!p1 $0x200, s2;
	s10 =	simm.s32 @!p1 $0x9500  }
0x3f: {  	[tilespmem:s10], [sflag:$0x1] =	stream.linear.gather @!p1 [hbm4b:s9+s8], $0x80, $0x38;
	[tilespmem:$0x10500] =	vst v63  }
0x40: {  	s9 =	sadd.s32 @!p1 $0x280, s2;
	s10 =	simm.s32 @!p1 $0x9900  }
0x41: {  	[tilespmem:s10], [sflag:$0x1] =	stream.linear.gather @!p1 [hbm4b:s9+s8], $0x80, $0x38;
	[tilespmem:$0x10500] =	vst v63  }
0x42: {  	s9 =	sadd.s32 @!p1 $0x300, s2;
	s10 =	simm.s32 @!p1 $0x9D00  }
0x43: {  	[tilespmem:s10], [sflag:$0x1] =	stream.linear.gather @!p1 [hbm4b:s9+s8], $0x80, $0x38;
	[tilespmem:$0x10500] =	vst v63  }
0x44: {  	s25 =	spop (v2sf);
	s2 =	sadd.s32 @!p1 $0x380, s2;
	s9 =	simm.s32 @!p1 $0xA100  }
0x45: {  	[tilespmem:s9], [sflag:$0x1] =	stream.linear.gather @!p1 [hbm4b:s2+s8], $0x80, $0x38;
	[tilespmem:$0x10500] =	vst v63  }
0x46: {  	p1 =	sgt.s32 s25, $0x30D3  }
0x47: {  	s2 =	sshll.u32 @!p1 s25, $0xA;
	s8 =	sshll.u32 @!p1 s25, $0x7  }
0x48: {  	s2 =	sand.u32 @!p1 $0xFFFFE000, s2;
	s8 =	sand.u32 @!p1 $0x380, s8  }
0x49: {  	s2 =	sor.u32 @!p1 s8, s2  }
0x4a: {  	s2 =	sshrl.u32 @!p1 s2, $0x3  }
0x4b: {  	s9 =	simm.s32 @!p1 $0x8580;
	s8 =	simm.s32 @!p1 $0x0;
	s2 =	sadd.s32 @!p1 s1, s2  }
0x4c: {  	(v2sf) =	vpush v0, $0x2;
	[tilespmem:s9], [sflag:$0x1] =	stream.linear.gather @!p1 [hbm4b:s2+s8], $0x80, $0x38;
	[tilespmem:$0x10500] =	vst v63  }
0x4d: {  	s10 =	simm.s32 @!p1 $0x8980;
	s9 =	sadd.s32 @!p1 $0x80, s2  }
0x4e: {  	[tilespmem:s10], [sflag:$0x1] =	stream.linear.gather @!p1 [hbm4b:s9+s8], $0x80, $0x38;
	[tilespmem:$0x10500] =	vst v63  }
0x4f: {  	s9 =	sadd.s32 @!p1 $0x100, s2;
	s10 =	simm.s32 @!p1 $0x8D80  }
0x50: {  	[tilespmem:s10], [sflag:$0x1] =	stream.linear.gather @!p1 [hbm4b:s9+s8], $0x80, $0x38;
	[tilespmem:$0x10500] =	vst v63  }
0x51: {  	s9 =	sadd.s32 @!p1 $0x180, s2;
	s10 =	simm.s32 @!p1 $0x9180  }
0x52: {  	[tilespmem:s10], [sflag:$0x1] =	stream.linear.gather @!p1 [hbm4b:s9+s8], $0x80, $0x38;
	[tilespmem:$0x10500] =	vst v63  }
0x53: {  	s9 =	sadd.s32 @!p1 $0x200, s2;
	s10 =	simm.s32 @!p1 $0x9580  }
0x54: {  	[tilespmem:s10], [sflag:$0x1] =	stream.linear.gather @!p1 [hbm4b:s9+s8], $0x80, $0x38;
	[tilespmem:$0x10500] =	vst v63  }
0x55: {  	s9 =	sadd.s32 @!p1 $0x280, s2;
	s10 =	simm.s32 @!p1 $0x9980  }
0x56: {  	[tilespmem:s10], [sflag:$0x1] =	stream.linear.gather @!p1 [hbm4b:s9+s8], $0x80, $0x38;
	[tilespmem:$0x10500] =	vst v63  }
0x57: {  	s9 =	sadd.s32 @!p1 $0x300, s2;
	s10 =	simm.s32 @!p1 $0x9D80  }
0x58: {  	[tilespmem:s10], [sflag:$0x1] =	stream.linear.gather @!p1 [hbm4b:s9+s8], $0x80, $0x38;
	[tilespmem:$0x10500] =	vst v63  }
0x59: {  	s2 =	sadd.s32 @!p1 $0x380, s2;
	s9 =	simm.s32 @!p1 $0xA180  }
0x5a: {  	[tilespmem:s9], [sflag:$0x1] =	stream.linear.gather @!p1 [hbm4b:s2+s8], $0x80, $0x38;
	[tilespmem:$0x10500] =	vst v63  }
0x5b: {  	s2 =	spop (v2sf)  }
0x5c: {  	p1 =	sgt.s32 s2, $0x30D3  }
0x5d: {  	s8 =	sshll.u32 @!p1 s2, $0xA;
	s9 =	sshll.u32 @!p1 s2, $0x7  }
0x5e: {  	s8 =	sand.u32 @!p1 $0xFFFFE000, s8;
	s9 =	sand.u32 @!p1 $0x380, s9  }
0x5f: {  	s8 =	sor.u32 @!p1 s9, s8  }
0x60: {  	(v2sf) =	vpush v0, $0x3;
	s8 =	sshrl.u32 @!p1 s8, $0x3  }
0x61: {  	s10 =	simm.s32 @!p1 $0x8600;
	s9 =	simm.s32 @!p1 $0x0;
	s8 =	sadd.s32 @!p1 s1, s8  }
0x62: {  	[tilespmem:s10], [sflag:$0x1] =	stream.linear.gather @!p1 [hbm4b:s8+s9], $0x80, $0x38;
	[tilespmem:$0x10500] =	vst v63  }
0x63: {  	s11 =	simm.s32 @!p1 $0x8A00;
	s10 =	sadd.s32 @!p1 $0x80, s8  }
0x64: {  	[tilespmem:s11], [sflag:$0x1] =	stream.linear.gather @!p1 [hbm4b:s10+s9], $0x80, $0x38;
	[tilespmem:$0x10500] =	vst v63  }
0x65: {  	s10 =	sadd.s32 @!p1 $0x100, s8;
	s11 =	simm.s32 @!p1 $0x8E00  }
0x66: {  	[tilespmem:s11], [sflag:$0x1] =	stream.linear.gather @!p1 [hbm4b:s10+s9], $0x80, $0x38;
	[tilespmem:$0x10500] =	vst v63  }
0x67: {  	s10 =	sadd.s32 @!p1 $0x180, s8;
	s11 =	simm.s32 @!p1 $0x9200  }
0x68: {  	[tilespmem:s11], [sflag:$0x1] =	stream.linear.gather @!p1 [hbm4b:s10+s9], $0x80, $0x38;
	[tilespmem:$0x10500] =	vst v63  }
0x69: {  	s10 =	sadd.s32 @!p1 $0x200, s8;
	s11 =	simm.s32 @!p1 $0x9600  }
0x6a: {  	[tilespmem:s11], [sflag:$0x1] =	stream.linear.gather @!p1 [hbm4b:s10+s9], $0x80, $0x38;
	[tilespmem:$0x10500] =	vst v63  }
0x6b: {  	s10 =	sadd.s32 @!p1 $0x280, s8;
	s11 =	simm.s32 @!p1 $0x9A00  }
0x6c: {  	[tilespmem:s11], [sflag:$0x1] =	stream.linear.gather @!p1 [hbm4b:s10+s9], $0x80, $0x38;
	[tilespmem:$0x10500] =	vst v63  }
0x6d: {  	s10 =	sadd.s32 @!p1 $0x300, s8;
	s11 =	simm.s32 @!p1 $0x9E00  }
0x6e: {  	[tilespmem:s11], [sflag:$0x1] =	stream.linear.gather @!p1 [hbm4b:s10+s9], $0x80, $0x38;
	[tilespmem:$0x10500] =	vst v63  }
0x6f: {  	s8 =	sadd.s32 @!p1 $0x380, s8;
	s10 =	simm.s32 @!p1 $0xA200;
	s11 =	spop (v2sf)  }
0x70: {  	[tilespmem:s10], [sflag:$0x1] =	stream.linear.gather @!p1 [hbm4b:s8+s9], $0x80, $0x38;
	[tilespmem:$0x10500] =	vst v63  }
0x71: {  	p1 =	sgt.s32 s11, $0x30D3  }
0x72: {  	s8 =	sshll.u32 @!p1 s11, $0xA;
	s9 =	sshll.u32 @!p1 s11, $0x7  }
0x73: {  	s8 =	sand.u32 @!p1 $0xFFFFE000, s8;
	s9 =	sand.u32 @!p1 $0x380, s9  }
0x74: {  	s8 =	sor.u32 @!p1 s9, s8  }
0x75: {  	(v2sf) =	vpush v0, $0x4;
	s8 =	sshrl.u32 @!p1 s8, $0x3  }
0x76: {  	s10 =	simm.s32 @!p1 $0x8680;
	s9 =	simm.s32 @!p1 $0x0;
	s8 =	sadd.s32 @!p1 s1, s8  }
0x77: {  	[tilespmem:s10], [sflag:$0x1] =	stream.linear.gather @!p1 [hbm4b:s8+s9], $0x80, $0x38;
	[tilespmem:$0x10500] =	vst v63  }
0x78: {  	s12 =	simm.s32 @!p1 $0x8A80;
	s10 =	sadd.s32 @!p1 $0x80, s8  }
0x79: {  	[tilespmem:s12], [sflag:$0x1] =	stream.linear.gather @!p1 [hbm4b:s10+s9], $0x80, $0x38;
	[tilespmem:$0x10500] =	vst v63  }
0x7a: {  	s10 =	sadd.s32 @!p1 $0x100, s8;
	s12 =	simm.s32 @!p1 $0x8E80  }
0x7b: {  	[tilespmem:s12], [sflag:$0x1] =	stream.linear.gather @!p1 [hbm4b:s10+s9], $0x80, $0x38;
	[tilespmem:$0x10500] =	vst v63  }
0x7c: {  	s10 =	sadd.s32 @!p1 $0x180, s8;
	s12 =	simm.s32 @!p1 $0x9280  }
0x7d: {  	[tilespmem:s12], [sflag:$0x1] =	stream.linear.gather @!p1 [hbm4b:s10+s9], $0x80, $0x38;
	[tilespmem:$0x10500] =	vst v63  }
0x7e: {  	s10 =	sadd.s32 @!p1 $0x200, s8;
	s12 =	simm.s32 @!p1 $0x9680  }
0x7f: {  	[tilespmem:s12], [sflag:$0x1] =	stream.linear.gather @!p1 [hbm4b:s10+s9], $0x80, $0x38;
	[tilespmem:$0x10500] =	vst v63  }
0x80: {  	s10 =	sadd.s32 @!p1 $0x280, s8;
	s12 =	simm.s32 @!p1 $0x9A80  }
0x81: {  	[tilespmem:s12], [sflag:$0x1] =	stream.linear.gather @!p1 [hbm4b:s10+s9], $0x80, $0x38;
	[tilespmem:$0x10500] =	vst v63  }
0x82: {  	s10 =	sadd.s32 @!p1 $0x300, s8;
	s12 =	simm.s32 @!p1 $0x9E80  }
0x83: {  	[tilespmem:s12], [sflag:$0x1] =	stream.linear.gather @!p1 [hbm4b:s10+s9], $0x80, $0x38;
	[tilespmem:$0x10500] =	vst v63  }
0x84: {  	s26 =	spop (v2sf);
	s8 =	sadd.s32 @!p1 $0x380, s8;
	s10 =	simm.s32 @!p1 $0xA280  }
0x85: {  	[tilespmem:s10], [sflag:$0x1] =	stream.linear.gather @!p1 [hbm4b:s8+s9], $0x80, $0x38;
	[tilespmem:$0x10500] =	vst v63  }
0x86: {  	p1 =	sgt.s32 s26, $0x30D3  }
0x87: {  	s8 =	sshll.u32 @!p1 s26, $0xA;
	s9 =	sshll.u32 @!p1 s26, $0x7  }
0x88: {  	s8 =	sand.u32 @!p1 $0xFFFFE000, s8;
	s9 =	sand.u32 @!p1 $0x380, s9  }
0x89: {  	s8 =	sor.u32 @!p1 s9, s8  }
0x8a: {  	(v2sf) =	vpush v0, $0x5;
	s8 =	sshrl.u32 @!p1 s8, $0x3  }
0x8b: {  	s10 =	simm.s32 @!p1 $0x8700;
	s9 =	simm.s32 @!p1 $0x0;
	s8 =	sadd.s32 @!p1 s1, s8  }
0x8c: {  	[tilespmem:s10], [sflag:$0x1] =	stream.linear.gather @!p1 [hbm4b:s8+s9], $0x80, $0x38;
	[tilespmem:$0x10500] =	vst v63  }
0x8d: {  	s12 =	simm.s32 @!p1 $0x8B00;
	s10 =	sadd.s32 @!p1 $0x80, s8  }
0x8e: {  	[tilespmem:s12], [sflag:$0x1] =	stream.linear.gather @!p1 [hbm4b:s10+s9], $0x80, $0x38;
	[tilespmem:$0x10500] =	vst v63  }
0x8f: {  	s10 =	sadd.s32 @!p1 $0x100, s8;
	s12 =	simm.s32 @!p1 $0x8F00  }
0x90: {  	[tilespmem:s12], [sflag:$0x1] =	stream.linear.gather @!p1 [hbm4b:s10+s9], $0x80, $0x38;
	[tilespmem:$0x10500] =	vst v63  }
0x91: {  	s10 =	sadd.s32 @!p1 $0x180, s8;
	s12 =	simm.s32 @!p1 $0x9300  }
0x92: {  	[tilespmem:s12], [sflag:$0x1] =	stream.linear.gather @!p1 [hbm4b:s10+s9], $0x80, $0x38;
	[tilespmem:$0x10500] =	vst v63  }
0x93: {  	s10 =	sadd.s32 @!p1 $0x200, s8;
	s12 =	simm.s32 @!p1 $0x9700  }
0x94: {  	[tilespmem:s12], [sflag:$0x1] =	stream.linear.gather @!p1 [hbm4b:s10+s9], $0x80, $0x38;
	[tilespmem:$0x10500] =	vst v63  }
0x95: {  	s10 =	sadd.s32 @!p1 $0x280, s8;
	s12 =	simm.s32 @!p1 $0x9B00  }
0x96: {  	[tilespmem:s12], [sflag:$0x1] =	stream.linear.gather @!p1 [hbm4b:s10+s9], $0x80, $0x38;
	[tilespmem:$0x10500] =	vst v63  }
0x97: {  	s10 =	sadd.s32 @!p1 $0x300, s8;
	s12 =	simm.s32 @!p1 $0x9F00  }
0x98: {  	[tilespmem:s12], [sflag:$0x1] =	stream.linear.gather @!p1 [hbm4b:s10+s9], $0x80, $0x38;
	[tilespmem:$0x10500] =	vst v63  }
0x99: {  	s8 =	sadd.s32 @!p1 $0x380, s8;
	s10 =	simm.s32 @!p1 $0xA300;
	s12 =	spop (v2sf)  }
0x9a: {  	[tilespmem:s10], [sflag:$0x1] =	stream.linear.gather @!p1 [hbm4b:s8+s9], $0x80, $0x38;
	[tilespmem:$0x10500] =	vst v63  }
0x9b: {  	p1 =	sgt.s32 s12, $0x30D3  }
0x9c: {  	s8 =	sshll.u32 @!p1 s12, $0xA;
	s9 =	sshll.u32 @!p1 s12, $0x7  }
0x9d: {  	s8 =	sand.u32 @!p1 $0xFFFFE000, s8;
	s9 =	sand.u32 @!p1 $0x380, s9  }
0x9e: {  	s8 =	sor.u32 @!p1 s9, s8  }
0x9f: {  	(v2sf) =	vpush v0, $0x6;
	s8 =	sshrl.u32 @!p1 s8, $0x3  }
0xa0: {  	s10 =	simm.s32 @!p1 $0x8780;
	s9 =	simm.s32 @!p1 $0x0;
	s8 =	sadd.s32 @!p1 s1, s8  }
0xa1: {  	[tilespmem:s10], [sflag:$0x1] =	stream.linear.gather @!p1 [hbm4b:s8+s9], $0x80, $0x38;
	[tilespmem:$0x10500] =	vst v63  }
0xa2: {  	s13 =	simm.s32 @!p1 $0x8B80;
	s10 =	sadd.s32 @!p1 $0x80, s8  }
0xa3: {  	[tilespmem:s13], [sflag:$0x1] =	stream.linear.gather @!p1 [hbm4b:s10+s9], $0x80, $0x38;
	[tilespmem:$0x10500] =	vst v63  }
0xa4: {  	s10 =	sadd.s32 @!p1 $0x100, s8;
	s13 =	simm.s32 @!p1 $0x8F80  }
0xa5: {  	[tilespmem:s13], [sflag:$0x1] =	stream.linear.gather @!p1 [hbm4b:s10+s9], $0x80, $0x38;
	[tilespmem:$0x10500] =	vst v63  }
0xa6: {  	s10 =	sadd.s32 @!p1 $0x180, s8;
	s13 =	simm.s32 @!p1 $0x9380  }
0xa7: {  	[tilespmem:s13], [sflag:$0x1] =	stream.linear.gather @!p1 [hbm4b:s10+s9], $0x80, $0x38;
	[tilespmem:$0x10500] =	vst v63  }
0xa8: {  	s10 =	sadd.s32 @!p1 $0x200, s8;
	s13 =	simm.s32 @!p1 $0x9780  }
0xa9: {  	[tilespmem:s13], [sflag:$0x1] =	stream.linear.gather @!p1 [hbm4b:s10+s9], $0x80, $0x38;
	[tilespmem:$0x10500] =	vst v63  }
0xaa: {  	s10 =	sadd.s32 @!p1 $0x280, s8;
	s13 =	simm.s32 @!p1 $0x9B80  }
0xab: {  	[tilespmem:s13], [sflag:$0x1] =	stream.linear.gather @!p1 [hbm4b:s10+s9], $0x80, $0x38;
	[tilespmem:$0x10500] =	vst v63  }
0xac: {  	s10 =	sadd.s32 @!p1 $0x300, s8;
	s13 =	simm.s32 @!p1 $0x9F80  }
0xad: {  	[tilespmem:s13], [sflag:$0x1] =	stream.linear.gather @!p1 [hbm4b:s10+s9], $0x80, $0x38;
	[tilespmem:$0x10500] =	vst v63  }
0xae: {  	s8 =	sadd.s32 @!p1 $0x380, s8;
	s10 =	simm.s32 @!p1 $0xA380;
	s13 =	spop (v2sf)  }
0xaf: {  	[tilespmem:s10], [sflag:$0x1] =	stream.linear.gather @!p1 [hbm4b:s8+s9], $0x80, $0x38;
	[tilespmem:$0x10500] =	vst v63  }
0xb0: {  	p1 =	sgt.s32 s13, $0x30D3  }
0xb1: {  	s8 =	sshll.u32 @!p1 s13, $0xA;
	s9 =	sshll.u32 @!p1 s13, $0x7  }
0xb2: {  	s8 =	sand.u32 @!p1 $0xFFFFE000, s8;
	s9 =	sand.u32 @!p1 $0x380, s9  }
0xb3: {  	s8 =	sor.u32 @!p1 s9, s8  }
0xb4: {  	(v2sf) =	vpush v0, $0x7;
	s8 =	sshrl.u32 @!p1 s8, $0x3  }
0xb5: {  	s10 =	simm.s32 @!p1 $0x8800;
	s9 =	simm.s32 @!p1 $0x0;
	s8 =	sadd.s32 @!p1 s1, s8  }
0xb6: {  	[tilespmem:s10], [sflag:$0x1] =	stream.linear.gather @!p1 [hbm4b:s8+s9], $0x80, $0x38;
	[tilespmem:$0x10500] =	vst v63  }
0xb7: {  	s20 =	simm.s32 @!p1 $0x8C00;
	s10 =	sadd.s32 @!p1 $0x80, s8  }
0xb8: {  	[tilespmem:s20], [sflag:$0x1] =	stream.linear.gather @!p1 [hbm4b:s10+s9], $0x80, $0x38;
	[tilespmem:$0x10500] =	vst v63  }
0xb9: {  	s10 =	sadd.s32 @!p1 $0x100, s8;
	s20 =	simm.s32 @!p1 $0x9000  }
0xba: {  	[tilespmem:s20], [sflag:$0x1] =	stream.linear.gather @!p1 [hbm4b:s10+s9], $0x80, $0x38;
	[tilespmem:$0x10500] =	vst v63  }
0xbb: {  	s10 =	sadd.s32 @!p1 $0x180, s8;
	s20 =	simm.s32 @!p1 $0x9400  }
0xbc: {  	[tilespmem:s20], [sflag:$0x1] =	stream.linear.gather @!p1 [hbm4b:s10+s9], $0x80, $0x38;
	[tilespmem:$0x10500] =	vst v63  }
0xbd: {  	s10 =	sadd.s32 @!p1 $0x200, s8;
	s20 =	simm.s32 @!p1 $0x9800  }
0xbe: {  	[tilespmem:s20], [sflag:$0x1] =	stream.linear.gather @!p1 [hbm4b:s10+s9], $0x80, $0x38;
	[tilespmem:$0x10500] =	vst v63  }
0xbf: {  	s10 =	sadd.s32 @!p1 $0x280, s8;
	s20 =	simm.s32 @!p1 $0x9C00  }
0xc0: {  	[tilespmem:s20], [sflag:$0x1] =	stream.linear.gather @!p1 [hbm4b:s10+s9], $0x80, $0x38;
	[tilespmem:$0x10500] =	vst v63  }
0xc1: {  	s10 =	sadd.s32 @!p1 $0x300, s8;
	s20 =	simm.s32 @!p1 $0xA000  }
0xc2: {  	[tilespmem:s20], [sflag:$0x1] =	stream.linear.gather @!p1 [hbm4b:s10+s9], $0x80, $0x38;
	[tilespmem:$0x10500] =	vst v63  }
0xc3: {  	s28 =	spop (v2sf);
	s8 =	sadd.s32 @!p1 $0x380, s8;
	s10 =	simm.s32 @!p1 $0xA400  }
0xc4: {  	[tilespmem:s10], [sflag:$0x1] =	stream.linear.gather @!p1 [hbm4b:s8+s9], $0x80, $0x38;
	[tilespmem:$0x10500] =	vst v63  }
0xc5: {  	p1 =	sgt.s32 s28, $0x30D3  }
0xc6: {  	s8 =	sshll.u32 @!p1 s28, $0xA;
	s9 =	sshll.u32 @!p1 s28, $0x7  }
0xc7: {  	s8 =	sand.u32 @!p1 $0xFFFFE000, s8;
	s9 =	sand.u32 @!p1 $0x380, s9  }
0xc8: {  	s8 =	sor.u32 @!p1 s9, s8  }
0xc9: {  	s8 =	sshrl.u32 @!p1 s8, $0x3  }
0xca: {  	s10 =	simm.s32 @!p1 $0x8880;
	s9 =	simm.s32 @!p1 $0x0;
	s8 =	sadd.s32 @!p1 s1, s8  }
0xcb: {  	(v2sf) =	vpush v0, $0x8;
	[tilespmem:s10], [sflag:$0x1] =	stream.linear.gather @!p1 [hbm4b:s8+s9], $0x80, $0x38;
	[tilespmem:$0x10500] =	vst v63  }
0xcc: {  	s20 =	simm.s32 @!p1 $0x8C80;
	s10 =	sadd.s32 @!p1 $0x80, s8  }
0xcd: {  	[tilespmem:s20], [sflag:$0x1] =	stream.linear.gather @!p1 [hbm4b:s10+s9], $0x80, $0x38;
	[tilespmem:$0x10500] =	vst v63  }
0xce: {  	s10 =	sadd.s32 @!p1 $0x100, s8;
	s20 =	simm.s32 @!p1 $0x9080  }
0xcf: {  	[tilespmem:s20], [sflag:$0x1] =	stream.linear.gather @!p1 [hbm4b:s10+s9], $0x80, $0x38;
	[tilespmem:$0x10500] =	vst v63  }
0xd0: {  	s10 =	sadd.s32 @!p1 $0x180, s8;
	s20 =	simm.s32 @!p1 $0x9480  }
0xd1: {  	[tilespmem:s20], [sflag:$0x1] =	stream.linear.gather @!p1 [hbm4b:s10+s9], $0x80, $0x38;
	[tilespmem:$0x10500] =	vst v63  }
0xd2: {  	s10 =	sadd.s32 @!p1 $0x200, s8;
	s20 =	simm.s32 @!p1 $0x9880  }
0xd3: {  	[tilespmem:s20], [sflag:$0x1] =	stream.linear.gather @!p1 [hbm4b:s10+s9], $0x80, $0x38;
	[tilespmem:$0x10500] =	vst v63  }
0xd4: {  	s10 =	sadd.s32 @!p1 $0x280, s8;
	s20 =	simm.s32 @!p1 $0x9C80  }
0xd5: {  	[tilespmem:s20], [sflag:$0x1] =	stream.linear.gather @!p1 [hbm4b:s10+s9], $0x80, $0x38;
	[tilespmem:$0x10500] =	vst v63  }
0xd6: {  	s10 =	sadd.s32 @!p1 $0x300, s8;
	s20 =	simm.s32 @!p1 $0xA080  }
0xd7: {  	[tilespmem:s20], [sflag:$0x1] =	stream.linear.gather @!p1 [hbm4b:s10+s9], $0x80, $0x38;
	[tilespmem:$0x10500] =	vst v63  }
0xd8: {  	s8 =	sadd.s32 @!p1 $0x380, s8;
	s10 =	simm.s32 @!p1 $0xA480  }
0xd9: {  	[tilespmem:s10], [sflag:$0x1] =	stream.linear.gather @!p1 [hbm4b:s8+s9], $0x80, $0x38;
	[tilespmem:$0x10500] =	vst v63  }
0xda: {  	s8 =	spop (v2sf)  }
0xdb: {  	p1 =	sgt.s32 s8, $0x30D3  }
0xdc: {  	s9 =	sshll.u32 @!p1 s8, $0xA;
	s10 =	sshll.u32 @!p1 s8, $0x7  }
0xdd: {  	s9 =	sand.u32 @!p1 $0xFFFFE000, s9;
	s10 =	sand.u32 @!p1 $0x380, s10  }
0xde: {  	s9 =	sor.u32 @!p1 s10, s9  }
0xdf: {  	s9 =	sshrl.u32 @!p1 s9, $0x3  }
0xe0: {  	s20 =	simm.s32 @!p1 $0xA500;
	s10 =	simm.s32 @!p1 $0x0;
	s9 =	sadd.s32 @!p1 s1, s9  }
0xe1: {  	(v2sf) =	vpush v0, $0x9;
	[tilespmem:s20], [sflag:$0x1] =	stream.linear.gather @!p1 [hbm4b:s9+s10], $0x80, $0x38;
	[tilespmem:$0x10500] =	vst v63  }
0xe2: {  	s21 =	simm.s32 @!p1 $0xA900;
	s20 =	sadd.s32 @!p1 $0x80, s9  }
0xe3: {  	[tilespmem:s21], [sflag:$0x1] =	stream.linear.gather @!p1 [hbm4b:s20+s10], $0x80, $0x38;
	[tilespmem:$0x10500] =	vst v63  }
0xe4: {  	s20 =	sadd.s32 @!p1 $0x100, s9;
	s21 =	simm.s32 @!p1 $0xAD00  }
0xe5: {  	[tilespmem:s21], [sflag:$0x1] =	stream.linear.gather @!p1 [hbm4b:s20+s10], $0x80, $0x38;
	[tilespmem:$0x10500] =	vst v63  }
0xe6: {  	s20 =	sadd.s32 @!p1 $0x180, s9;
	s21 =	simm.s32 @!p1 $0xB100  }
0xe7: {  	[tilespmem:s21], [sflag:$0x1] =	stream.linear.gather @!p1 [hbm4b:s20+s10], $0x80, $0x38;
	[tilespmem:$0x10500] =	vst v63  }
0xe8: {  	s20 =	sadd.s32 @!p1 $0x200, s9;
	s21 =	simm.s32 @!p1 $0xB500  }
0xe9: {  	[tilespmem:s21], [sflag:$0x1] =	stream.linear.gather @!p1 [hbm4b:s20+s10], $0x80, $0x38;
	[tilespmem:$0x10500] =	vst v63  }
0xea: {  	s20 =	sadd.s32 @!p1 $0x280, s9;
	s21 =	simm.s32 @!p1 $0xB900  }
0xeb: {  	[tilespmem:s21], [sflag:$0x1] =	stream.linear.gather @!p1 [hbm4b:s20+s10], $0x80, $0x38;
	[tilespmem:$0x10500] =	vst v63  }
0xec: {  	s20 =	sadd.s32 @!p1 $0x300, s9;
	s21 =	simm.s32 @!p1 $0xBD00  }
0xed: {  	[tilespmem:s21], [sflag:$0x1] =	stream.linear.gather @!p1 [hbm4b:s20+s10], $0x80, $0x38;
	[tilespmem:$0x10500] =	vst v63  }
0xee: {  	s9 =	sadd.s32 @!p1 $0x380, s9;
	s20 =	simm.s32 @!p1 $0xC100  }
0xef: {  	[tilespmem:s20], [sflag:$0x1] =	stream.linear.gather @!p1 [hbm4b:s9+s10], $0x80, $0x38;
	[tilespmem:$0x10500] =	vst v63  }
0xf0: {  	s9 =	spop (v2sf)  }
0xf1: {  	p1 =	sgt.s32 s9, $0x30D3  }
0xf2: {  	s10 =	sshll.u32 @!p1 s9, $0xA;
	s20 =	sshll.u32 @!p1 s9, $0x7  }
0xf3: {  	s10 =	sand.u32 @!p1 $0xFFFFE000, s10;
	s20 =	sand.u32 @!p1 $0x380, s20  }
0xf4: {  	s10 =	sor.u32 @!p1 s20, s10  }
0xf5: {  	(v2sf) =	vpush v0, $0xA;
	s10 =	sshrl.u32 @!p1 s10, $0x3  }
0xf6: {  	s21 =	simm.s32 @!p1 $0xA580;
	s20 =	simm.s32 @!p1 $0x0;
	s10 =	sadd.s32 @!p1 s1, s10  }
0xf7: {  	[tilespmem:s21], [sflag:$0x1] =	stream.linear.gather @!p1 [hbm4b:s10+s20], $0x80, $0x38;
	[tilespmem:$0x10500] =	vst v63  }
0xf8: {  	s22 =	simm.s32 @!p1 $0xA980;
	s21 =	sadd.s32 @!p1 $0x80, s10  }
0xf9: {  	[tilespmem:s22], [sflag:$0x1] =	stream.linear.gather @!p1 [hbm4b:s21+s20], $0x80, $0x38;
	[tilespmem:$0x10500] =	vst v63  }
0xfa: {  	s21 =	sadd.s32 @!p1 $0x100, s10;
	s22 =	simm.s32 @!p1 $0xAD80  }
0xfb: {  	[tilespmem:s22], [sflag:$0x1] =	stream.linear.gather @!p1 [hbm4b:s21+s20], $0x80, $0x38;
	[tilespmem:$0x10500] =	vst v63  }
0xfc: {  	s21 =	sadd.s32 @!p1 $0x180, s10;
	s22 =	simm.s32 @!p1 $0xB180  }
0xfd: {  	[tilespmem:s22], [sflag:$0x1] =	stream.linear.gather @!p1 [hbm4b:s21+s20], $0x80, $0x38;
	[tilespmem:$0x10500] =	vst v63  }
0xfe: {  	s21 =	sadd.s32 @!p1 $0x200, s10;
	s22 =	simm.s32 @!p1 $0xB580  }
0xff: {  	[tilespmem:s22], [sflag:$0x1] =	stream.linear.gather @!p1 [hbm4b:s21+s20], $0x80, $0x38;
	[tilespmem:$0x10500] =	vst v63  }
0x100: {  	s21 =	sadd.s32 @!p1 $0x280, s10;
	s22 =	simm.s32 @!p1 $0xB980  }
0x101: {  	[tilespmem:s22], [sflag:$0x1] =	stream.linear.gather @!p1 [hbm4b:s21+s20], $0x80, $0x38;
	[tilespmem:$0x10500] =	vst v63  }
0x102: {  	s21 =	sadd.s32 @!p1 $0x300, s10;
	s22 =	simm.s32 @!p1 $0xBD80  }
0x103: {  	[tilespmem:s22], [sflag:$0x1] =	stream.linear.gather @!p1 [hbm4b:s21+s20], $0x80, $0x38;
	[tilespmem:$0x10500] =	vst v63  }
0x104: {  	s29 =	spop (v2sf);
	s10 =	sadd.s32 @!p1 $0x380, s10;
	s21 =	simm.s32 @!p1 $0xC180  }
0x105: {  	[tilespmem:s21], [sflag:$0x1] =	stream.linear.gather @!p1 [hbm4b:s10+s20], $0x80, $0x38;
	[tilespmem:$0x10500] =	vst v63  }
0x106: {  	p1 =	sgt.s32 s29, $0x30D3  }
0x107: {  	s10 =	sshll.u32 @!p1 s29, $0xA;
	s20 =	sshll.u32 @!p1 s29, $0x7  }
0x108: {  	s10 =	sand.u32 @!p1 $0xFFFFE000, s10;
	s20 =	sand.u32 @!p1 $0x380, s20  }
0x109: {  	s10 =	sor.u32 @!p1 s20, s10  }
0x10a: {  	s10 =	sshrl.u32 @!p1 s10, $0x3  }
0x10b: {  	s21 =	simm.s32 @!p1 $0xA600;
	s20 =	simm.s32 @!p1 $0x0;
	s10 =	sadd.s32 @!p1 s1, s10  }
0x10c: {  	(v2sf) =	vpush v0, $0xB;
	[tilespmem:s21], [sflag:$0x1] =	stream.linear.gather @!p1 [hbm4b:s10+s20], $0x80, $0x38;
	[tilespmem:$0x10500] =	vst v63  }
0x10d: {  	s22 =	simm.s32 @!p1 $0xAA00;
	s21 =	sadd.s32 @!p1 $0x80, s10  }
0x10e: {  	[tilespmem:s22], [sflag:$0x1] =	stream.linear.gather @!p1 [hbm4b:s21+s20], $0x80, $0x38;
	[tilespmem:$0x10500] =	vst v63  }
0x10f: {  	s21 =	sadd.s32 @!p1 $0x100, s10;
	s22 =	simm.s32 @!p1 $0xAE00  }
0x110: {  	[tilespmem:s22], [sflag:$0x1] =	stream.linear.gather @!p1 [hbm4b:s21+s20], $0x80, $0x38;
	[tilespmem:$0x10500] =	vst v63  }
0x111: {  	s21 =	sadd.s32 @!p1 $0x180, s10;
	s22 =	simm.s32 @!p1 $0xB200  }
0x112: {  	[tilespmem:s22], [sflag:$0x1] =	stream.linear.gather @!p1 [hbm4b:s21+s20], $0x80, $0x38;
	[tilespmem:$0x10500] =	vst v63  }
0x113: {  	s21 =	sadd.s32 @!p1 $0x200, s10;
	s22 =	simm.s32 @!p1 $0xB600  }
0x114: {  	[tilespmem:s22], [sflag:$0x1] =	stream.linear.gather @!p1 [hbm4b:s21+s20], $0x80, $0x38;
	[tilespmem:$0x10500] =	vst v63  }
0x115: {  	s21 =	sadd.s32 @!p1 $0x280, s10;
	s22 =	simm.s32 @!p1 $0xBA00  }
0x116: {  	[tilespmem:s22], [sflag:$0x1] =	stream.linear.gather @!p1 [hbm4b:s21+s20], $0x80, $0x38;
	[tilespmem:$0x10500] =	vst v63  }
0x117: {  	s21 =	sadd.s32 @!p1 $0x300, s10;
	s22 =	simm.s32 @!p1 $0xBE00  }
0x118: {  	[tilespmem:s22], [sflag:$0x1] =	stream.linear.gather @!p1 [hbm4b:s21+s20], $0x80, $0x38;
	[tilespmem:$0x10500] =	vst v63  }
0x119: {  	s10 =	sadd.s32 @!p1 $0x380, s10;
	s21 =	simm.s32 @!p1 $0xC200  }
0x11a: {  	[tilespmem:s21], [sflag:$0x1] =	stream.linear.gather @!p1 [hbm4b:s10+s20], $0x80, $0x38;
	[tilespmem:$0x10500] =	vst v63  }
0x11b: {  	s20 =	spop (v2sf)  }
0x11c: {  	p1 =	sgt.s32 s20, $0x30D3  }
0x11d: {  	s10 =	sshll.u32 @!p1 s20, $0xA;
	s21 =	sshll.u32 @!p1 s20, $0x7  }
0x11e: {  	s10 =	sand.u32 @!p1 $0xFFFFE000, s10;
	s21 =	sand.u32 @!p1 $0x380, s21  }
0x11f: {  	s10 =	sor.u32 @!p1 s21, s10  }
0x120: {  	s10 =	sshrl.u32 @!p1 s10, $0x3  }
0x121: {  	s22 =	simm.s32 @!p1 $0xA680;
	s21 =	simm.s32 @!p1 $0x0;
	s10 =	sadd.s32 @!p1 s1, s10  }
0x122: {  	(v2sf) =	vpush v0, $0xC;
	[tilespmem:s22], [sflag:$0x1] =	stream.linear.gather @!p1 [hbm4b:s10+s21], $0x80, $0x38;
	[tilespmem:$0x10500] =	vst v63  }
0x123: {  	s30 =	simm.s32 @!p1 $0xAA80;
	s22 =	sadd.s32 @!p1 $0x80, s10  }
0x124: {  	[tilespmem:s30], [sflag:$0x1] =	stream.linear.gather @!p1 [hbm4b:s22+s21], $0x80, $0x38;
	[tilespmem:$0x10500] =	vst v63  }
0x125: {  	p2 =	slt.s32 s0, $0x30D4;
	s0 =	sadd.s32 @!p1 $0x100, s10;
	s22 =	simm.s32 @!p1 $0xAE80  }
0x126: {  	[tilespmem:s22], [sflag:$0x1] =	stream.linear.gather @!p1 [hbm4b:s0+s21], $0x80, $0x38;
	[tilespmem:$0x10500] =	vst v63  }
0x127: {  	s5 =	rddreg [dreg:$0x2];
	s30 =	simm.s32 @!p1 $0xB280;
	s0 =	sadd.s32 @!p1 $0x180, s10  }
0x128: {  	[tilespmem:s30], [sflag:$0x1] =	stream.linear.gather @!p1 [hbm4b:s0+s21], $0x80, $0x38;
	[tilespmem:$0x10500] =	vst v63  }
0x129: {  	s22 =	simm.s32 $0x1;
	s0 =	sadd.s32 @!p1 $0x200, s10;
	s30 =	simm.s32 @!p1 $0xB680  }
0x12a: {  	[tilespmem:s30], [sflag:$0x1] =	stream.linear.gather @!p1 [hbm4b:s0+s21], $0x80, $0x38;
	[tilespmem:$0x10500] =	vst v63  }
0x12b: {  	s22 =	simm.s32 @!p2 $0x0;
	s0 =	sadd.s32 @!p1 $0x280, s10;
	s30 =	simm.s32 @!p1 $0xBA80  }
0x12c: {  	[tilespmem:s30], [sflag:$0x1] =	stream.linear.gather @!p1 [hbm4b:s0+s21], $0x80, $0x38;
	[tilespmem:$0x10500] =	vst v63  }
0x12d: {  	p2 =	slt.s32 s25, $0x30D4;
	s25 =	simm.s32 @!p1 $0xBE80;
	s0 =	sadd.s32 @!p1 $0x300, s10  }
0x12e: {  	[tilespmem:s25], [sflag:$0x1] =	stream.linear.gather @!p1 [hbm4b:s0+s21], $0x80, $0x38;
	[tilespmem:$0x10500] =	vst v63  }
0x12f: {  	s25 =	simm.s32 $0x1;
	s0 =	sadd.s32 @!p1 $0x380, s10;
	s10 =	simm.s32 @!p1 $0xC280  }
0x130: {  	[tilespmem:s10], [sflag:$0x1] =	stream.linear.gather @!p1 [hbm4b:s0+s21], $0x80, $0x38;
	[tilespmem:$0x10500] =	vst v63  }
0x131: {  	[smem:$0x0] =	sst s22;
	s25 =	simm.s32 @!p2 $0x0;
	s0 =	spop (v2sf)  }
0x132: {  	p2 =	slt.s32 s2, $0x30D4;
	s2 =	simm.s32 $0x1;
	p1 =	sgt.s32 s0, $0x30D3  }
0x133: {  	[smem:$0x1] =	sst s25;
	s10 =	sshll.u32 @!p1 s0, $0xA;
	s21 =	sshll.u32 @!p1 s0, $0x7  }
0x134: {  	s2 =	simm.s32 @!p2 $0x0;
	s10 =	sand.u32 @!p1 $0xFFFFE000, s10;
	s21 =	sand.u32 @!p1 $0x380, s21  }
0x135: {  	s22 =	sadd.s32 s25, s22;
	p2 =	slt.s32 s11, $0x30D4;
	s10 =	sor.u32 @!p1 s21, s10  }
0x136: {  	[smem:$0x2] =	sst s2;
	s2 =	sadd.s32 s2, s22;
	s10 =	sshrl.u32 @!p1 s10, $0x3  }
0x137: {  	(v2sf) =	vpush v0, $0xD;
	s11 =	simm.s32 @!p1 $0x0;
	s21 =	simm.s32 @!p1 $0xA700;
	s10 =	sadd.s32 @!p1 s1, s10  }
0x138: {  	[tilespmem:s21], [sflag:$0x1] =	stream.linear.gather @!p1 [hbm4b:s10+s11], $0x80, $0x38;
	[tilespmem:$0x10500] =	vst v63  }
0x139: {  	s25 =	simm.s32 @!p1 $0xAB00;
	s21 =	simm.s32 $0x1;
	s22 =	sadd.s32 @!p1 $0x80, s10  }
0x13a: {  	[tilespmem:s25], [sflag:$0x1] =	stream.linear.gather @!p1 [hbm4b:s22+s11], $0x80, $0x38;
	[tilespmem:$0x10500] =	vst v63  }
0x13b: {  	s21 =	simm.s32 @!p2 $0x0;
	s22 =	sadd.s32 @!p1 $0x100, s10;
	s25 =	simm.s32 @!p1 $0xAF00  }
0x13c: {  	[tilespmem:s25], [sflag:$0x1] =	stream.linear.gather @!p1 [hbm4b:s22+s11], $0x80, $0x38;
	[tilespmem:$0x10500] =	vst v63  }
0x13d: {  	[smem:$0x3] =	sst s21;
	s22 =	sadd.s32 @!p1 $0x180, s10;
	s25 =	simm.s32 @!p1 $0xB300  }
0x13e: {  	[tilespmem:s25], [sflag:$0x1] =	stream.linear.gather @!p1 [hbm4b:s22+s11], $0x80, $0x38;
	[tilespmem:$0x10500] =	vst v63  }
0x13f: {  	s2 =	sadd.s32 s21, s2;
	s21 =	sadd.s32 @!p1 $0x200, s10;
	s22 =	simm.s32 @!p1 $0xB700  }
0x140: {  	[tilespmem:s22], [sflag:$0x1] =	stream.linear.gather @!p1 [hbm4b:s21+s11], $0x80, $0x38;
	[tilespmem:$0x10500] =	vst v63  }
0x141: {  	p2 =	slt.s32 s26, $0x30D4;
	s21 =	sadd.s32 @!p1 $0x280, s10;
	s22 =	simm.s32 @!p1 $0xBB00  }
0x142: {  	[tilespmem:s22], [sflag:$0x1] =	stream.linear.gather @!p1 [hbm4b:s21+s11], $0x80, $0x38;
	[tilespmem:$0x10500] =	vst v63  }
0x143: {  	s25 =	simm.s32 @!p1 $0xBF00;
	s21 =	simm.s32 $0x1;
	s22 =	sadd.s32 @!p1 $0x300, s10  }
0x144: {  	s10 =	sadd.s32 @!p1 $0x380, s10;
	s21 =	simm.s32 @!p2 $0x0;
	p2 =	slt.s32 s12, $0x30D4  }
0x145: {  	[tilespmem:s25], [sflag:$0x1] =	stream.linear.gather @!p1 [hbm4b:s22+s11], $0x80, $0x38;
	[tilespmem:$0x10500] =	vst v63  }
0x146: {  	s22 =	simm.s32 @!p1 $0xC300;
	s16 =	sadd.s32 s21, s2;
	s2 =	spop (v2sf)  }
0x147: {  	[tilespmem:s22], [sflag:$0x1] =	stream.linear.gather @!p1 [hbm4b:s10+s11], $0x80, $0x38;
	[tilespmem:$0x10500] =	vst v63  }
0x148: {  	[smem:$0x4] =	sst s21;
	s11 =	simm.s32 $0x1;
	p1 =	sgt.s32 s2, $0x30D3  }
0x149: {  	s11 =	simm.s32 @!p2 $0x0;
	s12 =	sshll.u32 @!p1 s2, $0xA;
	s21 =	sshll.u32 @!p1 s2, $0x7  }
0x14a: {  	p2 =	slt.s32 s13, $0x30D4;
	s12 =	sand.u32 @!p1 $0xFFFFE000, s12;
	s21 =	sand.u32 @!p1 $0x380, s21  }
0x14b: {  	s13 =	simm.s32 $0x1;
	s22 =	simm.s32 @!p1 $0xAB80;
	s12 =	sor.u32 @!p1 s21, s12  }
0x14c: {  	[smem:$0x5] =	sst s11;
	s10 =	sadd.s32 s11, s16;
	s11 =	sshrl.u32 @!p1 s12, $0x3  }
0x14d: {  	s21 =	simm.s32 @!p1 $0xA780;
	s12 =	simm.s32 @!p1 $0x0;
	s11 =	sadd.s32 @!p1 s1, s11  }
0x14e: {  	(v2sf) =	vpush v0, $0xE;
	[tilespmem:s21], [sflag:$0x1] =	stream.linear.gather @!p1 [hbm4b:s11+s12], $0x80, $0x38;
	[tilespmem:$0x10500] =	vst v63  }
0x14f: {  	s25 =	simm.s32 @!p1 $0xB380;
	s13 =	simm.s32 @!p2 $0x0;
	s21 =	sadd.s32 @!p1 $0x80, s11  }
0x150: {  	[tilespmem:s22], [sflag:$0x1] =	stream.linear.gather @!p1 [hbm4b:s21+s12], $0x80, $0x38;
	[tilespmem:$0x10500] =	vst v63  }
0x151: {  	p2 =	slt.s32 s28, $0x30D4;
	s21 =	sadd.s32 @!p1 $0x100, s11;
	s22 =	simm.s32 @!p1 $0xAF80  }
0x152: {  	[tilespmem:s22], [sflag:$0x1] =	stream.linear.gather @!p1 [hbm4b:s21+s12], $0x80, $0x38;
	[tilespmem:$0x10500] =	vst v63  }
0x153: {  	[smem:$0x6] =	sst s13;
	s10 =	sadd.s32 s13, s10;
	s22 =	sadd.s32 @!p1 $0x180, s11  }
0x154: {  	[tilespmem:s25], [sflag:$0x1] =	stream.linear.gather @!p1 [hbm4b:s22+s12], $0x80, $0x38;
	[tilespmem:$0x10500] =	vst v63  }
0x155: {  	s21 =	simm.s32 $0x1;
	s22 =	sadd.s32 @!p1 $0x200, s11;
	s25 =	simm.s32 @!p1 $0xB780  }
0x156: {  	[tilespmem:s25], [sflag:$0x1] =	stream.linear.gather @!p1 [hbm4b:s22+s12], $0x80, $0x38;
	[tilespmem:$0x10500] =	vst v63  }
0x157: {  	s21 =	simm.s32 @!p2 $0x0;
	s22 =	sadd.s32 @!p1 $0x280, s11;
	s25 =	simm.s32 @!p1 $0xBB80  }
0x158: {  	[tilespmem:s25], [sflag:$0x1] =	stream.linear.gather @!p1 [hbm4b:s22+s12], $0x80, $0x38;
	[tilespmem:$0x10500] =	vst v63  }
0x159: {  	p2 =	slt.s32 s8, $0x30D4;
	s8 =	sadd.s32 @!p1 $0x300, s11;
	s22 =	simm.s32 @!p1 $0xBF80  }
0x15a: {  	[tilespmem:s22], [sflag:$0x1] =	stream.linear.gather @!p1 [hbm4b:s8+s12], $0x80, $0x38;
	[tilespmem:$0x10500] =	vst v63  }
0x15b: {  	[smem:$0x7] =	sst s21;
	s8 =	sadd.s32 @!p1 $0x380, s11;
	s11 =	simm.s32 @!p1 $0xC380  }
0x15c: {  	[tilespmem:s11], [sflag:$0x1] =	stream.linear.gather @!p1 [hbm4b:s8+s12], $0x80, $0x38;
	[tilespmem:$0x10500] =	vst v63  }
0x15d: {  	s10 =	sadd.s32 s21, s10;
	s22 =	simm.s32 $0x1;
	s8 =	spop (v2sf)  }
0x15e: {  	s22 =	simm.s32 @!p2 $0x0;
	p2 =	slt.s32 s9, $0x30D4;
	p1 =	sgt.s32 s8, $0x30D3  }
0x15f: {  	[smem:$0x8] =	sst s22;
	s9 =	sshll.u32 @!p1 s8, $0xA;
	s11 =	sshll.u32 @!p1 s8, $0x7  }
0x160: {  	s12 =	simm.s32 $0x1;
	s9 =	sand.u32 @!p1 $0xFFFFE000, s9;
	s11 =	sand.u32 @!p1 $0x380, s11  }
0x161: {  	s10 =	sadd.s32 s22, s10;
	s12 =	simm.s32 @!p2 $0x0;
	s9 =	sor.u32 @!p1 s11, s9  }
0x162: {  	[smem:$0x9] =	sst s12;
	s10 =	sadd.s32 s12, s10;
	s9 =	sshrl.u32 @!p1 s9, $0x3  }
0x163: {  	(v2sf) =	vpush v0, $0xF;
	s12 =	simm.s32 @!p1 $0xA800;
	s11 =	simm.s32 @!p1 $0x0;
	s9 =	sadd.s32 @!p1 s1, s9  }
0x164: {  	[tilespmem:s12], [sflag:$0x1] =	stream.linear.gather @!p1 [hbm4b:s9+s11], $0x80, $0x38;
	[tilespmem:$0x10500] =	vst v63  }
0x165: {  	p2 =	slt.s32 s29, $0x30D4;
	s13 =	simm.s32 @!p1 $0xAC00;
	s12 =	sadd.s32 @!p1 $0x80, s9  }
0x166: {  	[tilespmem:s13], [sflag:$0x1] =	stream.linear.gather @!p1 [hbm4b:s12+s11], $0x80, $0x38;
	[tilespmem:$0x10500] =	vst v63  }
0x167: {  	s21 =	simm.s32 @!p1 $0xB000;
	s12 =	simm.s32 $0x1;
	s13 =	sadd.s32 @!p1 $0x100, s9  }
0x168: {  	[tilespmem:s21], [sflag:$0x1] =	stream.linear.gather @!p1 [hbm4b:s13+s11], $0x80, $0x38;
	[tilespmem:$0x10500] =	vst v63  }
0x169: {  	s12 =	simm.s32 @!p2 $0x0;
	s13 =	sadd.s32 @!p1 $0x180, s9;
	s21 =	simm.s32 @!p1 $0xB400  }
0x16a: {  	[tilespmem:s21], [sflag:$0x1] =	stream.linear.gather @!p1 [hbm4b:s13+s11], $0x80, $0x38;
	[tilespmem:$0x10500] =	vst v63  }
0x16b: {  	p2 =	slt.s32 s20, $0x30D4;
	s13 =	sadd.s32 @!p1 $0x200, s9;
	s21 =	simm.s32 @!p1 $0xB800  }
0x16c: {  	[tilespmem:s21], [sflag:$0x1] =	stream.linear.gather @!p1 [hbm4b:s13+s11], $0x80, $0x38;
	[tilespmem:$0x10500] =	vst v63  }
0x16d: {  	s20 =	simm.s32 @!p1 $0xBC00;
	[smem:$0xA] =	sst s12;
	s13 =	sadd.s32 @!p1 $0x280, s9  }
0x16e: {  	[tilespmem:s20], [sflag:$0x1] =	stream.linear.gather @!p1 [hbm4b:s13+s11], $0x80, $0x38;
	[tilespmem:$0x10500] =	vst v63  }
0x16f: {  	s21 =	simm.s32 @!p1 $0xC000;
	s13 =	simm.s32 $0x1;
	s20 =	sadd.s32 @!p1 $0x300, s9  }
0x170: {  	s9 =	sadd.s32 @!p1 $0x380, s9;
	s13 =	simm.s32 @!p2 $0x0;
	p2 =	slt.s32 s0, $0x30D4  }
0x171: {  	[tilespmem:s21], [sflag:$0x1] =	stream.linear.gather @!p1 [hbm4b:s20+s11], $0x80, $0x38;
	[tilespmem:$0x10500] =	vst v63  }
0x172: {  	s20 =	simm.s32 @!p1 $0xC400;
	s21 =	sadd.s32 s12, s10;
	s10 =	spop (v2sf)  }
0x173: {  	[tilespmem:s20], [sflag:$0x1] =	stream.linear.gather @!p1 [hbm4b:s9+s11], $0x80, $0x38;
	[tilespmem:$0x10500] =	vst v63  }
0x174: {  	s0 =	simm.s32 $0x1;
	[smem:$0xB] =	sst s13;
	p1 =	sgt.s32 s10, $0x30D3  }
0x175: {  	s0 =	simm.s32 @!p2 $0x0;
	s11 =	sshll.u32 @!p1 s10, $0xA;
	s12 =	sshll.u32 @!p1 s10, $0x7  }
0x176: {  	s9 =	sadd.s32 s13, s21;
	s11 =	sand.u32 @!p1 $0xFFFFE000, s11;
	s12 =	sand.u32 @!p1 $0x380, s12  }
0x177: {  	[smem:$0xC] =	sst s0;
	s0 =	sadd.s32 s0, s9;
	s9 =	sor.u32 @!p1 s12, s11  }
0x178: {  	p2 =	slt.s32 s2, $0x30D4;
	s2 =	simm.s32 $0x1;
	s9 =	sshrl.u32 @!p1 s9, $0x3  }
0x179: {  	s11 =	simm.s32 @!p1 $0x0;
	s12 =	simm.s32 @!p1 $0xA880;
	s9 =	sadd.s32 @!p1 s1, s9  }
0x17a: {  	[tilespmem:s12], [sflag:$0x1] =	stream.linear.gather @!p1 [hbm4b:s9+s11], $0x80, $0x38;
	[tilespmem:$0x10500] =	vst v63  }
0x17b: {  	s2 =	simm.s32 @!p2 $0x0;
	s13 =	simm.s32 @!p1 $0xAC80;
	s12 =	sadd.s32 @!p1 $0x80, s9  }
0x17c: {  	[tilespmem:s13], [sflag:$0x1] =	stream.linear.gather @!p1 [hbm4b:s12+s11], $0x80, $0x38;
	[tilespmem:$0x10500] =	vst v63  }
0x17d: {  	[smem:$0xD] =	sst s2;
	s12 =	sadd.s32 @!p1 $0x100, s9;
	s13 =	simm.s32 @!p1 $0xB080  }
0x17e: {  	[tilespmem:s13], [sflag:$0x1] =	stream.linear.gather @!p1 [hbm4b:s12+s11], $0x80, $0x38;
	[tilespmem:$0x10500] =	vst v63  }
0x17f: {  	s0 =	sadd.s32 s2, s0;
	s2 =	sadd.s32 @!p1 $0x180, s9;
	s12 =	simm.s32 @!p1 $0xB480  }
0x180: {  	[tilespmem:s12], [sflag:$0x1] =	stream.linear.gather @!p1 [hbm4b:s2+s11], $0x80, $0x38;
	[tilespmem:$0x10500] =	vst v63  }
0x181: {  	p2 =	slt.s32 s8, $0x30D4;
	s8 =	simm.s32 @!p1 $0xB880;
	s2 =	sadd.s32 @!p1 $0x200, s9  }
0x182: {  	[tilespmem:s8], [sflag:$0x1] =	stream.linear.gather @!p1 [hbm4b:s2+s11], $0x80, $0x38;
	[tilespmem:$0x10500] =	vst v63  }
0x183: {  	s22 =	sadd.s32 s7, s24;
	s12 =	simm.s32 @!p1 $0xBC80;
	s8 =	sadd.s32 @!p1 $0x280, s9  }
0x184: {  	[tilespmem:s12], [sflag:$0x1] =	stream.linear.gather @!p1 [hbm4b:s8+s11], $0x80, $0x38;
	[tilespmem:$0x10500] =	vst v63  }
0x185: {  	s25 =	sshll.u32 s22, $0x7;
	s8 =	sadd.s32 @!p1 $0x300, s9;
	s12 =	simm.s32 @!p1 $0xC080  }
0x186: {  	[tilespmem:s12], [sflag:$0x1] =	stream.linear.gather @!p1 [hbm4b:s8+s11], $0x80, $0x38;
	[tilespmem:$0x10500] =	vst v63  }
0x187: {  	s2 =	simm.s32 $0x1;
	s8 =	sadd.s32 @!p1 $0x380, s9;
	s9 =	simm.s32 @!p1 $0xC480  }
0x188: {  	[tilespmem:s9], [sflag:$0x1] =	stream.linear.gather @!p1 [hbm4b:s8+s11], $0x80, $0x38;
	[tilespmem:$0x10500] =	vst v63  }
0x189: {  	s2 =	simm.s32 @!p2 $0x0;
	p1 =	slt.s32 s10, $0x30D4;
	s8 =	simm.s32 $0x1  }
0x18a: {  	[smem:$0xE] =	sst s2;
	s0 =	sadd.s32 s2, s0;
	s8 =	simm.s32 @!p1 $0x0  }
0x18b: {  	s2 =	sadd.s32 s5, s25;
	[smem:$0xF] =	sst s8;
	s0 =	sadd.s32 s8, s0  }
0x18c: {  	[tilespmem:s15], [sflag:$0x3] =	stream.linear.gather [hbm4b:s2+s4], $0x4000, $0x38;
	[tilespmem:$0x10500] =	vst v63  }
0x18d: {  	[smem:$0x10] =	sst s0;
	s0 =	simm.s32 @!p0 $0x6  }
0x18e: {  	_ =	swait.ge @!p0 [sflag:s0], $0x4000  }
0x18f: {  	[sflag:s0] =	ssyncset.done @!p0 $0x0  }
0x190: {  	s25 =	sor.u32 $0x10, s24;
	[sflag:s0] =	ssyncadd.s32 @!p0 $0xFFFFC000  }
0x191: {  	v0 =	vld [tilespmem:s25+$0x0];
	_ =	sdelay $0x4  }
0x192: {  	(v2sf) =	vpush v0, $0x0;
	_ =	sdelay $0xe  }
0x193: {  	s26 =	spop (v2sf)  }
0x194: {  	p0 =	sgt.s32 s26, $0x30D3  }
0x195: {  	s0 =	sshll.u32 @!p0 s26, $0xA;
	s2 =	sshll.u32 @!p0 s26, $0x7  }
0x196: {  	s0 =	sand.u32 @!p0 $0xFFFFE000, s0;
	s2 =	sand.u32 @!p0 $0x380, s2  }
0x197: {  	s0 =	sor.u32 @!p0 s2, s0  }
0x198: {  	(v2sf) =	vpush v0, $0x1;
	s0 =	sshrl.u32 @!p0 s0, $0x3  }
0x199: {  	s8 =	simm.s32 @!p0 $0xC500;
	s2 =	simm.s32 @!p0 $0x0;
	s0 =	sadd.s32 @!p0 s1, s0  }
0x19a: {  	[tilespmem:s8], [sflag:$0x2] =	stream.linear.gather @!p0 [hbm4b:s0+s2], $0x80, $0x38;
	[tilespmem:$0x10500] =	vst v63  }
0x19b: {  	s9 =	simm.s32 @!p0 $0xC900;
	s8 =	sadd.s32 @!p0 $0x80, s0  }
0x19c: {  	[tilespmem:s9], [sflag:$0x2] =	stream.linear.gather @!p0 [hbm4b:s8+s2], $0x80, $0x38;
	[tilespmem:$0x10500] =	vst v63  }
0x19d: {  	s8 =	sadd.s32 @!p0 $0x100, s0;
	s9 =	simm.s32 @!p0 $0xCD00  }
0x19e: {  	[tilespmem:s9], [sflag:$0x2] =	stream.linear.gather @!p0 [hbm4b:s8+s2], $0x80, $0x38;
	[tilespmem:$0x10500] =	vst v63  }
0x19f: {  	s8 =	sadd.s32 @!p0 $0x180, s0;
	s9 =	simm.s32 @!p0 $0xD100  }
0x1a0: {  	[tilespmem:s9], [sflag:$0x2] =	stream.linear.gather @!p0 [hbm4b:s8+s2], $0x80, $0x38;
	[tilespmem:$0x10500] =	vst v63  }
0x1a1: {  	s8 =	sadd.s32 @!p0 $0x200, s0;
	s9 =	simm.s32 @!p0 $0xD500  }
0x1a2: {  	[tilespmem:s9], [sflag:$0x2] =	stream.linear.gather @!p0 [hbm4b:s8+s2], $0x80, $0x38;
	[tilespmem:$0x10500] =	vst v63  }
0x1a3: {  	s8 =	sadd.s32 @!p0 $0x280, s0;
	s9 =	simm.s32 @!p0 $0xD900  }
0x1a4: {  	[tilespmem:s9], [sflag:$0x2] =	stream.linear.gather @!p0 [hbm4b:s8+s2], $0x80, $0x38;
	[tilespmem:$0x10500] =	vst v63  }
0x1a5: {  	s8 =	sadd.s32 @!p0 $0x300, s0;
	s9 =	simm.s32 @!p0 $0xDD00  }
0x1a6: {  	[tilespmem:s9], [sflag:$0x2] =	stream.linear.gather @!p0 [hbm4b:s8+s2], $0x80, $0x38;
	[tilespmem:$0x10500] =	vst v63  }
0x1a7: {  	s28 =	spop (v2sf);
	s0 =	sadd.s32 @!p0 $0x380, s0;
	s8 =	simm.s32 @!p0 $0xE100  }
0x1a8: {  	[tilespmem:s8], [sflag:$0x2] =	stream.linear.gather @!p0 [hbm4b:s0+s2], $0x80, $0x38;
	[tilespmem:$0x10500] =	vst v63  }
0x1a9: {  	p0 =	sgt.s32 s28, $0x30D3  }
0x1aa: {  	s0 =	sshll.u32 @!p0 s28, $0xA;
	s2 =	sshll.u32 @!p0 s28, $0x7  }
0x1ab: {  	s0 =	sand.u32 @!p0 $0xFFFFE000, s0;
	s2 =	sand.u32 @!p0 $0x380, s2  }
0x1ac: {  	s0 =	sor.u32 @!p0 s2, s0  }
0x1ad: {  	(v2sf) =	vpush v0, $0x2;
	s0 =	sshrl.u32 @!p0 s0, $0x3  }
0x1ae: {  	s8 =	simm.s32 @!p0 $0xC580;
	s2 =	simm.s32 @!p0 $0x0;
	s0 =	sadd.s32 @!p0 s1, s0  }
0x1af: {  	[tilespmem:s8], [sflag:$0x2] =	stream.linear.gather @!p0 [hbm4b:s0+s2], $0x80, $0x38;
	[tilespmem:$0x10500] =	vst v63  }
0x1b0: {  	s9 =	simm.s32 @!p0 $0xC980;
	s8 =	sadd.s32 @!p0 $0x80, s0  }
0x1b1: {  	[tilespmem:s9], [sflag:$0x2] =	stream.linear.gather @!p0 [hbm4b:s8+s2], $0x80, $0x38;
	[tilespmem:$0x10500] =	vst v63  }
0x1b2: {  	s8 =	sadd.s32 @!p0 $0x100, s0;
	s9 =	simm.s32 @!p0 $0xCD80  }
0x1b3: {  	[tilespmem:s9], [sflag:$0x2] =	stream.linear.gather @!p0 [hbm4b:s8+s2], $0x80, $0x38;
	[tilespmem:$0x10500] =	vst v63  }
0x1b4: {  	s8 =	sadd.s32 @!p0 $0x180, s0;
	s9 =	simm.s32 @!p0 $0xD180  }
0x1b5: {  	[tilespmem:s9], [sflag:$0x2] =	stream.linear.gather @!p0 [hbm4b:s8+s2], $0x80, $0x38;
	[tilespmem:$0x10500] =	vst v63  }
0x1b6: {  	s8 =	sadd.s32 @!p0 $0x200, s0;
	s9 =	simm.s32 @!p0 $0xD580  }
0x1b7: {  	[tilespmem:s9], [sflag:$0x2] =	stream.linear.gather @!p0 [hbm4b:s8+s2], $0x80, $0x38;
	[tilespmem:$0x10500] =	vst v63  }
0x1b8: {  	s8 =	sadd.s32 @!p0 $0x280, s0;
	s9 =	simm.s32 @!p0 $0xD980  }
0x1b9: {  	[tilespmem:s9], [sflag:$0x2] =	stream.linear.gather @!p0 [hbm4b:s8+s2], $0x80, $0x38;
	[tilespmem:$0x10500] =	vst v63  }
0x1ba: {  	s8 =	sadd.s32 @!p0 $0x300, s0;
	s9 =	simm.s32 @!p0 $0xDD80  }
0x1bb: {  	[tilespmem:s9], [sflag:$0x2] =	stream.linear.gather @!p0 [hbm4b:s8+s2], $0x80, $0x38;
	[tilespmem:$0x10500] =	vst v63  }
0x1bc: {  	s29 =	spop (v2sf);
	s0 =	sadd.s32 @!p0 $0x380, s0;
	s8 =	simm.s32 @!p0 $0xE180  }
0x1bd: {  	[tilespmem:s8], [sflag:$0x2] =	stream.linear.gather @!p0 [hbm4b:s0+s2], $0x80, $0x38;
	[tilespmem:$0x10500] =	vst v63  }
0x1be: {  	p0 =	sgt.s32 s29, $0x30D3  }
0x1bf: {  	s0 =	sshll.u32 @!p0 s29, $0xA;
	s2 =	sshll.u32 @!p0 s29, $0x7  }
0x1c0: {  	s0 =	sand.u32 @!p0 $0xFFFFE000, s0;
	s2 =	sand.u32 @!p0 $0x380, s2  }
0x1c1: {  	s0 =	sor.u32 @!p0 s2, s0  }
0x1c2: {  	(v2sf) =	vpush v0, $0x3;
	s0 =	sshrl.u32 @!p0 s0, $0x3  }
0x1c3: {  	s8 =	simm.s32 @!p0 $0xC600;
	s2 =	simm.s32 @!p0 $0x0;
	s0 =	sadd.s32 @!p0 s1, s0  }
0x1c4: {  	[tilespmem:s8], [sflag:$0x2] =	stream.linear.gather @!p0 [hbm4b:s0+s2], $0x80, $0x38;
	[tilespmem:$0x10500] =	vst v63  }
0x1c5: {  	s9 =	simm.s32 @!p0 $0xCA00;
	s8 =	sadd.s32 @!p0 $0x80, s0  }
0x1c6: {  	[tilespmem:s9], [sflag:$0x2] =	stream.linear.gather @!p0 [hbm4b:s8+s2], $0x80, $0x38;
	[tilespmem:$0x10500] =	vst v63  }
0x1c7: {  	s8 =	sadd.s32 @!p0 $0x100, s0;
	s9 =	simm.s32 @!p0 $0xCE00  }
0x1c8: {  	[tilespmem:s9], [sflag:$0x2] =	stream.linear.gather @!p0 [hbm4b:s8+s2], $0x80, $0x38;
	[tilespmem:$0x10500] =	vst v63  }
0x1c9: {  	s8 =	sadd.s32 @!p0 $0x180, s0;
	s9 =	simm.s32 @!p0 $0xD200  }
0x1ca: {  	[tilespmem:s9], [sflag:$0x2] =	stream.linear.gather @!p0 [hbm4b:s8+s2], $0x80, $0x38;
	[tilespmem:$0x10500] =	vst v63  }
0x1cb: {  	s8 =	sadd.s32 @!p0 $0x200, s0;
	s9 =	simm.s32 @!p0 $0xD600  }
0x1cc: {  	[tilespmem:s9], [sflag:$0x2] =	stream.linear.gather @!p0 [hbm4b:s8+s2], $0x80, $0x38;
	[tilespmem:$0x10500] =	vst v63  }
0x1cd: {  	s8 =	sadd.s32 @!p0 $0x280, s0;
	s9 =	simm.s32 @!p0 $0xDA00  }
0x1ce: {  	[tilespmem:s9], [sflag:$0x2] =	stream.linear.gather @!p0 [hbm4b:s8+s2], $0x80, $0x38;
	[tilespmem:$0x10500] =	vst v63  }
0x1cf: {  	s8 =	sadd.s32 @!p0 $0x300, s0;
	s9 =	simm.s32 @!p0 $0xDE00  }
0x1d0: {  	[tilespmem:s9], [sflag:$0x2] =	stream.linear.gather @!p0 [hbm4b:s8+s2], $0x80, $0x38;
	[tilespmem:$0x10500] =	vst v63  }
0x1d1: {  	s30 =	spop (v2sf);
	s0 =	sadd.s32 @!p0 $0x380, s0;
	s8 =	simm.s32 @!p0 $0xE200  }
0x1d2: {  	[tilespmem:s8], [sflag:$0x2] =	stream.linear.gather @!p0 [hbm4b:s0+s2], $0x80, $0x38;
	[tilespmem:$0x10500] =	vst v63  }
0x1d3: {  	p0 =	sgt.s32 s30, $0x30D3  }
0x1d4: {  	s0 =	sshll.u32 @!p0 s30, $0xA;
	s2 =	sshll.u32 @!p0 s30, $0x7  }
0x1d5: {  	s0 =	sand.u32 @!p0 $0xFFFFE000, s0;
	s2 =	sand.u32 @!p0 $0x380, s2  }
0x1d6: {  	s0 =	sor.u32 @!p0 s2, s0  }
0x1d7: {  	(v2sf) =	vpush v0, $0x4;
	s0 =	sshrl.u32 @!p0 s0, $0x3  }
0x1d8: {  	s8 =	simm.s32 @!p0 $0xC680;
	s2 =	simm.s32 @!p0 $0x0;
	s0 =	sadd.s32 @!p0 s1, s0  }
0x1d9: {  	[tilespmem:s8], [sflag:$0x2] =	stream.linear.gather @!p0 [hbm4b:s0+s2], $0x80, $0x38;
	[tilespmem:$0x10500] =	vst v63  }
0x1da: {  	s9 =	simm.s32 @!p0 $0xCA80;
	s8 =	sadd.s32 @!p0 $0x80, s0  }
0x1db: {  	[tilespmem:s9], [sflag:$0x2] =	stream.linear.gather @!p0 [hbm4b:s8+s2], $0x80, $0x38;
	[tilespmem:$0x10500] =	vst v63  }
0x1dc: {  	s8 =	sadd.s32 @!p0 $0x100, s0;
	s9 =	simm.s32 @!p0 $0xCE80  }
0x1dd: {  	[tilespmem:s9], [sflag:$0x2] =	stream.linear.gather @!p0 [hbm4b:s8+s2], $0x80, $0x38;
	[tilespmem:$0x10500] =	vst v63  }
0x1de: {  	s8 =	sadd.s32 @!p0 $0x180, s0;
	s9 =	simm.s32 @!p0 $0xD280  }
0x1df: {  	[tilespmem:s9], [sflag:$0x2] =	stream.linear.gather @!p0 [hbm4b:s8+s2], $0x80, $0x38;
	[tilespmem:$0x10500] =	vst v63  }
0x1e0: {  	s8 =	sadd.s32 @!p0 $0x200, s0;
	s9 =	simm.s32 @!p0 $0xD680  }
0x1e1: {  	[tilespmem:s9], [sflag:$0x2] =	stream.linear.gather @!p0 [hbm4b:s8+s2], $0x80, $0x38;
	[tilespmem:$0x10500] =	vst v63  }
0x1e2: {  	s8 =	sadd.s32 @!p0 $0x280, s0;
	s9 =	simm.s32 @!p0 $0xDA80  }
0x1e3: {  	[tilespmem:s9], [sflag:$0x2] =	stream.linear.gather @!p0 [hbm4b:s8+s2], $0x80, $0x38;
	[tilespmem:$0x10500] =	vst v63  }
0x1e4: {  	s8 =	sadd.s32 @!p0 $0x300, s0;
	s9 =	simm.s32 @!p0 $0xDE80  }
0x1e5: {  	[tilespmem:s9], [sflag:$0x2] =	stream.linear.gather @!p0 [hbm4b:s8+s2], $0x80, $0x38;
	[tilespmem:$0x10500] =	vst v63  }
0x1e6: {  	s31 =	spop (v2sf);
	s0 =	sadd.s32 @!p0 $0x380, s0;
	s8 =	simm.s32 @!p0 $0xE280  }
0x1e7: {  	[tilespmem:s8], [sflag:$0x2] =	stream.linear.gather @!p0 [hbm4b:s0+s2], $0x80, $0x38;
	[tilespmem:$0x10500] =	vst v63  }
0x1e8: {  	p0 =	sgt.s32 s31, $0x30D3  }
0x1e9: {  	s0 =	sshll.u32 @!p0 s31, $0xA;
	s2 =	sshll.u32 @!p0 s31, $0x7  }
0x1ea: {  	s0 =	sand.u32 @!p0 $0xFFFFE000, s0;
	s2 =	sand.u32 @!p0 $0x380, s2  }
0x1eb: {  	s0 =	sor.u32 @!p0 s2, s0  }
0x1ec: {  	s0 =	sshrl.u32 @!p0 s0, $0x3  }
0x1ed: {  	s8 =	simm.s32 @!p0 $0xC700;
	s2 =	simm.s32 @!p0 $0x0;
	s0 =	sadd.s32 @!p0 s1, s0  }
0x1ee: {  	(v2sf) =	vpush v0, $0x5;
	[tilespmem:s8], [sflag:$0x2] =	stream.linear.gather @!p0 [hbm4b:s0+s2], $0x80, $0x38;
	[tilespmem:$0x10500] =	vst v63  }
0x1ef: {  	s9 =	simm.s32 @!p0 $0xCB00;
	s8 =	sadd.s32 @!p0 $0x80, s0  }
0x1f0: {  	[tilespmem:s9], [sflag:$0x2] =	stream.linear.gather @!p0 [hbm4b:s8+s2], $0x80, $0x38;
	[tilespmem:$0x10500] =	vst v63  }
0x1f1: {  	s8 =	sadd.s32 @!p0 $0x100, s0;
	s9 =	simm.s32 @!p0 $0xCF00  }
0x1f2: {  	[tilespmem:s9], [sflag:$0x2] =	stream.linear.gather @!p0 [hbm4b:s8+s2], $0x80, $0x38;
	[tilespmem:$0x10500] =	vst v63  }
0x1f3: {  	s8 =	sadd.s32 @!p0 $0x180, s0;
	s9 =	simm.s32 @!p0 $0xD300  }
0x1f4: {  	[tilespmem:s9], [sflag:$0x2] =	stream.linear.gather @!p0 [hbm4b:s8+s2], $0x80, $0x38;
	[tilespmem:$0x10500] =	vst v63  }
0x1f5: {  	s8 =	sadd.s32 @!p0 $0x200, s0;
	s9 =	simm.s32 @!p0 $0xD700  }
0x1f6: {  	[tilespmem:s9], [sflag:$0x2] =	stream.linear.gather @!p0 [hbm4b:s8+s2], $0x80, $0x38;
	[tilespmem:$0x10500] =	vst v63  }
0x1f7: {  	s8 =	sadd.s32 @!p0 $0x280, s0;
	s9 =	simm.s32 @!p0 $0xDB00  }
0x1f8: {  	[tilespmem:s9], [sflag:$0x2] =	stream.linear.gather @!p0 [hbm4b:s8+s2], $0x80, $0x38;
	[tilespmem:$0x10500] =	vst v63  }
0x1f9: {  	s8 =	sadd.s32 @!p0 $0x300, s0;
	s9 =	simm.s32 @!p0 $0xDF00  }
0x1fa: {  	[tilespmem:s9], [sflag:$0x2] =	stream.linear.gather @!p0 [hbm4b:s8+s2], $0x80, $0x38;
	[tilespmem:$0x10500] =	vst v63  }
0x1fb: {  	s0 =	sadd.s32 @!p0 $0x380, s0;
	s8 =	simm.s32 @!p0 $0xE300  }
0x1fc: {  	[tilespmem:s8], [sflag:$0x2] =	stream.linear.gather @!p0 [hbm4b:s0+s2], $0x80, $0x38;
	[tilespmem:$0x10500] =	vst v63  }
0x1fd: {  	s0 =	spop (v2sf)  }
0x1fe: {  	p0 =	sgt.s32 s0, $0x30D3  }
0x1ff: {  	s2 =	sshll.u32 @!p0 s0, $0xA;
	s8 =	sshll.u32 @!p0 s0, $0x7  }
0x200: {  	s2 =	sand.u32 @!p0 $0xFFFFE000, s2;
	s8 =	sand.u32 @!p0 $0x380, s8  }
0x201: {  	s2 =	sor.u32 @!p0 s8, s2  }
0x202: {  	s2 =	sshrl.u32 @!p0 s2, $0x3  }
0x203: {  	s9 =	simm.s32 @!p0 $0xC780;
	s8 =	simm.s32 @!p0 $0x0;
	s2 =	sadd.s32 @!p0 s1, s2  }
0x204: {  	(v2sf) =	vpush v0, $0x6;
	[tilespmem:s9], [sflag:$0x2] =	stream.linear.gather @!p0 [hbm4b:s2+s8], $0x80, $0x38;
	[tilespmem:$0x10500] =	vst v63  }
0x205: {  	s10 =	simm.s32 @!p0 $0xCB80;
	s9 =	sadd.s32 @!p0 $0x80, s2  }
0x206: {  	[tilespmem:s10], [sflag:$0x2] =	stream.linear.gather @!p0 [hbm4b:s9+s8], $0x80, $0x38;
	[tilespmem:$0x10500] =	vst v63  }
0x207: {  	s9 =	sadd.s32 @!p0 $0x100, s2;
	s10 =	simm.s32 @!p0 $0xCF80  }
0x208: {  	[tilespmem:s10], [sflag:$0x2] =	stream.linear.gather @!p0 [hbm4b:s9+s8], $0x80, $0x38;
	[tilespmem:$0x10500] =	vst v63  }
0x209: {  	s9 =	sadd.s32 @!p0 $0x180, s2;
	s10 =	simm.s32 @!p0 $0xD380  }
0x20a: {  	[tilespmem:s10], [sflag:$0x2] =	stream.linear.gather @!p0 [hbm4b:s9+s8], $0x80, $0x38;
	[tilespmem:$0x10500] =	vst v63  }
0x20b: {  	s9 =	sadd.s32 @!p0 $0x200, s2;
	s10 =	simm.s32 @!p0 $0xD780  }
0x20c: {  	[tilespmem:s10], [sflag:$0x2] =	stream.linear.gather @!p0 [hbm4b:s9+s8], $0x80, $0x38;
	[tilespmem:$0x10500] =	vst v63  }
0x20d: {  	s9 =	sadd.s32 @!p0 $0x280, s2;
	s10 =	simm.s32 @!p0 $0xDB80  }
0x20e: {  	[tilespmem:s10], [sflag:$0x2] =	stream.linear.gather @!p0 [hbm4b:s9+s8], $0x80, $0x38;
	[tilespmem:$0x10500] =	vst v63  }
0x20f: {  	s9 =	sadd.s32 @!p0 $0x300, s2;
	s10 =	simm.s32 @!p0 $0xDF80  }
0x210: {  	[tilespmem:s10], [sflag:$0x2] =	stream.linear.gather @!p0 [hbm4b:s9+s8], $0x80, $0x38;
	[tilespmem:$0x10500] =	vst v63  }
0x211: {  	s2 =	sadd.s32 @!p0 $0x380, s2;
	s9 =	simm.s32 @!p0 $0xE380  }
0x212: {  	[tilespmem:s9], [sflag:$0x2] =	stream.linear.gather @!p0 [hbm4b:s2+s8], $0x80, $0x38;
	[tilespmem:$0x10500] =	vst v63  }
0x213: {  	s2 =	spop (v2sf)  }
0x214: {  	p0 =	sgt.s32 s2, $0x30D3  }
0x215: {  	s8 =	sshll.u32 @!p0 s2, $0xA;
	s9 =	sshll.u32 @!p0 s2, $0x7  }
0x216: {  	s8 =	sand.u32 @!p0 $0xFFFFE000, s8;
	s9 =	sand.u32 @!p0 $0x380, s9  }
0x217: {  	s8 =	sor.u32 @!p0 s9, s8  }
0x218: {  	(v2sf) =	vpush v0, $0x7;
	s8 =	sshrl.u32 @!p0 s8, $0x3  }
0x219: {  	s10 =	simm.s32 @!p0 $0xC800;
	s9 =	simm.s32 @!p0 $0x0;
	s8 =	sadd.s32 @!p0 s1, s8  }
0x21a: {  	[tilespmem:s10], [sflag:$0x2] =	stream.linear.gather @!p0 [hbm4b:s8+s9], $0x80, $0x38;
	[tilespmem:$0x10500] =	vst v63  }
0x21b: {  	s11 =	simm.s32 @!p0 $0xCC00;
	s10 =	sadd.s32 @!p0 $0x80, s8  }
0x21c: {  	[tilespmem:s11], [sflag:$0x2] =	stream.linear.gather @!p0 [hbm4b:s10+s9], $0x80, $0x38;
	[tilespmem:$0x10500] =	vst v63  }
0x21d: {  	s10 =	sadd.s32 @!p0 $0x100, s8;
	s11 =	simm.s32 @!p0 $0xD000  }
0x21e: {  	[tilespmem:s11], [sflag:$0x2] =	stream.linear.gather @!p0 [hbm4b:s10+s9], $0x80, $0x38;
	[tilespmem:$0x10500] =	vst v63  }
0x21f: {  	s10 =	sadd.s32 @!p0 $0x180, s8;
	s11 =	simm.s32 @!p0 $0xD400  }
0x220: {  	[tilespmem:s11], [sflag:$0x2] =	stream.linear.gather @!p0 [hbm4b:s10+s9], $0x80, $0x38;
	[tilespmem:$0x10500] =	vst v63  }
0x221: {  	s10 =	sadd.s32 @!p0 $0x200, s8;
	s11 =	simm.s32 @!p0 $0xD800  }
0x222: {  	[tilespmem:s11], [sflag:$0x2] =	stream.linear.gather @!p0 [hbm4b:s10+s9], $0x80, $0x38;
	[tilespmem:$0x10500] =	vst v63  }
0x223: {  	s10 =	sadd.s32 @!p0 $0x280, s8;
	s11 =	simm.s32 @!p0 $0xDC00  }
0x224: {  	[tilespmem:s11], [sflag:$0x2] =	stream.linear.gather @!p0 [hbm4b:s10+s9], $0x80, $0x38;
	[tilespmem:$0x10500] =	vst v63  }
0x225: {  	s10 =	sadd.s32 @!p0 $0x300, s8;
	s11 =	simm.s32 @!p0 $0xE000  }
0x226: {  	[tilespmem:s11], [sflag:$0x2] =	stream.linear.gather @!p0 [hbm4b:s10+s9], $0x80, $0x38;
	[tilespmem:$0x10500] =	vst v63  }
0x227: {  	s8 =	sadd.s32 @!p0 $0x380, s8;
	s10 =	simm.s32 @!p0 $0xE400;
	s11 =	spop (v2sf)  }
0x228: {  	[tilespmem:s10], [sflag:$0x2] =	stream.linear.gather @!p0 [hbm4b:s8+s9], $0x80, $0x38;
	[tilespmem:$0x10500] =	vst v63  }
0x229: {  	p0 =	sgt.s32 s11, $0x30D3  }
0x22a: {  	s8 =	sshll.u32 @!p0 s11, $0xA;
	s9 =	sshll.u32 @!p0 s11, $0x7  }
0x22b: {  	s8 =	sand.u32 @!p0 $0xFFFFE000, s8;
	s9 =	sand.u32 @!p0 $0x380, s9  }
0x22c: {  	s8 =	sor.u32 @!p0 s9, s8  }
0x22d: {  	(v2sf) =	vpush v0, $0x8;
	s8 =	sshrl.u32 @!p0 s8, $0x3  }
0x22e: {  	s10 =	simm.s32 @!p0 $0xC880;
	s9 =	simm.s32 @!p0 $0x0;
	s8 =	sadd.s32 @!p0 s1, s8  }
0x22f: {  	[tilespmem:s10], [sflag:$0x2] =	stream.linear.gather @!p0 [hbm4b:s8+s9], $0x80, $0x38;
	[tilespmem:$0x10500] =	vst v63  }
0x230: {  	s12 =	simm.s32 @!p0 $0xCC80;
	s10 =	sadd.s32 @!p0 $0x80, s8  }
0x231: {  	[tilespmem:s12], [sflag:$0x2] =	stream.linear.gather @!p0 [hbm4b:s10+s9], $0x80, $0x38;
	[tilespmem:$0x10500] =	vst v63  }
0x232: {  	s10 =	sadd.s32 @!p0 $0x100, s8;
	s12 =	simm.s32 @!p0 $0xD080  }
0x233: {  	[tilespmem:s12], [sflag:$0x2] =	stream.linear.gather @!p0 [hbm4b:s10+s9], $0x80, $0x38;
	[tilespmem:$0x10500] =	vst v63  }
0x234: {  	s10 =	sadd.s32 @!p0 $0x180, s8;
	s12 =	simm.s32 @!p0 $0xD480  }
0x235: {  	[tilespmem:s12], [sflag:$0x2] =	stream.linear.gather @!p0 [hbm4b:s10+s9], $0x80, $0x38;
	[tilespmem:$0x10500] =	vst v63  }
0x236: {  	s10 =	sadd.s32 @!p0 $0x200, s8;
	s12 =	simm.s32 @!p0 $0xD880  }
0x237: {  	[tilespmem:s12], [sflag:$0x2] =	stream.linear.gather @!p0 [hbm4b:s10+s9], $0x80, $0x38;
	[tilespmem:$0x10500] =	vst v63  }
0x238: {  	s10 =	sadd.s32 @!p0 $0x280, s8;
	s12 =	simm.s32 @!p0 $0xDC80  }
0x239: {  	[tilespmem:s12], [sflag:$0x2] =	stream.linear.gather @!p0 [hbm4b:s10+s9], $0x80, $0x38;
	[tilespmem:$0x10500] =	vst v63  }
0x23a: {  	s10 =	sadd.s32 @!p0 $0x300, s8;
	s12 =	simm.s32 @!p0 $0xE080  }
0x23b: {  	[tilespmem:s12], [sflag:$0x2] =	stream.linear.gather @!p0 [hbm4b:s10+s9], $0x80, $0x38;
	[tilespmem:$0x10500] =	vst v63  }
0x23c: {  	s8 =	sadd.s32 @!p0 $0x380, s8;
	s10 =	simm.s32 @!p0 $0xE480;
	s12 =	spop (v2sf)  }
0x23d: {  	[tilespmem:s10], [sflag:$0x2] =	stream.linear.gather @!p0 [hbm4b:s8+s9], $0x80, $0x38;
	[tilespmem:$0x10500] =	vst v63  }
0x23e: {  	p0 =	sgt.s32 s12, $0x30D3  }
0x23f: {  	s8 =	sshll.u32 @!p0 s12, $0xA;
	s9 =	sshll.u32 @!p0 s12, $0x7  }
0x240: {  	s8 =	sand.u32 @!p0 $0xFFFFE000, s8;
	s9 =	sand.u32 @!p0 $0x380, s9  }
0x241: {  	s8 =	sor.u32 @!p0 s9, s8  }
0x242: {  	(v2sf) =	vpush v0, $0x9;
	s8 =	sshrl.u32 @!p0 s8, $0x3  }
0x243: {  	s10 =	simm.s32 @!p0 $0xE500;
	s9 =	simm.s32 @!p0 $0x0;
	s8 =	sadd.s32 @!p0 s1, s8  }
0x244: {  	[tilespmem:s10], [sflag:$0x2] =	stream.linear.gather @!p0 [hbm4b:s8+s9], $0x80, $0x38;
	[tilespmem:$0x10500] =	vst v63  }
0x245: {  	s13 =	simm.s32 @!p0 $0xE900;
	s10 =	sadd.s32 @!p0 $0x80, s8  }
0x246: {  	[tilespmem:s13], [sflag:$0x2] =	stream.linear.gather @!p0 [hbm4b:s10+s9], $0x80, $0x38;
	[tilespmem:$0x10500] =	vst v63  }
0x247: {  	s10 =	sadd.s32 @!p0 $0x100, s8;
	s13 =	simm.s32 @!p0 $0xED00  }
0x248: {  	[tilespmem:s13], [sflag:$0x2] =	stream.linear.gather @!p0 [hbm4b:s10+s9], $0x80, $0x38;
	[tilespmem:$0x10500] =	vst v63  }
0x249: {  	s10 =	sadd.s32 @!p0 $0x180, s8;
	s13 =	simm.s32 @!p0 $0xF100  }
0x24a: {  	[tilespmem:s13], [sflag:$0x2] =	stream.linear.gather @!p0 [hbm4b:s10+s9], $0x80, $0x38;
	[tilespmem:$0x10500] =	vst v63  }
0x24b: {  	s10 =	sadd.s32 @!p0 $0x200, s8;
	s13 =	simm.s32 @!p0 $0xF500  }
0x24c: {  	[tilespmem:s13], [sflag:$0x2] =	stream.linear.gather @!p0 [hbm4b:s10+s9], $0x80, $0x38;
	[tilespmem:$0x10500] =	vst v63  }
0x24d: {  	s10 =	sadd.s32 @!p0 $0x280, s8;
	s13 =	simm.s32 @!p0 $0xF900  }
0x24e: {  	[tilespmem:s13], [sflag:$0x2] =	stream.linear.gather @!p0 [hbm4b:s10+s9], $0x80, $0x38;
	[tilespmem:$0x10500] =	vst v63  }
0x24f: {  	s10 =	sadd.s32 @!p0 $0x300, s8;
	s13 =	simm.s32 @!p0 $0xFD00  }
0x250: {  	[tilespmem:s13], [sflag:$0x2] =	stream.linear.gather @!p0 [hbm4b:s10+s9], $0x80, $0x38;
	[tilespmem:$0x10500] =	vst v63  }
0x251: {  	s8 =	sadd.s32 @!p0 $0x380, s8;
	s10 =	simm.s32 @!p0 $0x10100;
	s13 =	spop (v2sf)  }
0x252: {  	[tilespmem:s10], [sflag:$0x2] =	stream.linear.gather @!p0 [hbm4b:s8+s9], $0x80, $0x38;
	[tilespmem:$0x10500] =	vst v63  }
0x253: {  	p0 =	sgt.s32 s13, $0x30D3  }
0x254: {  	s8 =	sshll.u32 @!p0 s13, $0xA;
	s9 =	sshll.u32 @!p0 s13, $0x7  }
0x255: {  	s8 =	sand.u32 @!p0 $0xFFFFE000, s8;
	s9 =	sand.u32 @!p0 $0x380, s9  }
0x256: {  	s8 =	sor.u32 @!p0 s9, s8  }
0x257: {  	s8 =	sshrl.u32 @!p0 s8, $0x3  }
0x258: {  	s10 =	simm.s32 @!p0 $0xE580;
	s9 =	simm.s32 @!p0 $0x0;
	s8 =	sadd.s32 @!p0 s1, s8  }
0x259: {  	(v2sf) =	vpush v0, $0xA;
	[tilespmem:s10], [sflag:$0x2] =	stream.linear.gather @!p0 [hbm4b:s8+s9], $0x80, $0x38;
	[tilespmem:$0x10500] =	vst v63  }
0x25a: {  	s20 =	simm.s32 @!p0 $0xE980;
	s10 =	sadd.s32 @!p0 $0x80, s8  }
0x25b: {  	[tilespmem:s20], [sflag:$0x2] =	stream.linear.gather @!p0 [hbm4b:s10+s9], $0x80, $0x38;
	[tilespmem:$0x10500] =	vst v63  }
0x25c: {  	s10 =	sadd.s32 @!p0 $0x100, s8;
	s20 =	simm.s32 @!p0 $0xED80  }
0x25d: {  	[tilespmem:s20], [sflag:$0x2] =	stream.linear.gather @!p0 [hbm4b:s10+s9], $0x80, $0x38;
	[tilespmem:$0x10500] =	vst v63  }
0x25e: {  	s10 =	sadd.s32 @!p0 $0x180, s8;
	s20 =	simm.s32 @!p0 $0xF180  }
0x25f: {  	[tilespmem:s20], [sflag:$0x2] =	stream.linear.gather @!p0 [hbm4b:s10+s9], $0x80, $0x38;
	[tilespmem:$0x10500] =	vst v63  }
0x260: {  	s10 =	sadd.s32 @!p0 $0x200, s8;
	s20 =	simm.s32 @!p0 $0xF580  }
0x261: {  	[tilespmem:s20], [sflag:$0x2] =	stream.linear.gather @!p0 [hbm4b:s10+s9], $0x80, $0x38;
	[tilespmem:$0x10500] =	vst v63  }
0x262: {  	s10 =	sadd.s32 @!p0 $0x280, s8;
	s20 =	simm.s32 @!p0 $0xF980  }
0x263: {  	[tilespmem:s20], [sflag:$0x2] =	stream.linear.gather @!p0 [hbm4b:s10+s9], $0x80, $0x38;
	[tilespmem:$0x10500] =	vst v63  }
0x264: {  	s10 =	sadd.s32 @!p0 $0x300, s8;
	s20 =	simm.s32 @!p0 $0xFD80  }
0x265: {  	[tilespmem:s20], [sflag:$0x2] =	stream.linear.gather @!p0 [hbm4b:s10+s9], $0x80, $0x38;
	[tilespmem:$0x10500] =	vst v63  }
0x266: {  	s8 =	sadd.s32 @!p0 $0x380, s8;
	s10 =	simm.s32 @!p0 $0x10180  }
0x267: {  	[tilespmem:s10], [sflag:$0x2] =	stream.linear.gather @!p0 [hbm4b:s8+s9], $0x80, $0x38;
	[tilespmem:$0x10500] =	vst v63  }
0x268: {  	s8 =	spop (v2sf)  }
0x269: {  	p0 =	sgt.s32 s8, $0x30D3  }
0x26a: {  	s9 =	sshll.u32 @!p0 s8, $0xA;
	s10 =	sshll.u32 @!p0 s8, $0x7  }
0x26b: {  	s9 =	sand.u32 @!p0 $0xFFFFE000, s9;
	s10 =	sand.u32 @!p0 $0x380, s10  }
0x26c: {  	s9 =	sor.u32 @!p0 s10, s9  }
0x26d: {  	s9 =	sshrl.u32 @!p0 s9, $0x3  }
0x26e: {  	s20 =	simm.s32 @!p0 $0xE600;
	s10 =	simm.s32 @!p0 $0x0;
	s9 =	sadd.s32 @!p0 s1, s9  }
0x26f: {  	(v2sf) =	vpush v0, $0xB;
	[tilespmem:s20], [sflag:$0x2] =	stream.linear.gather @!p0 [hbm4b:s9+s10], $0x80, $0x38;
	[tilespmem:$0x10500] =	vst v63  }
0x270: {  	s21 =	simm.s32 @!p0 $0xEA00;
	s20 =	sadd.s32 @!p0 $0x80, s9  }
0x271: {  	[tilespmem:s21], [sflag:$0x2] =	stream.linear.gather @!p0 [hbm4b:s20+s10], $0x80, $0x38;
	[tilespmem:$0x10500] =	vst v63  }
0x272: {  	s20 =	sadd.s32 @!p0 $0x100, s9;
	s21 =	simm.s32 @!p0 $0xEE00  }
0x273: {  	[tilespmem:s21], [sflag:$0x2] =	stream.linear.gather @!p0 [hbm4b:s20+s10], $0x80, $0x38;
	[tilespmem:$0x10500] =	vst v63  }
0x274: {  	s20 =	sadd.s32 @!p0 $0x180, s9;
	s21 =	simm.s32 @!p0 $0xF200  }
0x275: {  	[tilespmem:s21], [sflag:$0x2] =	stream.linear.gather @!p0 [hbm4b:s20+s10], $0x80, $0x38;
	[tilespmem:$0x10500] =	vst v63  }
0x276: {  	s20 =	sadd.s32 @!p0 $0x200, s9;
	s21 =	simm.s32 @!p0 $0xF600  }
0x277: {  	[tilespmem:s21], [sflag:$0x2] =	stream.linear.gather @!p0 [hbm4b:s20+s10], $0x80, $0x38;
	[tilespmem:$0x10500] =	vst v63  }
0x278: {  	s20 =	sadd.s32 @!p0 $0x280, s9;
	s21 =	simm.s32 @!p0 $0xFA00  }
0x279: {  	[tilespmem:s21], [sflag:$0x2] =	stream.linear.gather @!p0 [hbm4b:s20+s10], $0x80, $0x38;
	[tilespmem:$0x10500] =	vst v63  }
0x27a: {  	s20 =	sadd.s32 @!p0 $0x300, s9;
	s21 =	simm.s32 @!p0 $0xFE00  }
0x27b: {  	[tilespmem:s21], [sflag:$0x2] =	stream.linear.gather @!p0 [hbm4b:s20+s10], $0x80, $0x38;
	[tilespmem:$0x10500] =	vst v63  }
0x27c: {  	s9 =	sadd.s32 @!p0 $0x380, s9;
	s20 =	simm.s32 @!p0 $0x10200  }
0x27d: {  	[tilespmem:s20], [sflag:$0x2] =	stream.linear.gather @!p0 [hbm4b:s9+s10], $0x80, $0x38;
	[tilespmem:$0x10500] =	vst v63  }
0x27e: {  	s9 =	spop (v2sf)  }
0x27f: {  	p0 =	sgt.s32 s9, $0x30D3  }
0x280: {  	s10 =	sshll.u32 @!p0 s9, $0xA;
	s20 =	sshll.u32 @!p0 s9, $0x7  }
0x281: {  	s10 =	sand.u32 @!p0 $0xFFFFE000, s10;
	s20 =	sand.u32 @!p0 $0x380, s20  }
0x282: {  	s10 =	sor.u32 @!p0 s20, s10  }
0x283: {  	s10 =	sshrl.u32 @!p0 s10, $0x3  }
0x284: {  	s21 =	simm.s32 @!p0 $0xE680;
	s20 =	simm.s32 @!p0 $0x0;
	s10 =	sadd.s32 @!p0 s1, s10  }
0x285: {  	(v2sf) =	vpush v0, $0xC;
	[tilespmem:s21], [sflag:$0x2] =	stream.linear.gather @!p0 [hbm4b:s10+s20], $0x80, $0x38;
	[tilespmem:$0x10500] =	vst v63  }
0x286: {  	s22 =	simm.s32 @!p0 $0xEA80;
	s21 =	sadd.s32 @!p0 $0x80, s10  }
0x287: {  	[tilespmem:s22], [sflag:$0x2] =	stream.linear.gather @!p0 [hbm4b:s21+s20], $0x80, $0x38;
	[tilespmem:$0x10500] =	vst v63  }
0x288: {  	s21 =	sadd.s32 @!p0 $0x100, s10;
	s22 =	simm.s32 @!p0 $0xEE80  }
0x289: {  	[tilespmem:s22], [sflag:$0x2] =	stream.linear.gather @!p0 [hbm4b:s21+s20], $0x80, $0x38;
	[tilespmem:$0x10500] =	vst v63  }
0x28a: {  	s21 =	sadd.s32 @!p0 $0x180, s10;
	s22 =	simm.s32 @!p0 $0xF280  }
0x28b: {  	[tilespmem:s22], [sflag:$0x2] =	stream.linear.gather @!p0 [hbm4b:s21+s20], $0x80, $0x38;
	[tilespmem:$0x10500] =	vst v63  }
0x28c: {  	s21 =	sadd.s32 @!p0 $0x200, s10;
	s22 =	simm.s32 @!p0 $0xF680  }
0x28d: {  	[tilespmem:s22], [sflag:$0x2] =	stream.linear.gather @!p0 [hbm4b:s21+s20], $0x80, $0x38;
	[tilespmem:$0x10500] =	vst v63  }
0x28e: {  	s21 =	sadd.s32 @!p0 $0x280, s10;
	s22 =	simm.s32 @!p0 $0xFA80  }
0x28f: {  	[tilespmem:s22], [sflag:$0x2] =	stream.linear.gather @!p0 [hbm4b:s21+s20], $0x80, $0x38;
	[tilespmem:$0x10500] =	vst v63  }
0x290: {  	s21 =	sadd.s32 @!p0 $0x300, s10;
	s22 =	simm.s32 @!p0 $0xFE80  }
0x291: {  	[tilespmem:s22], [sflag:$0x2] =	stream.linear.gather @!p0 [hbm4b:s21+s20], $0x80, $0x38;
	[tilespmem:$0x10500] =	vst v63  }
0x292: {  	s10 =	sadd.s32 @!p0 $0x380, s10;
	s21 =	simm.s32 @!p0 $0x10280  }
0x293: {  	[tilespmem:s21], [sflag:$0x2] =	stream.linear.gather @!p0 [hbm4b:s10+s20], $0x80, $0x38;
	[tilespmem:$0x10500] =	vst v63  }
0x294: {  	s20 =	spop (v2sf)  }
0x295: {  	p0 =	sgt.s32 s20, $0x30D3  }
0x296: {  	s10 =	sshll.u32 @!p0 s20, $0xA;
	s21 =	sshll.u32 @!p0 s20, $0x7  }
0x297: {  	s10 =	sand.u32 @!p0 $0xFFFFE000, s10;
	s21 =	sand.u32 @!p0 $0x380, s21  }
0x298: {  	s10 =	sor.u32 @!p0 s21, s10  }
0x299: {  	s10 =	sshrl.u32 @!p0 s10, $0x3  }
0x29a: {  	s22 =	simm.s32 @!p0 $0xE700;
	s21 =	simm.s32 @!p0 $0x0;
	s10 =	sadd.s32 @!p0 s1, s10  }
0x29b: {  	(v2sf) =	vpush v0, $0xD;
	[tilespmem:s22], [sflag:$0x2] =	stream.linear.gather @!p0 [hbm4b:s10+s21], $0x80, $0x38;
	[tilespmem:$0x10500] =	vst v63  }
0x29c: {  	s3 =	simm.s32 @!p0 $0xEB00;
	s22 =	sadd.s32 @!p0 $0x80, s10  }
0x29d: {  	[tilespmem:s3], [sflag:$0x2] =	stream.linear.gather @!p0 [hbm4b:s22+s21], $0x80, $0x38;
	[tilespmem:$0x10500] =	vst v63  }
0x29e: {  	s3 =	sadd.s32 @!p0 $0x100, s10;
	s22 =	simm.s32 @!p0 $0xEF00  }
0x29f: {  	[tilespmem:s22], [sflag:$0x2] =	stream.linear.gather @!p0 [hbm4b:s3+s21], $0x80, $0x38;
	[tilespmem:$0x10500] =	vst v63  }
0x2a0: {  	s3 =	sadd.s32 @!p0 $0x180, s10;
	s22 =	simm.s32 @!p0 $0xF300  }
0x2a1: {  	[tilespmem:s22], [sflag:$0x2] =	stream.linear.gather @!p0 [hbm4b:s3+s21], $0x80, $0x38;
	[tilespmem:$0x10500] =	vst v63  }
0x2a2: {  	s3 =	sadd.s32 @!p0 $0x200, s10;
	s22 =	simm.s32 @!p0 $0xF700  }
0x2a3: {  	[tilespmem:s22], [sflag:$0x2] =	stream.linear.gather @!p0 [hbm4b:s3+s21], $0x80, $0x38;
	[tilespmem:$0x10500] =	vst v63  }
0x2a4: {  	s3 =	sadd.s32 @!p0 $0x280, s10;
	s22 =	simm.s32 @!p0 $0xFB00  }
0x2a5: {  	[tilespmem:s22], [sflag:$0x2] =	stream.linear.gather @!p0 [hbm4b:s3+s21], $0x80, $0x38;
	[tilespmem:$0x10500] =	vst v63  }
0x2a6: {  	s3 =	sadd.s32 @!p0 $0x300, s10;
	s22 =	simm.s32 @!p0 $0xFF00  }
0x2a7: {  	[tilespmem:s22], [sflag:$0x2] =	stream.linear.gather @!p0 [hbm4b:s3+s21], $0x80, $0x38;
	[tilespmem:$0x10500] =	vst v63  }
0x2a8: {  	s3 =	sadd.s32 @!p0 $0x380, s10;
	s10 =	simm.s32 @!p0 $0x10300  }
0x2a9: {  	[tilespmem:s10], [sflag:$0x2] =	stream.linear.gather @!p0 [hbm4b:s3+s21], $0x80, $0x38;
	[tilespmem:$0x10500] =	vst v63  }
0x2aa: {  	s21 =	spop (v2sf)  }
0x2ab: {  	p0 =	sgt.s32 s21, $0x30D3  }
0x2ac: {  	s3 =	sshll.u32 @!p0 s21, $0xA;
	s10 =	sshll.u32 @!p0 s21, $0x7  }
0x2ad: {  	s3 =	sand.u32 @!p0 $0xFFFFE000, s3;
	s10 =	sand.u32 @!p0 $0x380, s10  }
0x2ae: {  	s3 =	sor.u32 @!p0 s10, s3  }
0x2af: {  	s3 =	sshrl.u32 @!p0 s3, $0x3  }
0x2b0: {  	s22 =	simm.s32 @!p0 $0xE780;
	s10 =	simm.s32 @!p0 $0x0;
	s3 =	sadd.s32 @!p0 s1, s3  }
0x2b1: {  	(v2sf) =	vpush v0, $0xE;
	[tilespmem:s22], [sflag:$0x2] =	stream.linear.gather @!p0 [hbm4b:s3+s10], $0x80, $0x38;
	[tilespmem:$0x10500] =	vst v63  }
0x2b2: {  	s4 =	simm.s32 @!p0 $0xEB80;
	s22 =	sadd.s32 @!p0 $0x80, s3  }
0x2b3: {  	[tilespmem:s4], [sflag:$0x2] =	stream.linear.gather @!p0 [hbm4b:s22+s10], $0x80, $0x38;
	[tilespmem:$0x10500] =	vst v63  }
0x2b4: {  	s4 =	sadd.s32 @!p0 $0x100, s3;
	s22 =	simm.s32 @!p0 $0xEF80  }
0x2b5: {  	[tilespmem:s22], [sflag:$0x2] =	stream.linear.gather @!p0 [hbm4b:s4+s10], $0x80, $0x38;
	[tilespmem:$0x10500] =	vst v63  }
0x2b6: {  	s4 =	sadd.s32 @!p0 $0x180, s3;
	s22 =	simm.s32 @!p0 $0xF380  }
0x2b7: {  	[tilespmem:s22], [sflag:$0x2] =	stream.linear.gather @!p0 [hbm4b:s4+s10], $0x80, $0x38;
	[tilespmem:$0x10500] =	vst v63  }
0x2b8: {  	s4 =	sadd.s32 @!p0 $0x200, s3;
	s22 =	simm.s32 @!p0 $0xF780  }
0x2b9: {  	[tilespmem:s22], [sflag:$0x2] =	stream.linear.gather @!p0 [hbm4b:s4+s10], $0x80, $0x38;
	[tilespmem:$0x10500] =	vst v63  }
0x2ba: {  	s4 =	sadd.s32 @!p0 $0x280, s3;
	s22 =	simm.s32 @!p0 $0xFB80  }
0x2bb: {  	[tilespmem:s22], [sflag:$0x2] =	stream.linear.gather @!p0 [hbm4b:s4+s10], $0x80, $0x38;
	[tilespmem:$0x10500] =	vst v63  }
0x2bc: {  	s4 =	sadd.s32 @!p0 $0x300, s3;
	s22 =	simm.s32 @!p0 $0xFF80  }
0x2bd: {  	[tilespmem:s22], [sflag:$0x2] =	stream.linear.gather @!p0 [hbm4b:s4+s10], $0x80, $0x38;
	[tilespmem:$0x10500] =	vst v63  }
0x2be: {  	s3 =	sadd.s32 @!p0 $0x380, s3;
	s4 =	simm.s32 @!p0 $0x10380  }
0x2bf: {  	[tilespmem:s4], [sflag:$0x2] =	stream.linear.gather @!p0 [hbm4b:s3+s10], $0x80, $0x38;
	[tilespmem:$0x10500] =	vst v63  }
0x2c0: {  	s10 =	spop (v2sf)  }
0x2c1: {  	p0 =	sgt.s32 s10, $0x30D3  }
0x2c2: {  	s3 =	sshll.u32 @!p0 s10, $0xA;
	s4 =	sshll.u32 @!p0 s10, $0x7  }
0x2c3: {  	s3 =	sand.u32 @!p0 $0xFFFFE000, s3;
	s4 =	sand.u32 @!p0 $0x380, s4  }
0x2c4: {  	s3 =	sor.u32 @!p0 s4, s3  }
0x2c5: {  	(v2sf) =	vpush v0, $0xF;
	s3 =	sshrl.u32 @!p0 s3, $0x3  }
0x2c6: {  	s22 =	simm.s32 @!p0 $0xE800;
	s4 =	simm.s32 @!p0 $0x0;
	s3 =	sadd.s32 @!p0 s1, s3  }
0x2c7: {  	[tilespmem:s22], [sflag:$0x2] =	stream.linear.gather @!p0 [hbm4b:s3+s4], $0x80, $0x38;
	[tilespmem:$0x10500] =	vst v63  }
0x2c8: {  	s15 =	simm.s32 @!p0 $0xEC00;
	s22 =	sadd.s32 @!p0 $0x80, s3  }
0x2c9: {  	[tilespmem:s15], [sflag:$0x2] =	stream.linear.gather @!p0 [hbm4b:s22+s4], $0x80, $0x38;
	[tilespmem:$0x10500] =	vst v63  }
0x2ca: {  	s15 =	sadd.s32 @!p0 $0x100, s3;
	s22 =	simm.s32 @!p0 $0xF000  }
0x2cb: {  	[tilespmem:s22], [sflag:$0x2] =	stream.linear.gather @!p0 [hbm4b:s15+s4], $0x80, $0x38;
	[tilespmem:$0x10500] =	vst v63  }
0x2cc: {  	s15 =	sadd.s32 @!p0 $0x180, s3;
	s22 =	simm.s32 @!p0 $0xF400  }
0x2cd: {  	[tilespmem:s22], [sflag:$0x2] =	stream.linear.gather @!p0 [hbm4b:s15+s4], $0x80, $0x38;
	[tilespmem:$0x10500] =	vst v63  }
0x2ce: {  	s15 =	sadd.s32 @!p0 $0x200, s3;
	s22 =	simm.s32 @!p0 $0xF800  }
0x2cf: {  	[tilespmem:s22], [sflag:$0x2] =	stream.linear.gather @!p0 [hbm4b:s15+s4], $0x80, $0x38;
	[tilespmem:$0x10500] =	vst v63  }
0x2d0: {  	s15 =	sadd.s32 @!p0 $0x280, s3;
	s22 =	simm.s32 @!p0 $0xFC00  }
0x2d1: {  	[tilespmem:s22], [sflag:$0x2] =	stream.linear.gather @!p0 [hbm4b:s15+s4], $0x80, $0x38;
	[tilespmem:$0x10500] =	vst v63  }
0x2d2: {  	s15 =	sadd.s32 @!p0 $0x300, s3;
	s22 =	simm.s32 @!p0 $0x10000  }
0x2d3: {  	[tilespmem:s22], [sflag:$0x2] =	stream.linear.gather @!p0 [hbm4b:s15+s4], $0x80, $0x38;
	[tilespmem:$0x10500] =	vst v63  }
0x2d4: {  	s3 =	sadd.s32 @!p0 $0x380, s3;
	s15 =	simm.s32 @!p0 $0x10400;
	s22 =	spop (v2sf)  }
0x2d5: {  	[tilespmem:s15], [sflag:$0x2] =	stream.linear.gather @!p0 [hbm4b:s3+s4], $0x80, $0x38;
	[tilespmem:$0x10500] =	vst v63  }
0x2d6: {  	p0 =	sgt.s32 s22, $0x30D3  }
0x2d7: {  	s3 =	sshll.u32 @!p0 s22, $0xA;
	s4 =	sshll.u32 @!p0 s22, $0x7  }
0x2d8: {  	s3 =	sand.u32 @!p0 $0xFFFFE000, s3;
	s4 =	sand.u32 @!p0 $0x380, s4  }
0x2d9: {  	s3 =	sor.u32 @!p0 s4, s3  }
0x2da: {  	s3 =	sshrl.u32 @!p0 s3, $0x3  }
0x2db: {  	s15 =	simm.s32 @!p0 $0xE880;
	s4 =	simm.s32 @!p0 $0x0;
	s3 =	sadd.s32 @!p0 s1, s3  }
0x2dc: {  	[tilespmem:s15], [sflag:$0x2] =	stream.linear.gather @!p0 [hbm4b:s3+s4], $0x80, $0x38;
	[tilespmem:$0x10500] =	vst v63  }
0x2dd: {  	s16 =	simm.s32 @!p0 $0xEC80;
	s15 =	sadd.s32 @!p0 $0x80, s3  }
0x2de: {  	[tilespmem:s16], [sflag:$0x2] =	stream.linear.gather @!p0 [hbm4b:s15+s4], $0x80, $0x38;
	[tilespmem:$0x10500] =	vst v63  }
0x2df: {  	s15 =	sadd.s32 @!p0 $0x100, s3;
	s16 =	simm.s32 @!p0 $0xF080  }
0x2e0: {  	[tilespmem:s16], [sflag:$0x2] =	stream.linear.gather @!p0 [hbm4b:s15+s4], $0x80, $0x38;
	[tilespmem:$0x10500] =	vst v63  }
0x2e1: {  	s15 =	sadd.s32 @!p0 $0x180, s3;
	s16 =	simm.s32 @!p0 $0xF480  }
0x2e2: {  	[tilespmem:s16], [sflag:$0x2] =	stream.linear.gather @!p0 [hbm4b:s15+s4], $0x80, $0x38;
	[tilespmem:$0x10500] =	vst v63  }
0x2e3: {  	s15 =	sadd.s32 @!p0 $0x200, s3;
	s16 =	simm.s32 @!p0 $0xF880  }
0x2e4: {  	[tilespmem:s16], [sflag:$0x2] =	stream.linear.gather @!p0 [hbm4b:s15+s4], $0x80, $0x38;
	[tilespmem:$0x10500] =	vst v63  }
0x2e5: {  	s15 =	sadd.s32 @!p0 $0x280, s3;
	s16 =	simm.s32 @!p0 $0xFC80  }
0x2e6: {  	[tilespmem:s16], [sflag:$0x2] =	stream.linear.gather @!p0 [hbm4b:s15+s4], $0x80, $0x38;
	[tilespmem:$0x10500] =	vst v63  }
0x2e7: {  	s15 =	sadd.s32 @!p0 $0x300, s3;
	s16 =	simm.s32 @!p0 $0x10080  }
0x2e8: {  	[tilespmem:s16], [sflag:$0x2] =	stream.linear.gather @!p0 [hbm4b:s15+s4], $0x80, $0x38;
	[tilespmem:$0x10500] =	vst v63  }
0x2e9: {  	s3 =	sadd.s32 @!p0 $0x380, s3;
	s15 =	simm.s32 @!p0 $0x10480  }
0x2ea: {  	[tilespmem:s15], [sflag:$0x2] =	stream.linear.gather @!p0 [hbm4b:s3+s4], $0x80, $0x38;
	[tilespmem:$0x10500] =	vst v63  }
0x2eb: {  	s16 =	simm.s32 $0x1;
	p0 =	slt.s32 s26, $0x30D4  }
0x2ec: {  	s3 =	simm.s32 $0x1;
	s4 =	simm.s32 $0x1;
	s15 =	simm.s32 $0x1  }
0x2ed: {  	s26 =	sadd.s32 s7, s25;
	s3 =	simm.s32 @!p0 $0x0;
	p0 =	slt.s32 s28, $0x30D4  }
0x2ee: {  	s28 =	sshll.u32 s26, $0x7;
	[smem:$0x80] =	sst s3;
	s4 =	simm.s32 @!p0 $0x0  }
0x2ef: {  	p0 =	slt.s32 s29, $0x30D4;
	[smem:$0x81] =	sst s4;
	s3 =	sadd.s32 s4, s3  }
0x2f0: {  	s15 =	simm.s32 @!p0 $0x0;
	p0 =	slt.s32 s30, $0x30D4;
	s4 =	simm.s32 $0x1  }
0x2f1: {  	s29 =	simm.s32 $0x3;
	[smem:$0x82] =	sst s15;
	s4 =	simm.s32 @!p0 $0x0  }
0x2f2: {  	p0 =	slt.s32 s31, $0x30D4;
	s3 =	sadd.s32 s15, s3;
	[smem:$0x83] =	sst s4  }
0x2f3: {  	s16 =	simm.s32 @!p0 $0x0;
	s3 =	sadd.s32 s4, s3;
	p0 =	slt.s32 s0, $0x30D4  }
0x2f4: {  	s0 =	simm.s32 $0x1;
	s4 =	simm.s32 $0x1;
	[smem:$0x84] =	sst s16  }
0x2f5: {  	s3 =	sadd.s32 s16, s3;
	s0 =	simm.s32 @!p0 $0x0;
	p0 =	slt.s32 s2, $0x30D4  }
0x2f6: {  	s2 =	simm.s32 $0x1;
	[smem:$0x85] =	sst s0;
	s0 =	sadd.s32 s0, s3  }
0x2f7: {  	s2 =	simm.s32 @!p0 $0x0;
	p0 =	slt.s32 s11, $0x30D4;
	s3 =	simm.s32 $0x1  }
0x2f8: {  	[smem:$0x86] =	sst s2;
	s3 =	simm.s32 @!p0 $0x0;
	p0 =	slt.s32 s12, $0x30D4  }
0x2f9: {  	s0 =	sadd.s32 s2, s0;
	s2 =	simm.s32 $0x1;
	[smem:$0x87] =	sst s3  }
0x2fa: {  	s4 =	simm.s32 @!p0 $0x0;
	s0 =	sadd.s32 s3, s0;
	p0 =	slt.s32 s13, $0x30D4  }
0x2fb: {  	s3 =	simm.s32 $0x1;
	[smem:$0x88] =	sst s4;
	s0 =	sadd.s32 s4, s0  }
0x2fc: {  	s2 =	simm.s32 @!p0 $0x0;
	p0 =	slt.s32 s8, $0x30D4;
	s4 =	simm.s32 $0x1  }
0x2fd: {  	[smem:$0x89] =	sst s2;
	s0 =	sadd.s32 s2, s0;
	s3 =	simm.s32 @!p0 $0x0  }
0x2fe: {  	p0 =	slt.s32 s9, $0x30D4;
	s2 =	simm.s32 $0x1;
	[smem:$0x8A] =	sst s3  }
0x2ff: {  	s2 =	simm.s32 @!p0 $0x0;
	p0 =	slt.s32 s20, $0x30D4;
	s0 =	sadd.s32 s3, s0  }
0x300: {  	s3 =	simm.s32 $0x1;
	[smem:$0x8B] =	sst s2;
	s4 =	simm.s32 @!p0 $0x0  }
0x301: {  	s0 =	sadd.s32 s2, s0;
	p0 =	slt.s32 s21, $0x30D4;
	s2 =	simm.s32 $0x1  }
0x302: {  	[smem:$0x8C] =	sst s4;
	s0 =	sadd.s32 s4, s0;
	s2 =	simm.s32 @!p0 $0x0  }
0x303: {  	p0 =	slt.s32 s10, $0x30D4;
	[smem:$0x8D] =	sst s2;
	s0 =	sadd.s32 s2, s0  }
0x304: {  	s3 =	simm.s32 @!p0 $0x0;
	p0 =	slt.s32 s22, $0x30D4;
	s2 =	simm.s32 $0x1  }
0x305: {  	[smem:$0x8E] =	sst s3;
	s0 =	sadd.s32 s3, s0;
	s2 =	simm.s32 @!p0 $0x0  }
0x306: {  	s11 =	simm.s32 $0x4500;
	[smem:$0x8F] =	sst s2;
	s0 =	sadd.s32 s2, s0  }
0x307: {  	s2 =	sadd.s32 s5, s28;
	[smem:$0x90] =	sst s0;
	s0 =	simm.s32 $0x0  }
0x308: {  	[tilespmem:s11], [sflag:$0x4] =	stream.linear.gather [hbm4b:s2+s0], $0x4000, $0x38;
	[tilespmem:$0x10500] =	vst v63  }
0x309: {  	_ =	swait.ge [sflag:s29], $0x4000  }
0x30a: {  	[sflag:s29] =	ssyncset.done $0x0  }
0x30b: {  	s8 =	simm.s32 $0x100;
	[sflag:s29] =	ssyncadd.s32 $0xFFFFC000  }
0x30c: {  	v0 =	vld [tilespmem:s8+$0x0];
	_ =	sdelay $0x2  }
0x30d: {  	s30 =	sand.u32 $0x70, s0;
	s31 =	sand.u32 $0x1C00, s0  }
0x30e: {  	s2 =	sor.u32 s30, s31  }
0x30f: {  	[tilespmem:s2+$0x500] =	vst.add.f32.msk $0xffff, v0  }
0x310: {  	[tilespmem:s2+$0x580] =	vst.add.f32.msk $0xffff, v0  }
0x311: {  	[tilespmem:s2+$0x600] =	vst.add.f32.msk $0xffff, v0  }
0x312: {  	s9 =	simm.s32 $0x0;
	s10 =	simm.s32 $0x10;
	[tilespmem:s2+$0x680] =	vst.add.f32.msk $0xffff, v0  }
.LBB2_3:
0x313: {  	p0 =	sne.s32 s10, $0x3F0;
	[tilespmem:s2+$0x700] =	vst.add.f32.msk $0xffff, v0  }
0x314: {  	s3 =	sor.u32 s9, s0;
	s0 =	smov.u32 s10;
	[tilespmem:s2+$0x780] =	vst.add.f32.msk $0xffff, v0  }
0x315: {  	s3 =	sor.u32 $0x380, s3;
	[tilespmem:s2+$0x800] =	vst.add.f32.msk $0xffff, v0  }
0x316: {  	[tilespmem:s3+$0x500] =	vst.add.f32.msk $0xffff, v0  }
0x317: {  	[tilespmem:s2+$0x2500] =	vst.add.f32.msk $0xffff, v0  }
0x318: {  	[tilespmem:s2+$0x2580] =	vst.add.f32.msk $0xffff, v0  }
0x319: {  	[tilespmem:s2+$0x2600] =	vst.add.f32.msk $0xffff, v0  }
0x31a: {  	[tilespmem:s2+$0x2680] =	vst.add.f32.msk $0xffff, v0  }
0x31b: {  	[tilespmem:s2+$0x2700] =	vst.add.f32.msk $0xffff, v0  }
0x31c: {  	[tilespmem:s2+$0x2780] =	vst.add.f32.msk $0xffff, v0  }
0x31d: {  	[tilespmem:s2+$0x2800] =	vst.add.f32.msk $0xffff, v0  }
0x31e: {  	s8 =	sadd.s32 $0x10, s8;
	[tilespmem:s2+$0x2880] =	vst.add.f32.msk $0xffff, v0  }
0x31f: {  	v0 =	vld [tilespmem:s8+$0x0];
	_ =	sdelay $0x1  }
0x320: {  	s9 =	sadd.s32 $0x80, s9  }
0x321: {  	s3 =	sand.u32 $0x1C00, s9;
	s2 =	sand.u32 $0x70, s10  }
.Ltmp4:
0x322: {  	s2 =	sor.u32 s2, s3;
	(pc) =	sbr.rel @p0 .LBB2_3-.Ltmp4, $4  }
0x323: {  	[tilespmem:s2+$0x500] =	vst.add.f32.msk $0xffff, v0  }
0x324: {  	[tilespmem:s2+$0x580] =	vst.add.f32.msk $0xffff, v0  }
0x325: {  	[tilespmem:s2+$0x600] =	vst.add.f32.msk $0xffff, v0  }
0x326: {  	s10 =	sadd.s32 $0x10, s10;
	[tilespmem:s2+$0x680] =	vst.add.f32.msk $0xffff, v0  }
0x327: {  	[tilespmem:s2+$0x700] =	vst.add.f32.msk $0xffff, v0  }
0x328: {  	[tilespmem:s2+$0x780] =	vst.add.f32.msk $0xffff, v0;
	s0 =	sor.u32 s9, s0  }
0x329: {  	[tilespmem:s2+$0x800] =	vst.add.f32.msk $0xffff, v0;
	s0 =	sor.u32 $0x380, s0  }
0x32a: {  	[tilespmem:s0+$0x500] =	vst.add.f32.msk $0xffff, v0;
	s0 =	sld [smem:$0x10]  }
0x32b: {  	[tilespmem:s2+$0x2500] =	vst.add.f32.msk $0xffff, v0  }
0x32c: {  	[tilespmem:s2+$0x2580] =	vst.add.f32.msk $0xffff, v0  }
0x32d: {  	[tilespmem:s2+$0x2600] =	vst.add.f32.msk $0xffff, v0;
	p0 =	slt.s32 s0, $0x1  }
.Ltmp5:
0x32e: {  	[tilespmem:s2+$0x2680] =	vst.add.f32.msk $0xffff, v0;
	(pc) =	sbr.rel @p0 .LBB2_8-.Ltmp5, $4  }
0x32f: {  	[tilespmem:s2+$0x2700] =	vst.add.f32.msk $0xffff, v0  }
0x330: {  	[tilespmem:s2+$0x2780] =	vst.add.f32.msk $0xffff, v0  }
0x331: {  	[tilespmem:s2+$0x2800] =	vst.add.f32.msk $0xffff, v0  }
0x332: {  	s4 =	simm.s32 $0x0;
	s15 =	simm.s32 $0x500;
	[tilespmem:s2+$0x2880] =	vst.add.f32.msk $0xffff, v0  }
0x333: {  	p0 =	sne.s32 s0, $0x1  }
.Ltmp6:
0x334: {  	_ = 	snop;
	(pc) =	sbr.rel @!p0 .LBB2_7-.Ltmp6, $3  }
0x335: {  	_ =	sdelay $0x1  }
0x336: {  	_ =	swait.ge [sflag:s14], $0x400  }
0x337: {  	s0 =	sadd.s32 $0xFFFFFFFF, s0;
	[sflag:s14] =	ssyncset.done $0x0  }
.LBB2_6:
0x338: {  	p0 =	sne.s32 s0, $0x1;
	s0 =	sadd.s32 $0xFFFFFFFF, s0;
	[sflag:s14] =	ssyncadd.s32 $0xFFFFFC00  }
.Ltmp7:
0x339: {  	(pc) =	sbr.rel @p0 .LBB2_6-.Ltmp7, $3  }
0x33a: {  	_ =	sdelay $0x1  }
0x33b: {  	_ =	swait.ge [sflag:s14], $0x400  }
0x33c: {  	[sflag:s14] =	ssyncset.done $0x0  }
.LBB2_7:
0x33d: {  	[sflag:s14] =	ssyncadd.s32 $0xFFFFFC00  }
.LBB2_8:
.Ltmp8:
0x33e: {  	(pc) =	sbr.rel .LBB2_9-.Ltmp8, $3  }
0x33f: {  	_ =	sdelay $0x1  }
0x340: {  	s26 =	simm.s32 $0x0  }
0x341: {  	s28 =	simm.s32 $0x0;
	s29 =	simm.s32 $0x0;
	s30 =	simm.s32 $0x0  }
.LBB2_11:
0x342: {  	s30 =	sadd.s32 $0x80, s30  }
0x343: {  	p0 =	sne.s32 s30, $0x800  }
.Ltmp9:
0x344: {  	_ = 	snop;
	(pc) =	sbr.rel @!p0 .LBB2_12-.Ltmp9, $2  }
0x345: {  	_ =	sdelay $0x2  }
0x346: {  	s29 =	sadd.s32 $0x400, s29;
	s28 =	sadd.s32 $0x1, s28;
	s26 =	sadd.s32 $0x1, s26  }
.LBB2_9:
0x347: {  	s0 =	sld [smem:s26+$0x0];
	_ =	sdelay $0x2  }
0x348: {  	p0 =	seq.s32 s0, $0x0  }
.Ltmp10:
0x349: {  	_ = 	snop;
	(pc) =	sbr.rel @p0 .LBB2_11-.Ltmp10, $1  }
0x34a: {  	_ =	sdelay $0x3  }
0x34b: {  	s0 =	sand.u32 $0x2000, s29;
	s2 =	sand.u32 $0x380, s30  }
0x34c: {  	v0 =	vld [tilespmem:$0x100];
	s0 =	sor.u32 s2, s0  }
0x34d: {  	v1 =	vld [tilespmem:s0+$0x500];
	_ =	sdelay $0x1  }
0x34e: {  	v2 =	vld [tilespmem:s0+$0x8500];
	_ =	sdelay $0x2  }
0x34f: {  	v0 =	vsub.f32 v1, v0;
	_ =	sdelay $0x1  }
0x350: {  	v0 =	vadd.f32 v0, v2;
	_ =	sdelay $0x1  }
0x351: {  	v58 =	vld [tilespmem:s0+$0x510];
	[tilespmem:s0+$0x500] =	vst v0  }
0x352: {  	v0 =	vld [tilespmem:$0x110];
	_ =	sdelay $0x1  }
0x353: {  	v59 =	vld [tilespmem:s0+$0x8510];
	_ =	sdelay $0x2  }
0x354: {  	v0 =	vsub.f32 v58, v0;
	_ =	sdelay $0x1  }
0x355: {  	v0 =	vadd.f32 v0, v59;
	_ =	sdelay $0x1  }
0x356: {  	v60 =	vld [tilespmem:s0+$0x520];
	[tilespmem:s0+$0x510] =	vst v0  }
0x357: {  	v0 =	vld [tilespmem:$0x120];
	_ =	sdelay $0x1  }
0x358: {  	v61 =	vld [tilespmem:s0+$0x8520];
	_ =	sdelay $0x2  }
0x359: {  	v0 =	vsub.f32 v60, v0;
	_ =	sdelay $0x1  }
0x35a: {  	v0 =	vadd.f32 v0, v61;
	_ =	sdelay $0x1  }
0x35b: {  	v62 =	vld [tilespmem:s0+$0x530];
	[tilespmem:s0+$0x520] =	vst v0  }
0x35c: {  	v0 =	vld [tilespmem:$0x130];
	_ =	sdelay $0x1  }
0x35d: {  	v63 =	vld [tilespmem:s0+$0x8530];
	_ =	sdelay $0x2  }
0x35e: {  	v0 =	vsub.f32 v62, v0;
	_ =	sdelay $0x1  }
0x35f: {  	v0 =	vadd.f32 v0, v63;
	_ =	sdelay $0x1  }
0x360: {  	v4 =	vld [tilespmem:s0+$0x540];
	[tilespmem:s0+$0x530] =	vst v0  }
0x361: {  	v0 =	vld [tilespmem:$0x140];
	_ =	sdelay $0x1  }
0x362: {  	v5 =	vld [tilespmem:s0+$0x8540];
	_ =	sdelay $0x2  }
0x363: {  	v0 =	vsub.f32 v4, v0;
	_ =	sdelay $0x1  }
0x364: {  	v0 =	vadd.f32 v0, v5;
	_ =	sdelay $0x1  }
0x365: {  	v6 =	vld [tilespmem:s0+$0x550];
	[tilespmem:s0+$0x540] =	vst v0  }
0x366: {  	v0 =	vld [tilespmem:$0x150];
	_ =	sdelay $0x1  }
0x367: {  	v7 =	vld [tilespmem:s0+$0x8550];
	_ =	sdelay $0x2  }
0x368: {  	v0 =	vsub.f32 v6, v0;
	_ =	sdelay $0x1  }
0x369: {  	v0 =	vadd.f32 v0, v7;
	_ =	sdelay $0x1  }
0x36a: {  	v8 =	vld [tilespmem:s0+$0x560];
	[tilespmem:s0+$0x550] =	vst v0  }
0x36b: {  	v0 =	vld [tilespmem:$0x160];
	_ =	sdelay $0x1  }
0x36c: {  	v9 =	vld [tilespmem:s0+$0x8560];
	_ =	sdelay $0x2  }
0x36d: {  	v0 =	vsub.f32 v8, v0;
	_ =	sdelay $0x1  }
0x36e: {  	v0 =	vadd.f32 v0, v9;
	_ =	sdelay $0x1  }
0x36f: {  	v10 =	vld [tilespmem:s0+$0x570];
	[tilespmem:s0+$0x560] =	vst v0  }
0x370: {  	v0 =	vld [tilespmem:$0x170];
	_ =	sdelay $0x1  }
0x371: {  	v11 =	vld [tilespmem:s0+$0x8570];
	_ =	sdelay $0x2  }
0x372: {  	v0 =	vsub.f32 v10, v0;
	_ =	sdelay $0x1  }
0x373: {  	v0 =	vadd.f32 v0, v11;
	_ =	sdelay $0x1  }
0x374: {  	v12 =	vld [tilespmem:s0+$0x900];
	[tilespmem:s0+$0x570] =	vst v0  }
0x375: {  	v0 =	vld [tilespmem:$0x180];
	_ =	sdelay $0x1  }
0x376: {  	v13 =	vld [tilespmem:s0+$0x8900];
	_ =	sdelay $0x2  }
0x377: {  	v0 =	vsub.f32 v12, v0;
	_ =	sdelay $0x1  }
0x378: {  	v0 =	vadd.f32 v0, v13;
	_ =	sdelay $0x1  }
0x379: {  	v14 =	vld [tilespmem:s0+$0x910];
	[tilespmem:s0+$0x900] =	vst v0  }
0x37a: {  	v0 =	vld [tilespmem:$0x190];
	_ =	sdelay $0x1  }
0x37b: {  	v15 =	vld [tilespmem:s0+$0x8910];
	_ =	sdelay $0x2  }
0x37c: {  	v0 =	vsub.f32 v14, v0;
	_ =	sdelay $0x1  }
0x37d: {  	v0 =	vadd.f32 v0, v15;
	_ =	sdelay $0x1  }
0x37e: {  	v16 =	vld [tilespmem:s0+$0x920];
	[tilespmem:s0+$0x910] =	vst v0  }
0x37f: {  	v0 =	vld [tilespmem:$0x1A0];
	_ =	sdelay $0x1  }
0x380: {  	v17 =	vld [tilespmem:s0+$0x8920];
	_ =	sdelay $0x2  }
0x381: {  	v0 =	vsub.f32 v16, v0;
	_ =	sdelay $0x1  }
0x382: {  	v0 =	vadd.f32 v0, v17;
	_ =	sdelay $0x1  }
0x383: {  	v18 =	vld [tilespmem:s0+$0x930];
	[tilespmem:s0+$0x920] =	vst v0  }
0x384: {  	v0 =	vld [tilespmem:$0x1B0];
	_ =	sdelay $0x1  }
0x385: {  	v19 =	vld [tilespmem:s0+$0x8930];
	_ =	sdelay $0x2  }
0x386: {  	v0 =	vsub.f32 v18, v0;
	_ =	sdelay $0x1  }
0x387: {  	v0 =	vadd.f32 v0, v19;
	_ =	sdelay $0x1  }
0x388: {  	v20 =	vld [tilespmem:s0+$0x940];
	[tilespmem:s0+$0x930] =	vst v0  }
0x389: {  	v0 =	vld [tilespmem:$0x1C0];
	_ =	sdelay $0x1  }
0x38a: {  	v21 =	vld [tilespmem:s0+$0x8940];
	_ =	sdelay $0x2  }
0x38b: {  	v0 =	vsub.f32 v20, v0;
	_ =	sdelay $0x1  }
0x38c: {  	v0 =	vadd.f32 v0, v21;
	_ =	sdelay $0x1  }
0x38d: {  	v22 =	vld [tilespmem:s0+$0x950];
	[tilespmem:s0+$0x940] =	vst v0  }
0x38e: {  	v0 =	vld [tilespmem:$0x1D0];
	_ =	sdelay $0x1  }
0x38f: {  	v23 =	vld [tilespmem:s0+$0x8950];
	_ =	sdelay $0x2  }
0x390: {  	v0 =	vsub.f32 v22, v0;
	_ =	sdelay $0x1  }
0x391: {  	v0 =	vadd.f32 v0, v23;
	_ =	sdelay $0x1  }
0x392: {  	v24 =	vld [tilespmem:s0+$0x960];
	[tilespmem:s0+$0x950] =	vst v0  }
0x393: {  	v0 =	vld [tilespmem:$0x1E0];
	_ =	sdelay $0x1  }
0x394: {  	v25 =	vld [tilespmem:s0+$0x8960];
	_ =	sdelay $0x2  }
0x395: {  	v0 =	vsub.f32 v24, v0;
	_ =	sdelay $0x1  }
0x396: {  	v0 =	vadd.f32 v0, v25;
	_ =	sdelay $0x1  }
0x397: {  	v26 =	vld [tilespmem:s0+$0x970];
	[tilespmem:s0+$0x960] =	vst v0  }
0x398: {  	v0 =	vld [tilespmem:$0x1F0];
	_ =	sdelay $0x1  }
0x399: {  	v27 =	vld [tilespmem:s0+$0x8970];
	_ =	sdelay $0x2  }
0x39a: {  	v0 =	vsub.f32 v26, v0;
	_ =	sdelay $0x1  }
0x39b: {  	v0 =	vadd.f32 v0, v27;
	_ =	sdelay $0x1  }
0x39c: {  	v28 =	vld [tilespmem:s0+$0xD00];
	[tilespmem:s0+$0x970] =	vst v0  }
0x39d: {  	v0 =	vld [tilespmem:$0x200];
	_ =	sdelay $0x1  }
0x39e: {  	v29 =	vld [tilespmem:s0+$0x8D00];
	_ =	sdelay $0x2  }
0x39f: {  	v0 =	vsub.f32 v28, v0;
	_ =	sdelay $0x1  }
0x3a0: {  	v0 =	vadd.f32 v0, v29;
	_ =	sdelay $0x1  }
0x3a1: {  	v30 =	vld [tilespmem:s0+$0xD10];
	[tilespmem:s0+$0xD00] =	vst v0  }
0x3a2: {  	v0 =	vld [tilespmem:$0x210];
	_ =	sdelay $0x1  }
0x3a3: {  	v31 =	vld [tilespmem:s0+$0x8D10];
	_ =	sdelay $0x2  }
0x3a4: {  	v0 =	vsub.f32 v30, v0;
	_ =	sdelay $0x1  }
0x3a5: {  	v0 =	vadd.f32 v0, v31;
	_ =	sdelay $0x1  }
0x3a6: {  	v32 =	vld [tilespmem:s0+$0xD20];
	[tilespmem:s0+$0xD10] =	vst v0  }
0x3a7: {  	v0 =	vld [tilespmem:$0x220];
	_ =	sdelay $0x1  }
0x3a8: {  	v33 =	vld [tilespmem:s0+$0x8D20];
	_ =	sdelay $0x2  }
0x3a9: {  	v0 =	vsub.f32 v32, v0;
	_ =	sdelay $0x1  }
0x3aa: {  	v0 =	vadd.f32 v0, v33;
	_ =	sdelay $0x1  }
0x3ab: {  	v34 =	vld [tilespmem:s0+$0xD30];
	[tilespmem:s0+$0xD20] =	vst v0  }
0x3ac: {  	v0 =	vld [tilespmem:$0x230];
	_ =	sdelay $0x1  }
0x3ad: {  	v35 =	vld [tilespmem:s0+$0x8D30];
	_ =	sdelay $0x2  }
0x3ae: {  	v0 =	vsub.f32 v34, v0;
	_ =	sdelay $0x1  }
0x3af: {  	v0 =	vadd.f32 v0, v35;
	_ =	sdelay $0x1  }
0x3b0: {  	v36 =	vld [tilespmem:s0+$0xD40];
	[tilespmem:s0+$0xD30] =	vst v0  }
0x3b1: {  	v0 =	vld [tilespmem:$0x240];
	_ =	sdelay $0x1  }
0x3b2: {  	v37 =	vld [tilespmem:s0+$0x8D40];
	_ =	sdelay $0x2  }
0x3b3: {  	v0 =	vsub.f32 v36, v0;
	_ =	sdelay $0x1  }
0x3b4: {  	v0 =	vadd.f32 v0, v37;
	_ =	sdelay $0x1  }
0x3b5: {  	v38 =	vld [tilespmem:s0+$0xD50];
	[tilespmem:s0+$0xD40] =	vst v0  }
0x3b6: {  	v0 =	vld [tilespmem:$0x250];
	_ =	sdelay $0x1  }
0x3b7: {  	v39 =	vld [tilespmem:s0+$0x8D50];
	_ =	sdelay $0x2  }
0x3b8: {  	v0 =	vsub.f32 v38, v0;
	_ =	sdelay $0x1  }
0x3b9: {  	v0 =	vadd.f32 v0, v39;
	_ =	sdelay $0x1  }
0x3ba: {  	v40 =	vld [tilespmem:s0+$0xD60];
	[tilespmem:s0+$0xD50] =	vst v0  }
0x3bb: {  	v0 =	vld [tilespmem:$0x260];
	_ =	sdelay $0x1  }
0x3bc: {  	v41 =	vld [tilespmem:s0+$0x8D60];
	_ =	sdelay $0x2  }
0x3bd: {  	v0 =	vsub.f32 v40, v0;
	_ =	sdelay $0x1  }
0x3be: {  	v0 =	vadd.f32 v0, v41;
	_ =	sdelay $0x1  }
0x3bf: {  	v42 =	vld [tilespmem:s0+$0xD70];
	[tilespmem:s0+$0xD60] =	vst v0  }
0x3c0: {  	v0 =	vld [tilespmem:$0x270];
	_ =	sdelay $0x1  }
0x3c1: {  	v43 =	vld [tilespmem:s0+$0x8D70];
	_ =	sdelay $0x2  }
0x3c2: {  	v0 =	vsub.f32 v42, v0;
	_ =	sdelay $0x1  }
0x3c3: {  	v0 =	vadd.f32 v0, v43;
	_ =	sdelay $0x1  }
0x3c4: {  	v44 =	vld [tilespmem:s0+$0x1100];
	[tilespmem:s0+$0xD70] =	vst v0  }
0x3c5: {  	v0 =	vld [tilespmem:$0x280];
	_ =	sdelay $0x1  }
0x3c6: {  	v45 =	vld [tilespmem:s0+$0x9100];
	_ =	sdelay $0x2  }
0x3c7: {  	v0 =	vsub.f32 v44, v0;
	_ =	sdelay $0x1  }
0x3c8: {  	v0 =	vadd.f32 v0, v45;
	_ =	sdelay $0x1  }
0x3c9: {  	v46 =	vld [tilespmem:s0+$0x1110];
	[tilespmem:s0+$0x1100] =	vst v0  }
0x3ca: {  	v0 =	vld [tilespmem:$0x290];
	_ =	sdelay $0x1  }
0x3cb: {  	v47 =	vld [tilespmem:s0+$0x9110];
	_ =	sdelay $0x2  }
0x3cc: {  	v0 =	vsub.f32 v46, v0;
	_ =	sdelay $0x1  }
0x3cd: {  	v0 =	vadd.f32 v0, v47;
	_ =	sdelay $0x1  }
0x3ce: {  	v48 =	vld [tilespmem:s0+$0x1120];
	[tilespmem:s0+$0x1110] =	vst v0  }
0x3cf: {  	v0 =	vld [tilespmem:$0x2A0];
	_ =	sdelay $0x1  }
0x3d0: {  	v49 =	vld [tilespmem:s0+$0x9120];
	_ =	sdelay $0x2  }
0x3d1: {  	v0 =	vsub.f32 v48, v0;
	_ =	sdelay $0x1  }
0x3d2: {  	v0 =	vadd.f32 v0, v49;
	_ =	sdelay $0x1  }
0x3d3: {  	v50 =	vld [tilespmem:s0+$0x1130];
	[tilespmem:s0+$0x1120] =	vst v0  }
0x3d4: {  	v0 =	vld [tilespmem:$0x2B0];
	_ =	sdelay $0x1  }
0x3d5: {  	v51 =	vld [tilespmem:s0+$0x9130];
	_ =	sdelay $0x2  }
0x3d6: {  	v0 =	vsub.f32 v50, v0;
	_ =	sdelay $0x1  }
0x3d7: {  	v0 =	vadd.f32 v0, v51;
	_ =	sdelay $0x1  }
0x3d8: {  	v52 =	vld [tilespmem:s0+$0x1140];
	[tilespmem:s0+$0x1130] =	vst v0  }
0x3d9: {  	v0 =	vld [tilespmem:$0x2C0];
	_ =	sdelay $0x1  }
0x3da: {  	v53 =	vld [tilespmem:s0+$0x9140];
	_ =	sdelay $0x2  }
0x3db: {  	v0 =	vsub.f32 v52, v0;
	_ =	sdelay $0x1  }
0x3dc: {  	v0 =	vadd.f32 v0, v53;
	_ =	sdelay $0x1  }
0x3dd: {  	v54 =	vld [tilespmem:s0+$0x1150];
	[tilespmem:s0+$0x1140] =	vst v0  }
0x3de: {  	v0 =	vld [tilespmem:$0x2D0];
	_ =	sdelay $0x1  }
0x3df: {  	v55 =	vld [tilespmem:s0+$0x9150];
	_ =	sdelay $0x2  }
0x3e0: {  	v0 =	vsub.f32 v54, v0;
	_ =	sdelay $0x1  }
0x3e1: {  	v0 =	vadd.f32 v0, v55;
	_ =	sdelay $0x1  }
0x3e2: {  	v56 =	vld [tilespmem:s0+$0x1160];
	[tilespmem:s0+$0x1150] =	vst v0  }
0x3e3: {  	v0 =	vld [tilespmem:$0x2E0];
	_ =	sdelay $0x1  }
0x3e4: {  	v57 =	vld [tilespmem:s0+$0x9160];
	_ =	sdelay $0x2  }
0x3e5: {  	v0 =	vsub.f32 v56, v0;
	_ =	sdelay $0x1  }
0x3e6: {  	v0 =	vadd.f32 v0, v57;
	_ =	sdelay $0x1  }
0x3e7: {  	v58 =	vld [tilespmem:s0+$0x1170];
	[tilespmem:s0+$0x1160] =	vst v0  }
0x3e8: {  	v0 =	vld [tilespmem:$0x2F0];
	_ =	sdelay $0x1  }
0x3e9: {  	v59 =	vld [tilespmem:s0+$0x9170];
	_ =	sdelay $0x2  }
0x3ea: {  	v0 =	vsub.f32 v58, v0;
	_ =	sdelay $0x1  }
0x3eb: {  	v0 =	vadd.f32 v0, v59;
	_ =	sdelay $0x1  }
0x3ec: {  	v60 =	vld [tilespmem:s0+$0x1500];
	[tilespmem:s0+$0x1170] =	vst v0  }
0x3ed: {  	v0 =	vld [tilespmem:$0x300];
	_ =	sdelay $0x1  }
0x3ee: {  	v61 =	vld [tilespmem:s0+$0x9500];
	_ =	sdelay $0x2  }
0x3ef: {  	v0 =	vsub.f32 v60, v0;
	_ =	sdelay $0x1  }
0x3f0: {  	v0 =	vadd.f32 v0, v61;
	_ =	sdelay $0x1  }
0x3f1: {  	v62 =	vld [tilespmem:s0+$0x1510];
	[tilespmem:s0+$0x1500] =	vst v0  }
0x3f2: {  	v0 =	vld [tilespmem:$0x310];
	_ =	sdelay $0x1  }
0x3f3: {  	v63 =	vld [tilespmem:s0+$0x9510];
	_ =	sdelay $0x2  }
0x3f4: {  	v0 =	vsub.f32 v62, v0;
	_ =	sdelay $0x1  }
0x3f5: {  	v0 =	vadd.f32 v0, v63;
	_ =	sdelay $0x1  }
0x3f6: {  	v4 =	vld [tilespmem:s0+$0x1520];
	[tilespmem:s0+$0x1510] =	vst v0  }
0x3f7: {  	v0 =	vld [tilespmem:$0x320];
	_ =	sdelay $0x1  }
0x3f8: {  	v5 =	vld [tilespmem:s0+$0x9520];
	_ =	sdelay $0x2  }
0x3f9: {  	v0 =	vsub.f32 v4, v0;
	_ =	sdelay $0x1  }
0x3fa: {  	v0 =	vadd.f32 v0, v5;
	_ =	sdelay $0x1  }
0x3fb: {  	v6 =	vld [tilespmem:s0+$0x1530];
	[tilespmem:s0+$0x1520] =	vst v0  }
0x3fc: {  	v0 =	vld [tilespmem:$0x330];
	_ =	sdelay $0x1  }
0x3fd: {  	v7 =	vld [tilespmem:s0+$0x9530];
	_ =	sdelay $0x2  }
0x3fe: {  	v0 =	vsub.f32 v6, v0;
	_ =	sdelay $0x1  }
0x3ff: {  	v0 =	vadd.f32 v0, v7;
	_ =	sdelay $0x1  }
0x400: {  	v8 =	vld [tilespmem:s0+$0x1540];
	[tilespmem:s0+$0x1530] =	vst v0  }
0x401: {  	v0 =	vld [tilespmem:$0x340];
	_ =	sdelay $0x1  }
0x402: {  	v9 =	vld [tilespmem:s0+$0x9540];
	_ =	sdelay $0x2  }
0x403: {  	v0 =	vsub.f32 v8, v0;
	_ =	sdelay $0x1  }
0x404: {  	v0 =	vadd.f32 v0, v9;
	_ =	sdelay $0x1  }
0x405: {  	v10 =	vld [tilespmem:s0+$0x1550];
	[tilespmem:s0+$0x1540] =	vst v0  }
0x406: {  	v0 =	vld [tilespmem:$0x350];
	_ =	sdelay $0x1  }
0x407: {  	v11 =	vld [tilespmem:s0+$0x9550];
	_ =	sdelay $0x2  }
0x408: {  	v0 =	vsub.f32 v10, v0;
	_ =	sdelay $0x1  }
0x409: {  	v0 =	vadd.f32 v0, v11;
	_ =	sdelay $0x1  }
0x40a: {  	v12 =	vld [tilespmem:s0+$0x1560];
	[tilespmem:s0+$0x1550] =	vst v0  }
0x40b: {  	v0 =	vld [tilespmem:$0x360];
	_ =	sdelay $0x1  }
0x40c: {  	v13 =	vld [tilespmem:s0+$0x9560];
	_ =	sdelay $0x2  }
0x40d: {  	v0 =	vsub.f32 v12, v0;
	_ =	sdelay $0x1  }
0x40e: {  	v0 =	vadd.f32 v0, v13;
	_ =	sdelay $0x1  }
0x40f: {  	v14 =	vld [tilespmem:s0+$0x1570];
	[tilespmem:s0+$0x1560] =	vst v0  }
0x410: {  	v0 =	vld [tilespmem:$0x370];
	_ =	sdelay $0x1  }
0x411: {  	v15 =	vld [tilespmem:s0+$0x9570];
	_ =	sdelay $0x2  }
0x412: {  	v0 =	vsub.f32 v14, v0;
	_ =	sdelay $0x1  }
0x413: {  	v0 =	vadd.f32 v0, v15;
	_ =	sdelay $0x1  }
0x414: {  	v16 =	vld [tilespmem:s0+$0x1900];
	[tilespmem:s0+$0x1570] =	vst v0  }
0x415: {  	v0 =	vld [tilespmem:$0x380];
	_ =	sdelay $0x1  }
0x416: {  	v17 =	vld [tilespmem:s0+$0x9900];
	_ =	sdelay $0x2  }
0x417: {  	v0 =	vsub.f32 v16, v0;
	_ =	sdelay $0x1  }
0x418: {  	v0 =	vadd.f32 v0, v17;
	_ =	sdelay $0x1  }
0x419: {  	v18 =	vld [tilespmem:s0+$0x1910];
	[tilespmem:s0+$0x1900] =	vst v0  }
0x41a: {  	v0 =	vld [tilespmem:$0x390];
	_ =	sdelay $0x1  }
0x41b: {  	v19 =	vld [tilespmem:s0+$0x9910];
	_ =	sdelay $0x2  }
0x41c: {  	v0 =	vsub.f32 v18, v0;
	_ =	sdelay $0x1  }
0x41d: {  	v0 =	vadd.f32 v0, v19;
	_ =	sdelay $0x1  }
0x41e: {  	v20 =	vld [tilespmem:s0+$0x1920];
	[tilespmem:s0+$0x1910] =	vst v0  }
0x41f: {  	v0 =	vld [tilespmem:$0x3A0];
	_ =	sdelay $0x1  }
0x420: {  	v21 =	vld [tilespmem:s0+$0x9920];
	_ =	sdelay $0x2  }
0x421: {  	v0 =	vsub.f32 v20, v0;
	_ =	sdelay $0x1  }
0x422: {  	v0 =	vadd.f32 v0, v21;
	_ =	sdelay $0x1  }
0x423: {  	v22 =	vld [tilespmem:s0+$0x1930];
	[tilespmem:s0+$0x1920] =	vst v0  }
0x424: {  	v0 =	vld [tilespmem:$0x3B0];
	_ =	sdelay $0x1  }
0x425: {  	v23 =	vld [tilespmem:s0+$0x9930];
	_ =	sdelay $0x2  }
0x426: {  	v0 =	vsub.f32 v22, v0;
	_ =	sdelay $0x1  }
0x427: {  	v0 =	vadd.f32 v0, v23;
	_ =	sdelay $0x1  }
0x428: {  	v24 =	vld [tilespmem:s0+$0x1940];
	[tilespmem:s0+$0x1930] =	vst v0  }
0x429: {  	v0 =	vld [tilespmem:$0x3C0];
	_ =	sdelay $0x1  }
0x42a: {  	v25 =	vld [tilespmem:s0+$0x9940];
	_ =	sdelay $0x2  }
0x42b: {  	v0 =	vsub.f32 v24, v0;
	_ =	sdelay $0x1  }
0x42c: {  	v0 =	vadd.f32 v0, v25;
	_ =	sdelay $0x1  }
0x42d: {  	v26 =	vld [tilespmem:s0+$0x1950];
	[tilespmem:s0+$0x1940] =	vst v0  }
0x42e: {  	v0 =	vld [tilespmem:$0x3D0];
	_ =	sdelay $0x1  }
0x42f: {  	v27 =	vld [tilespmem:s0+$0x9950];
	_ =	sdelay $0x2  }
0x430: {  	v0 =	vsub.f32 v26, v0;
	_ =	sdelay $0x1  }
0x431: {  	v0 =	vadd.f32 v0, v27;
	_ =	sdelay $0x1  }
0x432: {  	v28 =	vld [tilespmem:s0+$0x1960];
	[tilespmem:s0+$0x1950] =	vst v0  }
0x433: {  	v0 =	vld [tilespmem:$0x3E0];
	_ =	sdelay $0x1  }
0x434: {  	v29 =	vld [tilespmem:s0+$0x9960];
	_ =	sdelay $0x2  }
0x435: {  	v0 =	vsub.f32 v28, v0;
	_ =	sdelay $0x1  }
0x436: {  	v0 =	vadd.f32 v0, v29;
	_ =	sdelay $0x1  }
0x437: {  	v30 =	vld [tilespmem:s0+$0x1970];
	[tilespmem:s0+$0x1960] =	vst v0  }
0x438: {  	v0 =	vld [tilespmem:$0x3F0];
	_ =	sdelay $0x1  }
0x439: {  	v31 =	vld [tilespmem:s0+$0x9970];
	_ =	sdelay $0x2  }
0x43a: {  	v0 =	vsub.f32 v30, v0;
	_ =	sdelay $0x1  }
0x43b: {  	v0 =	vadd.f32 v0, v31;
	_ =	sdelay $0x1  }
0x43c: {  	v32 =	vld [tilespmem:s0+$0x1D00];
	[tilespmem:s0+$0x1970] =	vst v0  }
0x43d: {  	v0 =	vld [tilespmem:$0x400];
	_ =	sdelay $0x1  }
0x43e: {  	v33 =	vld [tilespmem:s0+$0x9D00];
	_ =	sdelay $0x2  }
0x43f: {  	v0 =	vsub.f32 v32, v0;
	_ =	sdelay $0x1  }
0x440: {  	v0 =	vadd.f32 v0, v33;
	_ =	sdelay $0x1  }
0x441: {  	v34 =	vld [tilespmem:s0+$0x1D10];
	[tilespmem:s0+$0x1D00] =	vst v0  }
0x442: {  	v0 =	vld [tilespmem:$0x410];
	_ =	sdelay $0x1  }
0x443: {  	v35 =	vld [tilespmem:s0+$0x9D10];
	_ =	sdelay $0x2  }
0x444: {  	v0 =	vsub.f32 v34, v0;
	_ =	sdelay $0x1  }
0x445: {  	v0 =	vadd.f32 v0, v35;
	_ =	sdelay $0x1  }
0x446: {  	v36 =	vld [tilespmem:s0+$0x1D20];
	[tilespmem:s0+$0x1D10] =	vst v0  }
0x447: {  	v0 =	vld [tilespmem:$0x420];
	_ =	sdelay $0x1  }
0x448: {  	v37 =	vld [tilespmem:s0+$0x9D20];
	_ =	sdelay $0x2  }
0x449: {  	v0 =	vsub.f32 v36, v0;
	_ =	sdelay $0x1  }
0x44a: {  	v0 =	vadd.f32 v0, v37;
	_ =	sdelay $0x1  }
0x44b: {  	v38 =	vld [tilespmem:s0+$0x1D30];
	[tilespmem:s0+$0x1D20] =	vst v0  }
0x44c: {  	v0 =	vld [tilespmem:$0x430];
	_ =	sdelay $0x1  }
0x44d: {  	v39 =	vld [tilespmem:s0+$0x9D30];
	_ =	sdelay $0x2  }
0x44e: {  	v0 =	vsub.f32 v38, v0;
	_ =	sdelay $0x1  }
0x44f: {  	v0 =	vadd.f32 v0, v39;
	_ =	sdelay $0x1  }
0x450: {  	v40 =	vld [tilespmem:s0+$0x1D40];
	[tilespmem:s0+$0x1D30] =	vst v0  }
0x451: {  	v0 =	vld [tilespmem:$0x440];
	_ =	sdelay $0x1  }
0x452: {  	v41 =	vld [tilespmem:s0+$0x9D40];
	_ =	sdelay $0x2  }
0x453: {  	v0 =	vsub.f32 v40, v0;
	_ =	sdelay $0x1  }
0x454: {  	v0 =	vadd.f32 v0, v41;
	_ =	sdelay $0x1  }
0x455: {  	v42 =	vld [tilespmem:s0+$0x1D50];
	[tilespmem:s0+$0x1D40] =	vst v0  }
0x456: {  	v0 =	vld [tilespmem:$0x450];
	_ =	sdelay $0x1  }
0x457: {  	v43 =	vld [tilespmem:s0+$0x9D50];
	_ =	sdelay $0x2  }
0x458: {  	v0 =	vsub.f32 v42, v0;
	_ =	sdelay $0x1  }
0x459: {  	v0 =	vadd.f32 v0, v43;
	_ =	sdelay $0x1  }
0x45a: {  	v44 =	vld [tilespmem:s0+$0x1D60];
	[tilespmem:s0+$0x1D50] =	vst v0  }
0x45b: {  	v0 =	vld [tilespmem:$0x460];
	_ =	sdelay $0x1  }
0x45c: {  	v45 =	vld [tilespmem:s0+$0x9D60];
	_ =	sdelay $0x2  }
0x45d: {  	v0 =	vsub.f32 v44, v0;
	_ =	sdelay $0x1  }
0x45e: {  	v0 =	vadd.f32 v0, v45;
	_ =	sdelay $0x1  }
0x45f: {  	v46 =	vld [tilespmem:s0+$0x1D70];
	[tilespmem:s0+$0x1D60] =	vst v0  }
0x460: {  	v0 =	vld [tilespmem:$0x470];
	_ =	sdelay $0x1  }
0x461: {  	v47 =	vld [tilespmem:s0+$0x9D70];
	_ =	sdelay $0x2  }
0x462: {  	v0 =	vsub.f32 v46, v0;
	_ =	sdelay $0x1  }
0x463: {  	s9 =	sand.u32 $0x7, s28;
	v0 =	vadd.f32 v0, v47  }
0x464: {  	s2 =	sshll.u32 s9, $0x7  }
0x465: {  	s2 =	sadd.s32 s2, s29;
	[tilespmem:s0+$0x1D70] =	vst v0  }
0x466: {  	s10 =	sor.u32 $0x1C00, s2;
	v0 =	vld [tilespmem:$0x480]  }
0x467: {  	v48 =	vld [tilespmem:s10+$0x500];
	_ =	sdelay $0x1  }
0x468: {  	v49 =	vld [tilespmem:s10+$0x8500];
	_ =	sdelay $0x2  }
0x469: {  	v0 =	vsub.f32 v48, v0;
	_ =	sdelay $0x1  }
0x46a: {  	v0 =	vadd.f32 v0, v49;
	_ =	sdelay $0x1  }
0x46b: {  	[tilespmem:s10+$0x500] =	vst v0  }
0x46c: {  	s12 =	sor.u32 $0x1C10, s2;
	v0 =	vld [tilespmem:$0x490]  }
0x46d: {  	v50 =	vld [tilespmem:s12+$0x500];
	_ =	sdelay $0x1  }
0x46e: {  	v51 =	vld [tilespmem:s12+$0x8500];
	_ =	sdelay $0x2  }
0x46f: {  	v0 =	vsub.f32 v50, v0;
	_ =	sdelay $0x1  }
0x470: {  	v0 =	vadd.f32 v0, v51;
	_ =	sdelay $0x1  }
0x471: {  	[tilespmem:s12+$0x500] =	vst v0  }
0x472: {  	s13 =	sor.u32 $0x1C20, s2;
	v0 =	vld [tilespmem:$0x4A0]  }
0x473: {  	v52 =	vld [tilespmem:s13+$0x500];
	_ =	sdelay $0x1  }
0x474: {  	v53 =	vld [tilespmem:s13+$0x8500];
	_ =	sdelay $0x2  }
0x475: {  	v0 =	vsub.f32 v52, v0;
	_ =	sdelay $0x1  }
0x476: {  	v0 =	vadd.f32 v0, v53;
	_ =	sdelay $0x1  }
0x477: {  	[tilespmem:s13+$0x500] =	vst v0  }
0x478: {  	s16 =	sor.u32 $0x1C30, s2;
	v0 =	vld [tilespmem:$0x4B0]  }
0x479: {  	v54 =	vld [tilespmem:s16+$0x500];
	_ =	sdelay $0x1  }
0x47a: {  	v55 =	vld [tilespmem:s16+$0x8500];
	_ =	sdelay $0x2  }
0x47b: {  	v0 =	vsub.f32 v54, v0;
	_ =	sdelay $0x1  }
0x47c: {  	v0 =	vadd.f32 v0, v55;
	_ =	sdelay $0x1  }
0x47d: {  	[tilespmem:s16+$0x500] =	vst v0  }
0x47e: {  	s20 =	sor.u32 $0x1C40, s2;
	v0 =	vld [tilespmem:$0x4C0]  }
0x47f: {  	v56 =	vld [tilespmem:s20+$0x500];
	_ =	sdelay $0x1  }
0x480: {  	v57 =	vld [tilespmem:s20+$0x8500];
	_ =	sdelay $0x2  }
0x481: {  	v0 =	vsub.f32 v56, v0;
	_ =	sdelay $0x1  }
0x482: {  	v0 =	vadd.f32 v0, v57;
	_ =	sdelay $0x1  }
0x483: {  	[tilespmem:s20+$0x500] =	vst v0  }
0x484: {  	s21 =	sor.u32 $0x1C50, s2;
	v0 =	vld [tilespmem:$0x4D0]  }
0x485: {  	v58 =	vld [tilespmem:s21+$0x500];
	_ =	sdelay $0x1  }
0x486: {  	v59 =	vld [tilespmem:s21+$0x8500];
	_ =	sdelay $0x2  }
0x487: {  	v0 =	vsub.f32 v58, v0;
	_ =	sdelay $0x1  }
0x488: {  	v0 =	vadd.f32 v0, v59;
	_ =	sdelay $0x1  }
0x489: {  	[tilespmem:s21+$0x500] =	vst v0  }
0x48a: {  	s22 =	sor.u32 $0x1C60, s2;
	v0 =	vld [tilespmem:$0x4E0]  }
0x48b: {  	v60 =	vld [tilespmem:s22+$0x500];
	_ =	sdelay $0x1  }
0x48c: {  	v61 =	vld [tilespmem:s22+$0x8500];
	_ =	sdelay $0x2  }
0x48d: {  	v0 =	vsub.f32 v60, v0;
	_ =	sdelay $0x1  }
0x48e: {  	v0 =	vadd.f32 v0, v61;
	_ =	sdelay $0x1  }
0x48f: {  	[tilespmem:s22+$0x500] =	vst v0  }
0x490: {  	s31 =	sor.u32 $0x1C70, s2;
	v0 =	vld [tilespmem:$0x4F0]  }
0x491: {  	v62 =	vld [tilespmem:s31+$0x500];
	_ =	sdelay $0x1  }
0x492: {  	v63 =	vld [tilespmem:s31+$0x8500];
	_ =	sdelay $0x2  }
.Ltmp11:
0x493: {  	v0 =	vsub.f32 v62, v0;
	(pc) =	sbr.rel .LBB2_11-.Ltmp11, $3  }
0x494: {  	_ = 	snop  }
0x495: {  	v0 =	vadd.f32 v0, v63;
	_ =	sdelay $0x1  }
0x496: {  	[tilespmem:s31+$0x500] =	vst v0  }
.LBB2_12:
0x497: {  	s0 =	sadd.s32 s6, s24  }
0x498: {  	s0 =	sshll.u32 s0, $0x7  }
0x499: {  	s2 =	sadd.s32 s17, s0;
	s0 =	simm.s32 $0x0  }
0x49a: {  	[hbm4b:s2+s0] =	stream.linear.scatter [tilespmem:s15], [sflag:$0x5], $0x4000, $0x38;
	[tilespmem:$0x10500] =	vst v63  }
0x49b: {  	_ =	swait.ge [sflag:s18], $0x4000  }
0x49c: {  	[sflag:s18] =	ssyncset.done $0x0  }
0x49d: {  	s8 =	simm.s32 $0x100;
	[sflag:s18] =	ssyncadd.s32 $0xFFFFC000  }
0x49e: {  	v0 =	vld [tilespmem:s8+$0x0];
	_ =	sdelay $0x2  }
0x49f: {  	s31 =	sand.u32 $0x70, s0;
	s3 =	sand.u32 $0x1C00, s0  }
0x4a0: {  	s2 =	sor.u32 s31, s3  }
0x4a1: {  	[tilespmem:s2+$0x4500] =	vst.add.f32.msk $0xffff, v0  }
0x4a2: {  	[tilespmem:s2+$0x4580] =	vst.add.f32.msk $0xffff, v0  }
0x4a3: {  	[tilespmem:s2+$0x4600] =	vst.add.f32.msk $0xffff, v0  }
0x4a4: {  	s10 =	simm.s32 $0x10;
	s9 =	simm.s32 $0x0;
	[tilespmem:s2+$0x4680] =	vst.add.f32.msk $0xffff, v0  }
.LBB2_13:
0x4a5: {  	p0 =	sne.s32 s10, $0x3F0;
	[tilespmem:s2+$0x4700] =	vst.add.f32.msk $0xffff, v0  }
0x4a6: {  	s3 =	sor.u32 s9, s0;
	s0 =	smov.u32 s10;
	[tilespmem:s2+$0x4780] =	vst.add.f32.msk $0xffff, v0  }
0x4a7: {  	s3 =	sor.u32 $0x380, s3;
	[tilespmem:s2+$0x4800] =	vst.add.f32.msk $0xffff, v0  }
0x4a8: {  	[tilespmem:s3+$0x4500] =	vst.add.f32.msk $0xffff, v0  }
0x4a9: {  	[tilespmem:s2+$0x6500] =	vst.add.f32.msk $0xffff, v0  }
0x4aa: {  	[tilespmem:s2+$0x6580] =	vst.add.f32.msk $0xffff, v0  }
0x4ab: {  	[tilespmem:s2+$0x6600] =	vst.add.f32.msk $0xffff, v0  }
0x4ac: {  	[tilespmem:s2+$0x6680] =	vst.add.f32.msk $0xffff, v0  }
0x4ad: {  	[tilespmem:s2+$0x6700] =	vst.add.f32.msk $0xffff, v0  }
0x4ae: {  	[tilespmem:s2+$0x6780] =	vst.add.f32.msk $0xffff, v0  }
0x4af: {  	[tilespmem:s2+$0x6800] =	vst.add.f32.msk $0xffff, v0  }
0x4b0: {  	s8 =	sadd.s32 $0x10, s8;
	[tilespmem:s2+$0x6880] =	vst.add.f32.msk $0xffff, v0  }
0x4b1: {  	v0 =	vld [tilespmem:s8+$0x0];
	_ =	sdelay $0x1  }
0x4b2: {  	s9 =	sadd.s32 $0x80, s9  }
0x4b3: {  	s3 =	sand.u32 $0x1C00, s9;
	s2 =	sand.u32 $0x70, s10  }
.Ltmp12:
0x4b4: {  	s2 =	sor.u32 s2, s3;
	(pc) =	sbr.rel @p0 .LBB2_13-.Ltmp12, $4  }
0x4b5: {  	[tilespmem:s2+$0x4500] =	vst.add.f32.msk $0xffff, v0  }
0x4b6: {  	[tilespmem:s2+$0x4580] =	vst.add.f32.msk $0xffff, v0  }
0x4b7: {  	[tilespmem:s2+$0x4600] =	vst.add.f32.msk $0xffff, v0  }
0x4b8: {  	s10 =	sadd.s32 $0x10, s10;
	[tilespmem:s2+$0x4680] =	vst.add.f32.msk $0xffff, v0  }
0x4b9: {  	[tilespmem:s2+$0x4700] =	vst.add.f32.msk $0xffff, v0  }
0x4ba: {  	[tilespmem:s2+$0x4780] =	vst.add.f32.msk $0xffff, v0;
	s0 =	sor.u32 s9, s0  }
0x4bb: {  	[tilespmem:s2+$0x4800] =	vst.add.f32.msk $0xffff, v0;
	s0 =	sor.u32 $0x380, s0  }
0x4bc: {  	[tilespmem:s0+$0x4500] =	vst.add.f32.msk $0xffff, v0;
	s0 =	sld [smem:$0x90]  }
0x4bd: {  	[tilespmem:s2+$0x6500] =	vst.add.f32.msk $0xffff, v0  }
0x4be: {  	[tilespmem:s2+$0x6580] =	vst.add.f32.msk $0xffff, v0  }
0x4bf: {  	[tilespmem:s2+$0x6600] =	vst.add.f32.msk $0xffff, v0;
	p0 =	slt.s32 s0, $0x1  }
.Ltmp13:
0x4c0: {  	[tilespmem:s2+$0x6680] =	vst.add.f32.msk $0xffff, v0;
	(pc) =	sbr.rel @p0 .LBB2_18-.Ltmp13, $4  }
0x4c1: {  	[tilespmem:s2+$0x6700] =	vst.add.f32.msk $0xffff, v0  }
0x4c2: {  	[tilespmem:s2+$0x6780] =	vst.add.f32.msk $0xffff, v0  }
0x4c3: {  	[tilespmem:s2+$0x6800] =	vst.add.f32.msk $0xffff, v0  }
0x4c4: {  	[tilespmem:s2+$0x6880] =	vst.add.f32.msk $0xffff, v0  }
0x4c5: {  	p0 =	sne.s32 s0, $0x1  }
.Ltmp14:
0x4c6: {  	_ = 	snop;
	(pc) =	sbr.rel @!p0 .LBB2_17-.Ltmp14, $3  }
0x4c7: {  	_ =	sdelay $0x1  }
0x4c8: {  	_ =	swait.ge [sflag:s19], $0x400  }
0x4c9: {  	s0 =	sadd.s32 $0xFFFFFFFF, s0;
	[sflag:s19] =	ssyncset.done $0x0  }
.LBB2_16:
0x4ca: {  	p0 =	sne.s32 s0, $0x1;
	s0 =	sadd.s32 $0xFFFFFFFF, s0;
	[sflag:s19] =	ssyncadd.s32 $0xFFFFFC00  }
.Ltmp15:
0x4cb: {  	(pc) =	sbr.rel @p0 .LBB2_16-.Ltmp15, $3  }
0x4cc: {  	_ =	sdelay $0x1  }
0x4cd: {  	_ =	swait.ge [sflag:s19], $0x400  }
0x4ce: {  	[sflag:s19] =	ssyncset.done $0x0  }
.LBB2_17:
0x4cf: {  	[sflag:s19] =	ssyncadd.s32 $0xFFFFFC00  }
.LBB2_18:
.Ltmp16:
0x4d0: {  	(pc) =	sbr.rel .LBB2_19-.Ltmp16, $3  }
0x4d1: {  	_ =	sdelay $0x1  }
0x4d2: {  	s24 =	simm.s32 $0x0  }
0x4d3: {  	s26 =	simm.s32 $0x80;
	s28 =	simm.s32 $0x0;
	s29 =	simm.s32 $0x0  }
.LBB2_21:
0x4d4: {  	s29 =	sadd.s32 $0x80, s29  }
0x4d5: {  	p0 =	sne.s32 s29, $0x800  }
.Ltmp17:
0x4d6: {  	_ = 	snop;
	(pc) =	sbr.rel @!p0 .LBB2_22-.Ltmp17, $2  }
0x4d7: {  	_ =	sdelay $0x2  }
0x4d8: {  	s28 =	sadd.s32 $0x400, s28;
	s24 =	sadd.s32 $0x1, s24;
	s26 =	sadd.s32 $0x1, s26  }
.LBB2_19:
0x4d9: {  	s0 =	sld [smem:s26+$0x0];
	_ =	sdelay $0x2  }
0x4da: {  	p0 =	seq.s32 s0, $0x0  }
.Ltmp18:
0x4db: {  	_ = 	snop;
	(pc) =	sbr.rel @p0 .LBB2_21-.Ltmp18, $1  }
0x4dc: {  	_ =	sdelay $0x3  }
0x4dd: {  	s0 =	sand.u32 $0x2000, s28;
	s2 =	sand.u32 $0x380, s29  }
0x4de: {  	v0 =	vld [tilespmem:$0x100];
	s0 =	sor.u32 s2, s0  }
0x4df: {  	v1 =	vld [tilespmem:s0+$0x4500];
	_ =	sdelay $0x1  }
0x4e0: {  	v2 =	vld [tilespmem:s0+$0xC500];
	_ =	sdelay $0x2  }
0x4e1: {  	v0 =	vsub.f32 v1, v0;
	_ =	sdelay $0x1  }
0x4e2: {  	v0 =	vadd.f32 v0, v2;
	_ =	sdelay $0x1  }
0x4e3: {  	v58 =	vld [tilespmem:s0+$0x4510];
	[tilespmem:s0+$0x4500] =	vst v0  }
0x4e4: {  	v0 =	vld [tilespmem:$0x110];
	_ =	sdelay $0x1  }
0x4e5: {  	v59 =	vld [tilespmem:s0+$0xC510];
	_ =	sdelay $0x2  }
0x4e6: {  	v0 =	vsub.f32 v58, v0;
	_ =	sdelay $0x1  }
0x4e7: {  	v0 =	vadd.f32 v0, v59;
	_ =	sdelay $0x1  }
0x4e8: {  	v60 =	vld [tilespmem:s0+$0x4520];
	[tilespmem:s0+$0x4510] =	vst v0  }
0x4e9: {  	v0 =	vld [tilespmem:$0x120];
	_ =	sdelay $0x1  }
0x4ea: {  	v61 =	vld [tilespmem:s0+$0xC520];
	_ =	sdelay $0x2  }
0x4eb: {  	v0 =	vsub.f32 v60, v0;
	_ =	sdelay $0x1  }
0x4ec: {  	v0 =	vadd.f32 v0, v61;
	_ =	sdelay $0x1  }
0x4ed: {  	v62 =	vld [tilespmem:s0+$0x4530];
	[tilespmem:s0+$0x4520] =	vst v0  }
0x4ee: {  	v0 =	vld [tilespmem:$0x130];
	_ =	sdelay $0x1  }
0x4ef: {  	v63 =	vld [tilespmem:s0+$0xC530];
	_ =	sdelay $0x2  }
0x4f0: {  	v0 =	vsub.f32 v62, v0;
	_ =	sdelay $0x1  }
0x4f1: {  	v0 =	vadd.f32 v0, v63;
	_ =	sdelay $0x1  }
0x4f2: {  	v4 =	vld [tilespmem:s0+$0x4540];
	[tilespmem:s0+$0x4530] =	vst v0  }
0x4f3: {  	v0 =	vld [tilespmem:$0x140];
	_ =	sdelay $0x1  }
0x4f4: {  	v5 =	vld [tilespmem:s0+$0xC540];
	_ =	sdelay $0x2  }
0x4f5: {  	v0 =	vsub.f32 v4, v0;
	_ =	sdelay $0x1  }
0x4f6: {  	v0 =	vadd.f32 v0, v5;
	_ =	sdelay $0x1  }
0x4f7: {  	v6 =	vld [tilespmem:s0+$0x4550];
	[tilespmem:s0+$0x4540] =	vst v0  }
0x4f8: {  	v0 =	vld [tilespmem:$0x150];
	_ =	sdelay $0x1  }
0x4f9: {  	v7 =	vld [tilespmem:s0+$0xC550];
	_ =	sdelay $0x2  }
0x4fa: {  	v0 =	vsub.f32 v6, v0;
	_ =	sdelay $0x1  }
0x4fb: {  	v0 =	vadd.f32 v0, v7;
	_ =	sdelay $0x1  }
0x4fc: {  	v8 =	vld [tilespmem:s0+$0x4560];
	[tilespmem:s0+$0x4550] =	vst v0  }
0x4fd: {  	v0 =	vld [tilespmem:$0x160];
	_ =	sdelay $0x1  }
0x4fe: {  	v9 =	vld [tilespmem:s0+$0xC560];
	_ =	sdelay $0x2  }
0x4ff: {  	v0 =	vsub.f32 v8, v0;
	_ =	sdelay $0x1  }
0x500: {  	v0 =	vadd.f32 v0, v9;
	_ =	sdelay $0x1  }
0x501: {  	v10 =	vld [tilespmem:s0+$0x4570];
	[tilespmem:s0+$0x4560] =	vst v0  }
0x502: {  	v0 =	vld [tilespmem:$0x170];
	_ =	sdelay $0x1  }
0x503: {  	v11 =	vld [tilespmem:s0+$0xC570];
	_ =	sdelay $0x2  }
0x504: {  	v0 =	vsub.f32 v10, v0;
	_ =	sdelay $0x1  }
0x505: {  	v0 =	vadd.f32 v0, v11;
	_ =	sdelay $0x1  }
0x506: {  	v12 =	vld [tilespmem:s0+$0x4900];
	[tilespmem:s0+$0x4570] =	vst v0  }
0x507: {  	v0 =	vld [tilespmem:$0x180];
	_ =	sdelay $0x1  }
0x508: {  	v13 =	vld [tilespmem:s0+$0xC900];
	_ =	sdelay $0x2  }
0x509: {  	v0 =	vsub.f32 v12, v0;
	_ =	sdelay $0x1  }
0x50a: {  	v0 =	vadd.f32 v0, v13;
	_ =	sdelay $0x1  }
0x50b: {  	v14 =	vld [tilespmem:s0+$0x4910];
	[tilespmem:s0+$0x4900] =	vst v0  }
0x50c: {  	v0 =	vld [tilespmem:$0x190];
	_ =	sdelay $0x1  }
0x50d: {  	v15 =	vld [tilespmem:s0+$0xC910];
	_ =	sdelay $0x2  }
0x50e: {  	v0 =	vsub.f32 v14, v0;
	_ =	sdelay $0x1  }
0x50f: {  	v0 =	vadd.f32 v0, v15;
	_ =	sdelay $0x1  }
0x510: {  	v16 =	vld [tilespmem:s0+$0x4920];
	[tilespmem:s0+$0x4910] =	vst v0  }
0x511: {  	v0 =	vld [tilespmem:$0x1A0];
	_ =	sdelay $0x1  }
0x512: {  	v17 =	vld [tilespmem:s0+$0xC920];
	_ =	sdelay $0x2  }
0x513: {  	v0 =	vsub.f32 v16, v0;
	_ =	sdelay $0x1  }
0x514: {  	v0 =	vadd.f32 v0, v17;
	_ =	sdelay $0x1  }
0x515: {  	v18 =	vld [tilespmem:s0+$0x4930];
	[tilespmem:s0+$0x4920] =	vst v0  }
0x516: {  	v0 =	vld [tilespmem:$0x1B0];
	_ =	sdelay $0x1  }
0x517: {  	v19 =	vld [tilespmem:s0+$0xC930];
	_ =	sdelay $0x2  }
0x518: {  	v0 =	vsub.f32 v18, v0;
	_ =	sdelay $0x1  }
0x519: {  	v0 =	vadd.f32 v0, v19;
	_ =	sdelay $0x1  }
0x51a: {  	v20 =	vld [tilespmem:s0+$0x4940];
	[tilespmem:s0+$0x4930] =	vst v0  }
0x51b: {  	v0 =	vld [tilespmem:$0x1C0];
	_ =	sdelay $0x1  }
0x51c: {  	v21 =	vld [tilespmem:s0+$0xC940];
	_ =	sdelay $0x2  }
0x51d: {  	v0 =	vsub.f32 v20, v0;
	_ =	sdelay $0x1  }
0x51e: {  	v0 =	vadd.f32 v0, v21;
	_ =	sdelay $0x1  }
0x51f: {  	v22 =	vld [tilespmem:s0+$0x4950];
	[tilespmem:s0+$0x4940] =	vst v0  }
0x520: {  	v0 =	vld [tilespmem:$0x1D0];
	_ =	sdelay $0x1  }
0x521: {  	v23 =	vld [tilespmem:s0+$0xC950];
	_ =	sdelay $0x2  }
0x522: {  	v0 =	vsub.f32 v22, v0;
	_ =	sdelay $0x1  }
0x523: {  	v0 =	vadd.f32 v0, v23;
	_ =	sdelay $0x1  }
0x524: {  	v24 =	vld [tilespmem:s0+$0x4960];
	[tilespmem:s0+$0x4950] =	vst v0  }
0x525: {  	v0 =	vld [tilespmem:$0x1E0];
	_ =	sdelay $0x1  }
0x526: {  	v25 =	vld [tilespmem:s0+$0xC960];
	_ =	sdelay $0x2  }
0x527: {  	v0 =	vsub.f32 v24, v0;
	_ =	sdelay $0x1  }
0x528: {  	v0 =	vadd.f32 v0, v25;
	_ =	sdelay $0x1  }
0x529: {  	v26 =	vld [tilespmem:s0+$0x4970];
	[tilespmem:s0+$0x4960] =	vst v0  }
0x52a: {  	v0 =	vld [tilespmem:$0x1F0];
	_ =	sdelay $0x1  }
0x52b: {  	v27 =	vld [tilespmem:s0+$0xC970];
	_ =	sdelay $0x2  }
0x52c: {  	v0 =	vsub.f32 v26, v0;
	_ =	sdelay $0x1  }
0x52d: {  	v0 =	vadd.f32 v0, v27;
	_ =	sdelay $0x1  }
0x52e: {  	v28 =	vld [tilespmem:s0+$0x4D00];
	[tilespmem:s0+$0x4970] =	vst v0  }
0x52f: {  	v0 =	vld [tilespmem:$0x200];
	_ =	sdelay $0x1  }
0x530: {  	v29 =	vld [tilespmem:s0+$0xCD00];
	_ =	sdelay $0x2  }
0x531: {  	v0 =	vsub.f32 v28, v0;
	_ =	sdelay $0x1  }
0x532: {  	v0 =	vadd.f32 v0, v29;
	_ =	sdelay $0x1  }
0x533: {  	v30 =	vld [tilespmem:s0+$0x4D10];
	[tilespmem:s0+$0x4D00] =	vst v0  }
0x534: {  	v0 =	vld [tilespmem:$0x210];
	_ =	sdelay $0x1  }
0x535: {  	v31 =	vld [tilespmem:s0+$0xCD10];
	_ =	sdelay $0x2  }
0x536: {  	v0 =	vsub.f32 v30, v0;
	_ =	sdelay $0x1  }
0x537: {  	v0 =	vadd.f32 v0, v31;
	_ =	sdelay $0x1  }
0x538: {  	v32 =	vld [tilespmem:s0+$0x4D20];
	[tilespmem:s0+$0x4D10] =	vst v0  }
0x539: {  	v0 =	vld [tilespmem:$0x220];
	_ =	sdelay $0x1  }
0x53a: {  	v33 =	vld [tilespmem:s0+$0xCD20];
	_ =	sdelay $0x2  }
0x53b: {  	v0 =	vsub.f32 v32, v0;
	_ =	sdelay $0x1  }
0x53c: {  	v0 =	vadd.f32 v0, v33;
	_ =	sdelay $0x1  }
0x53d: {  	v34 =	vld [tilespmem:s0+$0x4D30];
	[tilespmem:s0+$0x4D20] =	vst v0  }
0x53e: {  	v0 =	vld [tilespmem:$0x230];
	_ =	sdelay $0x1  }
0x53f: {  	v35 =	vld [tilespmem:s0+$0xCD30];
	_ =	sdelay $0x2  }
0x540: {  	v0 =	vsub.f32 v34, v0;
	_ =	sdelay $0x1  }
0x541: {  	v0 =	vadd.f32 v0, v35;
	_ =	sdelay $0x1  }
0x542: {  	v36 =	vld [tilespmem:s0+$0x4D40];
	[tilespmem:s0+$0x4D30] =	vst v0  }
0x543: {  	v0 =	vld [tilespmem:$0x240];
	_ =	sdelay $0x1  }
0x544: {  	v37 =	vld [tilespmem:s0+$0xCD40];
	_ =	sdelay $0x2  }
0x545: {  	v0 =	vsub.f32 v36, v0;
	_ =	sdelay $0x1  }
0x546: {  	v0 =	vadd.f32 v0, v37;
	_ =	sdelay $0x1  }
0x547: {  	v38 =	vld [tilespmem:s0+$0x4D50];
	[tilespmem:s0+$0x4D40] =	vst v0  }
0x548: {  	v0 =	vld [tilespmem:$0x250];
	_ =	sdelay $0x1  }
0x549: {  	v39 =	vld [tilespmem:s0+$0xCD50];
	_ =	sdelay $0x2  }
0x54a: {  	v0 =	vsub.f32 v38, v0;
	_ =	sdelay $0x1  }
0x54b: {  	v0 =	vadd.f32 v0, v39;
	_ =	sdelay $0x1  }
0x54c: {  	v40 =	vld [tilespmem:s0+$0x4D60];
	[tilespmem:s0+$0x4D50] =	vst v0  }
0x54d: {  	v0 =	vld [tilespmem:$0x260];
	_ =	sdelay $0x1  }
0x54e: {  	v41 =	vld [tilespmem:s0+$0xCD60];
	_ =	sdelay $0x2  }
0x54f: {  	v0 =	vsub.f32 v40, v0;
	_ =	sdelay $0x1  }
0x550: {  	v0 =	vadd.f32 v0, v41;
	_ =	sdelay $0x1  }
0x551: {  	v42 =	vld [tilespmem:s0+$0x4D70];
	[tilespmem:s0+$0x4D60] =	vst v0  }
0x552: {  	v0 =	vld [tilespmem:$0x270];
	_ =	sdelay $0x1  }
0x553: {  	v43 =	vld [tilespmem:s0+$0xCD70];
	_ =	sdelay $0x2  }
0x554: {  	v0 =	vsub.f32 v42, v0;
	_ =	sdelay $0x1  }
0x555: {  	v0 =	vadd.f32 v0, v43;
	_ =	sdelay $0x1  }
0x556: {  	v44 =	vld [tilespmem:s0+$0x5100];
	[tilespmem:s0+$0x4D70] =	vst v0  }
0x557: {  	v0 =	vld [tilespmem:$0x280];
	_ =	sdelay $0x1  }
0x558: {  	v45 =	vld [tilespmem:s0+$0xD100];
	_ =	sdelay $0x2  }
0x559: {  	v0 =	vsub.f32 v44, v0;
	_ =	sdelay $0x1  }
0x55a: {  	v0 =	vadd.f32 v0, v45;
	_ =	sdelay $0x1  }
0x55b: {  	v46 =	vld [tilespmem:s0+$0x5110];
	[tilespmem:s0+$0x5100] =	vst v0  }
0x55c: {  	v0 =	vld [tilespmem:$0x290];
	_ =	sdelay $0x1  }
0x55d: {  	v47 =	vld [tilespmem:s0+$0xD110];
	_ =	sdelay $0x2  }
0x55e: {  	v0 =	vsub.f32 v46, v0;
	_ =	sdelay $0x1  }
0x55f: {  	v0 =	vadd.f32 v0, v47;
	_ =	sdelay $0x1  }
0x560: {  	v48 =	vld [tilespmem:s0+$0x5120];
	[tilespmem:s0+$0x5110] =	vst v0  }
0x561: {  	v0 =	vld [tilespmem:$0x2A0];
	_ =	sdelay $0x1  }
0x562: {  	v49 =	vld [tilespmem:s0+$0xD120];
	_ =	sdelay $0x2  }
0x563: {  	v0 =	vsub.f32 v48, v0;
	_ =	sdelay $0x1  }
0x564: {  	v0 =	vadd.f32 v0, v49;
	_ =	sdelay $0x1  }
0x565: {  	v50 =	vld [tilespmem:s0+$0x5130];
	[tilespmem:s0+$0x5120] =	vst v0  }
0x566: {  	v0 =	vld [tilespmem:$0x2B0];
	_ =	sdelay $0x1  }
0x567: {  	v51 =	vld [tilespmem:s0+$0xD130];
	_ =	sdelay $0x2  }
0x568: {  	v0 =	vsub.f32 v50, v0;
	_ =	sdelay $0x1  }
0x569: {  	v0 =	vadd.f32 v0, v51;
	_ =	sdelay $0x1  }
0x56a: {  	v52 =	vld [tilespmem:s0+$0x5140];
	[tilespmem:s0+$0x5130] =	vst v0  }
0x56b: {  	v0 =	vld [tilespmem:$0x2C0];
	_ =	sdelay $0x1  }
0x56c: {  	v53 =	vld [tilespmem:s0+$0xD140];
	_ =	sdelay $0x2  }
0x56d: {  	v0 =	vsub.f32 v52, v0;
	_ =	sdelay $0x1  }
0x56e: {  	v0 =	vadd.f32 v0, v53;
	_ =	sdelay $0x1  }
0x56f: {  	v54 =	vld [tilespmem:s0+$0x5150];
	[tilespmem:s0+$0x5140] =	vst v0  }
0x570: {  	v0 =	vld [tilespmem:$0x2D0];
	_ =	sdelay $0x1  }
0x571: {  	v55 =	vld [tilespmem:s0+$0xD150];
	_ =	sdelay $0x2  }
0x572: {  	v0 =	vsub.f32 v54, v0;
	_ =	sdelay $0x1  }
0x573: {  	v0 =	vadd.f32 v0, v55;
	_ =	sdelay $0x1  }
0x574: {  	v56 =	vld [tilespmem:s0+$0x5160];
	[tilespmem:s0+$0x5150] =	vst v0  }
0x575: {  	v0 =	vld [tilespmem:$0x2E0];
	_ =	sdelay $0x1  }
0x576: {  	v57 =	vld [tilespmem:s0+$0xD160];
	_ =	sdelay $0x2  }
0x577: {  	v0 =	vsub.f32 v56, v0;
	_ =	sdelay $0x1  }
0x578: {  	v0 =	vadd.f32 v0, v57;
	_ =	sdelay $0x1  }
0x579: {  	v58 =	vld [tilespmem:s0+$0x5170];
	[tilespmem:s0+$0x5160] =	vst v0  }
0x57a: {  	v0 =	vld [tilespmem:$0x2F0];
	_ =	sdelay $0x1  }
0x57b: {  	v59 =	vld [tilespmem:s0+$0xD170];
	_ =	sdelay $0x2  }
0x57c: {  	v0 =	vsub.f32 v58, v0;
	_ =	sdelay $0x1  }
0x57d: {  	v0 =	vadd.f32 v0, v59;
	_ =	sdelay $0x1  }
0x57e: {  	v60 =	vld [tilespmem:s0+$0x5500];
	[tilespmem:s0+$0x5170] =	vst v0  }
0x57f: {  	v0 =	vld [tilespmem:$0x300];
	_ =	sdelay $0x1  }
0x580: {  	v61 =	vld [tilespmem:s0+$0xD500];
	_ =	sdelay $0x2  }
0x581: {  	v0 =	vsub.f32 v60, v0;
	_ =	sdelay $0x1  }
0x582: {  	v0 =	vadd.f32 v0, v61;
	_ =	sdelay $0x1  }
0x583: {  	v62 =	vld [tilespmem:s0+$0x5510];
	[tilespmem:s0+$0x5500] =	vst v0  }
0x584: {  	v0 =	vld [tilespmem:$0x310];
	_ =	sdelay $0x1  }
0x585: {  	v63 =	vld [tilespmem:s0+$0xD510];
	_ =	sdelay $0x2  }
0x586: {  	v0 =	vsub.f32 v62, v0;
	_ =	sdelay $0x1  }
0x587: {  	v0 =	vadd.f32 v0, v63;
	_ =	sdelay $0x1  }
0x588: {  	v4 =	vld [tilespmem:s0+$0x5520];
	[tilespmem:s0+$0x5510] =	vst v0  }
0x589: {  	v0 =	vld [tilespmem:$0x320];
	_ =	sdelay $0x1  }
0x58a: {  	v5 =	vld [tilespmem:s0+$0xD520];
	_ =	sdelay $0x2  }
0x58b: {  	v0 =	vsub.f32 v4, v0;
	_ =	sdelay $0x1  }
0x58c: {  	v0 =	vadd.f32 v0, v5;
	_ =	sdelay $0x1  }
0x58d: {  	v6 =	vld [tilespmem:s0+$0x5530];
	[tilespmem:s0+$0x5520] =	vst v0  }
0x58e: {  	v0 =	vld [tilespmem:$0x330];
	_ =	sdelay $0x1  }
0x58f: {  	v7 =	vld [tilespmem:s0+$0xD530];
	_ =	sdelay $0x2  }
0x590: {  	v0 =	vsub.f32 v6, v0;
	_ =	sdelay $0x1  }
0x591: {  	v0 =	vadd.f32 v0, v7;
	_ =	sdelay $0x1  }
0x592: {  	v8 =	vld [tilespmem:s0+$0x5540];
	[tilespmem:s0+$0x5530] =	vst v0  }
0x593: {  	v0 =	vld [tilespmem:$0x340];
	_ =	sdelay $0x1  }
0x594: {  	v9 =	vld [tilespmem:s0+$0xD540];
	_ =	sdelay $0x2  }
0x595: {  	v0 =	vsub.f32 v8, v0;
	_ =	sdelay $0x1  }
0x596: {  	v0 =	vadd.f32 v0, v9;
	_ =	sdelay $0x1  }
0x597: {  	v10 =	vld [tilespmem:s0+$0x5550];
	[tilespmem:s0+$0x5540] =	vst v0  }
0x598: {  	v0 =	vld [tilespmem:$0x350];
	_ =	sdelay $0x1  }
0x599: {  	v11 =	vld [tilespmem:s0+$0xD550];
	_ =	sdelay $0x2  }
0x59a: {  	v0 =	vsub.f32 v10, v0;
	_ =	sdelay $0x1  }
0x59b: {  	v0 =	vadd.f32 v0, v11;
	_ =	sdelay $0x1  }
0x59c: {  	v12 =	vld [tilespmem:s0+$0x5560];
	[tilespmem:s0+$0x5550] =	vst v0  }
0x59d: {  	v0 =	vld [tilespmem:$0x360];
	_ =	sdelay $0x1  }
0x59e: {  	v13 =	vld [tilespmem:s0+$0xD560];
	_ =	sdelay $0x2  }
0x59f: {  	v0 =	vsub.f32 v12, v0;
	_ =	sdelay $0x1  }
0x5a0: {  	v0 =	vadd.f32 v0, v13;
	_ =	sdelay $0x1  }
0x5a1: {  	v14 =	vld [tilespmem:s0+$0x5570];
	[tilespmem:s0+$0x5560] =	vst v0  }
0x5a2: {  	v0 =	vld [tilespmem:$0x370];
	_ =	sdelay $0x1  }
0x5a3: {  	v15 =	vld [tilespmem:s0+$0xD570];
	_ =	sdelay $0x2  }
0x5a4: {  	v0 =	vsub.f32 v14, v0;
	_ =	sdelay $0x1  }
0x5a5: {  	v0 =	vadd.f32 v0, v15;
	_ =	sdelay $0x1  }
0x5a6: {  	v16 =	vld [tilespmem:s0+$0x5900];
	[tilespmem:s0+$0x5570] =	vst v0  }
0x5a7: {  	v0 =	vld [tilespmem:$0x380];
	_ =	sdelay $0x1  }
0x5a8: {  	v17 =	vld [tilespmem:s0+$0xD900];
	_ =	sdelay $0x2  }
0x5a9: {  	v0 =	vsub.f32 v16, v0;
	_ =	sdelay $0x1  }
0x5aa: {  	v0 =	vadd.f32 v0, v17;
	_ =	sdelay $0x1  }
0x5ab: {  	v18 =	vld [tilespmem:s0+$0x5910];
	[tilespmem:s0+$0x5900] =	vst v0  }
0x5ac: {  	v0 =	vld [tilespmem:$0x390];
	_ =	sdelay $0x1  }
0x5ad: {  	v19 =	vld [tilespmem:s0+$0xD910];
	_ =	sdelay $0x2  }
0x5ae: {  	v0 =	vsub.f32 v18, v0;
	_ =	sdelay $0x1  }
0x5af: {  	v0 =	vadd.f32 v0, v19;
	_ =	sdelay $0x1  }
0x5b0: {  	v20 =	vld [tilespmem:s0+$0x5920];
	[tilespmem:s0+$0x5910] =	vst v0  }
0x5b1: {  	v0 =	vld [tilespmem:$0x3A0];
	_ =	sdelay $0x1  }
0x5b2: {  	v21 =	vld [tilespmem:s0+$0xD920];
	_ =	sdelay $0x2  }
0x5b3: {  	v0 =	vsub.f32 v20, v0;
	_ =	sdelay $0x1  }
0x5b4: {  	v0 =	vadd.f32 v0, v21;
	_ =	sdelay $0x1  }
0x5b5: {  	v22 =	vld [tilespmem:s0+$0x5930];
	[tilespmem:s0+$0x5920] =	vst v0  }
0x5b6: {  	v0 =	vld [tilespmem:$0x3B0];
	_ =	sdelay $0x1  }
0x5b7: {  	v23 =	vld [tilespmem:s0+$0xD930];
	_ =	sdelay $0x2  }
0x5b8: {  	v0 =	vsub.f32 v22, v0;
	_ =	sdelay $0x1  }
0x5b9: {  	v0 =	vadd.f32 v0, v23;
	_ =	sdelay $0x1  }
0x5ba: {  	v24 =	vld [tilespmem:s0+$0x5940];
	[tilespmem:s0+$0x5930] =	vst v0  }
0x5bb: {  	v0 =	vld [tilespmem:$0x3C0];
	_ =	sdelay $0x1  }
0x5bc: {  	v25 =	vld [tilespmem:s0+$0xD940];
	_ =	sdelay $0x2  }
0x5bd: {  	v0 =	vsub.f32 v24, v0;
	_ =	sdelay $0x1  }
0x5be: {  	v0 =	vadd.f32 v0, v25;
	_ =	sdelay $0x1  }
0x5bf: {  	v26 =	vld [tilespmem:s0+$0x5950];
	[tilespmem:s0+$0x5940] =	vst v0  }
0x5c0: {  	v0 =	vld [tilespmem:$0x3D0];
	_ =	sdelay $0x1  }
0x5c1: {  	v27 =	vld [tilespmem:s0+$0xD950];
	_ =	sdelay $0x2  }
0x5c2: {  	v0 =	vsub.f32 v26, v0;
	_ =	sdelay $0x1  }
0x5c3: {  	v0 =	vadd.f32 v0, v27;
	_ =	sdelay $0x1  }
0x5c4: {  	v28 =	vld [tilespmem:s0+$0x5960];
	[tilespmem:s0+$0x5950] =	vst v0  }
0x5c5: {  	v0 =	vld [tilespmem:$0x3E0];
	_ =	sdelay $0x1  }
0x5c6: {  	v29 =	vld [tilespmem:s0+$0xD960];
	_ =	sdelay $0x2  }
0x5c7: {  	v0 =	vsub.f32 v28, v0;
	_ =	sdelay $0x1  }
0x5c8: {  	v0 =	vadd.f32 v0, v29;
	_ =	sdelay $0x1  }
0x5c9: {  	v30 =	vld [tilespmem:s0+$0x5970];
	[tilespmem:s0+$0x5960] =	vst v0  }
0x5ca: {  	v0 =	vld [tilespmem:$0x3F0];
	_ =	sdelay $0x1  }
0x5cb: {  	v31 =	vld [tilespmem:s0+$0xD970];
	_ =	sdelay $0x2  }
0x5cc: {  	v0 =	vsub.f32 v30, v0;
	_ =	sdelay $0x1  }
0x5cd: {  	v0 =	vadd.f32 v0, v31;
	_ =	sdelay $0x1  }
0x5ce: {  	v32 =	vld [tilespmem:s0+$0x5D00];
	[tilespmem:s0+$0x5970] =	vst v0  }
0x5cf: {  	v0 =	vld [tilespmem:$0x400];
	_ =	sdelay $0x1  }
0x5d0: {  	v33 =	vld [tilespmem:s0+$0xDD00];
	_ =	sdelay $0x2  }
0x5d1: {  	v0 =	vsub.f32 v32, v0;
	_ =	sdelay $0x1  }
0x5d2: {  	v0 =	vadd.f32 v0, v33;
	_ =	sdelay $0x1  }
0x5d3: {  	v34 =	vld [tilespmem:s0+$0x5D10];
	[tilespmem:s0+$0x5D00] =	vst v0  }
0x5d4: {  	v0 =	vld [tilespmem:$0x410];
	_ =	sdelay $0x1  }
0x5d5: {  	v35 =	vld [tilespmem:s0+$0xDD10];
	_ =	sdelay $0x2  }
0x5d6: {  	v0 =	vsub.f32 v34, v0;
	_ =	sdelay $0x1  }
0x5d7: {  	v0 =	vadd.f32 v0, v35;
	_ =	sdelay $0x1  }
0x5d8: {  	v36 =	vld [tilespmem:s0+$0x5D20];
	[tilespmem:s0+$0x5D10] =	vst v0  }
0x5d9: {  	v0 =	vld [tilespmem:$0x420];
	_ =	sdelay $0x1  }
0x5da: {  	v37 =	vld [tilespmem:s0+$0xDD20];
	_ =	sdelay $0x2  }
0x5db: {  	v0 =	vsub.f32 v36, v0;
	_ =	sdelay $0x1  }
0x5dc: {  	v0 =	vadd.f32 v0, v37;
	_ =	sdelay $0x1  }
0x5dd: {  	v38 =	vld [tilespmem:s0+$0x5D30];
	[tilespmem:s0+$0x5D20] =	vst v0  }
0x5de: {  	v0 =	vld [tilespmem:$0x430];
	_ =	sdelay $0x1  }
0x5df: {  	v39 =	vld [tilespmem:s0+$0xDD30];
	_ =	sdelay $0x2  }
0x5e0: {  	v0 =	vsub.f32 v38, v0;
	_ =	sdelay $0x1  }
0x5e1: {  	v0 =	vadd.f32 v0, v39;
	_ =	sdelay $0x1  }
0x5e2: {  	v40 =	vld [tilespmem:s0+$0x5D40];
	[tilespmem:s0+$0x5D30] =	vst v0  }
0x5e3: {  	v0 =	vld [tilespmem:$0x440];
	_ =	sdelay $0x1  }
0x5e4: {  	v41 =	vld [tilespmem:s0+$0xDD40];
	_ =	sdelay $0x2  }
0x5e5: {  	v0 =	vsub.f32 v40, v0;
	_ =	sdelay $0x1  }
0x5e6: {  	v0 =	vadd.f32 v0, v41;
	_ =	sdelay $0x1  }
0x5e7: {  	v42 =	vld [tilespmem:s0+$0x5D50];
	[tilespmem:s0+$0x5D40] =	vst v0  }
0x5e8: {  	v0 =	vld [tilespmem:$0x450];
	_ =	sdelay $0x1  }
0x5e9: {  	v43 =	vld [tilespmem:s0+$0xDD50];
	_ =	sdelay $0x2  }
0x5ea: {  	v0 =	vsub.f32 v42, v0;
	_ =	sdelay $0x1  }
0x5eb: {  	v0 =	vadd.f32 v0, v43;
	_ =	sdelay $0x1  }
0x5ec: {  	v44 =	vld [tilespmem:s0+$0x5D60];
	[tilespmem:s0+$0x5D50] =	vst v0  }
0x5ed: {  	v0 =	vld [tilespmem:$0x460];
	_ =	sdelay $0x1  }
0x5ee: {  	v45 =	vld [tilespmem:s0+$0xDD60];
	_ =	sdelay $0x2  }
0x5ef: {  	v0 =	vsub.f32 v44, v0;
	_ =	sdelay $0x1  }
0x5f0: {  	v0 =	vadd.f32 v0, v45;
	_ =	sdelay $0x1  }
0x5f1: {  	v46 =	vld [tilespmem:s0+$0x5D70];
	[tilespmem:s0+$0x5D60] =	vst v0  }
0x5f2: {  	v0 =	vld [tilespmem:$0x470];
	_ =	sdelay $0x1  }
0x5f3: {  	v47 =	vld [tilespmem:s0+$0xDD70];
	_ =	sdelay $0x2  }
0x5f4: {  	v0 =	vsub.f32 v46, v0;
	_ =	sdelay $0x1  }
0x5f5: {  	s10 =	sand.u32 $0x7, s24;
	v0 =	vadd.f32 v0, v47  }
0x5f6: {  	s2 =	sshll.u32 s10, $0x7  }
0x5f7: {  	s2 =	sadd.s32 s2, s28;
	[tilespmem:s0+$0x5D70] =	vst v0  }
0x5f8: {  	s12 =	sor.u32 $0x1C00, s2;
	v0 =	vld [tilespmem:$0x480]  }
0x5f9: {  	v48 =	vld [tilespmem:s12+$0x4500];
	_ =	sdelay $0x1  }
0x5fa: {  	v49 =	vld [tilespmem:s12+$0xC500];
	_ =	sdelay $0x2  }
0x5fb: {  	v0 =	vsub.f32 v48, v0;
	_ =	sdelay $0x1  }
0x5fc: {  	v0 =	vadd.f32 v0, v49;
	_ =	sdelay $0x1  }
0x5fd: {  	[tilespmem:s12+$0x4500] =	vst v0  }
0x5fe: {  	s13 =	sor.u32 $0x1C10, s2;
	v0 =	vld [tilespmem:$0x490]  }
0x5ff: {  	v50 =	vld [tilespmem:s13+$0x4500];
	_ =	sdelay $0x1  }
0x600: {  	v51 =	vld [tilespmem:s13+$0xC500];
	_ =	sdelay $0x2  }
0x601: {  	v0 =	vsub.f32 v50, v0;
	_ =	sdelay $0x1  }
0x602: {  	v0 =	vadd.f32 v0, v51;
	_ =	sdelay $0x1  }
0x603: {  	[tilespmem:s13+$0x4500] =	vst v0  }
0x604: {  	s16 =	sor.u32 $0x1C20, s2;
	v0 =	vld [tilespmem:$0x4A0]  }
0x605: {  	v52 =	vld [tilespmem:s16+$0x4500];
	_ =	sdelay $0x1  }
0x606: {  	v53 =	vld [tilespmem:s16+$0xC500];
	_ =	sdelay $0x2  }
0x607: {  	v0 =	vsub.f32 v52, v0;
	_ =	sdelay $0x1  }
0x608: {  	v0 =	vadd.f32 v0, v53;
	_ =	sdelay $0x1  }
0x609: {  	[tilespmem:s16+$0x4500] =	vst v0  }
0x60a: {  	s20 =	sor.u32 $0x1C30, s2;
	v0 =	vld [tilespmem:$0x4B0]  }
0x60b: {  	v54 =	vld [tilespmem:s20+$0x4500];
	_ =	sdelay $0x1  }
0x60c: {  	v55 =	vld [tilespmem:s20+$0xC500];
	_ =	sdelay $0x2  }
0x60d: {  	v0 =	vsub.f32 v54, v0;
	_ =	sdelay $0x1  }
0x60e: {  	v0 =	vadd.f32 v0, v55;
	_ =	sdelay $0x1  }
0x60f: {  	[tilespmem:s20+$0x4500] =	vst v0  }
0x610: {  	s21 =	sor.u32 $0x1C40, s2;
	v0 =	vld [tilespmem:$0x4C0]  }
0x611: {  	v56 =	vld [tilespmem:s21+$0x4500];
	_ =	sdelay $0x1  }
0x612: {  	v57 =	vld [tilespmem:s21+$0xC500];
	_ =	sdelay $0x2  }
0x613: {  	v0 =	vsub.f32 v56, v0;
	_ =	sdelay $0x1  }
0x614: {  	v0 =	vadd.f32 v0, v57;
	_ =	sdelay $0x1  }
0x615: {  	[tilespmem:s21+$0x4500] =	vst v0  }
0x616: {  	s22 =	sor.u32 $0x1C50, s2;
	v0 =	vld [tilespmem:$0x4D0]  }
0x617: {  	v58 =	vld [tilespmem:s22+$0x4500];
	_ =	sdelay $0x1  }
0x618: {  	v59 =	vld [tilespmem:s22+$0xC500];
	_ =	sdelay $0x2  }
0x619: {  	v0 =	vsub.f32 v58, v0;
	_ =	sdelay $0x1  }
0x61a: {  	v0 =	vadd.f32 v0, v59;
	_ =	sdelay $0x1  }
0x61b: {  	[tilespmem:s22+$0x4500] =	vst v0  }
0x61c: {  	s30 =	sor.u32 $0x1C60, s2;
	v0 =	vld [tilespmem:$0x4E0]  }
0x61d: {  	v60 =	vld [tilespmem:s30+$0x4500];
	_ =	sdelay $0x1  }
0x61e: {  	v61 =	vld [tilespmem:s30+$0xC500];
	_ =	sdelay $0x2  }
0x61f: {  	v0 =	vsub.f32 v60, v0;
	_ =	sdelay $0x1  }
0x620: {  	v0 =	vadd.f32 v0, v61;
	_ =	sdelay $0x1  }
0x621: {  	[tilespmem:s30+$0x4500] =	vst v0  }
0x622: {  	s31 =	sor.u32 $0x1C70, s2;
	v0 =	vld [tilespmem:$0x4F0]  }
0x623: {  	v62 =	vld [tilespmem:s31+$0x4500];
	_ =	sdelay $0x1  }
0x624: {  	v63 =	vld [tilespmem:s31+$0xC500];
	_ =	sdelay $0x2  }
.Ltmp19:
0x625: {  	v0 =	vsub.f32 v62, v0;
	(pc) =	sbr.rel .LBB2_21-.Ltmp19, $3  }
0x626: {  	_ = 	snop  }
0x627: {  	v0 =	vadd.f32 v0, v63;
	_ =	sdelay $0x1  }
0x628: {  	[tilespmem:s31+$0x4500] =	vst v0  }
.LBB2_24:
0x629: {  	_ =	sfence.sel $0x180000  }
0x62a: {  	[bflag:$0x0] =	sbarrier.arrive $0xFFFF  }
0x62b: {  	_ =	strace $0x90000047  }
0x62c: {  	s0 =	stileid.u32;
	[bflag:$0x2] =	sbarrier.arrive $0xFFFF  }
0x62d: {  	p0 =	sne.s32 s0, $0x0;
	s0 =	rddreg [dreg:$0x4]  }
0x62e: {  	s0 =	sadd.s32 @!p0 $0x100000, s0  }
0x62f: {  	[sflag:s0] =	ssyncadd.tile.s32 @!p0 $0x1;
	_ =	shalt  }
.Lfunc_end2:
_tile_overlayer_lowered:
.L_overlay_start_2:
0x630: {  	(tag) =	ssettag $0x2  }
0x631: {  	s0 =	rddreg [dreg:$0x0];
	s2 =	stileid.u32  }
0x632: {  	s1 =	rddreg [dreg:$0x1];
	p0 =	sne.s32 s2, $0x0  }
0x633: {  	s3 =	rddreg [dreg:$0x2];
	[bflag:$0x3] =	sbarrier.arrive $0xFFFF;
	s2 =	simm.s32 @!p0 $0x1C07  }
0x634: {  	[timem:s3], [sflag:s2] =	dma.local @!p0 [hbm:s0], s1  }
0x635: {  	s0 =	simm.s32 @!p0 $0x7  }
0x636: {  	_ =	swait.ge @!p0 [sflag:s0], s1  }
0x637: {  	s1 =	ssub.s32 @!p0 $0x0, s1;
	[sflag:s0] =	ssyncset.done @!p0 $0x0  }
0x638: {  	[sflag:s0] =	ssyncadd.s32 @!p0 s1  }
0x639: {  	[bflag:$0x3] =	sbarrier.arrive $0xFFFF  }
0x63a: {  	_ =	shalt  }

</sc_bundles>
